<compile_context>
chip_gen: v7x
topology: tpu7x:2x2x1
jax: 0.10.2.dev20260603
libtpu: 0.0.44.dev20260713+nightly
codegen_flags: <defaults>
</compile_context>

<pallas_src>
import jax
import jax.numpy as jnp
from jax import lax
from jax.experimental import pallas as pl
from jax.experimental.pallas import tpu as pltpu
from jax.experimental.pallas import tpu_sc as plsc

N_NODES = 10000
N_EDGES = 320000
H = 128
EPS = 1e-5

NC = 2
NS = 16
EPT = N_EDGES // NS
CHUNK = 80
KSETS = 2
CPT = EPT // CHUNK
EPG = 4000
BPG = EPG // (KSETS * CHUNK)
NGRP = EPT // EPG
ZROWS = 5

NODE_BLK = 1000
EDGE_BLK = 4000


def _tables_body(x_ref, w2t_ref, w5t_ref, w4t_ref, w1t_ref,
                 ta_ref, t4_ref, t1_ref):
    xb = x_ref[...]
    ta_ref[0] = jnp.dot(xb, w2t_ref[...], preferred_element_type=jnp.float32)
    ta_ref[1] = jnp.dot(xb, w5t_ref[...], preferred_element_type=jnp.float32)
    t4_ref[...] = jnp.dot(xb, w4t_ref[...], preferred_element_type=jnp.float32)
    t1_ref[...] = jnp.dot(xb, w1t_ref[...], preferred_element_type=jnp.float32)


def _make_tables(x, w2t, w5t, w4t, w1t):
    grid = N_NODES // NODE_BLK
    return pl.pallas_call(
        _tables_body,
        grid=(grid,),
        in_specs=[
            pl.BlockSpec((NODE_BLK, H), lambda i: (i, 0)),
            pl.BlockSpec((H, H), lambda i: (0, 0)),
            pl.BlockSpec((H, H), lambda i: (0, 0)),
            pl.BlockSpec((H, H), lambda i: (0, 0)),
            pl.BlockSpec((H, H), lambda i: (0, 0)),
        ],
        out_specs=[
            pl.BlockSpec((NC, NODE_BLK, H), lambda i: (0, i, 0)),
            pl.BlockSpec((NODE_BLK, H), lambda i: (i, 0)),
            pl.BlockSpec((NODE_BLK, H), lambda i: (i, 0)),
        ],
        out_shape=[
            jax.ShapeDtypeStruct((NC, N_NODES, H), jnp.float32),
            jax.ShapeDtypeStruct((N_NODES, H), jnp.float32),
            jax.ShapeDtypeStruct((N_NODES, H), jnp.float32),
        ],
    )(x, w2t, w5t, w4t, w1t)


def _sc_edge_body(ta, t4tab, e2d, aidx2, dst1, didx2, g45o, aggro,
                  id0, ab0, bb0, id1, ab1, bb1,
                  big_a, big_d, zbuf, aggr_sh,
                  gsem0, gsem1, ssem0, ssem1, isem0, isem1):
    cid = lax.axis_index("c")
    sid = lax.axis_index("s")
    is_c0 = cid == 0

    sets = (
        dict(id=id0, a=ab0, b=bb0, g=gsem0, s=ssem0, im=isem0),
        dict(id=id1, a=ab1, b=bb1, g=gsem1, s=ssem1, im=isem1),
    )

    @pl.when(is_c0)
    def _():
        def _zrow(r, carry):
            for j in range(H // 16):
                zbuf[r, pl.ds(j * 16, 16)] = jnp.zeros((16,), jnp.float32)
            return carry
        lax.fori_loop(0, ZROWS, _zrow, 0)
        for i in range(625 // ZROWS):
            pltpu.sync_copy(zbuf, aggr_sh.at[pl.ds(sid * 625 + i * ZROWS, ZROWS)])
    plsc.subcore_barrier()

    ibase = cid * N_EDGES + sid * EPT
    ebase = sid * EPT

    def group(g, carry):
        pltpu.sync_copy(aidx2.at[pl.ds(ibase + g * EPG, EPG)], big_a)
        pltpu.sync_copy(dst1.at[pl.ds(ebase + g * EPG, EPG)], big_d)

        def body(j, carry2):
            gbody = g * BPG + j

            @pl.when(gbody > 0)
            def _():
                for k in range(KSETS):
                    S = sets[k]

                    @pl.when(is_c0)
                    def _(S=S):
                        pltpu.make_async_copy(S["b"], aggr_sh.at[S["id"]],
                                              S["s"]).wait()

                    @pl.when(~is_c0)
                    def _(S=S):
                        pltpu.make_async_copy(S["b"], g45o.at[pl.ds(0, CHUNK)],
                                              S["s"]).wait()

            idd = []
            for k in range(KSETS):
                S = sets[k]
                off = (KSETS * j + k) * CHUNK
                idd.append(pltpu.async_copy(
                    didx2.at[pl.ds(ibase + g * EPG + off, CHUNK)],
                    S["id"], S["im"]))

                @pl.when(is_c0)
                def _(S=S, off=off):
                    pltpu.async_copy(
                        ta.at[big_a.at[pl.ds(off, CHUNK)]], S["a"], S["g"])
                    pltpu.async_copy(
                        e2d.at[pl.ds(ebase + g * EPG + off, CHUNK)],
                        S["b"], S["g"])

                @pl.when(~is_c0)
                def _(S=S, off=off):
                    pltpu.async_copy(
                        t4tab.at[big_d.at[pl.ds(off, CHUNK)]], S["b"], S["g"])

            for k in range(KSETS):
                S = sets[k]
                off = (KSETS * j + k) * CHUNK

                @pl.when(is_c0)
                def _(S=S, k=k, off=off):
                    pltpu.make_async_copy(
                        ta.at[big_a.at[pl.ds(off, CHUNK)]], S["a"],
                        S["g"]).wait()
                    pltpu.make_async_copy(e2d.at[pl.ds(0, CHUNK)], S["b"],
                                          S["g"]).wait()
                    av, bv = S["a"], S["b"]

                    def _row(r, carry3):
                        for kk in range(H // 16):
                            sl = pl.ds(kk * 16, 16)
                            bv[r, sl] = av[r, sl] * bv[r, sl]
                        return carry3
                    lax.fori_loop(0, CHUNK, _row, 0, unroll=4)
                    idd[k].wait()
                    pltpu.async_copy(S["b"], aggr_sh.at[S["id"]], S["s"],
                                     add=True)

                @pl.when(~is_c0)
                def _(S=S, k=k, off=off):
                    pltpu.make_async_copy(
                        t4tab.at[big_d.at[pl.ds(off, CHUNK)]], S["b"],
                        S["g"]).wait()
                    idd[k].wait()
                    pltpu.async_copy(ta.at[S["id"]], S["b"], S["g"], add=True)

            @pl.when(~is_c0)
            def _():
                for k in range(KSETS):
                    S = sets[k]
                    off = (KSETS * j + k) * CHUNK
                    pltpu.make_async_copy(ta.at[S["id"]], S["b"],
                                          S["g"]).wait()
                    pltpu.async_copy(
                        S["b"], g45o.at[pl.ds(ebase + g * EPG + off, CHUNK)],
                        S["s"])
            return carry2
        lax.fori_loop(0, BPG, body, 0)
        return carry
    lax.fori_loop(0, NGRP, group, 0)

    for k in range(KSETS):
        S = sets[k]

        @pl.when(is_c0)
        def _(S=S):
            pltpu.make_async_copy(S["b"], aggr_sh.at[S["id"]], S["s"]).wait()

        @pl.when(~is_c0)
        def _(S=S):
            pltpu.make_async_copy(S["b"], g45o.at[pl.ds(0, CHUNK)],
                                  S["s"]).wait()

    plsc.subcore_barrier()

    @pl.when(is_c0 & (sid == 0))
    def _():
        pltpu.sync_copy(aggr_sh, aggro)


def _run_sc_edge(ta, t4tab, e2d, aidx2, dst1, didx2):
    mesh = plsc.VectorSubcoreMesh(core_axis_name="c", subcore_axis_name="s",
                                  num_cores=NC, num_subcores=NS)
    buf_set = [
        pltpu.VMEM((CHUNK,), jnp.int32),
        pltpu.VMEM((CHUNK, H), jnp.float32),
        pltpu.VMEM((CHUNK, H), jnp.float32),
    ]
    fn = pl.kernel(
        _sc_edge_body,
        out_type=[
            jax.ShapeDtypeStruct((N_EDGES, H), jnp.float32),
            jax.ShapeDtypeStruct((N_NODES, H), jnp.float32),
        ],
        mesh=mesh,
        scratch_types=(buf_set * 2) + [
            pltpu.VMEM((EPG,), jnp.int32),
            pltpu.VMEM((EPG,), jnp.int32),
            pltpu.VMEM((ZROWS, H), jnp.float32),
            pltpu.VMEM_SHARED((N_NODES, H), jnp.float32),
        ] + [pltpu.SemaphoreType.DMA] * 6,
    )
    return fn(ta, t4tab, e2d, aidx2, dst1, didx2)


def _e_stats_body(e_ref, g45_ref, w3t_ref, sums_ref):
    i = pl.program_id(0)
    h = jnp.dot(e_ref[...], w3t_ref[...],
                preferred_element_type=jnp.float32) + g45_ref[...]

    @pl.when(i == 0)
    def _():
        sums_ref[...] = jnp.zeros_like(sums_ref)

    sums_ref[0, :] += jnp.sum(h, axis=0)
    sums_ref[1, :] += jnp.sum(h * h, axis=0)


def _e_stats(e, g45, w3t):
    grid = N_EDGES // EDGE_BLK
    return pl.pallas_call(
        _e_stats_body,
        grid=(grid,),
        in_specs=[
            pl.BlockSpec((EDGE_BLK, H), lambda i: (i, 0)),
            pl.BlockSpec((EDGE_BLK, H), lambda i: (i, 0)),
            pl.BlockSpec((H, H), lambda i: (0, 0)),
        ],
        out_specs=pl.BlockSpec((8, H), lambda i: (0, 0)),
        out_shape=jax.ShapeDtypeStruct((8, H), jnp.float32),
    )(e, g45, w3t)


def _e_apply_body(e_ref, g45_ref, w3t_ref, sums_ref, gamma_ref, beta_ref,
                  out_ref):
    h = jnp.dot(e_ref[...], w3t_ref[...],
                preferred_element_type=jnp.float32) + g45_ref[...]
    inv_n = 1.0 / N_EDGES
    mean = sums_ref[0:1, :] * inv_n
    var = sums_ref[1:2, :] * inv_n - mean * mean
    scale = gamma_ref[...] * lax.rsqrt(var + EPS)
    shift = beta_ref[...] - mean * scale
    out_ref[...] = e_ref[...] + jnp.maximum(h * scale + shift, 0.0)


def _e_apply(e, g45, w3t, sums, gamma, beta):
    grid = N_EDGES // EDGE_BLK
    return pl.pallas_call(
        _e_apply_body,
        grid=(grid,),
        in_specs=[
            pl.BlockSpec((EDGE_BLK, H), lambda i: (i, 0)),
            pl.BlockSpec((EDGE_BLK, H), lambda i: (i, 0)),
            pl.BlockSpec((H, H), lambda i: (0, 0)),
            pl.BlockSpec((8, H), lambda i: (0, 0)),
            pl.BlockSpec((1, H), lambda i: (0, 0)),
            pl.BlockSpec((1, H), lambda i: (0, 0)),
        ],
        out_specs=pl.BlockSpec((EDGE_BLK, H), lambda i: (i, 0)),
        out_shape=jax.ShapeDtypeStruct((N_EDGES, H), jnp.float32),
    )(e, g45, w3t, sums, gamma, beta)


def _x_stats_body(t1_ref, aggr_ref, sums_ref):
    i = pl.program_id(0)
    h = t1_ref[...] + aggr_ref[...]

    @pl.when(i == 0)
    def _():
        sums_ref[...] = jnp.zeros_like(sums_ref)

    sums_ref[0, :] += jnp.sum(h, axis=0)
    sums_ref[1, :] += jnp.sum(h * h, axis=0)


def _x_stats(t1, aggr):
    grid = N_NODES // NODE_BLK
    return pl.pallas_call(
        _x_stats_body,
        grid=(grid,),
        in_specs=[
            pl.BlockSpec((NODE_BLK, H), lambda i: (i, 0)),
            pl.BlockSpec((NODE_BLK, H), lambda i: (i, 0)),
        ],
        out_specs=pl.BlockSpec((8, H), lambda i: (0, 0)),
        out_shape=jax.ShapeDtypeStruct((8, H), jnp.float32),
    )(t1, aggr)


def _x_apply_body(x_ref, t1_ref, aggr_ref, sums_ref, gamma_ref, beta_ref,
                  out_ref):
    h = t1_ref[...] + aggr_ref[...]
    inv_n = 1.0 / N_NODES
    mean = sums_ref[0:1, :] * inv_n
    var = sums_ref[1:2, :] * inv_n - mean * mean
    scale = gamma_ref[...] * lax.rsqrt(var + EPS)
    shift = beta_ref[...] - mean * scale
    out_ref[...] = x_ref[...] + jnp.maximum(h * scale + shift, 0.0)


def _x_apply(x, t1, aggr, sums, gamma, beta):
    grid = N_NODES // NODE_BLK
    return pl.pallas_call(
        _x_apply_body,
        grid=(grid,),
        in_specs=[
            pl.BlockSpec((NODE_BLK, H), lambda i: (i, 0)),
            pl.BlockSpec((NODE_BLK, H), lambda i: (i, 0)),
            pl.BlockSpec((NODE_BLK, H), lambda i: (i, 0)),
            pl.BlockSpec((8, H), lambda i: (0, 0)),
            pl.BlockSpec((1, H), lambda i: (0, 0)),
            pl.BlockSpec((1, H), lambda i: (0, 0)),
        ],
        out_specs=pl.BlockSpec((NODE_BLK, H), lambda i: (i, 0)),
        out_shape=jax.ShapeDtypeStruct((N_NODES, H), jnp.float32),
    )(x, t1, aggr, sums, gamma, beta)


def kernel(x, e, W1, W2, W3, W4, W5, bn_x_gamma, bn_x_beta, bn_e_gamma,
           bn_e_beta, edge_index):
    src = edge_index[0].astype(jnp.int32)
    dst = edge_index[1].astype(jnp.int32)

    aidx2 = jnp.concatenate([src, src + N_NODES])

    ta3, t4, t1 = _make_tables(x, W2.T, W5.T, W4.T, W1.T)
    didx2 = jnp.concatenate([dst, src + N_NODES])
    g45, aggr = _run_sc_edge(ta3.reshape(NC * N_NODES, H), t4, e, aidx2, dst,
                             didx2)

    w3t = W3.T
    e_sums = _e_stats(e, g45, w3t)
    e_new = _e_apply(e, g45, w3t, e_sums,
                     bn_e_gamma.reshape(1, H), bn_e_beta.reshape(1, H))

    x_sums = _x_stats(t1, aggr)
    x_new = _x_apply(x, t1, aggr, x_sums,
                     bn_x_gamma.reshape(1, H), bn_x_beta.reshape(1, H))
    return (x_new, e_new)

# --- scband reference (transcript-rebuilt; emitter-appended) ---
"""Pipeline reference for scband-gnnlayer-58935541236529 (READ-ONLY COPY).

The authoritative reference and input builder live on the scoring server;
editing this copy changes nothing except your own understanding.
"""

import jax, jax.numpy as jnp
import numpy as np

EPS = 1e-5

def _batchnorm(h, gamma, beta):
    mean = jnp.mean(h, axis=0)
    var = jnp.var(h, axis=0)
    return gamma * (h - mean) / jnp.sqrt(var + EPS) + beta

def setup_inputs(seed: int = 0) -> dict:
    key = jax.random.key(seed)
    ks = jax.random.split(key, 12)
    N, E, H = 10000, 320000, 128
    x = jax.random.normal(ks[0], (N, H), dtype=jnp.float32)
    e = jax.random.normal(ks[1], (E, H), dtype=jnp.float32)
    edge_index = jax.random.randint(ks[2], (2, E), 0, N, dtype=jnp.int64)
    s = 1.0 / np.sqrt(H)
    W1 = jax.random.uniform(ks[3], (H, H), minval=-s, maxval=s, dtype=jnp.float32)
    W2 = jax.random.uniform(ks[4], (H, H), minval=-s, maxval=s, dtype=jnp.float32)
    W3 = jax.random.uniform(ks[5], (H, H), minval=-s, maxval=s, dtype=jnp.float32)
    W4 = jax.random.uniform(ks[6], (H, H), minval=-s, maxval=s, dtype=jnp.float32)
    W5 = jax.random.uniform(ks[7], (H, H), minval=-s, maxval=s, dtype=jnp.float32)
    bn_x_gamma = jnp.ones((H,), dtype=jnp.float32)
    bn_x_beta = jnp.zeros((H,), dtype=jnp.float32)
    bn_e_gamma = jnp.ones((H,), dtype=jnp.float32)
    bn_e_beta = jnp.zeros((H,), dtype=jnp.float32)
    return {"x": x, "e": e, "W1": W1, "W2": W2, "W3": W3, "W4": W4, "W5": W5,
            "bn_x_gamma": bn_x_gamma, "bn_x_beta": bn_x_beta,
            "bn_e_gamma": bn_e_gamma, "bn_e_beta": bn_e_beta,
            "edge_index": edge_index}

def reference(x, e, W1, W2, W3, W4, W5, bn_x_gamma, bn_x_beta, bn_e_gamma, bn_e_beta, edge_index):
    src = edge_index[0]
    dest = edge_index[1]
    w2_x_src = x[src] @ W2.T
    messages = e * w2_x_src
    aggr_messages = jnp.zeros_like(x).at[dest].add(messages)
    x_new = x + jax.nn.relu(_batchnorm(x @ W1.T + aggr_messages, bn_x_gamma, bn_x_beta))
    w3_e = e @ W3.T
    w4_x_dest = x[dest] @ W4.T
    w5_x_src = x[src] @ W5.T
    e_new = e + jax.nn.relu(_batchnorm(w3_e + w4_x_dest + w5_x_src, bn_e_gamma, bn_e_beta))
    return (x_new, e_new)

if __name__ == "__main__":
    import jax
    _d = setup_inputs()
    print(jax.jit(kernel)(*tuple(_d.values())))

</pallas_src>

<mosaic_0001>
#map = affine_map<(d0, d1) -> (0, 0)>
#map1 = affine_map<(d0, d1) -> (0)>
module attributes {stable_mosaic.version = 14 : i64} {
  func.func @_sc_edge_body(%arg0: i32, %arg1: i32, %arg2: memref<20000x128xf32, #tpu.memory_space<hbm>>, %arg3: memref<10000x128xf32, #tpu.memory_space<hbm>>, %arg4: memref<320000x128xf32, #tpu.memory_space<hbm>>, %arg5: memref<640000xi32, #tpu.memory_space<hbm>>, %arg6: memref<320000xi32, #tpu.memory_space<hbm>>, %arg7: memref<640000xi32, #tpu.memory_space<hbm>>, %arg8: memref<320000x128xf32, #tpu.memory_space<hbm>>, %arg9: memref<10000x128xf32, #tpu.memory_space<hbm>>, %arg10: memref<80xi32, #tpu.memory_space<vmem>>, %arg11: memref<80x128xf32, #tpu.memory_space<vmem>>, %arg12: memref<80x128xf32, #tpu.memory_space<vmem>>, %arg13: memref<80xi32, #tpu.memory_space<vmem>>, %arg14: memref<80x128xf32, #tpu.memory_space<vmem>>, %arg15: memref<80x128xf32, #tpu.memory_space<vmem>>, %arg16: memref<4000xi32, #tpu.memory_space<vmem>>, %arg17: memref<4000xi32, #tpu.memory_space<vmem>>, %arg18: memref<5x128xf32, #tpu.memory_space<vmem>>, %arg19: memref<10000x128xf32, #tpu.memory_space<vmem_shared>>, %arg20: memref<!tpu.dma_semaphore, #tpu.memory_space<semaphore_mem>>, %arg21: memref<!tpu.dma_semaphore, #tpu.memory_space<semaphore_mem>>, %arg22: memref<!tpu.dma_semaphore, #tpu.memory_space<semaphore_mem>>, %arg23: memref<!tpu.dma_semaphore, #tpu.memory_space<semaphore_mem>>, %arg24: memref<!tpu.dma_semaphore, #tpu.memory_space<semaphore_mem>>, %arg25: memref<!tpu.dma_semaphore, #tpu.memory_space<semaphore_mem>>) attributes {dimension_semantics = [#tpu.dimension_semantics<core_parallel>, #tpu.dimension_semantics<subcore_parallel>], iteration_bounds = array<i64: 2, 16>, scalar_prefetch = 0 : i64, scratch_operands = 16 : i64, tpu.core_type = #tpu.core_type<sc_vector_subcore>, window_params = [{transform_indices = #map}, {transform_indices = #map}, {transform_indices = #map}, {transform_indices = #map1}, {transform_indices = #map1}, {transform_indices = #map1}, {transform_indices = #map}, {transform_indices = #map}]} {
    %eq3A = arith.constant 0 : i32
    %eq3A_0 = arith.cmpi eq, %arg0, %eq3A : i32
    %convert_element_type3A = arith.extui %eq3A_0 : i1 to i32
    %cond3A = arith.constant 0 : i32
    %cond3A_1 = arith.cmpi ne, %convert_element_type3A, %cond3A : i32
    scf.if %cond3A_1 {
      %scan3A_33 = arith.constant 0 : i32
      %scan3A_34 = arith.constant 0 : i32
      %scan3A_35 = arith.constant 5 : i32
      %scan3A_36 = arith.addi %scan3A_34, %scan3A_35 : i32
      %scan3A_37 = arith.constant 1 : i32
      scf.for %scan3A_539 = %scan3A_34 to %scan3A_36 step %scan3A_37  : i32 {
        %broadcast_in_dim3A = arith.constant 0.000000e+00 : f32
        %broadcast_in_dim3A_540 = vector.broadcast %broadcast_in_dim3A : f32 to vector<16xf32>
        %swap3A = arith.index_cast %scan3A_539 : i32 to index
        %swap3A_541 = arith.constant 0 : index
        %swap3A_542 = tpu.vector_load %arg18[%swap3A, %swap3A_541] {strides = array<i32>} : memref<5x128xf32, #tpu.memory_space<vmem>>, vector<1x16xf32>,
        %swap3A_543 = vector.shape_cast %swap3A_542 : vector<1x16xf32> to vector<16xf32>
        %swap3A_544 = vector.shape_cast %broadcast_in_dim3A_540 : vector<16xf32> to vector<1x16xf32>
        tpu.vector_store %arg18[%swap3A, %swap3A_541], %swap3A_544 {strides = array<i32>} : memref<5x128xf32, #tpu.memory_space<vmem>>, vector<1x16xf32>,
        %broadcast_in_dim3A_545 = arith.constant 0.000000e+00 : f32
        %broadcast_in_dim3A_546 = vector.broadcast %broadcast_in_dim3A_545 : f32 to vector<16xf32>
        %swap3A_547 = arith.index_cast %scan3A_539 : i32 to index
        %swap3A_548 = arith.constant 16 : index
        %swap3A_549 = tpu.vector_load %arg18[%swap3A_547, %swap3A_548] {strides = array<i32>} : memref<5x128xf32, #tpu.memory_space<vmem>>, vector<1x16xf32>,
        %swap3A_550 = vector.shape_cast %swap3A_549 : vector<1x16xf32> to vector<16xf32>
        %swap3A_551 = vector.shape_cast %broadcast_in_dim3A_546 : vector<16xf32> to vector<1x16xf32>
        tpu.vector_store %arg18[%swap3A_547, %swap3A_548], %swap3A_551 {strides = array<i32>} : memref<5x128xf32, #tpu.memory_space<vmem>>, vector<1x16xf32>,
        %broadcast_in_dim3A_552 = arith.constant 0.000000e+00 : f32
        %broadcast_in_dim3A_553 = vector.broadcast %broadcast_in_dim3A_552 : f32 to vector<16xf32>
        %swap3A_554 = arith.index_cast %scan3A_539 : i32 to index
        %swap3A_555 = arith.constant 32 : index
        %swap3A_556 = tpu.vector_load %arg18[%swap3A_554, %swap3A_555] {strides = array<i32>} : memref<5x128xf32, #tpu.memory_space<vmem>>, vector<1x16xf32>,
        %swap3A_557 = vector.shape_cast %swap3A_556 : vector<1x16xf32> to vector<16xf32>
        %swap3A_558 = vector.shape_cast %broadcast_in_dim3A_553 : vector<16xf32> to vector<1x16xf32>
        tpu.vector_store %arg18[%swap3A_554, %swap3A_555], %swap3A_558 {strides = array<i32>} : memref<5x128xf32, #tpu.memory_space<vmem>>, vector<1x16xf32>,
        %broadcast_in_dim3A_559 = arith.constant 0.000000e+00 : f32
        %broadcast_in_dim3A_560 = vector.broadcast %broadcast_in_dim3A_559 : f32 to vector<16xf32>
        %swap3A_561 = arith.index_cast %scan3A_539 : i32 to index
        %swap3A_562 = arith.constant 48 : index
        %swap3A_563 = tpu.vector_load %arg18[%swap3A_561, %swap3A_562] {strides = array<i32>} : memref<5x128xf32, #tpu.memory_space<vmem>>, vector<1x16xf32>,
        %swap3A_564 = vector.shape_cast %swap3A_563 : vector<1x16xf32> to vector<16xf32>
        %swap3A_565 = vector.shape_cast %broadcast_in_dim3A_560 : vector<16xf32> to vector<1x16xf32>
        tpu.vector_store %arg18[%swap3A_561, %swap3A_562], %swap3A_565 {strides = array<i32>} : memref<5x128xf32, #tpu.memory_space<vmem>>, vector<1x16xf32>,
        %broadcast_in_dim3A_566 = arith.constant 0.000000e+00 : f32
        %broadcast_in_dim3A_567 = vector.broadcast %broadcast_in_dim3A_566 : f32 to vector<16xf32>
        %swap3A_568 = arith.index_cast %scan3A_539 : i32 to index
        %swap3A_569 = arith.constant 64 : index
        %swap3A_570 = tpu.vector_load %arg18[%swap3A_568, %swap3A_569] {strides = array<i32>} : memref<5x128xf32, #tpu.memory_space<vmem>>, vector<1x16xf32>,
        %swap3A_571 = vector.shape_cast %swap3A_570 : vector<1x16xf32> to vector<16xf32>
        %swap3A_572 = vector.shape_cast %broadcast_in_dim3A_567 : vector<16xf32> to vector<1x16xf32>
        tpu.vector_store %arg18[%swap3A_568, %swap3A_569], %swap3A_572 {strides = array<i32>} : memref<5x128xf32, #tpu.memory_space<vmem>>, vector<1x16xf32>,
        %broadcast_in_dim3A_573 = arith.constant 0.000000e+00 : f32
        %broadcast_in_dim3A_574 = vector.broadcast %broadcast_in_dim3A_573 : f32 to vector<16xf32>
        %swap3A_575 = arith.index_cast %scan3A_539 : i32 to index
        %swap3A_576 = arith.constant 80 : index
        %swap3A_577 = tpu.vector_load %arg18[%swap3A_575, %swap3A_576] {strides = array<i32>} : memref<5x128xf32, #tpu.memory_space<vmem>>, vector<1x16xf32>,
        %swap3A_578 = vector.shape_cast %swap3A_577 : vector<1x16xf32> to vector<16xf32>
        %swap3A_579 = vector.shape_cast %broadcast_in_dim3A_574 : vector<16xf32> to vector<1x16xf32>
        tpu.vector_store %arg18[%swap3A_575, %swap3A_576], %swap3A_579 {strides = array<i32>} : memref<5x128xf32, #tpu.memory_space<vmem>>, vector<1x16xf32>,
        %broadcast_in_dim3A_580 = arith.constant 0.000000e+00 : f32
        %broadcast_in_dim3A_581 = vector.broadcast %broadcast_in_dim3A_580 : f32 to vector<16xf32>
        %swap3A_582 = arith.index_cast %scan3A_539 : i32 to index
        %swap3A_583 = arith.constant 96 : index
        %swap3A_584 = tpu.vector_load %arg18[%swap3A_582, %swap3A_583] {strides = array<i32>} : memref<5x128xf32, #tpu.memory_space<vmem>>, vector<1x16xf32>,
        %swap3A_585 = vector.shape_cast %swap3A_584 : vector<1x16xf32> to vector<16xf32>
        %swap3A_586 = vector.shape_cast %broadcast_in_dim3A_581 : vector<16xf32> to vector<1x16xf32>
        tpu.vector_store %arg18[%swap3A_582, %swap3A_583], %swap3A_586 {strides = array<i32>} : memref<5x128xf32, #tpu.memory_space<vmem>>, vector<1x16xf32>,
        %broadcast_in_dim3A_587 = arith.constant 0.000000e+00 : f32
        %broadcast_in_dim3A_588 = vector.broadcast %broadcast_in_dim3A_587 : f32 to vector<16xf32>
        %swap3A_589 = arith.index_cast %scan3A_539 : i32 to index
        %swap3A_590 = arith.constant 112 : index
        %swap3A_591 = tpu.vector_load %arg18[%swap3A_589, %swap3A_590] {strides = array<i32>} : memref<5x128xf32, #tpu.memory_space<vmem>>, vector<1x16xf32>,
        %swap3A_592 = vector.shape_cast %swap3A_591 : vector<1x16xf32> to vector<16xf32>
        %swap3A_593 = vector.shape_cast %broadcast_in_dim3A_588 : vector<16xf32> to vector<1x16xf32>
        tpu.vector_store %arg18[%swap3A_589, %swap3A_590], %swap3A_593 {strides = array<i32>} : memref<5x128xf32, #tpu.memory_space<vmem>>, vector<1x16xf32>,
      }
      %scan3A_38 = arith.constant 5 : i32
      %mul3A_39 = arith.constant 625 : i32
      %mul3A_40 = arith.muli %arg1, %mul3A_39 : i32
      %add3A_41 = arith.constant 0 : i32
      %add3A_42 = arith.addi %mul3A_40, %add3A_41 : i32
      "tpu.region"() ({
        %run_scoped3A = tpu.sem_alloc : memref<!tpu.dma_semaphore, #tpu.memory_space<semaphore_mem>>
        %dma_start3A = arith.constant 0 : i32
        %dma_start3A_539 = tpu.memref_slice %arg19[%add3A_42, %dma_start3A] : memref<10000x128xf32, #tpu.memory_space<vmem_shared>> -> memref<5x128xf32, #tpu.memory_space<vmem_shared>>
        %dma_start3A_540 = arith.constant 0 : i32
        %dma_start3A_541 = tpu.memref_slice %arg19[%add3A_42, %dma_start3A_540] : memref<10000x128xf32, #tpu.memory_space<vmem_shared>> -> memref<5x128xf32, #tpu.memory_space<vmem_shared>>
        tpu.enqueue_dma source(%arg18 : memref<5x128xf32, #tpu.memory_space<vmem>>) target(%dma_start3A_541 : memref<5x128xf32, #tpu.memory_space<vmem_shared>>) target_semaphore(%run_scoped3A : memref<!tpu.dma_semaphore, #tpu.memory_space<semaphore_mem>>)
        %dma_wait3A = arith.constant 0 : i32
        %dma_wait3A_542 = tpu.memref_slice %arg19[%add3A_42, %dma_wait3A] : memref<10000x128xf32, #tpu.memory_space<vmem_shared>> -> memref<5x128xf32, #tpu.memory_space<vmem_shared>>
        %dma_wait3A_543 = arith.constant 0 : i32
        %dma_wait3A_544 = tpu.memref_slice %arg19[%add3A_42, %dma_wait3A_543] : memref<10000x128xf32, #tpu.memory_space<vmem_shared>> -> memref<5x128xf32, #tpu.memory_space<vmem_shared>>
        tpu.wait_dma2 semaphore(%run_scoped3A : memref<!tpu.dma_semaphore, #tpu.memory_space<semaphore_mem>>) src(%arg18 : memref<5x128xf32, #tpu.memory_space<vmem>>) dst(%dma_wait3A_544 : memref<5x128xf32, #tpu.memory_space<vmem_shared>>)
        tpu.yield
      }) : () -> ()
      %mul3A_43 = arith.constant 625 : i32
      %mul3A_44 = arith.muli %arg1, %mul3A_43 : i32
      %add3A_45 = arith.constant 5 : i32
      %add3A_46 = arith.addi %mul3A_44, %add3A_45 : i32
      "tpu.region"() ({
        %run_scoped3A = tpu.sem_alloc : memref<!tpu.dma_semaphore, #tpu.memory_space<semaphore_mem>>
        %dma_start3A = arith.constant 0 : i32
        %dma_start3A_539 = tpu.memref_slice %arg19[%add3A_46, %dma_start3A] : memref<10000x128xf32, #tpu.memory_space<vmem_shared>> -> memref<5x128xf32, #tpu.memory_space<vmem_shared>>
        %dma_start3A_540 = arith.constant 0 : i32
        %dma_start3A_541 = tpu.memref_slice %arg19[%add3A_46, %dma_start3A_540] : memref<10000x128xf32, #tpu.memory_space<vmem_shared>> -> memref<5x128xf32, #tpu.memory_space<vmem_shared>>
        tpu.enqueue_dma source(%arg18 : memref<5x128xf32, #tpu.memory_space<vmem>>) target(%dma_start3A_541 : memref<5x128xf32, #tpu.memory_space<vmem_shared>>) target_semaphore(%run_scoped3A : memref<!tpu.dma_semaphore, #tpu.memory_space<semaphore_mem>>)
        %dma_wait3A = arith.constant 0 : i32
        %dma_wait3A_542 = tpu.memref_slice %arg19[%add3A_46, %dma_wait3A] : memref<10000x128xf32, #tpu.memory_space<vmem_shared>> -> memref<5x128xf32, #tpu.memory_space<vmem_shared>>
        %dma_wait3A_543 = arith.constant 0 : i32
        %dma_wait3A_544 = tpu.memref_slice %arg19[%add3A_46, %dma_wait3A_543] : memref<10000x128xf32, #tpu.memory_space<vmem_shared>> -> memref<5x128xf32, #tpu.memory_space<vmem_shared>>
        tpu.wait_dma2 semaphore(%run_scoped3A : memref<!tpu.dma_semaphore, #tpu.memory_space<semaphore_mem>>) src(%arg18 : memref<5x128xf32, #tpu.memory_space<vmem>>) dst(%dma_wait3A_544 : memref<5x128xf32, #tpu.memory_space<vmem_shared>>)
        tpu.yield
      }) : () -> ()
      %mul3A_47 = arith.constant 625 : i32
      %mul3A_48 = arith.muli %arg1, %mul3A_47 : i32
      %add3A_49 = arith.constant 10 : i32
      %add3A_50 = arith.addi %mul3A_48, %add3A_49 : i32
      "tpu.region"() ({
        %run_scoped3A = tpu.sem_alloc : memref<!tpu.dma_semaphore, #tpu.memory_space<semaphore_mem>>
        %dma_start3A = arith.constant 0 : i32
        %dma_start3A_539 = tpu.memref_slice %arg19[%add3A_50, %dma_start3A] : memref<10000x128xf32, #tpu.memory_space<vmem_shared>> -> memref<5x128xf32, #tpu.memory_space<vmem_shared>>
        %dma_start3A_540 = arith.constant 0 : i32
        %dma_start3A_541 = tpu.memref_slice %arg19[%add3A_50, %dma_start3A_540] : memref<10000x128xf32, #tpu.memory_space<vmem_shared>> -> memref<5x128xf32, #tpu.memory_space<vmem_shared>>
        tpu.enqueue_dma source(%arg18 : memref<5x128xf32, #tpu.memory_space<vmem>>) target(%dma_start3A_541 : memref<5x128xf32, #tpu.memory_space<vmem_shared>>) target_semaphore(%run_scoped3A : memref<!tpu.dma_semaphore, #tpu.memory_space<semaphore_mem>>)
        %dma_wait3A = arith.constant 0 : i32
        %dma_wait3A_542 = tpu.memref_slice %arg19[%add3A_50, %dma_wait3A] : memref<10000x128xf32, #tpu.memory_space<vmem_shared>> -> memref<5x128xf32, #tpu.memory_space<vmem_shared>>
        %dma_wait3A_543 = arith.constant 0 : i32
        %dma_wait3A_544 = tpu.memref_slice %arg19[%add3A_50, %dma_wait3A_543] : memref<10000x128xf32, #tpu.memory_space<vmem_shared>> -> memref<5x128xf32, #tpu.memory_space<vmem_shared>>
        tpu.wait_dma2 semaphore(%run_scoped3A : memref<!tpu.dma_semaphore, #tpu.memory_space<semaphore_mem>>) src(%arg18 : memref<5x128xf32, #tpu.memory_space<vmem>>) dst(%dma_wait3A_544 : memref<5x128xf32, #tpu.memory_space<vmem_shared>>)
        tpu.yield
      }) : () -> ()
      %mul3A_51 = arith.constant 625 : i32
      %mul3A_52 = arith.muli %arg1, %mul3A_51 : i32
      %add3A_53 = arith.constant 15 : i32
      %add3A_54 = arith.addi %mul3A_52, %add3A_53 : i32
      "tpu.region"() ({
        %run_scoped3A = tpu.sem_alloc : memref<!tpu.dma_semaphore, #tpu.memory_space<semaphore_mem>>
        %dma_start3A = arith.constant 0 : i32
        %dma_start3A_539 = tpu.memref_slice %arg19[%add3A_54, %dma_start3A] : memref<10000x128xf32, #tpu.memory_space<vmem_shared>> -> memref<5x128xf32, #tpu.memory_space<vmem_shared>>
        %dma_start3A_540 = arith.constant 0 : i32
        %dma_start3A_541 = tpu.memref_slice %arg19[%add3A_54, %dma_start3A_540] : memref<10000x128xf32, #tpu.memory_space<vmem_shared>> -> memref<5x128xf32, #tpu.memory_space<vmem_shared>>
        tpu.enqueue_dma source(%arg18 : memref<5x128xf32, #tpu.memory_space<vmem>>) target(%dma_start3A_541 : memref<5x128xf32, #tpu.memory_space<vmem_shared>>) target_semaphore(%run_scoped3A : memref<!tpu.dma_semaphore, #tpu.memory_space<semaphore_mem>>)
        %dma_wait3A = arith.constant 0 : i32
        %dma_wait3A_542 = tpu.memref_slice %arg19[%add3A_54, %dma_wait3A] : memref<10000x128xf32, #tpu.memory_space<vmem_shared>> -> memref<5x128xf32, #tpu.memory_space<vmem_shared>>
        %dma_wait3A_543 = arith.constant 0 : i32
        %dma_wait3A_544 = tpu.memref_slice %arg19[%add3A_54, %dma_wait3A_543] : memref<10000x128xf32, #tpu.memory_space<vmem_shared>> -> memref<5x128xf32, #tpu.memory_space<vmem_shared>>
        tpu.wait_dma2 semaphore(%run_scoped3A : memref<!tpu.dma_semaphore, #tpu.memory_space<semaphore_mem>>) src(%arg18 : memref<5x128xf32, #tpu.memory_space<vmem>>) dst(%dma_wait3A_544 : memref<5x128xf32, #tpu.memory_space<vmem_shared>>)
        tpu.yield
      }) : () -> ()
      %mul3A_55 = arith.constant 625 : i32
      %mul3A_56 = arith.muli %arg1, %mul3A_55 : i32
      %add3A_57 = arith.constant 20 : i32
      %add3A_58 = arith.addi %mul3A_56, %add3A_57 : i32
      "tpu.region"() ({
        %run_scoped3A = tpu.sem_alloc : memref<!tpu.dma_semaphore, #tpu.memory_space<semaphore_mem>>
        %dma_start3A = arith.constant 0 : i32
        %dma_start3A_539 = tpu.memref_slice %arg19[%add3A_58, %dma_start3A] : memref<10000x128xf32, #tpu.memory_space<vmem_shared>> -> memref<5x128xf32, #tpu.memory_space<vmem_shared>>
        %dma_start3A_540 = arith.constant 0 : i32
        %dma_start3A_541 = tpu.memref_slice %arg19[%add3A_58, %dma_start3A_540] : memref<10000x128xf32, #tpu.memory_space<vmem_shared>> -> memref<5x128xf32, #tpu.memory_space<vmem_shared>>
        tpu.enqueue_dma source(%arg18 : memref<5x128xf32, #tpu.memory_space<vmem>>) target(%dma_start3A_541 : memref<5x128xf32, #tpu.memory_space<vmem_shared>>) target_semaphore(%run_scoped3A : memref<!tpu.dma_semaphore, #tpu.memory_space<semaphore_mem>>)
        %dma_wait3A = arith.constant 0 : i32
        %dma_wait3A_542 = tpu.memref_slice %arg19[%add3A_58, %dma_wait3A] : memref<10000x128xf32, #tpu.memory_space<vmem_shared>> -> memref<5x128xf32, #tpu.memory_space<vmem_shared>>
        %dma_wait3A_543 = arith.constant 0 : i32
        %dma_wait3A_544 = tpu.memref_slice %arg19[%add3A_58, %dma_wait3A_543] : memref<10000x128xf32, #tpu.memory_space<vmem_shared>> -> memref<5x128xf32, #tpu.memory_space<vmem_shared>>
        tpu.wait_dma2 semaphore(%run_scoped3A : memref<!tpu.dma_semaphore, #tpu.memory_space<semaphore_mem>>) src(%arg18 : memref<5x128xf32, #tpu.memory_space<vmem>>) dst(%dma_wait3A_544 : memref<5x128xf32, #tpu.memory_space<vmem_shared>>)
        tpu.yield
      }) : () -> ()
      %mul3A_59 = arith.constant 625 : i32
      %mul3A_60 = arith.muli %arg1, %mul3A_59 : i32
      %add3A_61 = arith.constant 25 : i32
      %add3A_62 = arith.addi %mul3A_60, %add3A_61 : i32
      "tpu.region"() ({
        %run_scoped3A = tpu.sem_alloc : memref<!tpu.dma_semaphore, #tpu.memory_space<semaphore_mem>>
        %dma_start3A = arith.constant 0 : i32
        %dma_start3A_539 = tpu.memref_slice %arg19[%add3A_62, %dma_start3A] : memref<10000x128xf32, #tpu.memory_space<vmem_shared>> -> memref<5x128xf32, #tpu.memory_space<vmem_shared>>
        %dma_start3A_540 = arith.constant 0 : i32
        %dma_start3A_541 = tpu.memref_slice %arg19[%add3A_62, %dma_start3A_540] : memref<10000x128xf32, #tpu.memory_space<vmem_shared>> -> memref<5x128xf32, #tpu.memory_space<vmem_shared>>
        tpu.enqueue_dma source(%arg18 : memref<5x128xf32, #tpu.memory_space<vmem>>) target(%dma_start3A_541 : memref<5x128xf32, #tpu.memory_space<vmem_shared>>) target_semaphore(%run_scoped3A : memref<!tpu.dma_semaphore, #tpu.memory_space<semaphore_mem>>)
        %dma_wait3A = arith.constant 0 : i32
        %dma_wait3A_542 = tpu.memref_slice %arg19[%add3A_62, %dma_wait3A] : memref<10000x128xf32, #tpu.memory_space<vmem_shared>> -> memref<5x128xf32, #tpu.memory_space<vmem_shared>>
        %dma_wait3A_543 = arith.constant 0 : i32
        %dma_wait3A_544 = tpu.memref_slice %arg19[%add3A_62, %dma_wait3A_543] : memref<10000x128xf32, #tpu.memory_space<vmem_shared>> -> memref<5x128xf32, #tpu.memory_space<vmem_shared>>
        tpu.wait_dma2 semaphore(%run_scoped3A : memref<!tpu.dma_semaphore, #tpu.memory_space<semaphore_mem>>) src(%arg18 : memref<5x128xf32, #tpu.memory_space<vmem>>) dst(%dma_wait3A_544 : memref<5x128xf32, #tpu.memory_space<vmem_shared>>)
        tpu.yield
      }) : () -> ()
      %mul3A_63 = arith.constant 625 : i32
      %mul3A_64 = arith.muli %arg1, %mul3A_63 : i32
      %add3A_65 = arith.constant 30 : i32
      %add3A_66 = arith.addi %mul3A_64, %add3A_65 : i32
      "tpu.region"() ({
        %run_scoped3A = tpu.sem_alloc : memref<!tpu.dma_semaphore, #tpu.memory_space<semaphore_mem>>
        %dma_start3A = arith.constant 0 : i32
        %dma_start3A_539 = tpu.memref_slice %arg19[%add3A_66, %dma_start3A] : memref<10000x128xf32, #tpu.memory_space<vmem_shared>> -> memref<5x128xf32, #tpu.memory_space<vmem_shared>>
        %dma_start3A_540 = arith.constant 0 : i32
        %dma_start3A_541 = tpu.memref_slice %arg19[%add3A_66, %dma_start3A_540] : memref<10000x128xf32, #tpu.memory_space<vmem_shared>> -> memref<5x128xf32, #tpu.memory_space<vmem_shared>>
        tpu.enqueue_dma source(%arg18 : memref<5x128xf32, #tpu.memory_space<vmem>>) target(%dma_start3A_541 : memref<5x128xf32, #tpu.memory_space<vmem_shared>>) target_semaphore(%run_scoped3A : memref<!tpu.dma_semaphore, #tpu.memory_space<semaphore_mem>>)
        %dma_wait3A = arith.constant 0 : i32
        %dma_wait3A_542 = tpu.memref_slice %arg19[%add3A_66, %dma_wait3A] : memref<10000x128xf32, #tpu.memory_space<vmem_shared>> -> memref<5x128xf32, #tpu.memory_space<vmem_shared>>
        %dma_wait3A_543 = arith.constant 0 : i32
        %dma_wait3A_544 = tpu.memref_slice %arg19[%add3A_66, %dma_wait3A_543] : memref<10000x128xf32, #tpu.memory_space<vmem_shared>> -> memref<5x128xf32, #tpu.memory_space<vmem_shared>>
        tpu.wait_dma2 semaphore(%run_scoped3A : memref<!tpu.dma_semaphore, #tpu.memory_space<semaphore_mem>>) src(%arg18 : memref<5x128xf32, #tpu.memory_space<vmem>>) dst(%dma_wait3A_544 : memref<5x128xf32, #tpu.memory_space<vmem_shared>>)
        tpu.yield
      }) : () -> ()
      %mul3A_67 = arith.constant 625 : i32
      %mul3A_68 = arith.muli %arg1, %mul3A_67 : i32
      %add3A_69 = arith.constant 35 : i32
      %add3A_70 = arith.addi %mul3A_68, %add3A_69 : i32
      "tpu.region"() ({
        %run_scoped3A = tpu.sem_alloc : memref<!tpu.dma_semaphore, #tpu.memory_space<semaphore_mem>>
        %dma_start3A = arith.constant 0 : i32
        %dma_start3A_539 = tpu.memref_slice %arg19[%add3A_70, %dma_start3A] : memref<10000x128xf32, #tpu.memory_space<vmem_shared>> -> memref<5x128xf32, #tpu.memory_space<vmem_shared>>
        %dma_start3A_540 = arith.constant 0 : i32
        %dma_start3A_541 = tpu.memref_slice %arg19[%add3A_70, %dma_start3A_540] : memref<10000x128xf32, #tpu.memory_space<vmem_shared>> -> memref<5x128xf32, #tpu.memory_space<vmem_shared>>
        tpu.enqueue_dma source(%arg18 : memref<5x128xf32, #tpu.memory_space<vmem>>) target(%dma_start3A_541 : memref<5x128xf32, #tpu.memory_space<vmem_shared>>) target_semaphore(%run_scoped3A : memref<!tpu.dma_semaphore, #tpu.memory_space<semaphore_mem>>)
        %dma_wait3A = arith.constant 0 : i32
        %dma_wait3A_542 = tpu.memref_slice %arg19[%add3A_70, %dma_wait3A] : memref<10000x128xf32, #tpu.memory_space<vmem_shared>> -> memref<5x128xf32, #tpu.memory_space<vmem_shared>>
        %dma_wait3A_543 = arith.constant 0 : i32
        %dma_wait3A_544 = tpu.memref_slice %arg19[%add3A_70, %dma_wait3A_543] : memref<10000x128xf32, #tpu.memory_space<vmem_shared>> -> memref<5x128xf32, #tpu.memory_space<vmem_shared>>
        tpu.wait_dma2 semaphore(%run_scoped3A : memref<!tpu.dma_semaphore, #tpu.memory_space<semaphore_mem>>) src(%arg18 : memref<5x128xf32, #tpu.memory_space<vmem>>) dst(%dma_wait3A_544 : memref<5x128xf32, #tpu.memory_space<vmem_shared>>)
        tpu.yield
      }) : () -> ()
      %mul3A_71 = arith.constant 625 : i32
      %mul3A_72 = arith.muli %arg1, %mul3A_71 : i32
      %add3A_73 = arith.constant 40 : i32
      %add3A_74 = arith.addi %mul3A_72, %add3A_73 : i32
      "tpu.region"() ({
        %run_scoped3A = tpu.sem_alloc : memref<!tpu.dma_semaphore, #tpu.memory_space<semaphore_mem>>
        %dma_start3A = arith.constant 0 : i32
        %dma_start3A_539 = tpu.memref_slice %arg19[%add3A_74, %dma_start3A] : memref<10000x128xf32, #tpu.memory_space<vmem_shared>> -> memref<5x128xf32, #tpu.memory_space<vmem_shared>>
        %dma_start3A_540 = arith.constant 0 : i32
        %dma_start3A_541 = tpu.memref_slice %arg19[%add3A_74, %dma_start3A_540] : memref<10000x128xf32, #tpu.memory_space<vmem_shared>> -> memref<5x128xf32, #tpu.memory_space<vmem_shared>>
        tpu.enqueue_dma source(%arg18 : memref<5x128xf32, #tpu.memory_space<vmem>>) target(%dma_start3A_541 : memref<5x128xf32, #tpu.memory_space<vmem_shared>>) target_semaphore(%run_scoped3A : memref<!tpu.dma_semaphore, #tpu.memory_space<semaphore_mem>>)
        %dma_wait3A = arith.constant 0 : i32
        %dma_wait3A_542 = tpu.memref_slice %arg19[%add3A_74, %dma_wait3A] : memref<10000x128xf32, #tpu.memory_space<vmem_shared>> -> memref<5x128xf32, #tpu.memory_space<vmem_shared>>
        %dma_wait3A_543 = arith.constant 0 : i32
        %dma_wait3A_544 = tpu.memref_slice %arg19[%add3A_74, %dma_wait3A_543] : memref<10000x128xf32, #tpu.memory_space<vmem_shared>> -> memref<5x128xf32, #tpu.memory_space<vmem_shared>>
        tpu.wait_dma2 semaphore(%run_scoped3A : memref<!tpu.dma_semaphore, #tpu.memory_space<semaphore_mem>>) src(%arg18 : memref<5x128xf32, #tpu.memory_space<vmem>>) dst(%dma_wait3A_544 : memref<5x128xf32, #tpu.memory_space<vmem_shared>>)
        tpu.yield
      }) : () -> ()
      %mul3A_75 = arith.constant 625 : i32
      %mul3A_76 = arith.muli %arg1, %mul3A_75 : i32
      %add3A_77 = arith.constant 45 : i32
      %add3A_78 = arith.addi %mul3A_76, %add3A_77 : i32
      "tpu.region"() ({
        %run_scoped3A = tpu.sem_alloc : memref<!tpu.dma_semaphore, #tpu.memory_space<semaphore_mem>>
        %dma_start3A = arith.constant 0 : i32
        %dma_start3A_539 = tpu.memref_slice %arg19[%add3A_78, %dma_start3A] : memref<10000x128xf32, #tpu.memory_space<vmem_shared>> -> memref<5x128xf32, #tpu.memory_space<vmem_shared>>
        %dma_start3A_540 = arith.constant 0 : i32
        %dma_start3A_541 = tpu.memref_slice %arg19[%add3A_78, %dma_start3A_540] : memref<10000x128xf32, #tpu.memory_space<vmem_shared>> -> memref<5x128xf32, #tpu.memory_space<vmem_shared>>
        tpu.enqueue_dma source(%arg18 : memref<5x128xf32, #tpu.memory_space<vmem>>) target(%dma_start3A_541 : memref<5x128xf32, #tpu.memory_space<vmem_shared>>) target_semaphore(%run_scoped3A : memref<!tpu.dma_semaphore, #tpu.memory_space<semaphore_mem>>)
        %dma_wait3A = arith.constant 0 : i32
        %dma_wait3A_542 = tpu.memref_slice %arg19[%add3A_78, %dma_wait3A] : memref<10000x128xf32, #tpu.memory_space<vmem_shared>> -> memref<5x128xf32, #tpu.memory_space<vmem_shared>>
        %dma_wait3A_543 = arith.constant 0 : i32
        %dma_wait3A_544 = tpu.memref_slice %arg19[%add3A_78, %dma_wait3A_543] : memref<10000x128xf32, #tpu.memory_space<vmem_shared>> -> memref<5x128xf32, #tpu.memory_space<vmem_shared>>
        tpu.wait_dma2 semaphore(%run_scoped3A : memref<!tpu.dma_semaphore, #tpu.memory_space<semaphore_mem>>) src(%arg18 : memref<5x128xf32, #tpu.memory_space<vmem>>) dst(%dma_wait3A_544 : memref<5x128xf32, #tpu.memory_space<vmem_shared>>)
        tpu.yield
      }) : () -> ()
      %mul3A_79 = arith.constant 625 : i32
      %mul3A_80 = arith.muli %arg1, %mul3A_79 : i32
      %add3A_81 = arith.constant 50 : i32
      %add3A_82 = arith.addi %mul3A_80, %add3A_81 : i32
      "tpu.region"() ({
        %run_scoped3A = tpu.sem_alloc : memref<!tpu.dma_semaphore, #tpu.memory_space<semaphore_mem>>
        %dma_start3A = arith.constant 0 : i32
        %dma_start3A_539 = tpu.memref_slice %arg19[%add3A_82, %dma_start3A] : memref<10000x128xf32, #tpu.memory_space<vmem_shared>> -> memref<5x128xf32, #tpu.memory_space<vmem_shared>>
        %dma_start3A_540 = arith.constant 0 : i32
        %dma_start3A_541 = tpu.memref_slice %arg19[%add3A_82, %dma_start3A_540] : memref<10000x128xf32, #tpu.memory_space<vmem_shared>> -> memref<5x128xf32, #tpu.memory_space<vmem_shared>>
        tpu.enqueue_dma source(%arg18 : memref<5x128xf32, #tpu.memory_space<vmem>>) target(%dma_start3A_541 : memref<5x128xf32, #tpu.memory_space<vmem_shared>>) target_semaphore(%run_scoped3A : memref<!tpu.dma_semaphore, #tpu.memory_space<semaphore_mem>>)
        %dma_wait3A = arith.constant 0 : i32
        %dma_wait3A_542 = tpu.memref_slice %arg19[%add3A_82, %dma_wait3A] : memref<10000x128xf32, #tpu.memory_space<vmem_shared>> -> memref<5x128xf32, #tpu.memory_space<vmem_shared>>
        %dma_wait3A_543 = arith.constant 0 : i32
        %dma_wait3A_544 = tpu.memref_slice %arg19[%add3A_82, %dma_wait3A_543] : memref<10000x128xf32, #tpu.memory_space<vmem_shared>> -> memref<5x128xf32, #tpu.memory_space<vmem_shared>>
        tpu.wait_dma2 semaphore(%run_scoped3A : memref<!tpu.dma_semaphore, #tpu.memory_space<semaphore_mem>>) src(%arg18 : memref<5x128xf32, #tpu.memory_space<vmem>>) dst(%dma_wait3A_544 : memref<5x128xf32, #tpu.memory_space<vmem_shared>>)
        tpu.yield
      }) : () -> ()
      %mul3A_83 = arith.constant 625 : i32
      %mul3A_84 = arith.muli %arg1, %mul3A_83 : i32
      %add3A_85 = arith.constant 55 : i32
      %add3A_86 = arith.addi %mul3A_84, %add3A_85 : i32
      "tpu.region"() ({
        %run_scoped3A = tpu.sem_alloc : memref<!tpu.dma_semaphore, #tpu.memory_space<semaphore_mem>>
        %dma_start3A = arith.constant 0 : i32
        %dma_start3A_539 = tpu.memref_slice %arg19[%add3A_86, %dma_start3A] : memref<10000x128xf32, #tpu.memory_space<vmem_shared>> -> memref<5x128xf32, #tpu.memory_space<vmem_shared>>
        %dma_start3A_540 = arith.constant 0 : i32
        %dma_start3A_541 = tpu.memref_slice %arg19[%add3A_86, %dma_start3A_540] : memref<10000x128xf32, #tpu.memory_space<vmem_shared>> -> memref<5x128xf32, #tpu.memory_space<vmem_shared>>
        tpu.enqueue_dma source(%arg18 : memref<5x128xf32, #tpu.memory_space<vmem>>) target(%dma_start3A_541 : memref<5x128xf32, #tpu.memory_space<vmem_shared>>) target_semaphore(%run_scoped3A : memref<!tpu.dma_semaphore, #tpu.memory_space<semaphore_mem>>)
        %dma_wait3A = arith.constant 0 : i32
        %dma_wait3A_542 = tpu.memref_slice %arg19[%add3A_86, %dma_wait3A] : memref<10000x128xf32, #tpu.memory_space<vmem_shared>> -> memref<5x128xf32, #tpu.memory_space<vmem_shared>>
        %dma_wait3A_543 = arith.constant 0 : i32
        %dma_wait3A_544 = tpu.memref_slice %arg19[%add3A_86, %dma_wait3A_543] : memref<10000x128xf32, #tpu.memory_space<vmem_shared>> -> memref<5x128xf32, #tpu.memory_space<vmem_shared>>
        tpu.wait_dma2 semaphore(%run_scoped3A : memref<!tpu.dma_semaphore, #tpu.memory_space<semaphore_mem>>) src(%arg18 : memref<5x128xf32, #tpu.memory_space<vmem>>) dst(%dma_wait3A_544 : memref<5x128xf32, #tpu.memory_space<vmem_shared>>)
        tpu.yield
      }) : () -> ()
      %mul3A_87 = arith.constant 625 : i32
      %mul3A_88 = arith.muli %arg1, %mul3A_87 : i32
      %add3A_89 = arith.constant 60 : i32
      %add3A_90 = arith.addi %mul3A_88, %add3A_89 : i32
      "tpu.region"() ({
        %run_scoped3A = tpu.sem_alloc : memref<!tpu.dma_semaphore, #tpu.memory_space<semaphore_mem>>
        %dma_start3A = arith.constant 0 : i32
        %dma_start3A_539 = tpu.memref_slice %arg19[%add3A_90, %dma_start3A] : memref<10000x128xf32, #tpu.memory_space<vmem_shared>> -> memref<5x128xf32, #tpu.memory_space<vmem_shared>>
        %dma_start3A_540 = arith.constant 0 : i32
        %dma_start3A_541 = tpu.memref_slice %arg19[%add3A_90, %dma_start3A_540] : memref<10000x128xf32, #tpu.memory_space<vmem_shared>> -> memref<5x128xf32, #tpu.memory_space<vmem_shared>>
        tpu.enqueue_dma source(%arg18 : memref<5x128xf32, #tpu.memory_space<vmem>>) target(%dma_start3A_541 : memref<5x128xf32, #tpu.memory_space<vmem_shared>>) target_semaphore(%run_scoped3A : memref<!tpu.dma_semaphore, #tpu.memory_space<semaphore_mem>>)
        %dma_wait3A = arith.constant 0 : i32
        %dma_wait3A_542 = tpu.memref_slice %arg19[%add3A_90, %dma_wait3A] : memref<10000x128xf32, #tpu.memory_space<vmem_shared>> -> memref<5x128xf32, #tpu.memory_space<vmem_shared>>
        %dma_wait3A_543 = arith.constant 0 : i32
        %dma_wait3A_544 = tpu.memref_slice %arg19[%add3A_90, %dma_wait3A_543] : memref<10000x128xf32, #tpu.memory_space<vmem_shared>> -> memref<5x128xf32, #tpu.memory_space<vmem_shared>>
        tpu.wait_dma2 semaphore(%run_scoped3A : memref<!tpu.dma_semaphore, #tpu.memory_space<semaphore_mem>>) src(%arg18 : memref<5x128xf32, #tpu.memory_space<vmem>>) dst(%dma_wait3A_544 : memref<5x128xf32, #tpu.memory_space<vmem_shared>>)
        tpu.yield
      }) : () -> ()
      %mul3A_91 = arith.constant 625 : i32
      %mul3A_92 = arith.muli %arg1, %mul3A_91 : i32
      %add3A_93 = arith.constant 65 : i32
      %add3A_94 = arith.addi %mul3A_92, %add3A_93 : i32
      "tpu.region"() ({
        %run_scoped3A = tpu.sem_alloc : memref<!tpu.dma_semaphore, #tpu.memory_space<semaphore_mem>>
        %dma_start3A = arith.constant 0 : i32
        %dma_start3A_539 = tpu.memref_slice %arg19[%add3A_94, %dma_start3A] : memref<10000x128xf32, #tpu.memory_space<vmem_shared>> -> memref<5x128xf32, #tpu.memory_space<vmem_shared>>
        %dma_start3A_540 = arith.constant 0 : i32
        %dma_start3A_541 = tpu.memref_slice %arg19[%add3A_94, %dma_start3A_540] : memref<10000x128xf32, #tpu.memory_space<vmem_shared>> -> memref<5x128xf32, #tpu.memory_space<vmem_shared>>
        tpu.enqueue_dma source(%arg18 : memref<5x128xf32, #tpu.memory_space<vmem>>) target(%dma_start3A_541 : memref<5x128xf32, #tpu.memory_space<vmem_shared>>) target_semaphore(%run_scoped3A : memref<!tpu.dma_semaphore, #tpu.memory_space<semaphore_mem>>)
        %dma_wait3A = arith.constant 0 : i32
        %dma_wait3A_542 = tpu.memref_slice %arg19[%add3A_94, %dma_wait3A] : memref<10000x128xf32, #tpu.memory_space<vmem_shared>> -> memref<5x128xf32, #tpu.memory_space<vmem_shared>>
        %dma_wait3A_543 = arith.constant 0 : i32
        %dma_wait3A_544 = tpu.memref_slice %arg19[%add3A_94, %dma_wait3A_543] : memref<10000x128xf32, #tpu.memory_space<vmem_shared>> -> memref<5x128xf32, #tpu.memory_space<vmem_shared>>
        tpu.wait_dma2 semaphore(%run_scoped3A : memref<!tpu.dma_semaphore, #tpu.memory_space<semaphore_mem>>) src(%arg18 : memref<5x128xf32, #tpu.memory_space<vmem>>) dst(%dma_wait3A_544 : memref<5x128xf32, #tpu.memory_space<vmem_shared>>)
        tpu.yield
      }) : () -> ()
      %mul3A_95 = arith.constant 625 : i32
      %mul3A_96 = arith.muli %arg1, %mul3A_95 : i32
      %add3A_97 = arith.constant 70 : i32
      %add3A_98 = arith.addi %mul3A_96, %add3A_97 : i32
      "tpu.region"() ({
        %run_scoped3A = tpu.sem_alloc : memref<!tpu.dma_semaphore, #tpu.memory_space<semaphore_mem>>
        %dma_start3A = arith.constant 0 : i32
        %dma_start3A_539 = tpu.memref_slice %arg19[%add3A_98, %dma_start3A] : memref<10000x128xf32, #tpu.memory_space<vmem_shared>> -> memref<5x128xf32, #tpu.memory_space<vmem_shared>>
        %dma_start3A_540 = arith.constant 0 : i32
        %dma_start3A_541 = tpu.memref_slice %arg19[%add3A_98, %dma_start3A_540] : memref<10000x128xf32, #tpu.memory_space<vmem_shared>> -> memref<5x128xf32, #tpu.memory_space<vmem_shared>>
        tpu.enqueue_dma source(%arg18 : memref<5x128xf32, #tpu.memory_space<vmem>>) target(%dma_start3A_541 : memref<5x128xf32, #tpu.memory_space<vmem_shared>>) target_semaphore(%run_scoped3A : memref<!tpu.dma_semaphore, #tpu.memory_space<semaphore_mem>>)
        %dma_wait3A = arith.constant 0 : i32
        %dma_wait3A_542 = tpu.memref_slice %arg19[%add3A_98, %dma_wait3A] : memref<10000x128xf32, #tpu.memory_space<vmem_shared>> -> memref<5x128xf32, #tpu.memory_space<vmem_shared>>
        %dma_wait3A_543 = arith.constant 0 : i32
        %dma_wait3A_544 = tpu.memref_slice %arg19[%add3A_98, %dma_wait3A_543] : memref<10000x128xf32, #tpu.memory_space<vmem_shared>> -> memref<5x128xf32, #tpu.memory_space<vmem_shared>>
        tpu.wait_dma2 semaphore(%run_scoped3A : memref<!tpu.dma_semaphore, #tpu.memory_space<semaphore_mem>>) src(%arg18 : memref<5x128xf32, #tpu.memory_space<vmem>>) dst(%dma_wait3A_544 : memref<5x128xf32, #tpu.memory_space<vmem_shared>>)
        tpu.yield
      }) : () -> ()
      %mul3A_99 = arith.constant 625 : i32
      %mul3A_100 = arith.muli %arg1, %mul3A_99 : i32
      %add3A_101 = arith.constant 75 : i32
      %add3A_102 = arith.addi %mul3A_100, %add3A_101 : i32
      "tpu.region"() ({
        %run_scoped3A = tpu.sem_alloc : memref<!tpu.dma_semaphore, #tpu.memory_space<semaphore_mem>>
        %dma_start3A = arith.constant 0 : i32
        %dma_start3A_539 = tpu.memref_slice %arg19[%add3A_102, %dma_start3A] : memref<10000x128xf32, #tpu.memory_space<vmem_shared>> -> memref<5x128xf32, #tpu.memory_space<vmem_shared>>
        %dma_start3A_540 = arith.constant 0 : i32
        %dma_start3A_541 = tpu.memref_slice %arg19[%add3A_102, %dma_start3A_540] : memref<10000x128xf32, #tpu.memory_space<vmem_shared>> -> memref<5x128xf32, #tpu.memory_space<vmem_shared>>
        tpu.enqueue_dma source(%arg18 : memref<5x128xf32, #tpu.memory_space<vmem>>) target(%dma_start3A_541 : memref<5x128xf32, #tpu.memory_space<vmem_shared>>) target_semaphore(%run_scoped3A : memref<!tpu.dma_semaphore, #tpu.memory_space<semaphore_mem>>)
        %dma_wait3A = arith.constant 0 : i32
        %dma_wait3A_542 = tpu.memref_slice %arg19[%add3A_102, %dma_wait3A] : memref<10000x128xf32, #tpu.memory_space<vmem_shared>> -> memref<5x128xf32, #tpu.memory_space<vmem_shared>>
        %dma_wait3A_543 = arith.constant 0 : i32
        %dma_wait3A_544 = tpu.memref_slice %arg19[%add3A_102, %dma_wait3A_543] : memref<10000x128xf32, #tpu.memory_space<vmem_shared>> -> memref<5x128xf32, #tpu.memory_space<vmem_shared>>
        tpu.wait_dma2 semaphore(%run_scoped3A : memref<!tpu.dma_semaphore, #tpu.memory_space<semaphore_mem>>) src(%arg18 : memref<5x128xf32, #tpu.memory_space<vmem>>) dst(%dma_wait3A_544 : memref<5x128xf32, #tpu.memory_space<vmem_shared>>)
        tpu.yield
      }) : () -> ()
      %mul3A_103 = arith.constant 625 : i32
      %mul3A_104 = arith.muli %arg1, %mul3A_103 : i32
      %add3A_105 = arith.constant 80 : i32
      %add3A_106 = arith.addi %mul3A_104, %add3A_105 : i32
      "tpu.region"() ({
        %run_scoped3A = tpu.sem_alloc : memref<!tpu.dma_semaphore, #tpu.memory_space<semaphore_mem>>
        %dma_start3A = arith.constant 0 : i32
        %dma_start3A_539 = tpu.memref_slice %arg19[%add3A_106, %dma_start3A] : memref<10000x128xf32, #tpu.memory_space<vmem_shared>> -> memref<5x128xf32, #tpu.memory_space<vmem_shared>>
        %dma_start3A_540 = arith.constant 0 : i32
        %dma_start3A_541 = tpu.memref_slice %arg19[%add3A_106, %dma_start3A_540] : memref<10000x128xf32, #tpu.memory_space<vmem_shared>> -> memref<5x128xf32, #tpu.memory_space<vmem_shared>>
        tpu.enqueue_dma source(%arg18 : memref<5x128xf32, #tpu.memory_space<vmem>>) target(%dma_start3A_541 : memref<5x128xf32, #tpu.memory_space<vmem_shared>>) target_semaphore(%run_scoped3A : memref<!tpu.dma_semaphore, #tpu.memory_space<semaphore_mem>>)
        %dma_wait3A = arith.constant 0 : i32
        %dma_wait3A_542 = tpu.memref_slice %arg19[%add3A_106, %dma_wait3A] : memref<10000x128xf32, #tpu.memory_space<vmem_shared>> -> memref<5x128xf32, #tpu.memory_space<vmem_shared>>
        %dma_wait3A_543 = arith.constant 0 : i32
        %dma_wait3A_544 = tpu.memref_slice %arg19[%add3A_106, %dma_wait3A_543] : memref<10000x128xf32, #tpu.memory_space<vmem_shared>> -> memref<5x128xf32, #tpu.memory_space<vmem_shared>>
        tpu.wait_dma2 semaphore(%run_scoped3A : memref<!tpu.dma_semaphore, #tpu.memory_space<semaphore_mem>>) src(%arg18 : memref<5x128xf32, #tpu.memory_space<vmem>>) dst(%dma_wait3A_544 : memref<5x128xf32, #tpu.memory_space<vmem_shared>>)
        tpu.yield
      }) : () -> ()
      %mul3A_107 = arith.constant 625 : i32
      %mul3A_108 = arith.muli %arg1, %mul3A_107 : i32
      %add3A_109 = arith.constant 85 : i32
      %add3A_110 = arith.addi %mul3A_108, %add3A_109 : i32
      "tpu.region"() ({
        %run_scoped3A = tpu.sem_alloc : memref<!tpu.dma_semaphore, #tpu.memory_space<semaphore_mem>>
        %dma_start3A = arith.constant 0 : i32
        %dma_start3A_539 = tpu.memref_slice %arg19[%add3A_110, %dma_start3A] : memref<10000x128xf32, #tpu.memory_space<vmem_shared>> -> memref<5x128xf32, #tpu.memory_space<vmem_shared>>
        %dma_start3A_540 = arith.constant 0 : i32
        %dma_start3A_541 = tpu.memref_slice %arg19[%add3A_110, %dma_start3A_540] : memref<10000x128xf32, #tpu.memory_space<vmem_shared>> -> memref<5x128xf32, #tpu.memory_space<vmem_shared>>
        tpu.enqueue_dma source(%arg18 : memref<5x128xf32, #tpu.memory_space<vmem>>) target(%dma_start3A_541 : memref<5x128xf32, #tpu.memory_space<vmem_shared>>) target_semaphore(%run_scoped3A : memref<!tpu.dma_semaphore, #tpu.memory_space<semaphore_mem>>)
        %dma_wait3A = arith.constant 0 : i32
        %dma_wait3A_542 = tpu.memref_slice %arg19[%add3A_110, %dma_wait3A] : memref<10000x128xf32, #tpu.memory_space<vmem_shared>> -> memref<5x128xf32, #tpu.memory_space<vmem_shared>>
        %dma_wait3A_543 = arith.constant 0 : i32
        %dma_wait3A_544 = tpu.memref_slice %arg19[%add3A_110, %dma_wait3A_543] : memref<10000x128xf32, #tpu.memory_space<vmem_shared>> -> memref<5x128xf32, #tpu.memory_space<vmem_shared>>
        tpu.wait_dma2 semaphore(%run_scoped3A : memref<!tpu.dma_semaphore, #tpu.memory_space<semaphore_mem>>) src(%arg18 : memref<5x128xf32, #tpu.memory_space<vmem>>) dst(%dma_wait3A_544 : memref<5x128xf32, #tpu.memory_space<vmem_shared>>)
        tpu.yield
      }) : () -> ()
      %mul3A_111 = arith.constant 625 : i32
      %mul3A_112 = arith.muli %arg1, %mul3A_111 : i32
      %add3A_113 = arith.constant 90 : i32
      %add3A_114 = arith.addi %mul3A_112, %add3A_113 : i32
      "tpu.region"() ({
        %run_scoped3A = tpu.sem_alloc : memref<!tpu.dma_semaphore, #tpu.memory_space<semaphore_mem>>
        %dma_start3A = arith.constant 0 : i32
        %dma_start3A_539 = tpu.memref_slice %arg19[%add3A_114, %dma_start3A] : memref<10000x128xf32, #tpu.memory_space<vmem_shared>> -> memref<5x128xf32, #tpu.memory_space<vmem_shared>>
        %dma_start3A_540 = arith.constant 0 : i32
        %dma_start3A_541 = tpu.memref_slice %arg19[%add3A_114, %dma_start3A_540] : memref<10000x128xf32, #tpu.memory_space<vmem_shared>> -> memref<5x128xf32, #tpu.memory_space<vmem_shared>>
        tpu.enqueue_dma source(%arg18 : memref<5x128xf32, #tpu.memory_space<vmem>>) target(%dma_start3A_541 : memref<5x128xf32, #tpu.memory_space<vmem_shared>>) target_semaphore(%run_scoped3A : memref<!tpu.dma_semaphore, #tpu.memory_space<semaphore_mem>>)
        %dma_wait3A = arith.constant 0 : i32
        %dma_wait3A_542 = tpu.memref_slice %arg19[%add3A_114, %dma_wait3A] : memref<10000x128xf32, #tpu.memory_space<vmem_shared>> -> memref<5x128xf32, #tpu.memory_space<vmem_shared>>
        %dma_wait3A_543 = arith.constant 0 : i32
        %dma_wait3A_544 = tpu.memref_slice %arg19[%add3A_114, %dma_wait3A_543] : memref<10000x128xf32, #tpu.memory_space<vmem_shared>> -> memref<5x128xf32, #tpu.memory_space<vmem_shared>>
        tpu.wait_dma2 semaphore(%run_scoped3A : memref<!tpu.dma_semaphore, #tpu.memory_space<semaphore_mem>>) src(%arg18 : memref<5x128xf32, #tpu.memory_space<vmem>>) dst(%dma_wait3A_544 : memref<5x128xf32, #tpu.memory_space<vmem_shared>>)
        tpu.yield
      }) : () -> ()
      %mul3A_115 = arith.constant 625 : i32
      %mul3A_116 = arith.muli %arg1, %mul3A_115 : i32
      %add3A_117 = arith.constant 95 : i32
      %add3A_118 = arith.addi %mul3A_116, %add3A_117 : i32
      "tpu.region"() ({
        %run_scoped3A = tpu.sem_alloc : memref<!tpu.dma_semaphore, #tpu.memory_space<semaphore_mem>>
        %dma_start3A = arith.constant 0 : i32
        %dma_start3A_539 = tpu.memref_slice %arg19[%add3A_118, %dma_start3A] : memref<10000x128xf32, #tpu.memory_space<vmem_shared>> -> memref<5x128xf32, #tpu.memory_space<vmem_shared>>
        %dma_start3A_540 = arith.constant 0 : i32
        %dma_start3A_541 = tpu.memref_slice %arg19[%add3A_118, %dma_start3A_540] : memref<10000x128xf32, #tpu.memory_space<vmem_shared>> -> memref<5x128xf32, #tpu.memory_space<vmem_shared>>
        tpu.enqueue_dma source(%arg18 : memref<5x128xf32, #tpu.memory_space<vmem>>) target(%dma_start3A_541 : memref<5x128xf32, #tpu.memory_space<vmem_shared>>) target_semaphore(%run_scoped3A : memref<!tpu.dma_semaphore, #tpu.memory_space<semaphore_mem>>)
        %dma_wait3A = arith.constant 0 : i32
        %dma_wait3A_542 = tpu.memref_slice %arg19[%add3A_118, %dma_wait3A] : memref<10000x128xf32, #tpu.memory_space<vmem_shared>> -> memref<5x128xf32, #tpu.memory_space<vmem_shared>>
        %dma_wait3A_543 = arith.constant 0 : i32
        %dma_wait3A_544 = tpu.memref_slice %arg19[%add3A_118, %dma_wait3A_543] : memref<10000x128xf32, #tpu.memory_space<vmem_shared>> -> memref<5x128xf32, #tpu.memory_space<vmem_shared>>
        tpu.wait_dma2 semaphore(%run_scoped3A : memref<!tpu.dma_semaphore, #tpu.memory_space<semaphore_mem>>) src(%arg18 : memref<5x128xf32, #tpu.memory_space<vmem>>) dst(%dma_wait3A_544 : memref<5x128xf32, #tpu.memory_space<vmem_shared>>)
        tpu.yield
      }) : () -> ()
      %mul3A_119 = arith.constant 625 : i32
      %mul3A_120 = arith.muli %arg1, %mul3A_119 : i32
      %add3A_121 = arith.constant 100 : i32
      %add3A_122 = arith.addi %mul3A_120, %add3A_121 : i32
      "tpu.region"() ({
        %run_scoped3A = tpu.sem_alloc : memref<!tpu.dma_semaphore, #tpu.memory_space<semaphore_mem>>
        %dma_start3A = arith.constant 0 : i32
        %dma_start3A_539 = tpu.memref_slice %arg19[%add3A_122, %dma_start3A] : memref<10000x128xf32, #tpu.memory_space<vmem_shared>> -> memref<5x128xf32, #tpu.memory_space<vmem_shared>>
        %dma_start3A_540 = arith.constant 0 : i32
        %dma_start3A_541 = tpu.memref_slice %arg19[%add3A_122, %dma_start3A_540] : memref<10000x128xf32, #tpu.memory_space<vmem_shared>> -> memref<5x128xf32, #tpu.memory_space<vmem_shared>>
        tpu.enqueue_dma source(%arg18 : memref<5x128xf32, #tpu.memory_space<vmem>>) target(%dma_start3A_541 : memref<5x128xf32, #tpu.memory_space<vmem_shared>>) target_semaphore(%run_scoped3A : memref<!tpu.dma_semaphore, #tpu.memory_space<semaphore_mem>>)
        %dma_wait3A = arith.constant 0 : i32
        %dma_wait3A_542 = tpu.memref_slice %arg19[%add3A_122, %dma_wait3A] : memref<10000x128xf32, #tpu.memory_space<vmem_shared>> -> memref<5x128xf32, #tpu.memory_space<vmem_shared>>
        %dma_wait3A_543 = arith.constant 0 : i32
        %dma_wait3A_544 = tpu.memref_slice %arg19[%add3A_122, %dma_wait3A_543] : memref<10000x128xf32, #tpu.memory_space<vmem_shared>> -> memref<5x128xf32, #tpu.memory_space<vmem_shared>>
        tpu.wait_dma2 semaphore(%run_scoped3A : memref<!tpu.dma_semaphore, #tpu.memory_space<semaphore_mem>>) src(%arg18 : memref<5x128xf32, #tpu.memory_space<vmem>>) dst(%dma_wait3A_544 : memref<5x128xf32, #tpu.memory_space<vmem_shared>>)
        tpu.yield
      }) : () -> ()
      %mul3A_123 = arith.constant 625 : i32
      %mul3A_124 = arith.muli %arg1, %mul3A_123 : i32
      %add3A_125 = arith.constant 105 : i32
      %add3A_126 = arith.addi %mul3A_124, %add3A_125 : i32
      "tpu.region"() ({
        %run_scoped3A = tpu.sem_alloc : memref<!tpu.dma_semaphore, #tpu.memory_space<semaphore_mem>>
        %dma_start3A = arith.constant 0 : i32
        %dma_start3A_539 = tpu.memref_slice %arg19[%add3A_126, %dma_start3A] : memref<10000x128xf32, #tpu.memory_space<vmem_shared>> -> memref<5x128xf32, #tpu.memory_space<vmem_shared>>
        %dma_start3A_540 = arith.constant 0 : i32
        %dma_start3A_541 = tpu.memref_slice %arg19[%add3A_126, %dma_start3A_540] : memref<10000x128xf32, #tpu.memory_space<vmem_shared>> -> memref<5x128xf32, #tpu.memory_space<vmem_shared>>
        tpu.enqueue_dma source(%arg18 : memref<5x128xf32, #tpu.memory_space<vmem>>) target(%dma_start3A_541 : memref<5x128xf32, #tpu.memory_space<vmem_shared>>) target_semaphore(%run_scoped3A : memref<!tpu.dma_semaphore, #tpu.memory_space<semaphore_mem>>)
        %dma_wait3A = arith.constant 0 : i32
        %dma_wait3A_542 = tpu.memref_slice %arg19[%add3A_126, %dma_wait3A] : memref<10000x128xf32, #tpu.memory_space<vmem_shared>> -> memref<5x128xf32, #tpu.memory_space<vmem_shared>>
        %dma_wait3A_543 = arith.constant 0 : i32
        %dma_wait3A_544 = tpu.memref_slice %arg19[%add3A_126, %dma_wait3A_543] : memref<10000x128xf32, #tpu.memory_space<vmem_shared>> -> memref<5x128xf32, #tpu.memory_space<vmem_shared>>
        tpu.wait_dma2 semaphore(%run_scoped3A : memref<!tpu.dma_semaphore, #tpu.memory_space<semaphore_mem>>) src(%arg18 : memref<5x128xf32, #tpu.memory_space<vmem>>) dst(%dma_wait3A_544 : memref<5x128xf32, #tpu.memory_space<vmem_shared>>)
        tpu.yield
      }) : () -> ()
      %mul3A_127 = arith.constant 625 : i32
      %mul3A_128 = arith.muli %arg1, %mul3A_127 : i32
      %add3A_129 = arith.constant 110 : i32
      %add3A_130 = arith.addi %mul3A_128, %add3A_129 : i32
      "tpu.region"() ({
        %run_scoped3A = tpu.sem_alloc : memref<!tpu.dma_semaphore, #tpu.memory_space<semaphore_mem>>
        %dma_start3A = arith.constant 0 : i32
        %dma_start3A_539 = tpu.memref_slice %arg19[%add3A_130, %dma_start3A] : memref<10000x128xf32, #tpu.memory_space<vmem_shared>> -> memref<5x128xf32, #tpu.memory_space<vmem_shared>>
        %dma_start3A_540 = arith.constant 0 : i32
        %dma_start3A_541 = tpu.memref_slice %arg19[%add3A_130, %dma_start3A_540] : memref<10000x128xf32, #tpu.memory_space<vmem_shared>> -> memref<5x128xf32, #tpu.memory_space<vmem_shared>>
        tpu.enqueue_dma source(%arg18 : memref<5x128xf32, #tpu.memory_space<vmem>>) target(%dma_start3A_541 : memref<5x128xf32, #tpu.memory_space<vmem_shared>>) target_semaphore(%run_scoped3A : memref<!tpu.dma_semaphore, #tpu.memory_space<semaphore_mem>>)
        %dma_wait3A = arith.constant 0 : i32
        %dma_wait3A_542 = tpu.memref_slice %arg19[%add3A_130, %dma_wait3A] : memref<10000x128xf32, #tpu.memory_space<vmem_shared>> -> memref<5x128xf32, #tpu.memory_space<vmem_shared>>
        %dma_wait3A_543 = arith.constant 0 : i32
        %dma_wait3A_544 = tpu.memref_slice %arg19[%add3A_130, %dma_wait3A_543] : memref<10000x128xf32, #tpu.memory_space<vmem_shared>> -> memref<5x128xf32, #tpu.memory_space<vmem_shared>>
        tpu.wait_dma2 semaphore(%run_scoped3A : memref<!tpu.dma_semaphore, #tpu.memory_space<semaphore_mem>>) src(%arg18 : memref<5x128xf32, #tpu.memory_space<vmem>>) dst(%dma_wait3A_544 : memref<5x128xf32, #tpu.memory_space<vmem_shared>>)
        tpu.yield
      }) : () -> ()
      %mul3A_131 = arith.constant 625 : i32
      %mul3A_132 = arith.muli %arg1, %mul3A_131 : i32
      %add3A_133 = arith.constant 115 : i32
      %add3A_134 = arith.addi %mul3A_132, %add3A_133 : i32
      "tpu.region"() ({
        %run_scoped3A = tpu.sem_alloc : memref<!tpu.dma_semaphore, #tpu.memory_space<semaphore_mem>>
        %dma_start3A = arith.constant 0 : i32
        %dma_start3A_539 = tpu.memref_slice %arg19[%add3A_134, %dma_start3A] : memref<10000x128xf32, #tpu.memory_space<vmem_shared>> -> memref<5x128xf32, #tpu.memory_space<vmem_shared>>
        %dma_start3A_540 = arith.constant 0 : i32
        %dma_start3A_541 = tpu.memref_slice %arg19[%add3A_134, %dma_start3A_540] : memref<10000x128xf32, #tpu.memory_space<vmem_shared>> -> memref<5x128xf32, #tpu.memory_space<vmem_shared>>
        tpu.enqueue_dma source(%arg18 : memref<5x128xf32, #tpu.memory_space<vmem>>) target(%dma_start3A_541 : memref<5x128xf32, #tpu.memory_space<vmem_shared>>) target_semaphore(%run_scoped3A : memref<!tpu.dma_semaphore, #tpu.memory_space<semaphore_mem>>)
        %dma_wait3A = arith.constant 0 : i32
        %dma_wait3A_542 = tpu.memref_slice %arg19[%add3A_134, %dma_wait3A] : memref<10000x128xf32, #tpu.memory_space<vmem_shared>> -> memref<5x128xf32, #tpu.memory_space<vmem_shared>>
        %dma_wait3A_543 = arith.constant 0 : i32
        %dma_wait3A_544 = tpu.memref_slice %arg19[%add3A_134, %dma_wait3A_543] : memref<10000x128xf32, #tpu.memory_space<vmem_shared>> -> memref<5x128xf32, #tpu.memory_space<vmem_shared>>
        tpu.wait_dma2 semaphore(%run_scoped3A : memref<!tpu.dma_semaphore, #tpu.memory_space<semaphore_mem>>) src(%arg18 : memref<5x128xf32, #tpu.memory_space<vmem>>) dst(%dma_wait3A_544 : memref<5x128xf32, #tpu.memory_space<vmem_shared>>)
        tpu.yield
      }) : () -> ()
      %mul3A_135 = arith.constant 625 : i32
      %mul3A_136 = arith.muli %arg1, %mul3A_135 : i32
      %add3A_137 = arith.constant 120 : i32
      %add3A_138 = arith.addi %mul3A_136, %add3A_137 : i32
      "tpu.region"() ({
        %run_scoped3A = tpu.sem_alloc : memref<!tpu.dma_semaphore, #tpu.memory_space<semaphore_mem>>
        %dma_start3A = arith.constant 0 : i32
        %dma_start3A_539 = tpu.memref_slice %arg19[%add3A_138, %dma_start3A] : memref<10000x128xf32, #tpu.memory_space<vmem_shared>> -> memref<5x128xf32, #tpu.memory_space<vmem_shared>>
        %dma_start3A_540 = arith.constant 0 : i32
        %dma_start3A_541 = tpu.memref_slice %arg19[%add3A_138, %dma_start3A_540] : memref<10000x128xf32, #tpu.memory_space<vmem_shared>> -> memref<5x128xf32, #tpu.memory_space<vmem_shared>>
        tpu.enqueue_dma source(%arg18 : memref<5x128xf32, #tpu.memory_space<vmem>>) target(%dma_start3A_541 : memref<5x128xf32, #tpu.memory_space<vmem_shared>>) target_semaphore(%run_scoped3A : memref<!tpu.dma_semaphore, #tpu.memory_space<semaphore_mem>>)
        %dma_wait3A = arith.constant 0 : i32
        %dma_wait3A_542 = tpu.memref_slice %arg19[%add3A_138, %dma_wait3A] : memref<10000x128xf32, #tpu.memory_space<vmem_shared>> -> memref<5x128xf32, #tpu.memory_space<vmem_shared>>
        %dma_wait3A_543 = arith.constant 0 : i32
        %dma_wait3A_544 = tpu.memref_slice %arg19[%add3A_138, %dma_wait3A_543] : memref<10000x128xf32, #tpu.memory_space<vmem_shared>> -> memref<5x128xf32, #tpu.memory_space<vmem_shared>>
        tpu.wait_dma2 semaphore(%run_scoped3A : memref<!tpu.dma_semaphore, #tpu.memory_space<semaphore_mem>>) src(%arg18 : memref<5x128xf32, #tpu.memory_space<vmem>>) dst(%dma_wait3A_544 : memref<5x128xf32, #tpu.memory_space<vmem_shared>>)
        tpu.yield
      }) : () -> ()
      %mul3A_139 = arith.constant 625 : i32
      %mul3A_140 = arith.muli %arg1, %mul3A_139 : i32
      %add3A_141 = arith.constant 125 : i32
      %add3A_142 = arith.addi %mul3A_140, %add3A_141 : i32
      "tpu.region"() ({
        %run_scoped3A = tpu.sem_alloc : memref<!tpu.dma_semaphore, #tpu.memory_space<semaphore_mem>>
        %dma_start3A = arith.constant 0 : i32
        %dma_start3A_539 = tpu.memref_slice %arg19[%add3A_142, %dma_start3A] : memref<10000x128xf32, #tpu.memory_space<vmem_shared>> -> memref<5x128xf32, #tpu.memory_space<vmem_shared>>
        %dma_start3A_540 = arith.constant 0 : i32
        %dma_start3A_541 = tpu.memref_slice %arg19[%add3A_142, %dma_start3A_540] : memref<10000x128xf32, #tpu.memory_space<vmem_shared>> -> memref<5x128xf32, #tpu.memory_space<vmem_shared>>
        tpu.enqueue_dma source(%arg18 : memref<5x128xf32, #tpu.memory_space<vmem>>) target(%dma_start3A_541 : memref<5x128xf32, #tpu.memory_space<vmem_shared>>) target_semaphore(%run_scoped3A : memref<!tpu.dma_semaphore, #tpu.memory_space<semaphore_mem>>)
        %dma_wait3A = arith.constant 0 : i32
        %dma_wait3A_542 = tpu.memref_slice %arg19[%add3A_142, %dma_wait3A] : memref<10000x128xf32, #tpu.memory_space<vmem_shared>> -> memref<5x128xf32, #tpu.memory_space<vmem_shared>>
        %dma_wait3A_543 = arith.constant 0 : i32
        %dma_wait3A_544 = tpu.memref_slice %arg19[%add3A_142, %dma_wait3A_543] : memref<10000x128xf32, #tpu.memory_space<vmem_shared>> -> memref<5x128xf32, #tpu.memory_space<vmem_shared>>
        tpu.wait_dma2 semaphore(%run_scoped3A : memref<!tpu.dma_semaphore, #tpu.memory_space<semaphore_mem>>) src(%arg18 : memref<5x128xf32, #tpu.memory_space<vmem>>) dst(%dma_wait3A_544 : memref<5x128xf32, #tpu.memory_space<vmem_shared>>)
        tpu.yield
      }) : () -> ()
      %mul3A_143 = arith.constant 625 : i32
      %mul3A_144 = arith.muli %arg1, %mul3A_143 : i32
      %add3A_145 = arith.constant 130 : i32
      %add3A_146 = arith.addi %mul3A_144, %add3A_145 : i32
      "tpu.region"() ({
        %run_scoped3A = tpu.sem_alloc : memref<!tpu.dma_semaphore, #tpu.memory_space<semaphore_mem>>
        %dma_start3A = arith.constant 0 : i32
        %dma_start3A_539 = tpu.memref_slice %arg19[%add3A_146, %dma_start3A] : memref<10000x128xf32, #tpu.memory_space<vmem_shared>> -> memref<5x128xf32, #tpu.memory_space<vmem_shared>>
        %dma_start3A_540 = arith.constant 0 : i32
        %dma_start3A_541 = tpu.memref_slice %arg19[%add3A_146, %dma_start3A_540] : memref<10000x128xf32, #tpu.memory_space<vmem_shared>> -> memref<5x128xf32, #tpu.memory_space<vmem_shared>>
        tpu.enqueue_dma source(%arg18 : memref<5x128xf32, #tpu.memory_space<vmem>>) target(%dma_start3A_541 : memref<5x128xf32, #tpu.memory_space<vmem_shared>>) target_semaphore(%run_scoped3A : memref<!tpu.dma_semaphore, #tpu.memory_space<semaphore_mem>>)
        %dma_wait3A = arith.constant 0 : i32
        %dma_wait3A_542 = tpu.memref_slice %arg19[%add3A_146, %dma_wait3A] : memref<10000x128xf32, #tpu.memory_space<vmem_shared>> -> memref<5x128xf32, #tpu.memory_space<vmem_shared>>
        %dma_wait3A_543 = arith.constant 0 : i32
        %dma_wait3A_544 = tpu.memref_slice %arg19[%add3A_146, %dma_wait3A_543] : memref<10000x128xf32, #tpu.memory_space<vmem_shared>> -> memref<5x128xf32, #tpu.memory_space<vmem_shared>>
        tpu.wait_dma2 semaphore(%run_scoped3A : memref<!tpu.dma_semaphore, #tpu.memory_space<semaphore_mem>>) src(%arg18 : memref<5x128xf32, #tpu.memory_space<vmem>>) dst(%dma_wait3A_544 : memref<5x128xf32, #tpu.memory_space<vmem_shared>>)
        tpu.yield
      }) : () -> ()
      %mul3A_147 = arith.constant 625 : i32
      %mul3A_148 = arith.muli %arg1, %mul3A_147 : i32
      %add3A_149 = arith.constant 135 : i32
      %add3A_150 = arith.addi %mul3A_148, %add3A_149 : i32
      "tpu.region"() ({
        %run_scoped3A = tpu.sem_alloc : memref<!tpu.dma_semaphore, #tpu.memory_space<semaphore_mem>>
        %dma_start3A = arith.constant 0 : i32
        %dma_start3A_539 = tpu.memref_slice %arg19[%add3A_150, %dma_start3A] : memref<10000x128xf32, #tpu.memory_space<vmem_shared>> -> memref<5x128xf32, #tpu.memory_space<vmem_shared>>
        %dma_start3A_540 = arith.constant 0 : i32
        %dma_start3A_541 = tpu.memref_slice %arg19[%add3A_150, %dma_start3A_540] : memref<10000x128xf32, #tpu.memory_space<vmem_shared>> -> memref<5x128xf32, #tpu.memory_space<vmem_shared>>
        tpu.enqueue_dma source(%arg18 : memref<5x128xf32, #tpu.memory_space<vmem>>) target(%dma_start3A_541 : memref<5x128xf32, #tpu.memory_space<vmem_shared>>) target_semaphore(%run_scoped3A : memref<!tpu.dma_semaphore, #tpu.memory_space<semaphore_mem>>)
        %dma_wait3A = arith.constant 0 : i32
        %dma_wait3A_542 = tpu.memref_slice %arg19[%add3A_150, %dma_wait3A] : memref<10000x128xf32, #tpu.memory_space<vmem_shared>> -> memref<5x128xf32, #tpu.memory_space<vmem_shared>>
        %dma_wait3A_543 = arith.constant 0 : i32
        %dma_wait3A_544 = tpu.memref_slice %arg19[%add3A_150, %dma_wait3A_543] : memref<10000x128xf32, #tpu.memory_space<vmem_shared>> -> memref<5x128xf32, #tpu.memory_space<vmem_shared>>
        tpu.wait_dma2 semaphore(%run_scoped3A : memref<!tpu.dma_semaphore, #tpu.memory_space<semaphore_mem>>) src(%arg18 : memref<5x128xf32, #tpu.memory_space<vmem>>) dst(%dma_wait3A_544 : memref<5x128xf32, #tpu.memory_space<vmem_shared>>)
        tpu.yield
      }) : () -> ()
      %mul3A_151 = arith.constant 625 : i32
      %mul3A_152 = arith.muli %arg1, %mul3A_151 : i32
      %add3A_153 = arith.constant 140 : i32
      %add3A_154 = arith.addi %mul3A_152, %add3A_153 : i32
      "tpu.region"() ({
        %run_scoped3A = tpu.sem_alloc : memref<!tpu.dma_semaphore, #tpu.memory_space<semaphore_mem>>
        %dma_start3A = arith.constant 0 : i32
        %dma_start3A_539 = tpu.memref_slice %arg19[%add3A_154, %dma_start3A] : memref<10000x128xf32, #tpu.memory_space<vmem_shared>> -> memref<5x128xf32, #tpu.memory_space<vmem_shared>>
        %dma_start3A_540 = arith.constant 0 : i32
        %dma_start3A_541 = tpu.memref_slice %arg19[%add3A_154, %dma_start3A_540] : memref<10000x128xf32, #tpu.memory_space<vmem_shared>> -> memref<5x128xf32, #tpu.memory_space<vmem_shared>>
        tpu.enqueue_dma source(%arg18 : memref<5x128xf32, #tpu.memory_space<vmem>>) target(%dma_start3A_541 : memref<5x128xf32, #tpu.memory_space<vmem_shared>>) target_semaphore(%run_scoped3A : memref<!tpu.dma_semaphore, #tpu.memory_space<semaphore_mem>>)
        %dma_wait3A = arith.constant 0 : i32
        %dma_wait3A_542 = tpu.memref_slice %arg19[%add3A_154, %dma_wait3A] : memref<10000x128xf32, #tpu.memory_space<vmem_shared>> -> memref<5x128xf32, #tpu.memory_space<vmem_shared>>
        %dma_wait3A_543 = arith.constant 0 : i32
        %dma_wait3A_544 = tpu.memref_slice %arg19[%add3A_154, %dma_wait3A_543] : memref<10000x128xf32, #tpu.memory_space<vmem_shared>> -> memref<5x128xf32, #tpu.memory_space<vmem_shared>>
        tpu.wait_dma2 semaphore(%run_scoped3A : memref<!tpu.dma_semaphore, #tpu.memory_space<semaphore_mem>>) src(%arg18 : memref<5x128xf32, #tpu.memory_space<vmem>>) dst(%dma_wait3A_544 : memref<5x128xf32, #tpu.memory_space<vmem_shared>>)
        tpu.yield
      }) : () -> ()
      %mul3A_155 = arith.constant 625 : i32
      %mul3A_156 = arith.muli %arg1, %mul3A_155 : i32
      %add3A_157 = arith.constant 145 : i32
      %add3A_158 = arith.addi %mul3A_156, %add3A_157 : i32
      "tpu.region"() ({
        %run_scoped3A = tpu.sem_alloc : memref<!tpu.dma_semaphore, #tpu.memory_space<semaphore_mem>>
        %dma_start3A = arith.constant 0 : i32
        %dma_start3A_539 = tpu.memref_slice %arg19[%add3A_158, %dma_start3A] : memref<10000x128xf32, #tpu.memory_space<vmem_shared>> -> memref<5x128xf32, #tpu.memory_space<vmem_shared>>
        %dma_start3A_540 = arith.constant 0 : i32
        %dma_start3A_541 = tpu.memref_slice %arg19[%add3A_158, %dma_start3A_540] : memref<10000x128xf32, #tpu.memory_space<vmem_shared>> -> memref<5x128xf32, #tpu.memory_space<vmem_shared>>
        tpu.enqueue_dma source(%arg18 : memref<5x128xf32, #tpu.memory_space<vmem>>) target(%dma_start3A_541 : memref<5x128xf32, #tpu.memory_space<vmem_shared>>) target_semaphore(%run_scoped3A : memref<!tpu.dma_semaphore, #tpu.memory_space<semaphore_mem>>)
        %dma_wait3A = arith.constant 0 : i32
        %dma_wait3A_542 = tpu.memref_slice %arg19[%add3A_158, %dma_wait3A] : memref<10000x128xf32, #tpu.memory_space<vmem_shared>> -> memref<5x128xf32, #tpu.memory_space<vmem_shared>>
        %dma_wait3A_543 = arith.constant 0 : i32
        %dma_wait3A_544 = tpu.memref_slice %arg19[%add3A_158, %dma_wait3A_543] : memref<10000x128xf32, #tpu.memory_space<vmem_shared>> -> memref<5x128xf32, #tpu.memory_space<vmem_shared>>
        tpu.wait_dma2 semaphore(%run_scoped3A : memref<!tpu.dma_semaphore, #tpu.memory_space<semaphore_mem>>) src(%arg18 : memref<5x128xf32, #tpu.memory_space<vmem>>) dst(%dma_wait3A_544 : memref<5x128xf32, #tpu.memory_space<vmem_shared>>)
        tpu.yield
      }) : () -> ()
      %mul3A_159 = arith.constant 625 : i32
      %mul3A_160 = arith.muli %arg1, %mul3A_159 : i32
      %add3A_161 = arith.constant 150 : i32
      %add3A_162 = arith.addi %mul3A_160, %add3A_161 : i32
      "tpu.region"() ({
        %run_scoped3A = tpu.sem_alloc : memref<!tpu.dma_semaphore, #tpu.memory_space<semaphore_mem>>
        %dma_start3A = arith.constant 0 : i32
        %dma_start3A_539 = tpu.memref_slice %arg19[%add3A_162, %dma_start3A] : memref<10000x128xf32, #tpu.memory_space<vmem_shared>> -> memref<5x128xf32, #tpu.memory_space<vmem_shared>>
        %dma_start3A_540 = arith.constant 0 : i32
        %dma_start3A_541 = tpu.memref_slice %arg19[%add3A_162, %dma_start3A_540] : memref<10000x128xf32, #tpu.memory_space<vmem_shared>> -> memref<5x128xf32, #tpu.memory_space<vmem_shared>>
        tpu.enqueue_dma source(%arg18 : memref<5x128xf32, #tpu.memory_space<vmem>>) target(%dma_start3A_541 : memref<5x128xf32, #tpu.memory_space<vmem_shared>>) target_semaphore(%run_scoped3A : memref<!tpu.dma_semaphore, #tpu.memory_space<semaphore_mem>>)
        %dma_wait3A = arith.constant 0 : i32
        %dma_wait3A_542 = tpu.memref_slice %arg19[%add3A_162, %dma_wait3A] : memref<10000x128xf32, #tpu.memory_space<vmem_shared>> -> memref<5x128xf32, #tpu.memory_space<vmem_shared>>
        %dma_wait3A_543 = arith.constant 0 : i32
        %dma_wait3A_544 = tpu.memref_slice %arg19[%add3A_162, %dma_wait3A_543] : memref<10000x128xf32, #tpu.memory_space<vmem_shared>> -> memref<5x128xf32, #tpu.memory_space<vmem_shared>>
        tpu.wait_dma2 semaphore(%run_scoped3A : memref<!tpu.dma_semaphore, #tpu.memory_space<semaphore_mem>>) src(%arg18 : memref<5x128xf32, #tpu.memory_space<vmem>>) dst(%dma_wait3A_544 : memref<5x128xf32, #tpu.memory_space<vmem_shared>>)
        tpu.yield
      }) : () -> ()
      %mul3A_163 = arith.constant 625 : i32
      %mul3A_164 = arith.muli %arg1, %mul3A_163 : i32
      %add3A_165 = arith.constant 155 : i32
      %add3A_166 = arith.addi %mul3A_164, %add3A_165 : i32
      "tpu.region"() ({
        %run_scoped3A = tpu.sem_alloc : memref<!tpu.dma_semaphore, #tpu.memory_space<semaphore_mem>>
        %dma_start3A = arith.constant 0 : i32
        %dma_start3A_539 = tpu.memref_slice %arg19[%add3A_166, %dma_start3A] : memref<10000x128xf32, #tpu.memory_space<vmem_shared>> -> memref<5x128xf32, #tpu.memory_space<vmem_shared>>
        %dma_start3A_540 = arith.constant 0 : i32
        %dma_start3A_541 = tpu.memref_slice %arg19[%add3A_166, %dma_start3A_540] : memref<10000x128xf32, #tpu.memory_space<vmem_shared>> -> memref<5x128xf32, #tpu.memory_space<vmem_shared>>
        tpu.enqueue_dma source(%arg18 : memref<5x128xf32, #tpu.memory_space<vmem>>) target(%dma_start3A_541 : memref<5x128xf32, #tpu.memory_space<vmem_shared>>) target_semaphore(%run_scoped3A : memref<!tpu.dma_semaphore, #tpu.memory_space<semaphore_mem>>)
        %dma_wait3A = arith.constant 0 : i32
        %dma_wait3A_542 = tpu.memref_slice %arg19[%add3A_166, %dma_wait3A] : memref<10000x128xf32, #tpu.memory_space<vmem_shared>> -> memref<5x128xf32, #tpu.memory_space<vmem_shared>>
        %dma_wait3A_543 = arith.constant 0 : i32
        %dma_wait3A_544 = tpu.memref_slice %arg19[%add3A_166, %dma_wait3A_543] : memref<10000x128xf32, #tpu.memory_space<vmem_shared>> -> memref<5x128xf32, #tpu.memory_space<vmem_shared>>
        tpu.wait_dma2 semaphore(%run_scoped3A : memref<!tpu.dma_semaphore, #tpu.memory_space<semaphore_mem>>) src(%arg18 : memref<5x128xf32, #tpu.memory_space<vmem>>) dst(%dma_wait3A_544 : memref<5x128xf32, #tpu.memory_space<vmem_shared>>)
        tpu.yield
      }) : () -> ()
      %mul3A_167 = arith.constant 625 : i32
      %mul3A_168 = arith.muli %arg1, %mul3A_167 : i32
      %add3A_169 = arith.constant 160 : i32
      %add3A_170 = arith.addi %mul3A_168, %add3A_169 : i32
      "tpu.region"() ({
        %run_scoped3A = tpu.sem_alloc : memref<!tpu.dma_semaphore, #tpu.memory_space<semaphore_mem>>
        %dma_start3A = arith.constant 0 : i32
        %dma_start3A_539 = tpu.memref_slice %arg19[%add3A_170, %dma_start3A] : memref<10000x128xf32, #tpu.memory_space<vmem_shared>> -> memref<5x128xf32, #tpu.memory_space<vmem_shared>>
        %dma_start3A_540 = arith.constant 0 : i32
        %dma_start3A_541 = tpu.memref_slice %arg19[%add3A_170, %dma_start3A_540] : memref<10000x128xf32, #tpu.memory_space<vmem_shared>> -> memref<5x128xf32, #tpu.memory_space<vmem_shared>>
        tpu.enqueue_dma source(%arg18 : memref<5x128xf32, #tpu.memory_space<vmem>>) target(%dma_start3A_541 : memref<5x128xf32, #tpu.memory_space<vmem_shared>>) target_semaphore(%run_scoped3A : memref<!tpu.dma_semaphore, #tpu.memory_space<semaphore_mem>>)
        %dma_wait3A = arith.constant 0 : i32
        %dma_wait3A_542 = tpu.memref_slice %arg19[%add3A_170, %dma_wait3A] : memref<10000x128xf32, #tpu.memory_space<vmem_shared>> -> memref<5x128xf32, #tpu.memory_space<vmem_shared>>
        %dma_wait3A_543 = arith.constant 0 : i32
        %dma_wait3A_544 = tpu.memref_slice %arg19[%add3A_170, %dma_wait3A_543] : memref<10000x128xf32, #tpu.memory_space<vmem_shared>> -> memref<5x128xf32, #tpu.memory_space<vmem_shared>>
        tpu.wait_dma2 semaphore(%run_scoped3A : memref<!tpu.dma_semaphore, #tpu.memory_space<semaphore_mem>>) src(%arg18 : memref<5x128xf32, #tpu.memory_space<vmem>>) dst(%dma_wait3A_544 : memref<5x128xf32, #tpu.memory_space<vmem_shared>>)
        tpu.yield
      }) : () -> ()
      %mul3A_171 = arith.constant 625 : i32
      %mul3A_172 = arith.muli %arg1, %mul3A_171 : i32
      %add3A_173 = arith.constant 165 : i32
      %add3A_174 = arith.addi %mul3A_172, %add3A_173 : i32
      "tpu.region"() ({
        %run_scoped3A = tpu.sem_alloc : memref<!tpu.dma_semaphore, #tpu.memory_space<semaphore_mem>>
        %dma_start3A = arith.constant 0 : i32
        %dma_start3A_539 = tpu.memref_slice %arg19[%add3A_174, %dma_start3A] : memref<10000x128xf32, #tpu.memory_space<vmem_shared>> -> memref<5x128xf32, #tpu.memory_space<vmem_shared>>
        %dma_start3A_540 = arith.constant 0 : i32
        %dma_start3A_541 = tpu.memref_slice %arg19[%add3A_174, %dma_start3A_540] : memref<10000x128xf32, #tpu.memory_space<vmem_shared>> -> memref<5x128xf32, #tpu.memory_space<vmem_shared>>
        tpu.enqueue_dma source(%arg18 : memref<5x128xf32, #tpu.memory_space<vmem>>) target(%dma_start3A_541 : memref<5x128xf32, #tpu.memory_space<vmem_shared>>) target_semaphore(%run_scoped3A : memref<!tpu.dma_semaphore, #tpu.memory_space<semaphore_mem>>)
        %dma_wait3A = arith.constant 0 : i32
        %dma_wait3A_542 = tpu.memref_slice %arg19[%add3A_174, %dma_wait3A] : memref<10000x128xf32, #tpu.memory_space<vmem_shared>> -> memref<5x128xf32, #tpu.memory_space<vmem_shared>>
        %dma_wait3A_543 = arith.constant 0 : i32
        %dma_wait3A_544 = tpu.memref_slice %arg19[%add3A_174, %dma_wait3A_543] : memref<10000x128xf32, #tpu.memory_space<vmem_shared>> -> memref<5x128xf32, #tpu.memory_space<vmem_shared>>
        tpu.wait_dma2 semaphore(%run_scoped3A : memref<!tpu.dma_semaphore, #tpu.memory_space<semaphore_mem>>) src(%arg18 : memref<5x128xf32, #tpu.memory_space<vmem>>) dst(%dma_wait3A_544 : memref<5x128xf32, #tpu.memory_space<vmem_shared>>)
        tpu.yield
      }) : () -> ()
      %mul3A_175 = arith.constant 625 : i32
      %mul3A_176 = arith.muli %arg1, %mul3A_175 : i32
      %add3A_177 = arith.constant 170 : i32
      %add3A_178 = arith.addi %mul3A_176, %add3A_177 : i32
      "tpu.region"() ({
        %run_scoped3A = tpu.sem_alloc : memref<!tpu.dma_semaphore, #tpu.memory_space<semaphore_mem>>
        %dma_start3A = arith.constant 0 : i32
        %dma_start3A_539 = tpu.memref_slice %arg19[%add3A_178, %dma_start3A] : memref<10000x128xf32, #tpu.memory_space<vmem_shared>> -> memref<5x128xf32, #tpu.memory_space<vmem_shared>>
        %dma_start3A_540 = arith.constant 0 : i32
        %dma_start3A_541 = tpu.memref_slice %arg19[%add3A_178, %dma_start3A_540] : memref<10000x128xf32, #tpu.memory_space<vmem_shared>> -> memref<5x128xf32, #tpu.memory_space<vmem_shared>>
        tpu.enqueue_dma source(%arg18 : memref<5x128xf32, #tpu.memory_space<vmem>>) target(%dma_start3A_541 : memref<5x128xf32, #tpu.memory_space<vmem_shared>>) target_semaphore(%run_scoped3A : memref<!tpu.dma_semaphore, #tpu.memory_space<semaphore_mem>>)
        %dma_wait3A = arith.constant 0 : i32
        %dma_wait3A_542 = tpu.memref_slice %arg19[%add3A_178, %dma_wait3A] : memref<10000x128xf32, #tpu.memory_space<vmem_shared>> -> memref<5x128xf32, #tpu.memory_space<vmem_shared>>
        %dma_wait3A_543 = arith.constant 0 : i32
        %dma_wait3A_544 = tpu.memref_slice %arg19[%add3A_178, %dma_wait3A_543] : memref<10000x128xf32, #tpu.memory_space<vmem_shared>> -> memref<5x128xf32, #tpu.memory_space<vmem_shared>>
        tpu.wait_dma2 semaphore(%run_scoped3A : memref<!tpu.dma_semaphore, #tpu.memory_space<semaphore_mem>>) src(%arg18 : memref<5x128xf32, #tpu.memory_space<vmem>>) dst(%dma_wait3A_544 : memref<5x128xf32, #tpu.memory_space<vmem_shared>>)
        tpu.yield
      }) : () -> ()
      %mul3A_179 = arith.constant 625 : i32
      %mul3A_180 = arith.muli %arg1, %mul3A_179 : i32
      %add3A_181 = arith.constant 175 : i32
      %add3A_182 = arith.addi %mul3A_180, %add3A_181 : i32
      "tpu.region"() ({
        %run_scoped3A = tpu.sem_alloc : memref<!tpu.dma_semaphore, #tpu.memory_space<semaphore_mem>>
        %dma_start3A = arith.constant 0 : i32
        %dma_start3A_539 = tpu.memref_slice %arg19[%add3A_182, %dma_start3A] : memref<10000x128xf32, #tpu.memory_space<vmem_shared>> -> memref<5x128xf32, #tpu.memory_space<vmem_shared>>
        %dma_start3A_540 = arith.constant 0 : i32
        %dma_start3A_541 = tpu.memref_slice %arg19[%add3A_182, %dma_start3A_540] : memref<10000x128xf32, #tpu.memory_space<vmem_shared>> -> memref<5x128xf32, #tpu.memory_space<vmem_shared>>
        tpu.enqueue_dma source(%arg18 : memref<5x128xf32, #tpu.memory_space<vmem>>) target(%dma_start3A_541 : memref<5x128xf32, #tpu.memory_space<vmem_shared>>) target_semaphore(%run_scoped3A : memref<!tpu.dma_semaphore, #tpu.memory_space<semaphore_mem>>)
        %dma_wait3A = arith.constant 0 : i32
        %dma_wait3A_542 = tpu.memref_slice %arg19[%add3A_182, %dma_wait3A] : memref<10000x128xf32, #tpu.memory_space<vmem_shared>> -> memref<5x128xf32, #tpu.memory_space<vmem_shared>>
        %dma_wait3A_543 = arith.constant 0 : i32
        %dma_wait3A_544 = tpu.memref_slice %arg19[%add3A_182, %dma_wait3A_543] : memref<10000x128xf32, #tpu.memory_space<vmem_shared>> -> memref<5x128xf32, #tpu.memory_space<vmem_shared>>
        tpu.wait_dma2 semaphore(%run_scoped3A : memref<!tpu.dma_semaphore, #tpu.memory_space<semaphore_mem>>) src(%arg18 : memref<5x128xf32, #tpu.memory_space<vmem>>) dst(%dma_wait3A_544 : memref<5x128xf32, #tpu.memory_space<vmem_shared>>)
        tpu.yield
      }) : () -> ()
      %mul3A_183 = arith.constant 625 : i32
      %mul3A_184 = arith.muli %arg1, %mul3A_183 : i32
      %add3A_185 = arith.constant 180 : i32
      %add3A_186 = arith.addi %mul3A_184, %add3A_185 : i32
      "tpu.region"() ({
        %run_scoped3A = tpu.sem_alloc : memref<!tpu.dma_semaphore, #tpu.memory_space<semaphore_mem>>
        %dma_start3A = arith.constant 0 : i32
        %dma_start3A_539 = tpu.memref_slice %arg19[%add3A_186, %dma_start3A] : memref<10000x128xf32, #tpu.memory_space<vmem_shared>> -> memref<5x128xf32, #tpu.memory_space<vmem_shared>>
        %dma_start3A_540 = arith.constant 0 : i32
        %dma_start3A_541 = tpu.memref_slice %arg19[%add3A_186, %dma_start3A_540] : memref<10000x128xf32, #tpu.memory_space<vmem_shared>> -> memref<5x128xf32, #tpu.memory_space<vmem_shared>>
        tpu.enqueue_dma source(%arg18 : memref<5x128xf32, #tpu.memory_space<vmem>>) target(%dma_start3A_541 : memref<5x128xf32, #tpu.memory_space<vmem_shared>>) target_semaphore(%run_scoped3A : memref<!tpu.dma_semaphore, #tpu.memory_space<semaphore_mem>>)
        %dma_wait3A = arith.constant 0 : i32
        %dma_wait3A_542 = tpu.memref_slice %arg19[%add3A_186, %dma_wait3A] : memref<10000x128xf32, #tpu.memory_space<vmem_shared>> -> memref<5x128xf32, #tpu.memory_space<vmem_shared>>
        %dma_wait3A_543 = arith.constant 0 : i32
        %dma_wait3A_544 = tpu.memref_slice %arg19[%add3A_186, %dma_wait3A_543] : memref<10000x128xf32, #tpu.memory_space<vmem_shared>> -> memref<5x128xf32, #tpu.memory_space<vmem_shared>>
        tpu.wait_dma2 semaphore(%run_scoped3A : memref<!tpu.dma_semaphore, #tpu.memory_space<semaphore_mem>>) src(%arg18 : memref<5x128xf32, #tpu.memory_space<vmem>>) dst(%dma_wait3A_544 : memref<5x128xf32, #tpu.memory_space<vmem_shared>>)
        tpu.yield
      }) : () -> ()
      %mul3A_187 = arith.constant 625 : i32
      %mul3A_188 = arith.muli %arg1, %mul3A_187 : i32
      %add3A_189 = arith.constant 185 : i32
      %add3A_190 = arith.addi %mul3A_188, %add3A_189 : i32
      "tpu.region"() ({
        %run_scoped3A = tpu.sem_alloc : memref<!tpu.dma_semaphore, #tpu.memory_space<semaphore_mem>>
        %dma_start3A = arith.constant 0 : i32
        %dma_start3A_539 = tpu.memref_slice %arg19[%add3A_190, %dma_start3A] : memref<10000x128xf32, #tpu.memory_space<vmem_shared>> -> memref<5x128xf32, #tpu.memory_space<vmem_shared>>
        %dma_start3A_540 = arith.constant 0 : i32
        %dma_start3A_541 = tpu.memref_slice %arg19[%add3A_190, %dma_start3A_540] : memref<10000x128xf32, #tpu.memory_space<vmem_shared>> -> memref<5x128xf32, #tpu.memory_space<vmem_shared>>
        tpu.enqueue_dma source(%arg18 : memref<5x128xf32, #tpu.memory_space<vmem>>) target(%dma_start3A_541 : memref<5x128xf32, #tpu.memory_space<vmem_shared>>) target_semaphore(%run_scoped3A : memref<!tpu.dma_semaphore, #tpu.memory_space<semaphore_mem>>)
        %dma_wait3A = arith.constant 0 : i32
        %dma_wait3A_542 = tpu.memref_slice %arg19[%add3A_190, %dma_wait3A] : memref<10000x128xf32, #tpu.memory_space<vmem_shared>> -> memref<5x128xf32, #tpu.memory_space<vmem_shared>>
        %dma_wait3A_543 = arith.constant 0 : i32
        %dma_wait3A_544 = tpu.memref_slice %arg19[%add3A_190, %dma_wait3A_543] : memref<10000x128xf32, #tpu.memory_space<vmem_shared>> -> memref<5x128xf32, #tpu.memory_space<vmem_shared>>
        tpu.wait_dma2 semaphore(%run_scoped3A : memref<!tpu.dma_semaphore, #tpu.memory_space<semaphore_mem>>) src(%arg18 : memref<5x128xf32, #tpu.memory_space<vmem>>) dst(%dma_wait3A_544 : memref<5x128xf32, #tpu.memory_space<vmem_shared>>)
        tpu.yield
      }) : () -> ()
      %mul3A_191 = arith.constant 625 : i32
      %mul3A_192 = arith.muli %arg1, %mul3A_191 : i32
      %add3A_193 = arith.constant 190 : i32
      %add3A_194 = arith.addi %mul3A_192, %add3A_193 : i32
      "tpu.region"() ({
        %run_scoped3A = tpu.sem_alloc : memref<!tpu.dma_semaphore, #tpu.memory_space<semaphore_mem>>
        %dma_start3A = arith.constant 0 : i32
        %dma_start3A_539 = tpu.memref_slice %arg19[%add3A_194, %dma_start3A] : memref<10000x128xf32, #tpu.memory_space<vmem_shared>> -> memref<5x128xf32, #tpu.memory_space<vmem_shared>>
        %dma_start3A_540 = arith.constant 0 : i32
        %dma_start3A_541 = tpu.memref_slice %arg19[%add3A_194, %dma_start3A_540] : memref<10000x128xf32, #tpu.memory_space<vmem_shared>> -> memref<5x128xf32, #tpu.memory_space<vmem_shared>>
        tpu.enqueue_dma source(%arg18 : memref<5x128xf32, #tpu.memory_space<vmem>>) target(%dma_start3A_541 : memref<5x128xf32, #tpu.memory_space<vmem_shared>>) target_semaphore(%run_scoped3A : memref<!tpu.dma_semaphore, #tpu.memory_space<semaphore_mem>>)
        %dma_wait3A = arith.constant 0 : i32
        %dma_wait3A_542 = tpu.memref_slice %arg19[%add3A_194, %dma_wait3A] : memref<10000x128xf32, #tpu.memory_space<vmem_shared>> -> memref<5x128xf32, #tpu.memory_space<vmem_shared>>
        %dma_wait3A_543 = arith.constant 0 : i32
        %dma_wait3A_544 = tpu.memref_slice %arg19[%add3A_194, %dma_wait3A_543] : memref<10000x128xf32, #tpu.memory_space<vmem_shared>> -> memref<5x128xf32, #tpu.memory_space<vmem_shared>>
        tpu.wait_dma2 semaphore(%run_scoped3A : memref<!tpu.dma_semaphore, #tpu.memory_space<semaphore_mem>>) src(%arg18 : memref<5x128xf32, #tpu.memory_space<vmem>>) dst(%dma_wait3A_544 : memref<5x128xf32, #tpu.memory_space<vmem_shared>>)
        tpu.yield
      }) : () -> ()
      %mul3A_195 = arith.constant 625 : i32
      %mul3A_196 = arith.muli %arg1, %mul3A_195 : i32
      %add3A_197 = arith.constant 195 : i32
      %add3A_198 = arith.addi %mul3A_196, %add3A_197 : i32
      "tpu.region"() ({
        %run_scoped3A = tpu.sem_alloc : memref<!tpu.dma_semaphore, #tpu.memory_space<semaphore_mem>>
        %dma_start3A = arith.constant 0 : i32
        %dma_start3A_539 = tpu.memref_slice %arg19[%add3A_198, %dma_start3A] : memref<10000x128xf32, #tpu.memory_space<vmem_shared>> -> memref<5x128xf32, #tpu.memory_space<vmem_shared>>
        %dma_start3A_540 = arith.constant 0 : i32
        %dma_start3A_541 = tpu.memref_slice %arg19[%add3A_198, %dma_start3A_540] : memref<10000x128xf32, #tpu.memory_space<vmem_shared>> -> memref<5x128xf32, #tpu.memory_space<vmem_shared>>
        tpu.enqueue_dma source(%arg18 : memref<5x128xf32, #tpu.memory_space<vmem>>) target(%dma_start3A_541 : memref<5x128xf32, #tpu.memory_space<vmem_shared>>) target_semaphore(%run_scoped3A : memref<!tpu.dma_semaphore, #tpu.memory_space<semaphore_mem>>)
        %dma_wait3A = arith.constant 0 : i32
        %dma_wait3A_542 = tpu.memref_slice %arg19[%add3A_198, %dma_wait3A] : memref<10000x128xf32, #tpu.memory_space<vmem_shared>> -> memref<5x128xf32, #tpu.memory_space<vmem_shared>>
        %dma_wait3A_543 = arith.constant 0 : i32
        %dma_wait3A_544 = tpu.memref_slice %arg19[%add3A_198, %dma_wait3A_543] : memref<10000x128xf32, #tpu.memory_space<vmem_shared>> -> memref<5x128xf32, #tpu.memory_space<vmem_shared>>
        tpu.wait_dma2 semaphore(%run_scoped3A : memref<!tpu.dma_semaphore, #tpu.memory_space<semaphore_mem>>) src(%arg18 : memref<5x128xf32, #tpu.memory_space<vmem>>) dst(%dma_wait3A_544 : memref<5x128xf32, #tpu.memory_space<vmem_shared>>)
        tpu.yield
      }) : () -> ()
      %mul3A_199 = arith.constant 625 : i32
      %mul3A_200 = arith.muli %arg1, %mul3A_199 : i32
      %add3A_201 = arith.constant 200 : i32
      %add3A_202 = arith.addi %mul3A_200, %add3A_201 : i32
      "tpu.region"() ({
        %run_scoped3A = tpu.sem_alloc : memref<!tpu.dma_semaphore, #tpu.memory_space<semaphore_mem>>
        %dma_start3A = arith.constant 0 : i32
        %dma_start3A_539 = tpu.memref_slice %arg19[%add3A_202, %dma_start3A] : memref<10000x128xf32, #tpu.memory_space<vmem_shared>> -> memref<5x128xf32, #tpu.memory_space<vmem_shared>>
        %dma_start3A_540 = arith.constant 0 : i32
        %dma_start3A_541 = tpu.memref_slice %arg19[%add3A_202, %dma_start3A_540] : memref<10000x128xf32, #tpu.memory_space<vmem_shared>> -> memref<5x128xf32, #tpu.memory_space<vmem_shared>>
        tpu.enqueue_dma source(%arg18 : memref<5x128xf32, #tpu.memory_space<vmem>>) target(%dma_start3A_541 : memref<5x128xf32, #tpu.memory_space<vmem_shared>>) target_semaphore(%run_scoped3A : memref<!tpu.dma_semaphore, #tpu.memory_space<semaphore_mem>>)
        %dma_wait3A = arith.constant 0 : i32
        %dma_wait3A_542 = tpu.memref_slice %arg19[%add3A_202, %dma_wait3A] : memref<10000x128xf32, #tpu.memory_space<vmem_shared>> -> memref<5x128xf32, #tpu.memory_space<vmem_shared>>
        %dma_wait3A_543 = arith.constant 0 : i32
        %dma_wait3A_544 = tpu.memref_slice %arg19[%add3A_202, %dma_wait3A_543] : memref<10000x128xf32, #tpu.memory_space<vmem_shared>> -> memref<5x128xf32, #tpu.memory_space<vmem_shared>>
        tpu.wait_dma2 semaphore(%run_scoped3A : memref<!tpu.dma_semaphore, #tpu.memory_space<semaphore_mem>>) src(%arg18 : memref<5x128xf32, #tpu.memory_space<vmem>>) dst(%dma_wait3A_544 : memref<5x128xf32, #tpu.memory_space<vmem_shared>>)
        tpu.yield
      }) : () -> ()
      %mul3A_203 = arith.constant 625 : i32
      %mul3A_204 = arith.muli %arg1, %mul3A_203 : i32
      %add3A_205 = arith.constant 205 : i32
      %add3A_206 = arith.addi %mul3A_204, %add3A_205 : i32
      "tpu.region"() ({
        %run_scoped3A = tpu.sem_alloc : memref<!tpu.dma_semaphore, #tpu.memory_space<semaphore_mem>>
        %dma_start3A = arith.constant 0 : i32
        %dma_start3A_539 = tpu.memref_slice %arg19[%add3A_206, %dma_start3A] : memref<10000x128xf32, #tpu.memory_space<vmem_shared>> -> memref<5x128xf32, #tpu.memory_space<vmem_shared>>
        %dma_start3A_540 = arith.constant 0 : i32
        %dma_start3A_541 = tpu.memref_slice %arg19[%add3A_206, %dma_start3A_540] : memref<10000x128xf32, #tpu.memory_space<vmem_shared>> -> memref<5x128xf32, #tpu.memory_space<vmem_shared>>
        tpu.enqueue_dma source(%arg18 : memref<5x128xf32, #tpu.memory_space<vmem>>) target(%dma_start3A_541 : memref<5x128xf32, #tpu.memory_space<vmem_shared>>) target_semaphore(%run_scoped3A : memref<!tpu.dma_semaphore, #tpu.memory_space<semaphore_mem>>)
        %dma_wait3A = arith.constant 0 : i32
        %dma_wait3A_542 = tpu.memref_slice %arg19[%add3A_206, %dma_wait3A] : memref<10000x128xf32, #tpu.memory_space<vmem_shared>> -> memref<5x128xf32, #tpu.memory_space<vmem_shared>>
        %dma_wait3A_543 = arith.constant 0 : i32
        %dma_wait3A_544 = tpu.memref_slice %arg19[%add3A_206, %dma_wait3A_543] : memref<10000x128xf32, #tpu.memory_space<vmem_shared>> -> memref<5x128xf32, #tpu.memory_space<vmem_shared>>
        tpu.wait_dma2 semaphore(%run_scoped3A : memref<!tpu.dma_semaphore, #tpu.memory_space<semaphore_mem>>) src(%arg18 : memref<5x128xf32, #tpu.memory_space<vmem>>) dst(%dma_wait3A_544 : memref<5x128xf32, #tpu.memory_space<vmem_shared>>)
        tpu.yield
      }) : () -> ()
      %mul3A_207 = arith.constant 625 : i32
      %mul3A_208 = arith.muli %arg1, %mul3A_207 : i32
      %add3A_209 = arith.constant 210 : i32
      %add3A_210 = arith.addi %mul3A_208, %add3A_209 : i32
      "tpu.region"() ({
        %run_scoped3A = tpu.sem_alloc : memref<!tpu.dma_semaphore, #tpu.memory_space<semaphore_mem>>
        %dma_start3A = arith.constant 0 : i32
        %dma_start3A_539 = tpu.memref_slice %arg19[%add3A_210, %dma_start3A] : memref<10000x128xf32, #tpu.memory_space<vmem_shared>> -> memref<5x128xf32, #tpu.memory_space<vmem_shared>>
        %dma_start3A_540 = arith.constant 0 : i32
        %dma_start3A_541 = tpu.memref_slice %arg19[%add3A_210, %dma_start3A_540] : memref<10000x128xf32, #tpu.memory_space<vmem_shared>> -> memref<5x128xf32, #tpu.memory_space<vmem_shared>>
        tpu.enqueue_dma source(%arg18 : memref<5x128xf32, #tpu.memory_space<vmem>>) target(%dma_start3A_541 : memref<5x128xf32, #tpu.memory_space<vmem_shared>>) target_semaphore(%run_scoped3A : memref<!tpu.dma_semaphore, #tpu.memory_space<semaphore_mem>>)
        %dma_wait3A = arith.constant 0 : i32
        %dma_wait3A_542 = tpu.memref_slice %arg19[%add3A_210, %dma_wait3A] : memref<10000x128xf32, #tpu.memory_space<vmem_shared>> -> memref<5x128xf32, #tpu.memory_space<vmem_shared>>
        %dma_wait3A_543 = arith.constant 0 : i32
        %dma_wait3A_544 = tpu.memref_slice %arg19[%add3A_210, %dma_wait3A_543] : memref<10000x128xf32, #tpu.memory_space<vmem_shared>> -> memref<5x128xf32, #tpu.memory_space<vmem_shared>>
        tpu.wait_dma2 semaphore(%run_scoped3A : memref<!tpu.dma_semaphore, #tpu.memory_space<semaphore_mem>>) src(%arg18 : memref<5x128xf32, #tpu.memory_space<vmem>>) dst(%dma_wait3A_544 : memref<5x128xf32, #tpu.memory_space<vmem_shared>>)
        tpu.yield
      }) : () -> ()
      %mul3A_211 = arith.constant 625 : i32
      %mul3A_212 = arith.muli %arg1, %mul3A_211 : i32
      %add3A_213 = arith.constant 215 : i32
      %add3A_214 = arith.addi %mul3A_212, %add3A_213 : i32
      "tpu.region"() ({
        %run_scoped3A = tpu.sem_alloc : memref<!tpu.dma_semaphore, #tpu.memory_space<semaphore_mem>>
        %dma_start3A = arith.constant 0 : i32
        %dma_start3A_539 = tpu.memref_slice %arg19[%add3A_214, %dma_start3A] : memref<10000x128xf32, #tpu.memory_space<vmem_shared>> -> memref<5x128xf32, #tpu.memory_space<vmem_shared>>
        %dma_start3A_540 = arith.constant 0 : i32
        %dma_start3A_541 = tpu.memref_slice %arg19[%add3A_214, %dma_start3A_540] : memref<10000x128xf32, #tpu.memory_space<vmem_shared>> -> memref<5x128xf32, #tpu.memory_space<vmem_shared>>
        tpu.enqueue_dma source(%arg18 : memref<5x128xf32, #tpu.memory_space<vmem>>) target(%dma_start3A_541 : memref<5x128xf32, #tpu.memory_space<vmem_shared>>) target_semaphore(%run_scoped3A : memref<!tpu.dma_semaphore, #tpu.memory_space<semaphore_mem>>)
        %dma_wait3A = arith.constant 0 : i32
        %dma_wait3A_542 = tpu.memref_slice %arg19[%add3A_214, %dma_wait3A] : memref<10000x128xf32, #tpu.memory_space<vmem_shared>> -> memref<5x128xf32, #tpu.memory_space<vmem_shared>>
        %dma_wait3A_543 = arith.constant 0 : i32
        %dma_wait3A_544 = tpu.memref_slice %arg19[%add3A_214, %dma_wait3A_543] : memref<10000x128xf32, #tpu.memory_space<vmem_shared>> -> memref<5x128xf32, #tpu.memory_space<vmem_shared>>
        tpu.wait_dma2 semaphore(%run_scoped3A : memref<!tpu.dma_semaphore, #tpu.memory_space<semaphore_mem>>) src(%arg18 : memref<5x128xf32, #tpu.memory_space<vmem>>) dst(%dma_wait3A_544 : memref<5x128xf32, #tpu.memory_space<vmem_shared>>)
        tpu.yield
      }) : () -> ()
      %mul3A_215 = arith.constant 625 : i32
      %mul3A_216 = arith.muli %arg1, %mul3A_215 : i32
      %add3A_217 = arith.constant 220 : i32
      %add3A_218 = arith.addi %mul3A_216, %add3A_217 : i32
      "tpu.region"() ({
        %run_scoped3A = tpu.sem_alloc : memref<!tpu.dma_semaphore, #tpu.memory_space<semaphore_mem>>
        %dma_start3A = arith.constant 0 : i32
        %dma_start3A_539 = tpu.memref_slice %arg19[%add3A_218, %dma_start3A] : memref<10000x128xf32, #tpu.memory_space<vmem_shared>> -> memref<5x128xf32, #tpu.memory_space<vmem_shared>>
        %dma_start3A_540 = arith.constant 0 : i32
        %dma_start3A_541 = tpu.memref_slice %arg19[%add3A_218, %dma_start3A_540] : memref<10000x128xf32, #tpu.memory_space<vmem_shared>> -> memref<5x128xf32, #tpu.memory_space<vmem_shared>>
        tpu.enqueue_dma source(%arg18 : memref<5x128xf32, #tpu.memory_space<vmem>>) target(%dma_start3A_541 : memref<5x128xf32, #tpu.memory_space<vmem_shared>>) target_semaphore(%run_scoped3A : memref<!tpu.dma_semaphore, #tpu.memory_space<semaphore_mem>>)
        %dma_wait3A = arith.constant 0 : i32
        %dma_wait3A_542 = tpu.memref_slice %arg19[%add3A_218, %dma_wait3A] : memref<10000x128xf32, #tpu.memory_space<vmem_shared>> -> memref<5x128xf32, #tpu.memory_space<vmem_shared>>
        %dma_wait3A_543 = arith.constant 0 : i32
        %dma_wait3A_544 = tpu.memref_slice %arg19[%add3A_218, %dma_wait3A_543] : memref<10000x128xf32, #tpu.memory_space<vmem_shared>> -> memref<5x128xf32, #tpu.memory_space<vmem_shared>>
        tpu.wait_dma2 semaphore(%run_scoped3A : memref<!tpu.dma_semaphore, #tpu.memory_space<semaphore_mem>>) src(%arg18 : memref<5x128xf32, #tpu.memory_space<vmem>>) dst(%dma_wait3A_544 : memref<5x128xf32, #tpu.memory_space<vmem_shared>>)
        tpu.yield
      }) : () -> ()
      %mul3A_219 = arith.constant 625 : i32
      %mul3A_220 = arith.muli %arg1, %mul3A_219 : i32
      %add3A_221 = arith.constant 225 : i32
      %add3A_222 = arith.addi %mul3A_220, %add3A_221 : i32
      "tpu.region"() ({
        %run_scoped3A = tpu.sem_alloc : memref<!tpu.dma_semaphore, #tpu.memory_space<semaphore_mem>>
        %dma_start3A = arith.constant 0 : i32
        %dma_start3A_539 = tpu.memref_slice %arg19[%add3A_222, %dma_start3A] : memref<10000x128xf32, #tpu.memory_space<vmem_shared>> -> memref<5x128xf32, #tpu.memory_space<vmem_shared>>
        %dma_start3A_540 = arith.constant 0 : i32
        %dma_start3A_541 = tpu.memref_slice %arg19[%add3A_222, %dma_start3A_540] : memref<10000x128xf32, #tpu.memory_space<vmem_shared>> -> memref<5x128xf32, #tpu.memory_space<vmem_shared>>
        tpu.enqueue_dma source(%arg18 : memref<5x128xf32, #tpu.memory_space<vmem>>) target(%dma_start3A_541 : memref<5x128xf32, #tpu.memory_space<vmem_shared>>) target_semaphore(%run_scoped3A : memref<!tpu.dma_semaphore, #tpu.memory_space<semaphore_mem>>)
        %dma_wait3A = arith.constant 0 : i32
        %dma_wait3A_542 = tpu.memref_slice %arg19[%add3A_222, %dma_wait3A] : memref<10000x128xf32, #tpu.memory_space<vmem_shared>> -> memref<5x128xf32, #tpu.memory_space<vmem_shared>>
        %dma_wait3A_543 = arith.constant 0 : i32
        %dma_wait3A_544 = tpu.memref_slice %arg19[%add3A_222, %dma_wait3A_543] : memref<10000x128xf32, #tpu.memory_space<vmem_shared>> -> memref<5x128xf32, #tpu.memory_space<vmem_shared>>
        tpu.wait_dma2 semaphore(%run_scoped3A : memref<!tpu.dma_semaphore, #tpu.memory_space<semaphore_mem>>) src(%arg18 : memref<5x128xf32, #tpu.memory_space<vmem>>) dst(%dma_wait3A_544 : memref<5x128xf32, #tpu.memory_space<vmem_shared>>)
        tpu.yield
      }) : () -> ()
      %mul3A_223 = arith.constant 625 : i32
      %mul3A_224 = arith.muli %arg1, %mul3A_223 : i32
      %add3A_225 = arith.constant 230 : i32
      %add3A_226 = arith.addi %mul3A_224, %add3A_225 : i32
      "tpu.region"() ({
        %run_scoped3A = tpu.sem_alloc : memref<!tpu.dma_semaphore, #tpu.memory_space<semaphore_mem>>
        %dma_start3A = arith.constant 0 : i32
        %dma_start3A_539 = tpu.memref_slice %arg19[%add3A_226, %dma_start3A] : memref<10000x128xf32, #tpu.memory_space<vmem_shared>> -> memref<5x128xf32, #tpu.memory_space<vmem_shared>>
        %dma_start3A_540 = arith.constant 0 : i32
        %dma_start3A_541 = tpu.memref_slice %arg19[%add3A_226, %dma_start3A_540] : memref<10000x128xf32, #tpu.memory_space<vmem_shared>> -> memref<5x128xf32, #tpu.memory_space<vmem_shared>>
        tpu.enqueue_dma source(%arg18 : memref<5x128xf32, #tpu.memory_space<vmem>>) target(%dma_start3A_541 : memref<5x128xf32, #tpu.memory_space<vmem_shared>>) target_semaphore(%run_scoped3A : memref<!tpu.dma_semaphore, #tpu.memory_space<semaphore_mem>>)
        %dma_wait3A = arith.constant 0 : i32
        %dma_wait3A_542 = tpu.memref_slice %arg19[%add3A_226, %dma_wait3A] : memref<10000x128xf32, #tpu.memory_space<vmem_shared>> -> memref<5x128xf32, #tpu.memory_space<vmem_shared>>
        %dma_wait3A_543 = arith.constant 0 : i32
        %dma_wait3A_544 = tpu.memref_slice %arg19[%add3A_226, %dma_wait3A_543] : memref<10000x128xf32, #tpu.memory_space<vmem_shared>> -> memref<5x128xf32, #tpu.memory_space<vmem_shared>>
        tpu.wait_dma2 semaphore(%run_scoped3A : memref<!tpu.dma_semaphore, #tpu.memory_space<semaphore_mem>>) src(%arg18 : memref<5x128xf32, #tpu.memory_space<vmem>>) dst(%dma_wait3A_544 : memref<5x128xf32, #tpu.memory_space<vmem_shared>>)
        tpu.yield
      }) : () -> ()
      %mul3A_227 = arith.constant 625 : i32
      %mul3A_228 = arith.muli %arg1, %mul3A_227 : i32
      %add3A_229 = arith.constant 235 : i32
      %add3A_230 = arith.addi %mul3A_228, %add3A_229 : i32
      "tpu.region"() ({
        %run_scoped3A = tpu.sem_alloc : memref<!tpu.dma_semaphore, #tpu.memory_space<semaphore_mem>>
        %dma_start3A = arith.constant 0 : i32
        %dma_start3A_539 = tpu.memref_slice %arg19[%add3A_230, %dma_start3A] : memref<10000x128xf32, #tpu.memory_space<vmem_shared>> -> memref<5x128xf32, #tpu.memory_space<vmem_shared>>
        %dma_start3A_540 = arith.constant 0 : i32
        %dma_start3A_541 = tpu.memref_slice %arg19[%add3A_230, %dma_start3A_540] : memref<10000x128xf32, #tpu.memory_space<vmem_shared>> -> memref<5x128xf32, #tpu.memory_space<vmem_shared>>
        tpu.enqueue_dma source(%arg18 : memref<5x128xf32, #tpu.memory_space<vmem>>) target(%dma_start3A_541 : memref<5x128xf32, #tpu.memory_space<vmem_shared>>) target_semaphore(%run_scoped3A : memref<!tpu.dma_semaphore, #tpu.memory_space<semaphore_mem>>)
        %dma_wait3A = arith.constant 0 : i32
        %dma_wait3A_542 = tpu.memref_slice %arg19[%add3A_230, %dma_wait3A] : memref<10000x128xf32, #tpu.memory_space<vmem_shared>> -> memref<5x128xf32, #tpu.memory_space<vmem_shared>>
        %dma_wait3A_543 = arith.constant 0 : i32
        %dma_wait3A_544 = tpu.memref_slice %arg19[%add3A_230, %dma_wait3A_543] : memref<10000x128xf32, #tpu.memory_space<vmem_shared>> -> memref<5x128xf32, #tpu.memory_space<vmem_shared>>
        tpu.wait_dma2 semaphore(%run_scoped3A : memref<!tpu.dma_semaphore, #tpu.memory_space<semaphore_mem>>) src(%arg18 : memref<5x128xf32, #tpu.memory_space<vmem>>) dst(%dma_wait3A_544 : memref<5x128xf32, #tpu.memory_space<vmem_shared>>)
        tpu.yield
      }) : () -> ()
      %mul3A_231 = arith.constant 625 : i32
      %mul3A_232 = arith.muli %arg1, %mul3A_231 : i32
      %add3A_233 = arith.constant 240 : i32
      %add3A_234 = arith.addi %mul3A_232, %add3A_233 : i32
      "tpu.region"() ({
        %run_scoped3A = tpu.sem_alloc : memref<!tpu.dma_semaphore, #tpu.memory_space<semaphore_mem>>
        %dma_start3A = arith.constant 0 : i32
        %dma_start3A_539 = tpu.memref_slice %arg19[%add3A_234, %dma_start3A] : memref<10000x128xf32, #tpu.memory_space<vmem_shared>> -> memref<5x128xf32, #tpu.memory_space<vmem_shared>>
        %dma_start3A_540 = arith.constant 0 : i32
        %dma_start3A_541 = tpu.memref_slice %arg19[%add3A_234, %dma_start3A_540] : memref<10000x128xf32, #tpu.memory_space<vmem_shared>> -> memref<5x128xf32, #tpu.memory_space<vmem_shared>>
        tpu.enqueue_dma source(%arg18 : memref<5x128xf32, #tpu.memory_space<vmem>>) target(%dma_start3A_541 : memref<5x128xf32, #tpu.memory_space<vmem_shared>>) target_semaphore(%run_scoped3A : memref<!tpu.dma_semaphore, #tpu.memory_space<semaphore_mem>>)
        %dma_wait3A = arith.constant 0 : i32
        %dma_wait3A_542 = tpu.memref_slice %arg19[%add3A_234, %dma_wait3A] : memref<10000x128xf32, #tpu.memory_space<vmem_shared>> -> memref<5x128xf32, #tpu.memory_space<vmem_shared>>
        %dma_wait3A_543 = arith.constant 0 : i32
        %dma_wait3A_544 = tpu.memref_slice %arg19[%add3A_234, %dma_wait3A_543] : memref<10000x128xf32, #tpu.memory_space<vmem_shared>> -> memref<5x128xf32, #tpu.memory_space<vmem_shared>>
        tpu.wait_dma2 semaphore(%run_scoped3A : memref<!tpu.dma_semaphore, #tpu.memory_space<semaphore_mem>>) src(%arg18 : memref<5x128xf32, #tpu.memory_space<vmem>>) dst(%dma_wait3A_544 : memref<5x128xf32, #tpu.memory_space<vmem_shared>>)
        tpu.yield
      }) : () -> ()
      %mul3A_235 = arith.constant 625 : i32
      %mul3A_236 = arith.muli %arg1, %mul3A_235 : i32
      %add3A_237 = arith.constant 245 : i32
      %add3A_238 = arith.addi %mul3A_236, %add3A_237 : i32
      "tpu.region"() ({
        %run_scoped3A = tpu.sem_alloc : memref<!tpu.dma_semaphore, #tpu.memory_space<semaphore_mem>>
        %dma_start3A = arith.constant 0 : i32
        %dma_start3A_539 = tpu.memref_slice %arg19[%add3A_238, %dma_start3A] : memref<10000x128xf32, #tpu.memory_space<vmem_shared>> -> memref<5x128xf32, #tpu.memory_space<vmem_shared>>
        %dma_start3A_540 = arith.constant 0 : i32
        %dma_start3A_541 = tpu.memref_slice %arg19[%add3A_238, %dma_start3A_540] : memref<10000x128xf32, #tpu.memory_space<vmem_shared>> -> memref<5x128xf32, #tpu.memory_space<vmem_shared>>
        tpu.enqueue_dma source(%arg18 : memref<5x128xf32, #tpu.memory_space<vmem>>) target(%dma_start3A_541 : memref<5x128xf32, #tpu.memory_space<vmem_shared>>) target_semaphore(%run_scoped3A : memref<!tpu.dma_semaphore, #tpu.memory_space<semaphore_mem>>)
        %dma_wait3A = arith.constant 0 : i32
        %dma_wait3A_542 = tpu.memref_slice %arg19[%add3A_238, %dma_wait3A] : memref<10000x128xf32, #tpu.memory_space<vmem_shared>> -> memref<5x128xf32, #tpu.memory_space<vmem_shared>>
        %dma_wait3A_543 = arith.constant 0 : i32
        %dma_wait3A_544 = tpu.memref_slice %arg19[%add3A_238, %dma_wait3A_543] : memref<10000x128xf32, #tpu.memory_space<vmem_shared>> -> memref<5x128xf32, #tpu.memory_space<vmem_shared>>
        tpu.wait_dma2 semaphore(%run_scoped3A : memref<!tpu.dma_semaphore, #tpu.memory_space<semaphore_mem>>) src(%arg18 : memref<5x128xf32, #tpu.memory_space<vmem>>) dst(%dma_wait3A_544 : memref<5x128xf32, #tpu.memory_space<vmem_shared>>)
        tpu.yield
      }) : () -> ()
      %mul3A_239 = arith.constant 625 : i32
      %mul3A_240 = arith.muli %arg1, %mul3A_239 : i32
      %add3A_241 = arith.constant 250 : i32
      %add3A_242 = arith.addi %mul3A_240, %add3A_241 : i32
      "tpu.region"() ({
        %run_scoped3A = tpu.sem_alloc : memref<!tpu.dma_semaphore, #tpu.memory_space<semaphore_mem>>
        %dma_start3A = arith.constant 0 : i32
        %dma_start3A_539 = tpu.memref_slice %arg19[%add3A_242, %dma_start3A] : memref<10000x128xf32, #tpu.memory_space<vmem_shared>> -> memref<5x128xf32, #tpu.memory_space<vmem_shared>>
        %dma_start3A_540 = arith.constant 0 : i32
        %dma_start3A_541 = tpu.memref_slice %arg19[%add3A_242, %dma_start3A_540] : memref<10000x128xf32, #tpu.memory_space<vmem_shared>> -> memref<5x128xf32, #tpu.memory_space<vmem_shared>>
        tpu.enqueue_dma source(%arg18 : memref<5x128xf32, #tpu.memory_space<vmem>>) target(%dma_start3A_541 : memref<5x128xf32, #tpu.memory_space<vmem_shared>>) target_semaphore(%run_scoped3A : memref<!tpu.dma_semaphore, #tpu.memory_space<semaphore_mem>>)
        %dma_wait3A = arith.constant 0 : i32
        %dma_wait3A_542 = tpu.memref_slice %arg19[%add3A_242, %dma_wait3A] : memref<10000x128xf32, #tpu.memory_space<vmem_shared>> -> memref<5x128xf32, #tpu.memory_space<vmem_shared>>
        %dma_wait3A_543 = arith.constant 0 : i32
        %dma_wait3A_544 = tpu.memref_slice %arg19[%add3A_242, %dma_wait3A_543] : memref<10000x128xf32, #tpu.memory_space<vmem_shared>> -> memref<5x128xf32, #tpu.memory_space<vmem_shared>>
        tpu.wait_dma2 semaphore(%run_scoped3A : memref<!tpu.dma_semaphore, #tpu.memory_space<semaphore_mem>>) src(%arg18 : memref<5x128xf32, #tpu.memory_space<vmem>>) dst(%dma_wait3A_544 : memref<5x128xf32, #tpu.memory_space<vmem_shared>>)
        tpu.yield
      }) : () -> ()
      %mul3A_243 = arith.constant 625 : i32
      %mul3A_244 = arith.muli %arg1, %mul3A_243 : i32
      %add3A_245 = arith.constant 255 : i32
      %add3A_246 = arith.addi %mul3A_244, %add3A_245 : i32
      "tpu.region"() ({
        %run_scoped3A = tpu.sem_alloc : memref<!tpu.dma_semaphore, #tpu.memory_space<semaphore_mem>>
        %dma_start3A = arith.constant 0 : i32
        %dma_start3A_539 = tpu.memref_slice %arg19[%add3A_246, %dma_start3A] : memref<10000x128xf32, #tpu.memory_space<vmem_shared>> -> memref<5x128xf32, #tpu.memory_space<vmem_shared>>
        %dma_start3A_540 = arith.constant 0 : i32
        %dma_start3A_541 = tpu.memref_slice %arg19[%add3A_246, %dma_start3A_540] : memref<10000x128xf32, #tpu.memory_space<vmem_shared>> -> memref<5x128xf32, #tpu.memory_space<vmem_shared>>
        tpu.enqueue_dma source(%arg18 : memref<5x128xf32, #tpu.memory_space<vmem>>) target(%dma_start3A_541 : memref<5x128xf32, #tpu.memory_space<vmem_shared>>) target_semaphore(%run_scoped3A : memref<!tpu.dma_semaphore, #tpu.memory_space<semaphore_mem>>)
        %dma_wait3A = arith.constant 0 : i32
        %dma_wait3A_542 = tpu.memref_slice %arg19[%add3A_246, %dma_wait3A] : memref<10000x128xf32, #tpu.memory_space<vmem_shared>> -> memref<5x128xf32, #tpu.memory_space<vmem_shared>>
        %dma_wait3A_543 = arith.constant 0 : i32
        %dma_wait3A_544 = tpu.memref_slice %arg19[%add3A_246, %dma_wait3A_543] : memref<10000x128xf32, #tpu.memory_space<vmem_shared>> -> memref<5x128xf32, #tpu.memory_space<vmem_shared>>
        tpu.wait_dma2 semaphore(%run_scoped3A : memref<!tpu.dma_semaphore, #tpu.memory_space<semaphore_mem>>) src(%arg18 : memref<5x128xf32, #tpu.memory_space<vmem>>) dst(%dma_wait3A_544 : memref<5x128xf32, #tpu.memory_space<vmem_shared>>)
        tpu.yield
      }) : () -> ()
      %mul3A_247 = arith.constant 625 : i32
      %mul3A_248 = arith.muli %arg1, %mul3A_247 : i32
      %add3A_249 = arith.constant 260 : i32
      %add3A_250 = arith.addi %mul3A_248, %add3A_249 : i32
      "tpu.region"() ({
        %run_scoped3A = tpu.sem_alloc : memref<!tpu.dma_semaphore, #tpu.memory_space<semaphore_mem>>
        %dma_start3A = arith.constant 0 : i32
        %dma_start3A_539 = tpu.memref_slice %arg19[%add3A_250, %dma_start3A] : memref<10000x128xf32, #tpu.memory_space<vmem_shared>> -> memref<5x128xf32, #tpu.memory_space<vmem_shared>>
        %dma_start3A_540 = arith.constant 0 : i32
        %dma_start3A_541 = tpu.memref_slice %arg19[%add3A_250, %dma_start3A_540] : memref<10000x128xf32, #tpu.memory_space<vmem_shared>> -> memref<5x128xf32, #tpu.memory_space<vmem_shared>>
        tpu.enqueue_dma source(%arg18 : memref<5x128xf32, #tpu.memory_space<vmem>>) target(%dma_start3A_541 : memref<5x128xf32, #tpu.memory_space<vmem_shared>>) target_semaphore(%run_scoped3A : memref<!tpu.dma_semaphore, #tpu.memory_space<semaphore_mem>>)
        %dma_wait3A = arith.constant 0 : i32
        %dma_wait3A_542 = tpu.memref_slice %arg19[%add3A_250, %dma_wait3A] : memref<10000x128xf32, #tpu.memory_space<vmem_shared>> -> memref<5x128xf32, #tpu.memory_space<vmem_shared>>
        %dma_wait3A_543 = arith.constant 0 : i32
        %dma_wait3A_544 = tpu.memref_slice %arg19[%add3A_250, %dma_wait3A_543] : memref<10000x128xf32, #tpu.memory_space<vmem_shared>> -> memref<5x128xf32, #tpu.memory_space<vmem_shared>>
        tpu.wait_dma2 semaphore(%run_scoped3A : memref<!tpu.dma_semaphore, #tpu.memory_space<semaphore_mem>>) src(%arg18 : memref<5x128xf32, #tpu.memory_space<vmem>>) dst(%dma_wait3A_544 : memref<5x128xf32, #tpu.memory_space<vmem_shared>>)
        tpu.yield
      }) : () -> ()
      %mul3A_251 = arith.constant 625 : i32
      %mul3A_252 = arith.muli %arg1, %mul3A_251 : i32
      %add3A_253 = arith.constant 265 : i32
      %add3A_254 = arith.addi %mul3A_252, %add3A_253 : i32
      "tpu.region"() ({
        %run_scoped3A = tpu.sem_alloc : memref<!tpu.dma_semaphore, #tpu.memory_space<semaphore_mem>>
        %dma_start3A = arith.constant 0 : i32
        %dma_start3A_539 = tpu.memref_slice %arg19[%add3A_254, %dma_start3A] : memref<10000x128xf32, #tpu.memory_space<vmem_shared>> -> memref<5x128xf32, #tpu.memory_space<vmem_shared>>
        %dma_start3A_540 = arith.constant 0 : i32
        %dma_start3A_541 = tpu.memref_slice %arg19[%add3A_254, %dma_start3A_540] : memref<10000x128xf32, #tpu.memory_space<vmem_shared>> -> memref<5x128xf32, #tpu.memory_space<vmem_shared>>
        tpu.enqueue_dma source(%arg18 : memref<5x128xf32, #tpu.memory_space<vmem>>) target(%dma_start3A_541 : memref<5x128xf32, #tpu.memory_space<vmem_shared>>) target_semaphore(%run_scoped3A : memref<!tpu.dma_semaphore, #tpu.memory_space<semaphore_mem>>)
        %dma_wait3A = arith.constant 0 : i32
        %dma_wait3A_542 = tpu.memref_slice %arg19[%add3A_254, %dma_wait3A] : memref<10000x128xf32, #tpu.memory_space<vmem_shared>> -> memref<5x128xf32, #tpu.memory_space<vmem_shared>>
        %dma_wait3A_543 = arith.constant 0 : i32
        %dma_wait3A_544 = tpu.memref_slice %arg19[%add3A_254, %dma_wait3A_543] : memref<10000x128xf32, #tpu.memory_space<vmem_shared>> -> memref<5x128xf32, #tpu.memory_space<vmem_shared>>
        tpu.wait_dma2 semaphore(%run_scoped3A : memref<!tpu.dma_semaphore, #tpu.memory_space<semaphore_mem>>) src(%arg18 : memref<5x128xf32, #tpu.memory_space<vmem>>) dst(%dma_wait3A_544 : memref<5x128xf32, #tpu.memory_space<vmem_shared>>)
        tpu.yield
      }) : () -> ()
      %mul3A_255 = arith.constant 625 : i32
      %mul3A_256 = arith.muli %arg1, %mul3A_255 : i32
      %add3A_257 = arith.constant 270 : i32
      %add3A_258 = arith.addi %mul3A_256, %add3A_257 : i32
      "tpu.region"() ({
        %run_scoped3A = tpu.sem_alloc : memref<!tpu.dma_semaphore, #tpu.memory_space<semaphore_mem>>
        %dma_start3A = arith.constant 0 : i32
        %dma_start3A_539 = tpu.memref_slice %arg19[%add3A_258, %dma_start3A] : memref<10000x128xf32, #tpu.memory_space<vmem_shared>> -> memref<5x128xf32, #tpu.memory_space<vmem_shared>>
        %dma_start3A_540 = arith.constant 0 : i32
        %dma_start3A_541 = tpu.memref_slice %arg19[%add3A_258, %dma_start3A_540] : memref<10000x128xf32, #tpu.memory_space<vmem_shared>> -> memref<5x128xf32, #tpu.memory_space<vmem_shared>>
        tpu.enqueue_dma source(%arg18 : memref<5x128xf32, #tpu.memory_space<vmem>>) target(%dma_start3A_541 : memref<5x128xf32, #tpu.memory_space<vmem_shared>>) target_semaphore(%run_scoped3A : memref<!tpu.dma_semaphore, #tpu.memory_space<semaphore_mem>>)
        %dma_wait3A = arith.constant 0 : i32
        %dma_wait3A_542 = tpu.memref_slice %arg19[%add3A_258, %dma_wait3A] : memref<10000x128xf32, #tpu.memory_space<vmem_shared>> -> memref<5x128xf32, #tpu.memory_space<vmem_shared>>
        %dma_wait3A_543 = arith.constant 0 : i32
        %dma_wait3A_544 = tpu.memref_slice %arg19[%add3A_258, %dma_wait3A_543] : memref<10000x128xf32, #tpu.memory_space<vmem_shared>> -> memref<5x128xf32, #tpu.memory_space<vmem_shared>>
        tpu.wait_dma2 semaphore(%run_scoped3A : memref<!tpu.dma_semaphore, #tpu.memory_space<semaphore_mem>>) src(%arg18 : memref<5x128xf32, #tpu.memory_space<vmem>>) dst(%dma_wait3A_544 : memref<5x128xf32, #tpu.memory_space<vmem_shared>>)
        tpu.yield
      }) : () -> ()
      %mul3A_259 = arith.constant 625 : i32
      %mul3A_260 = arith.muli %arg1, %mul3A_259 : i32
      %add3A_261 = arith.constant 275 : i32
      %add3A_262 = arith.addi %mul3A_260, %add3A_261 : i32
      "tpu.region"() ({
        %run_scoped3A = tpu.sem_alloc : memref<!tpu.dma_semaphore, #tpu.memory_space<semaphore_mem>>
        %dma_start3A = arith.constant 0 : i32
        %dma_start3A_539 = tpu.memref_slice %arg19[%add3A_262, %dma_start3A] : memref<10000x128xf32, #tpu.memory_space<vmem_shared>> -> memref<5x128xf32, #tpu.memory_space<vmem_shared>>
        %dma_start3A_540 = arith.constant 0 : i32
        %dma_start3A_541 = tpu.memref_slice %arg19[%add3A_262, %dma_start3A_540] : memref<10000x128xf32, #tpu.memory_space<vmem_shared>> -> memref<5x128xf32, #tpu.memory_space<vmem_shared>>
        tpu.enqueue_dma source(%arg18 : memref<5x128xf32, #tpu.memory_space<vmem>>) target(%dma_start3A_541 : memref<5x128xf32, #tpu.memory_space<vmem_shared>>) target_semaphore(%run_scoped3A : memref<!tpu.dma_semaphore, #tpu.memory_space<semaphore_mem>>)
        %dma_wait3A = arith.constant 0 : i32
        %dma_wait3A_542 = tpu.memref_slice %arg19[%add3A_262, %dma_wait3A] : memref<10000x128xf32, #tpu.memory_space<vmem_shared>> -> memref<5x128xf32, #tpu.memory_space<vmem_shared>>
        %dma_wait3A_543 = arith.constant 0 : i32
        %dma_wait3A_544 = tpu.memref_slice %arg19[%add3A_262, %dma_wait3A_543] : memref<10000x128xf32, #tpu.memory_space<vmem_shared>> -> memref<5x128xf32, #tpu.memory_space<vmem_shared>>
        tpu.wait_dma2 semaphore(%run_scoped3A : memref<!tpu.dma_semaphore, #tpu.memory_space<semaphore_mem>>) src(%arg18 : memref<5x128xf32, #tpu.memory_space<vmem>>) dst(%dma_wait3A_544 : memref<5x128xf32, #tpu.memory_space<vmem_shared>>)
        tpu.yield
      }) : () -> ()
      %mul3A_263 = arith.constant 625 : i32
      %mul3A_264 = arith.muli %arg1, %mul3A_263 : i32
      %add3A_265 = arith.constant 280 : i32
      %add3A_266 = arith.addi %mul3A_264, %add3A_265 : i32
      "tpu.region"() ({
        %run_scoped3A = tpu.sem_alloc : memref<!tpu.dma_semaphore, #tpu.memory_space<semaphore_mem>>
        %dma_start3A = arith.constant 0 : i32
        %dma_start3A_539 = tpu.memref_slice %arg19[%add3A_266, %dma_start3A] : memref<10000x128xf32, #tpu.memory_space<vmem_shared>> -> memref<5x128xf32, #tpu.memory_space<vmem_shared>>
        %dma_start3A_540 = arith.constant 0 : i32
        %dma_start3A_541 = tpu.memref_slice %arg19[%add3A_266, %dma_start3A_540] : memref<10000x128xf32, #tpu.memory_space<vmem_shared>> -> memref<5x128xf32, #tpu.memory_space<vmem_shared>>
        tpu.enqueue_dma source(%arg18 : memref<5x128xf32, #tpu.memory_space<vmem>>) target(%dma_start3A_541 : memref<5x128xf32, #tpu.memory_space<vmem_shared>>) target_semaphore(%run_scoped3A : memref<!tpu.dma_semaphore, #tpu.memory_space<semaphore_mem>>)
        %dma_wait3A = arith.constant 0 : i32
        %dma_wait3A_542 = tpu.memref_slice %arg19[%add3A_266, %dma_wait3A] : memref<10000x128xf32, #tpu.memory_space<vmem_shared>> -> memref<5x128xf32, #tpu.memory_space<vmem_shared>>
        %dma_wait3A_543 = arith.constant 0 : i32
        %dma_wait3A_544 = tpu.memref_slice %arg19[%add3A_266, %dma_wait3A_543] : memref<10000x128xf32, #tpu.memory_space<vmem_shared>> -> memref<5x128xf32, #tpu.memory_space<vmem_shared>>
        tpu.wait_dma2 semaphore(%run_scoped3A : memref<!tpu.dma_semaphore, #tpu.memory_space<semaphore_mem>>) src(%arg18 : memref<5x128xf32, #tpu.memory_space<vmem>>) dst(%dma_wait3A_544 : memref<5x128xf32, #tpu.memory_space<vmem_shared>>)
        tpu.yield
      }) : () -> ()
      %mul3A_267 = arith.constant 625 : i32
      %mul3A_268 = arith.muli %arg1, %mul3A_267 : i32
      %add3A_269 = arith.constant 285 : i32
      %add3A_270 = arith.addi %mul3A_268, %add3A_269 : i32
      "tpu.region"() ({
        %run_scoped3A = tpu.sem_alloc : memref<!tpu.dma_semaphore, #tpu.memory_space<semaphore_mem>>
        %dma_start3A = arith.constant 0 : i32
        %dma_start3A_539 = tpu.memref_slice %arg19[%add3A_270, %dma_start3A] : memref<10000x128xf32, #tpu.memory_space<vmem_shared>> -> memref<5x128xf32, #tpu.memory_space<vmem_shared>>
        %dma_start3A_540 = arith.constant 0 : i32
        %dma_start3A_541 = tpu.memref_slice %arg19[%add3A_270, %dma_start3A_540] : memref<10000x128xf32, #tpu.memory_space<vmem_shared>> -> memref<5x128xf32, #tpu.memory_space<vmem_shared>>
        tpu.enqueue_dma source(%arg18 : memref<5x128xf32, #tpu.memory_space<vmem>>) target(%dma_start3A_541 : memref<5x128xf32, #tpu.memory_space<vmem_shared>>) target_semaphore(%run_scoped3A : memref<!tpu.dma_semaphore, #tpu.memory_space<semaphore_mem>>)
        %dma_wait3A = arith.constant 0 : i32
        %dma_wait3A_542 = tpu.memref_slice %arg19[%add3A_270, %dma_wait3A] : memref<10000x128xf32, #tpu.memory_space<vmem_shared>> -> memref<5x128xf32, #tpu.memory_space<vmem_shared>>
        %dma_wait3A_543 = arith.constant 0 : i32
        %dma_wait3A_544 = tpu.memref_slice %arg19[%add3A_270, %dma_wait3A_543] : memref<10000x128xf32, #tpu.memory_space<vmem_shared>> -> memref<5x128xf32, #tpu.memory_space<vmem_shared>>
        tpu.wait_dma2 semaphore(%run_scoped3A : memref<!tpu.dma_semaphore, #tpu.memory_space<semaphore_mem>>) src(%arg18 : memref<5x128xf32, #tpu.memory_space<vmem>>) dst(%dma_wait3A_544 : memref<5x128xf32, #tpu.memory_space<vmem_shared>>)
        tpu.yield
      }) : () -> ()
      %mul3A_271 = arith.constant 625 : i32
      %mul3A_272 = arith.muli %arg1, %mul3A_271 : i32
      %add3A_273 = arith.constant 290 : i32
      %add3A_274 = arith.addi %mul3A_272, %add3A_273 : i32
      "tpu.region"() ({
        %run_scoped3A = tpu.sem_alloc : memref<!tpu.dma_semaphore, #tpu.memory_space<semaphore_mem>>
        %dma_start3A = arith.constant 0 : i32
        %dma_start3A_539 = tpu.memref_slice %arg19[%add3A_274, %dma_start3A] : memref<10000x128xf32, #tpu.memory_space<vmem_shared>> -> memref<5x128xf32, #tpu.memory_space<vmem_shared>>
        %dma_start3A_540 = arith.constant 0 : i32
        %dma_start3A_541 = tpu.memref_slice %arg19[%add3A_274, %dma_start3A_540] : memref<10000x128xf32, #tpu.memory_space<vmem_shared>> -> memref<5x128xf32, #tpu.memory_space<vmem_shared>>
        tpu.enqueue_dma source(%arg18 : memref<5x128xf32, #tpu.memory_space<vmem>>) target(%dma_start3A_541 : memref<5x128xf32, #tpu.memory_space<vmem_shared>>) target_semaphore(%run_scoped3A : memref<!tpu.dma_semaphore, #tpu.memory_space<semaphore_mem>>)
        %dma_wait3A = arith.constant 0 : i32
        %dma_wait3A_542 = tpu.memref_slice %arg19[%add3A_274, %dma_wait3A] : memref<10000x128xf32, #tpu.memory_space<vmem_shared>> -> memref<5x128xf32, #tpu.memory_space<vmem_shared>>
        %dma_wait3A_543 = arith.constant 0 : i32
        %dma_wait3A_544 = tpu.memref_slice %arg19[%add3A_274, %dma_wait3A_543] : memref<10000x128xf32, #tpu.memory_space<vmem_shared>> -> memref<5x128xf32, #tpu.memory_space<vmem_shared>>
        tpu.wait_dma2 semaphore(%run_scoped3A : memref<!tpu.dma_semaphore, #tpu.memory_space<semaphore_mem>>) src(%arg18 : memref<5x128xf32, #tpu.memory_space<vmem>>) dst(%dma_wait3A_544 : memref<5x128xf32, #tpu.memory_space<vmem_shared>>)
        tpu.yield
      }) : () -> ()
      %mul3A_275 = arith.constant 625 : i32
      %mul3A_276 = arith.muli %arg1, %mul3A_275 : i32
      %add3A_277 = arith.constant 295 : i32
      %add3A_278 = arith.addi %mul3A_276, %add3A_277 : i32
      "tpu.region"() ({
        %run_scoped3A = tpu.sem_alloc : memref<!tpu.dma_semaphore, #tpu.memory_space<semaphore_mem>>
        %dma_start3A = arith.constant 0 : i32
        %dma_start3A_539 = tpu.memref_slice %arg19[%add3A_278, %dma_start3A] : memref<10000x128xf32, #tpu.memory_space<vmem_shared>> -> memref<5x128xf32, #tpu.memory_space<vmem_shared>>
        %dma_start3A_540 = arith.constant 0 : i32
        %dma_start3A_541 = tpu.memref_slice %arg19[%add3A_278, %dma_start3A_540] : memref<10000x128xf32, #tpu.memory_space<vmem_shared>> -> memref<5x128xf32, #tpu.memory_space<vmem_shared>>
        tpu.enqueue_dma source(%arg18 : memref<5x128xf32, #tpu.memory_space<vmem>>) target(%dma_start3A_541 : memref<5x128xf32, #tpu.memory_space<vmem_shared>>) target_semaphore(%run_scoped3A : memref<!tpu.dma_semaphore, #tpu.memory_space<semaphore_mem>>)
        %dma_wait3A = arith.constant 0 : i32
        %dma_wait3A_542 = tpu.memref_slice %arg19[%add3A_278, %dma_wait3A] : memref<10000x128xf32, #tpu.memory_space<vmem_shared>> -> memref<5x128xf32, #tpu.memory_space<vmem_shared>>
        %dma_wait3A_543 = arith.constant 0 : i32
        %dma_wait3A_544 = tpu.memref_slice %arg19[%add3A_278, %dma_wait3A_543] : memref<10000x128xf32, #tpu.memory_space<vmem_shared>> -> memref<5x128xf32, #tpu.memory_space<vmem_shared>>
        tpu.wait_dma2 semaphore(%run_scoped3A : memref<!tpu.dma_semaphore, #tpu.memory_space<semaphore_mem>>) src(%arg18 : memref<5x128xf32, #tpu.memory_space<vmem>>) dst(%dma_wait3A_544 : memref<5x128xf32, #tpu.memory_space<vmem_shared>>)
        tpu.yield
      }) : () -> ()
      %mul3A_279 = arith.constant 625 : i32
      %mul3A_280 = arith.muli %arg1, %mul3A_279 : i32
      %add3A_281 = arith.constant 300 : i32
      %add3A_282 = arith.addi %mul3A_280, %add3A_281 : i32
      "tpu.region"() ({
        %run_scoped3A = tpu.sem_alloc : memref<!tpu.dma_semaphore, #tpu.memory_space<semaphore_mem>>
        %dma_start3A = arith.constant 0 : i32
        %dma_start3A_539 = tpu.memref_slice %arg19[%add3A_282, %dma_start3A] : memref<10000x128xf32, #tpu.memory_space<vmem_shared>> -> memref<5x128xf32, #tpu.memory_space<vmem_shared>>
        %dma_start3A_540 = arith.constant 0 : i32
        %dma_start3A_541 = tpu.memref_slice %arg19[%add3A_282, %dma_start3A_540] : memref<10000x128xf32, #tpu.memory_space<vmem_shared>> -> memref<5x128xf32, #tpu.memory_space<vmem_shared>>
        tpu.enqueue_dma source(%arg18 : memref<5x128xf32, #tpu.memory_space<vmem>>) target(%dma_start3A_541 : memref<5x128xf32, #tpu.memory_space<vmem_shared>>) target_semaphore(%run_scoped3A : memref<!tpu.dma_semaphore, #tpu.memory_space<semaphore_mem>>)
        %dma_wait3A = arith.constant 0 : i32
        %dma_wait3A_542 = tpu.memref_slice %arg19[%add3A_282, %dma_wait3A] : memref<10000x128xf32, #tpu.memory_space<vmem_shared>> -> memref<5x128xf32, #tpu.memory_space<vmem_shared>>
        %dma_wait3A_543 = arith.constant 0 : i32
        %dma_wait3A_544 = tpu.memref_slice %arg19[%add3A_282, %dma_wait3A_543] : memref<10000x128xf32, #tpu.memory_space<vmem_shared>> -> memref<5x128xf32, #tpu.memory_space<vmem_shared>>
        tpu.wait_dma2 semaphore(%run_scoped3A : memref<!tpu.dma_semaphore, #tpu.memory_space<semaphore_mem>>) src(%arg18 : memref<5x128xf32, #tpu.memory_space<vmem>>) dst(%dma_wait3A_544 : memref<5x128xf32, #tpu.memory_space<vmem_shared>>)
        tpu.yield
      }) : () -> ()
      %mul3A_283 = arith.constant 625 : i32
      %mul3A_284 = arith.muli %arg1, %mul3A_283 : i32
      %add3A_285 = arith.constant 305 : i32
      %add3A_286 = arith.addi %mul3A_284, %add3A_285 : i32
      "tpu.region"() ({
        %run_scoped3A = tpu.sem_alloc : memref<!tpu.dma_semaphore, #tpu.memory_space<semaphore_mem>>
        %dma_start3A = arith.constant 0 : i32
        %dma_start3A_539 = tpu.memref_slice %arg19[%add3A_286, %dma_start3A] : memref<10000x128xf32, #tpu.memory_space<vmem_shared>> -> memref<5x128xf32, #tpu.memory_space<vmem_shared>>
        %dma_start3A_540 = arith.constant 0 : i32
        %dma_start3A_541 = tpu.memref_slice %arg19[%add3A_286, %dma_start3A_540] : memref<10000x128xf32, #tpu.memory_space<vmem_shared>> -> memref<5x128xf32, #tpu.memory_space<vmem_shared>>
        tpu.enqueue_dma source(%arg18 : memref<5x128xf32, #tpu.memory_space<vmem>>) target(%dma_start3A_541 : memref<5x128xf32, #tpu.memory_space<vmem_shared>>) target_semaphore(%run_scoped3A : memref<!tpu.dma_semaphore, #tpu.memory_space<semaphore_mem>>)
        %dma_wait3A = arith.constant 0 : i32
        %dma_wait3A_542 = tpu.memref_slice %arg19[%add3A_286, %dma_wait3A] : memref<10000x128xf32, #tpu.memory_space<vmem_shared>> -> memref<5x128xf32, #tpu.memory_space<vmem_shared>>
        %dma_wait3A_543 = arith.constant 0 : i32
        %dma_wait3A_544 = tpu.memref_slice %arg19[%add3A_286, %dma_wait3A_543] : memref<10000x128xf32, #tpu.memory_space<vmem_shared>> -> memref<5x128xf32, #tpu.memory_space<vmem_shared>>
        tpu.wait_dma2 semaphore(%run_scoped3A : memref<!tpu.dma_semaphore, #tpu.memory_space<semaphore_mem>>) src(%arg18 : memref<5x128xf32, #tpu.memory_space<vmem>>) dst(%dma_wait3A_544 : memref<5x128xf32, #tpu.memory_space<vmem_shared>>)
        tpu.yield
      }) : () -> ()
      %mul3A_287 = arith.constant 625 : i32
      %mul3A_288 = arith.muli %arg1, %mul3A_287 : i32
      %add3A_289 = arith.constant 310 : i32
      %add3A_290 = arith.addi %mul3A_288, %add3A_289 : i32
      "tpu.region"() ({
        %run_scoped3A = tpu.sem_alloc : memref<!tpu.dma_semaphore, #tpu.memory_space<semaphore_mem>>
        %dma_start3A = arith.constant 0 : i32
        %dma_start3A_539 = tpu.memref_slice %arg19[%add3A_290, %dma_start3A] : memref<10000x128xf32, #tpu.memory_space<vmem_shared>> -> memref<5x128xf32, #tpu.memory_space<vmem_shared>>
        %dma_start3A_540 = arith.constant 0 : i32
        %dma_start3A_541 = tpu.memref_slice %arg19[%add3A_290, %dma_start3A_540] : memref<10000x128xf32, #tpu.memory_space<vmem_shared>> -> memref<5x128xf32, #tpu.memory_space<vmem_shared>>
        tpu.enqueue_dma source(%arg18 : memref<5x128xf32, #tpu.memory_space<vmem>>) target(%dma_start3A_541 : memref<5x128xf32, #tpu.memory_space<vmem_shared>>) target_semaphore(%run_scoped3A : memref<!tpu.dma_semaphore, #tpu.memory_space<semaphore_mem>>)
        %dma_wait3A = arith.constant 0 : i32
        %dma_wait3A_542 = tpu.memref_slice %arg19[%add3A_290, %dma_wait3A] : memref<10000x128xf32, #tpu.memory_space<vmem_shared>> -> memref<5x128xf32, #tpu.memory_space<vmem_shared>>
        %dma_wait3A_543 = arith.constant 0 : i32
        %dma_wait3A_544 = tpu.memref_slice %arg19[%add3A_290, %dma_wait3A_543] : memref<10000x128xf32, #tpu.memory_space<vmem_shared>> -> memref<5x128xf32, #tpu.memory_space<vmem_shared>>
        tpu.wait_dma2 semaphore(%run_scoped3A : memref<!tpu.dma_semaphore, #tpu.memory_space<semaphore_mem>>) src(%arg18 : memref<5x128xf32, #tpu.memory_space<vmem>>) dst(%dma_wait3A_544 : memref<5x128xf32, #tpu.memory_space<vmem_shared>>)
        tpu.yield
      }) : () -> ()
      %mul3A_291 = arith.constant 625 : i32
      %mul3A_292 = arith.muli %arg1, %mul3A_291 : i32
      %add3A_293 = arith.constant 315 : i32
      %add3A_294 = arith.addi %mul3A_292, %add3A_293 : i32
      "tpu.region"() ({
        %run_scoped3A = tpu.sem_alloc : memref<!tpu.dma_semaphore, #tpu.memory_space<semaphore_mem>>
        %dma_start3A = arith.constant 0 : i32
        %dma_start3A_539 = tpu.memref_slice %arg19[%add3A_294, %dma_start3A] : memref<10000x128xf32, #tpu.memory_space<vmem_shared>> -> memref<5x128xf32, #tpu.memory_space<vmem_shared>>
        %dma_start3A_540 = arith.constant 0 : i32
        %dma_start3A_541 = tpu.memref_slice %arg19[%add3A_294, %dma_start3A_540] : memref<10000x128xf32, #tpu.memory_space<vmem_shared>> -> memref<5x128xf32, #tpu.memory_space<vmem_shared>>
        tpu.enqueue_dma source(%arg18 : memref<5x128xf32, #tpu.memory_space<vmem>>) target(%dma_start3A_541 : memref<5x128xf32, #tpu.memory_space<vmem_shared>>) target_semaphore(%run_scoped3A : memref<!tpu.dma_semaphore, #tpu.memory_space<semaphore_mem>>)
        %dma_wait3A = arith.constant 0 : i32
        %dma_wait3A_542 = tpu.memref_slice %arg19[%add3A_294, %dma_wait3A] : memref<10000x128xf32, #tpu.memory_space<vmem_shared>> -> memref<5x128xf32, #tpu.memory_space<vmem_shared>>
        %dma_wait3A_543 = arith.constant 0 : i32
        %dma_wait3A_544 = tpu.memref_slice %arg19[%add3A_294, %dma_wait3A_543] : memref<10000x128xf32, #tpu.memory_space<vmem_shared>> -> memref<5x128xf32, #tpu.memory_space<vmem_shared>>
        tpu.wait_dma2 semaphore(%run_scoped3A : memref<!tpu.dma_semaphore, #tpu.memory_space<semaphore_mem>>) src(%arg18 : memref<5x128xf32, #tpu.memory_space<vmem>>) dst(%dma_wait3A_544 : memref<5x128xf32, #tpu.memory_space<vmem_shared>>)
        tpu.yield
      }) : () -> ()
      %mul3A_295 = arith.constant 625 : i32
      %mul3A_296 = arith.muli %arg1, %mul3A_295 : i32
      %add3A_297 = arith.constant 320 : i32
      %add3A_298 = arith.addi %mul3A_296, %add3A_297 : i32
      "tpu.region"() ({
        %run_scoped3A = tpu.sem_alloc : memref<!tpu.dma_semaphore, #tpu.memory_space<semaphore_mem>>
        %dma_start3A = arith.constant 0 : i32
        %dma_start3A_539 = tpu.memref_slice %arg19[%add3A_298, %dma_start3A] : memref<10000x128xf32, #tpu.memory_space<vmem_shared>> -> memref<5x128xf32, #tpu.memory_space<vmem_shared>>
        %dma_start3A_540 = arith.constant 0 : i32
        %dma_start3A_541 = tpu.memref_slice %arg19[%add3A_298, %dma_start3A_540] : memref<10000x128xf32, #tpu.memory_space<vmem_shared>> -> memref<5x128xf32, #tpu.memory_space<vmem_shared>>
        tpu.enqueue_dma source(%arg18 : memref<5x128xf32, #tpu.memory_space<vmem>>) target(%dma_start3A_541 : memref<5x128xf32, #tpu.memory_space<vmem_shared>>) target_semaphore(%run_scoped3A : memref<!tpu.dma_semaphore, #tpu.memory_space<semaphore_mem>>)
        %dma_wait3A = arith.constant 0 : i32
        %dma_wait3A_542 = tpu.memref_slice %arg19[%add3A_298, %dma_wait3A] : memref<10000x128xf32, #tpu.memory_space<vmem_shared>> -> memref<5x128xf32, #tpu.memory_space<vmem_shared>>
        %dma_wait3A_543 = arith.constant 0 : i32
        %dma_wait3A_544 = tpu.memref_slice %arg19[%add3A_298, %dma_wait3A_543] : memref<10000x128xf32, #tpu.memory_space<vmem_shared>> -> memref<5x128xf32, #tpu.memory_space<vmem_shared>>
        tpu.wait_dma2 semaphore(%run_scoped3A : memref<!tpu.dma_semaphore, #tpu.memory_space<semaphore_mem>>) src(%arg18 : memref<5x128xf32, #tpu.memory_space<vmem>>) dst(%dma_wait3A_544 : memref<5x128xf32, #tpu.memory_space<vmem_shared>>)
        tpu.yield
      }) : () -> ()
      %mul3A_299 = arith.constant 625 : i32
      %mul3A_300 = arith.muli %arg1, %mul3A_299 : i32
      %add3A_301 = arith.constant 325 : i32
      %add3A_302 = arith.addi %mul3A_300, %add3A_301 : i32
      "tpu.region"() ({
        %run_scoped3A = tpu.sem_alloc : memref<!tpu.dma_semaphore, #tpu.memory_space<semaphore_mem>>
        %dma_start3A = arith.constant 0 : i32
        %dma_start3A_539 = tpu.memref_slice %arg19[%add3A_302, %dma_start3A] : memref<10000x128xf32, #tpu.memory_space<vmem_shared>> -> memref<5x128xf32, #tpu.memory_space<vmem_shared>>
        %dma_start3A_540 = arith.constant 0 : i32
        %dma_start3A_541 = tpu.memref_slice %arg19[%add3A_302, %dma_start3A_540] : memref<10000x128xf32, #tpu.memory_space<vmem_shared>> -> memref<5x128xf32, #tpu.memory_space<vmem_shared>>
        tpu.enqueue_dma source(%arg18 : memref<5x128xf32, #tpu.memory_space<vmem>>) target(%dma_start3A_541 : memref<5x128xf32, #tpu.memory_space<vmem_shared>>) target_semaphore(%run_scoped3A : memref<!tpu.dma_semaphore, #tpu.memory_space<semaphore_mem>>)
        %dma_wait3A = arith.constant 0 : i32
        %dma_wait3A_542 = tpu.memref_slice %arg19[%add3A_302, %dma_wait3A] : memref<10000x128xf32, #tpu.memory_space<vmem_shared>> -> memref<5x128xf32, #tpu.memory_space<vmem_shared>>
        %dma_wait3A_543 = arith.constant 0 : i32
        %dma_wait3A_544 = tpu.memref_slice %arg19[%add3A_302, %dma_wait3A_543] : memref<10000x128xf32, #tpu.memory_space<vmem_shared>> -> memref<5x128xf32, #tpu.memory_space<vmem_shared>>
        tpu.wait_dma2 semaphore(%run_scoped3A : memref<!tpu.dma_semaphore, #tpu.memory_space<semaphore_mem>>) src(%arg18 : memref<5x128xf32, #tpu.memory_space<vmem>>) dst(%dma_wait3A_544 : memref<5x128xf32, #tpu.memory_space<vmem_shared>>)
        tpu.yield
      }) : () -> ()
      %mul3A_303 = arith.constant 625 : i32
      %mul3A_304 = arith.muli %arg1, %mul3A_303 : i32
      %add3A_305 = arith.constant 330 : i32
      %add3A_306 = arith.addi %mul3A_304, %add3A_305 : i32
      "tpu.region"() ({
        %run_scoped3A = tpu.sem_alloc : memref<!tpu.dma_semaphore, #tpu.memory_space<semaphore_mem>>
        %dma_start3A = arith.constant 0 : i32
        %dma_start3A_539 = tpu.memref_slice %arg19[%add3A_306, %dma_start3A] : memref<10000x128xf32, #tpu.memory_space<vmem_shared>> -> memref<5x128xf32, #tpu.memory_space<vmem_shared>>
        %dma_start3A_540 = arith.constant 0 : i32
        %dma_start3A_541 = tpu.memref_slice %arg19[%add3A_306, %dma_start3A_540] : memref<10000x128xf32, #tpu.memory_space<vmem_shared>> -> memref<5x128xf32, #tpu.memory_space<vmem_shared>>
        tpu.enqueue_dma source(%arg18 : memref<5x128xf32, #tpu.memory_space<vmem>>) target(%dma_start3A_541 : memref<5x128xf32, #tpu.memory_space<vmem_shared>>) target_semaphore(%run_scoped3A : memref<!tpu.dma_semaphore, #tpu.memory_space<semaphore_mem>>)
        %dma_wait3A = arith.constant 0 : i32
        %dma_wait3A_542 = tpu.memref_slice %arg19[%add3A_306, %dma_wait3A] : memref<10000x128xf32, #tpu.memory_space<vmem_shared>> -> memref<5x128xf32, #tpu.memory_space<vmem_shared>>
        %dma_wait3A_543 = arith.constant 0 : i32
        %dma_wait3A_544 = tpu.memref_slice %arg19[%add3A_306, %dma_wait3A_543] : memref<10000x128xf32, #tpu.memory_space<vmem_shared>> -> memref<5x128xf32, #tpu.memory_space<vmem_shared>>
        tpu.wait_dma2 semaphore(%run_scoped3A : memref<!tpu.dma_semaphore, #tpu.memory_space<semaphore_mem>>) src(%arg18 : memref<5x128xf32, #tpu.memory_space<vmem>>) dst(%dma_wait3A_544 : memref<5x128xf32, #tpu.memory_space<vmem_shared>>)
        tpu.yield
      }) : () -> ()
      %mul3A_307 = arith.constant 625 : i32
      %mul3A_308 = arith.muli %arg1, %mul3A_307 : i32
      %add3A_309 = arith.constant 335 : i32
      %add3A_310 = arith.addi %mul3A_308, %add3A_309 : i32
      "tpu.region"() ({
        %run_scoped3A = tpu.sem_alloc : memref<!tpu.dma_semaphore, #tpu.memory_space<semaphore_mem>>
        %dma_start3A = arith.constant 0 : i32
        %dma_start3A_539 = tpu.memref_slice %arg19[%add3A_310, %dma_start3A] : memref<10000x128xf32, #tpu.memory_space<vmem_shared>> -> memref<5x128xf32, #tpu.memory_space<vmem_shared>>
        %dma_start3A_540 = arith.constant 0 : i32
        %dma_start3A_541 = tpu.memref_slice %arg19[%add3A_310, %dma_start3A_540] : memref<10000x128xf32, #tpu.memory_space<vmem_shared>> -> memref<5x128xf32, #tpu.memory_space<vmem_shared>>
        tpu.enqueue_dma source(%arg18 : memref<5x128xf32, #tpu.memory_space<vmem>>) target(%dma_start3A_541 : memref<5x128xf32, #tpu.memory_space<vmem_shared>>) target_semaphore(%run_scoped3A : memref<!tpu.dma_semaphore, #tpu.memory_space<semaphore_mem>>)
        %dma_wait3A = arith.constant 0 : i32
        %dma_wait3A_542 = tpu.memref_slice %arg19[%add3A_310, %dma_wait3A] : memref<10000x128xf32, #tpu.memory_space<vmem_shared>> -> memref<5x128xf32, #tpu.memory_space<vmem_shared>>
        %dma_wait3A_543 = arith.constant 0 : i32
        %dma_wait3A_544 = tpu.memref_slice %arg19[%add3A_310, %dma_wait3A_543] : memref<10000x128xf32, #tpu.memory_space<vmem_shared>> -> memref<5x128xf32, #tpu.memory_space<vmem_shared>>
        tpu.wait_dma2 semaphore(%run_scoped3A : memref<!tpu.dma_semaphore, #tpu.memory_space<semaphore_mem>>) src(%arg18 : memref<5x128xf32, #tpu.memory_space<vmem>>) dst(%dma_wait3A_544 : memref<5x128xf32, #tpu.memory_space<vmem_shared>>)
        tpu.yield
      }) : () -> ()
      %mul3A_311 = arith.constant 625 : i32
      %mul3A_312 = arith.muli %arg1, %mul3A_311 : i32
      %add3A_313 = arith.constant 340 : i32
      %add3A_314 = arith.addi %mul3A_312, %add3A_313 : i32
      "tpu.region"() ({
        %run_scoped3A = tpu.sem_alloc : memref<!tpu.dma_semaphore, #tpu.memory_space<semaphore_mem>>
        %dma_start3A = arith.constant 0 : i32
        %dma_start3A_539 = tpu.memref_slice %arg19[%add3A_314, %dma_start3A] : memref<10000x128xf32, #tpu.memory_space<vmem_shared>> -> memref<5x128xf32, #tpu.memory_space<vmem_shared>>
        %dma_start3A_540 = arith.constant 0 : i32
        %dma_start3A_541 = tpu.memref_slice %arg19[%add3A_314, %dma_start3A_540] : memref<10000x128xf32, #tpu.memory_space<vmem_shared>> -> memref<5x128xf32, #tpu.memory_space<vmem_shared>>
        tpu.enqueue_dma source(%arg18 : memref<5x128xf32, #tpu.memory_space<vmem>>) target(%dma_start3A_541 : memref<5x128xf32, #tpu.memory_space<vmem_shared>>) target_semaphore(%run_scoped3A : memref<!tpu.dma_semaphore, #tpu.memory_space<semaphore_mem>>)
        %dma_wait3A = arith.constant 0 : i32
        %dma_wait3A_542 = tpu.memref_slice %arg19[%add3A_314, %dma_wait3A] : memref<10000x128xf32, #tpu.memory_space<vmem_shared>> -> memref<5x128xf32, #tpu.memory_space<vmem_shared>>
        %dma_wait3A_543 = arith.constant 0 : i32
        %dma_wait3A_544 = tpu.memref_slice %arg19[%add3A_314, %dma_wait3A_543] : memref<10000x128xf32, #tpu.memory_space<vmem_shared>> -> memref<5x128xf32, #tpu.memory_space<vmem_shared>>
        tpu.wait_dma2 semaphore(%run_scoped3A : memref<!tpu.dma_semaphore, #tpu.memory_space<semaphore_mem>>) src(%arg18 : memref<5x128xf32, #tpu.memory_space<vmem>>) dst(%dma_wait3A_544 : memref<5x128xf32, #tpu.memory_space<vmem_shared>>)
        tpu.yield
      }) : () -> ()
      %mul3A_315 = arith.constant 625 : i32
      %mul3A_316 = arith.muli %arg1, %mul3A_315 : i32
      %add3A_317 = arith.constant 345 : i32
      %add3A_318 = arith.addi %mul3A_316, %add3A_317 : i32
      "tpu.region"() ({
        %run_scoped3A = tpu.sem_alloc : memref<!tpu.dma_semaphore, #tpu.memory_space<semaphore_mem>>
        %dma_start3A = arith.constant 0 : i32
        %dma_start3A_539 = tpu.memref_slice %arg19[%add3A_318, %dma_start3A] : memref<10000x128xf32, #tpu.memory_space<vmem_shared>> -> memref<5x128xf32, #tpu.memory_space<vmem_shared>>
        %dma_start3A_540 = arith.constant 0 : i32
        %dma_start3A_541 = tpu.memref_slice %arg19[%add3A_318, %dma_start3A_540] : memref<10000x128xf32, #tpu.memory_space<vmem_shared>> -> memref<5x128xf32, #tpu.memory_space<vmem_shared>>
        tpu.enqueue_dma source(%arg18 : memref<5x128xf32, #tpu.memory_space<vmem>>) target(%dma_start3A_541 : memref<5x128xf32, #tpu.memory_space<vmem_shared>>) target_semaphore(%run_scoped3A : memref<!tpu.dma_semaphore, #tpu.memory_space<semaphore_mem>>)
        %dma_wait3A = arith.constant 0 : i32
        %dma_wait3A_542 = tpu.memref_slice %arg19[%add3A_318, %dma_wait3A] : memref<10000x128xf32, #tpu.memory_space<vmem_shared>> -> memref<5x128xf32, #tpu.memory_space<vmem_shared>>
        %dma_wait3A_543 = arith.constant 0 : i32
        %dma_wait3A_544 = tpu.memref_slice %arg19[%add3A_318, %dma_wait3A_543] : memref<10000x128xf32, #tpu.memory_space<vmem_shared>> -> memref<5x128xf32, #tpu.memory_space<vmem_shared>>
        tpu.wait_dma2 semaphore(%run_scoped3A : memref<!tpu.dma_semaphore, #tpu.memory_space<semaphore_mem>>) src(%arg18 : memref<5x128xf32, #tpu.memory_space<vmem>>) dst(%dma_wait3A_544 : memref<5x128xf32, #tpu.memory_space<vmem_shared>>)
        tpu.yield
      }) : () -> ()
      %mul3A_319 = arith.constant 625 : i32
      %mul3A_320 = arith.muli %arg1, %mul3A_319 : i32
      %add3A_321 = arith.constant 350 : i32
      %add3A_322 = arith.addi %mul3A_320, %add3A_321 : i32
      "tpu.region"() ({
        %run_scoped3A = tpu.sem_alloc : memref<!tpu.dma_semaphore, #tpu.memory_space<semaphore_mem>>
        %dma_start3A = arith.constant 0 : i32
        %dma_start3A_539 = tpu.memref_slice %arg19[%add3A_322, %dma_start3A] : memref<10000x128xf32, #tpu.memory_space<vmem_shared>> -> memref<5x128xf32, #tpu.memory_space<vmem_shared>>
        %dma_start3A_540 = arith.constant 0 : i32
        %dma_start3A_541 = tpu.memref_slice %arg19[%add3A_322, %dma_start3A_540] : memref<10000x128xf32, #tpu.memory_space<vmem_shared>> -> memref<5x128xf32, #tpu.memory_space<vmem_shared>>
        tpu.enqueue_dma source(%arg18 : memref<5x128xf32, #tpu.memory_space<vmem>>) target(%dma_start3A_541 : memref<5x128xf32, #tpu.memory_space<vmem_shared>>) target_semaphore(%run_scoped3A : memref<!tpu.dma_semaphore, #tpu.memory_space<semaphore_mem>>)
        %dma_wait3A = arith.constant 0 : i32
        %dma_wait3A_542 = tpu.memref_slice %arg19[%add3A_322, %dma_wait3A] : memref<10000x128xf32, #tpu.memory_space<vmem_shared>> -> memref<5x128xf32, #tpu.memory_space<vmem_shared>>
        %dma_wait3A_543 = arith.constant 0 : i32
        %dma_wait3A_544 = tpu.memref_slice %arg19[%add3A_322, %dma_wait3A_543] : memref<10000x128xf32, #tpu.memory_space<vmem_shared>> -> memref<5x128xf32, #tpu.memory_space<vmem_shared>>
        tpu.wait_dma2 semaphore(%run_scoped3A : memref<!tpu.dma_semaphore, #tpu.memory_space<semaphore_mem>>) src(%arg18 : memref<5x128xf32, #tpu.memory_space<vmem>>) dst(%dma_wait3A_544 : memref<5x128xf32, #tpu.memory_space<vmem_shared>>)
        tpu.yield
      }) : () -> ()
      %mul3A_323 = arith.constant 625 : i32
      %mul3A_324 = arith.muli %arg1, %mul3A_323 : i32
      %add3A_325 = arith.constant 355 : i32
      %add3A_326 = arith.addi %mul3A_324, %add3A_325 : i32
      "tpu.region"() ({
        %run_scoped3A = tpu.sem_alloc : memref<!tpu.dma_semaphore, #tpu.memory_space<semaphore_mem>>
        %dma_start3A = arith.constant 0 : i32
        %dma_start3A_539 = tpu.memref_slice %arg19[%add3A_326, %dma_start3A] : memref<10000x128xf32, #tpu.memory_space<vmem_shared>> -> memref<5x128xf32, #tpu.memory_space<vmem_shared>>
        %dma_start3A_540 = arith.constant 0 : i32
        %dma_start3A_541 = tpu.memref_slice %arg19[%add3A_326, %dma_start3A_540] : memref<10000x128xf32, #tpu.memory_space<vmem_shared>> -> memref<5x128xf32, #tpu.memory_space<vmem_shared>>
        tpu.enqueue_dma source(%arg18 : memref<5x128xf32, #tpu.memory_space<vmem>>) target(%dma_start3A_541 : memref<5x128xf32, #tpu.memory_space<vmem_shared>>) target_semaphore(%run_scoped3A : memref<!tpu.dma_semaphore, #tpu.memory_space<semaphore_mem>>)
        %dma_wait3A = arith.constant 0 : i32
        %dma_wait3A_542 = tpu.memref_slice %arg19[%add3A_326, %dma_wait3A] : memref<10000x128xf32, #tpu.memory_space<vmem_shared>> -> memref<5x128xf32, #tpu.memory_space<vmem_shared>>
        %dma_wait3A_543 = arith.constant 0 : i32
        %dma_wait3A_544 = tpu.memref_slice %arg19[%add3A_326, %dma_wait3A_543] : memref<10000x128xf32, #tpu.memory_space<vmem_shared>> -> memref<5x128xf32, #tpu.memory_space<vmem_shared>>
        tpu.wait_dma2 semaphore(%run_scoped3A : memref<!tpu.dma_semaphore, #tpu.memory_space<semaphore_mem>>) src(%arg18 : memref<5x128xf32, #tpu.memory_space<vmem>>) dst(%dma_wait3A_544 : memref<5x128xf32, #tpu.memory_space<vmem_shared>>)
        tpu.yield
      }) : () -> ()
      %mul3A_327 = arith.constant 625 : i32
      %mul3A_328 = arith.muli %arg1, %mul3A_327 : i32
      %add3A_329 = arith.constant 360 : i32
      %add3A_330 = arith.addi %mul3A_328, %add3A_329 : i32
      "tpu.region"() ({
        %run_scoped3A = tpu.sem_alloc : memref<!tpu.dma_semaphore, #tpu.memory_space<semaphore_mem>>
        %dma_start3A = arith.constant 0 : i32
        %dma_start3A_539 = tpu.memref_slice %arg19[%add3A_330, %dma_start3A] : memref<10000x128xf32, #tpu.memory_space<vmem_shared>> -> memref<5x128xf32, #tpu.memory_space<vmem_shared>>
        %dma_start3A_540 = arith.constant 0 : i32
        %dma_start3A_541 = tpu.memref_slice %arg19[%add3A_330, %dma_start3A_540] : memref<10000x128xf32, #tpu.memory_space<vmem_shared>> -> memref<5x128xf32, #tpu.memory_space<vmem_shared>>
        tpu.enqueue_dma source(%arg18 : memref<5x128xf32, #tpu.memory_space<vmem>>) target(%dma_start3A_541 : memref<5x128xf32, #tpu.memory_space<vmem_shared>>) target_semaphore(%run_scoped3A : memref<!tpu.dma_semaphore, #tpu.memory_space<semaphore_mem>>)
        %dma_wait3A = arith.constant 0 : i32
        %dma_wait3A_542 = tpu.memref_slice %arg19[%add3A_330, %dma_wait3A] : memref<10000x128xf32, #tpu.memory_space<vmem_shared>> -> memref<5x128xf32, #tpu.memory_space<vmem_shared>>
        %dma_wait3A_543 = arith.constant 0 : i32
        %dma_wait3A_544 = tpu.memref_slice %arg19[%add3A_330, %dma_wait3A_543] : memref<10000x128xf32, #tpu.memory_space<vmem_shared>> -> memref<5x128xf32, #tpu.memory_space<vmem_shared>>
        tpu.wait_dma2 semaphore(%run_scoped3A : memref<!tpu.dma_semaphore, #tpu.memory_space<semaphore_mem>>) src(%arg18 : memref<5x128xf32, #tpu.memory_space<vmem>>) dst(%dma_wait3A_544 : memref<5x128xf32, #tpu.memory_space<vmem_shared>>)
        tpu.yield
      }) : () -> ()
      %mul3A_331 = arith.constant 625 : i32
      %mul3A_332 = arith.muli %arg1, %mul3A_331 : i32
      %add3A_333 = arith.constant 365 : i32
      %add3A_334 = arith.addi %mul3A_332, %add3A_333 : i32
      "tpu.region"() ({
        %run_scoped3A = tpu.sem_alloc : memref<!tpu.dma_semaphore, #tpu.memory_space<semaphore_mem>>
        %dma_start3A = arith.constant 0 : i32
        %dma_start3A_539 = tpu.memref_slice %arg19[%add3A_334, %dma_start3A] : memref<10000x128xf32, #tpu.memory_space<vmem_shared>> -> memref<5x128xf32, #tpu.memory_space<vmem_shared>>
        %dma_start3A_540 = arith.constant 0 : i32
        %dma_start3A_541 = tpu.memref_slice %arg19[%add3A_334, %dma_start3A_540] : memref<10000x128xf32, #tpu.memory_space<vmem_shared>> -> memref<5x128xf32, #tpu.memory_space<vmem_shared>>
        tpu.enqueue_dma source(%arg18 : memref<5x128xf32, #tpu.memory_space<vmem>>) target(%dma_start3A_541 : memref<5x128xf32, #tpu.memory_space<vmem_shared>>) target_semaphore(%run_scoped3A : memref<!tpu.dma_semaphore, #tpu.memory_space<semaphore_mem>>)
        %dma_wait3A = arith.constant 0 : i32
        %dma_wait3A_542 = tpu.memref_slice %arg19[%add3A_334, %dma_wait3A] : memref<10000x128xf32, #tpu.memory_space<vmem_shared>> -> memref<5x128xf32, #tpu.memory_space<vmem_shared>>
        %dma_wait3A_543 = arith.constant 0 : i32
        %dma_wait3A_544 = tpu.memref_slice %arg19[%add3A_334, %dma_wait3A_543] : memref<10000x128xf32, #tpu.memory_space<vmem_shared>> -> memref<5x128xf32, #tpu.memory_space<vmem_shared>>
        tpu.wait_dma2 semaphore(%run_scoped3A : memref<!tpu.dma_semaphore, #tpu.memory_space<semaphore_mem>>) src(%arg18 : memref<5x128xf32, #tpu.memory_space<vmem>>) dst(%dma_wait3A_544 : memref<5x128xf32, #tpu.memory_space<vmem_shared>>)
        tpu.yield
      }) : () -> ()
      %mul3A_335 = arith.constant 625 : i32
      %mul3A_336 = arith.muli %arg1, %mul3A_335 : i32
      %add3A_337 = arith.constant 370 : i32
      %add3A_338 = arith.addi %mul3A_336, %add3A_337 : i32
      "tpu.region"() ({
        %run_scoped3A = tpu.sem_alloc : memref<!tpu.dma_semaphore, #tpu.memory_space<semaphore_mem>>
        %dma_start3A = arith.constant 0 : i32
        %dma_start3A_539 = tpu.memref_slice %arg19[%add3A_338, %dma_start3A] : memref<10000x128xf32, #tpu.memory_space<vmem_shared>> -> memref<5x128xf32, #tpu.memory_space<vmem_shared>>
        %dma_start3A_540 = arith.constant 0 : i32
        %dma_start3A_541 = tpu.memref_slice %arg19[%add3A_338, %dma_start3A_540] : memref<10000x128xf32, #tpu.memory_space<vmem_shared>> -> memref<5x128xf32, #tpu.memory_space<vmem_shared>>
        tpu.enqueue_dma source(%arg18 : memref<5x128xf32, #tpu.memory_space<vmem>>) target(%dma_start3A_541 : memref<5x128xf32, #tpu.memory_space<vmem_shared>>) target_semaphore(%run_scoped3A : memref<!tpu.dma_semaphore, #tpu.memory_space<semaphore_mem>>)
        %dma_wait3A = arith.constant 0 : i32
        %dma_wait3A_542 = tpu.memref_slice %arg19[%add3A_338, %dma_wait3A] : memref<10000x128xf32, #tpu.memory_space<vmem_shared>> -> memref<5x128xf32, #tpu.memory_space<vmem_shared>>
        %dma_wait3A_543 = arith.constant 0 : i32
        %dma_wait3A_544 = tpu.memref_slice %arg19[%add3A_338, %dma_wait3A_543] : memref<10000x128xf32, #tpu.memory_space<vmem_shared>> -> memref<5x128xf32, #tpu.memory_space<vmem_shared>>
        tpu.wait_dma2 semaphore(%run_scoped3A : memref<!tpu.dma_semaphore, #tpu.memory_space<semaphore_mem>>) src(%arg18 : memref<5x128xf32, #tpu.memory_space<vmem>>) dst(%dma_wait3A_544 : memref<5x128xf32, #tpu.memory_space<vmem_shared>>)
        tpu.yield
      }) : () -> ()
      %mul3A_339 = arith.constant 625 : i32
      %mul3A_340 = arith.muli %arg1, %mul3A_339 : i32
      %add3A_341 = arith.constant 375 : i32
      %add3A_342 = arith.addi %mul3A_340, %add3A_341 : i32
      "tpu.region"() ({
        %run_scoped3A = tpu.sem_alloc : memref<!tpu.dma_semaphore, #tpu.memory_space<semaphore_mem>>
        %dma_start3A = arith.constant 0 : i32
        %dma_start3A_539 = tpu.memref_slice %arg19[%add3A_342, %dma_start3A] : memref<10000x128xf32, #tpu.memory_space<vmem_shared>> -> memref<5x128xf32, #tpu.memory_space<vmem_shared>>
        %dma_start3A_540 = arith.constant 0 : i32
        %dma_start3A_541 = tpu.memref_slice %arg19[%add3A_342, %dma_start3A_540] : memref<10000x128xf32, #tpu.memory_space<vmem_shared>> -> memref<5x128xf32, #tpu.memory_space<vmem_shared>>
        tpu.enqueue_dma source(%arg18 : memref<5x128xf32, #tpu.memory_space<vmem>>) target(%dma_start3A_541 : memref<5x128xf32, #tpu.memory_space<vmem_shared>>) target_semaphore(%run_scoped3A : memref<!tpu.dma_semaphore, #tpu.memory_space<semaphore_mem>>)
        %dma_wait3A = arith.constant 0 : i32
        %dma_wait3A_542 = tpu.memref_slice %arg19[%add3A_342, %dma_wait3A] : memref<10000x128xf32, #tpu.memory_space<vmem_shared>> -> memref<5x128xf32, #tpu.memory_space<vmem_shared>>
        %dma_wait3A_543 = arith.constant 0 : i32
        %dma_wait3A_544 = tpu.memref_slice %arg19[%add3A_342, %dma_wait3A_543] : memref<10000x128xf32, #tpu.memory_space<vmem_shared>> -> memref<5x128xf32, #tpu.memory_space<vmem_shared>>
        tpu.wait_dma2 semaphore(%run_scoped3A : memref<!tpu.dma_semaphore, #tpu.memory_space<semaphore_mem>>) src(%arg18 : memref<5x128xf32, #tpu.memory_space<vmem>>) dst(%dma_wait3A_544 : memref<5x128xf32, #tpu.memory_space<vmem_shared>>)
        tpu.yield
      }) : () -> ()
      %mul3A_343 = arith.constant 625 : i32
      %mul3A_344 = arith.muli %arg1, %mul3A_343 : i32
      %add3A_345 = arith.constant 380 : i32
      %add3A_346 = arith.addi %mul3A_344, %add3A_345 : i32
      "tpu.region"() ({
        %run_scoped3A = tpu.sem_alloc : memref<!tpu.dma_semaphore, #tpu.memory_space<semaphore_mem>>
        %dma_start3A = arith.constant 0 : i32
        %dma_start3A_539 = tpu.memref_slice %arg19[%add3A_346, %dma_start3A] : memref<10000x128xf32, #tpu.memory_space<vmem_shared>> -> memref<5x128xf32, #tpu.memory_space<vmem_shared>>
        %dma_start3A_540 = arith.constant 0 : i32
        %dma_start3A_541 = tpu.memref_slice %arg19[%add3A_346, %dma_start3A_540] : memref<10000x128xf32, #tpu.memory_space<vmem_shared>> -> memref<5x128xf32, #tpu.memory_space<vmem_shared>>
        tpu.enqueue_dma source(%arg18 : memref<5x128xf32, #tpu.memory_space<vmem>>) target(%dma_start3A_541 : memref<5x128xf32, #tpu.memory_space<vmem_shared>>) target_semaphore(%run_scoped3A : memref<!tpu.dma_semaphore, #tpu.memory_space<semaphore_mem>>)
        %dma_wait3A = arith.constant 0 : i32
        %dma_wait3A_542 = tpu.memref_slice %arg19[%add3A_346, %dma_wait3A] : memref<10000x128xf32, #tpu.memory_space<vmem_shared>> -> memref<5x128xf32, #tpu.memory_space<vmem_shared>>
        %dma_wait3A_543 = arith.constant 0 : i32
        %dma_wait3A_544 = tpu.memref_slice %arg19[%add3A_346, %dma_wait3A_543] : memref<10000x128xf32, #tpu.memory_space<vmem_shared>> -> memref<5x128xf32, #tpu.memory_space<vmem_shared>>
        tpu.wait_dma2 semaphore(%run_scoped3A : memref<!tpu.dma_semaphore, #tpu.memory_space<semaphore_mem>>) src(%arg18 : memref<5x128xf32, #tpu.memory_space<vmem>>) dst(%dma_wait3A_544 : memref<5x128xf32, #tpu.memory_space<vmem_shared>>)
        tpu.yield
      }) : () -> ()
      %mul3A_347 = arith.constant 625 : i32
      %mul3A_348 = arith.muli %arg1, %mul3A_347 : i32
      %add3A_349 = arith.constant 385 : i32
      %add3A_350 = arith.addi %mul3A_348, %add3A_349 : i32
      "tpu.region"() ({
        %run_scoped3A = tpu.sem_alloc : memref<!tpu.dma_semaphore, #tpu.memory_space<semaphore_mem>>
        %dma_start3A = arith.constant 0 : i32
        %dma_start3A_539 = tpu.memref_slice %arg19[%add3A_350, %dma_start3A] : memref<10000x128xf32, #tpu.memory_space<vmem_shared>> -> memref<5x128xf32, #tpu.memory_space<vmem_shared>>
        %dma_start3A_540 = arith.constant 0 : i32
        %dma_start3A_541 = tpu.memref_slice %arg19[%add3A_350, %dma_start3A_540] : memref<10000x128xf32, #tpu.memory_space<vmem_shared>> -> memref<5x128xf32, #tpu.memory_space<vmem_shared>>
        tpu.enqueue_dma source(%arg18 : memref<5x128xf32, #tpu.memory_space<vmem>>) target(%dma_start3A_541 : memref<5x128xf32, #tpu.memory_space<vmem_shared>>) target_semaphore(%run_scoped3A : memref<!tpu.dma_semaphore, #tpu.memory_space<semaphore_mem>>)
        %dma_wait3A = arith.constant 0 : i32
        %dma_wait3A_542 = tpu.memref_slice %arg19[%add3A_350, %dma_wait3A] : memref<10000x128xf32, #tpu.memory_space<vmem_shared>> -> memref<5x128xf32, #tpu.memory_space<vmem_shared>>
        %dma_wait3A_543 = arith.constant 0 : i32
        %dma_wait3A_544 = tpu.memref_slice %arg19[%add3A_350, %dma_wait3A_543] : memref<10000x128xf32, #tpu.memory_space<vmem_shared>> -> memref<5x128xf32, #tpu.memory_space<vmem_shared>>
        tpu.wait_dma2 semaphore(%run_scoped3A : memref<!tpu.dma_semaphore, #tpu.memory_space<semaphore_mem>>) src(%arg18 : memref<5x128xf32, #tpu.memory_space<vmem>>) dst(%dma_wait3A_544 : memref<5x128xf32, #tpu.memory_space<vmem_shared>>)
        tpu.yield
      }) : () -> ()
      %mul3A_351 = arith.constant 625 : i32
      %mul3A_352 = arith.muli %arg1, %mul3A_351 : i32
      %add3A_353 = arith.constant 390 : i32
      %add3A_354 = arith.addi %mul3A_352, %add3A_353 : i32
      "tpu.region"() ({
        %run_scoped3A = tpu.sem_alloc : memref<!tpu.dma_semaphore, #tpu.memory_space<semaphore_mem>>
        %dma_start3A = arith.constant 0 : i32
        %dma_start3A_539 = tpu.memref_slice %arg19[%add3A_354, %dma_start3A] : memref<10000x128xf32, #tpu.memory_space<vmem_shared>> -> memref<5x128xf32, #tpu.memory_space<vmem_shared>>
        %dma_start3A_540 = arith.constant 0 : i32
        %dma_start3A_541 = tpu.memref_slice %arg19[%add3A_354, %dma_start3A_540] : memref<10000x128xf32, #tpu.memory_space<vmem_shared>> -> memref<5x128xf32, #tpu.memory_space<vmem_shared>>
        tpu.enqueue_dma source(%arg18 : memref<5x128xf32, #tpu.memory_space<vmem>>) target(%dma_start3A_541 : memref<5x128xf32, #tpu.memory_space<vmem_shared>>) target_semaphore(%run_scoped3A : memref<!tpu.dma_semaphore, #tpu.memory_space<semaphore_mem>>)
        %dma_wait3A = arith.constant 0 : i32
        %dma_wait3A_542 = tpu.memref_slice %arg19[%add3A_354, %dma_wait3A] : memref<10000x128xf32, #tpu.memory_space<vmem_shared>> -> memref<5x128xf32, #tpu.memory_space<vmem_shared>>
        %dma_wait3A_543 = arith.constant 0 : i32
        %dma_wait3A_544 = tpu.memref_slice %arg19[%add3A_354, %dma_wait3A_543] : memref<10000x128xf32, #tpu.memory_space<vmem_shared>> -> memref<5x128xf32, #tpu.memory_space<vmem_shared>>
        tpu.wait_dma2 semaphore(%run_scoped3A : memref<!tpu.dma_semaphore, #tpu.memory_space<semaphore_mem>>) src(%arg18 : memref<5x128xf32, #tpu.memory_space<vmem>>) dst(%dma_wait3A_544 : memref<5x128xf32, #tpu.memory_space<vmem_shared>>)
        tpu.yield
      }) : () -> ()
      %mul3A_355 = arith.constant 625 : i32
      %mul3A_356 = arith.muli %arg1, %mul3A_355 : i32
      %add3A_357 = arith.constant 395 : i32
      %add3A_358 = arith.addi %mul3A_356, %add3A_357 : i32
      "tpu.region"() ({
        %run_scoped3A = tpu.sem_alloc : memref<!tpu.dma_semaphore, #tpu.memory_space<semaphore_mem>>
        %dma_start3A = arith.constant 0 : i32
        %dma_start3A_539 = tpu.memref_slice %arg19[%add3A_358, %dma_start3A] : memref<10000x128xf32, #tpu.memory_space<vmem_shared>> -> memref<5x128xf32, #tpu.memory_space<vmem_shared>>
        %dma_start3A_540 = arith.constant 0 : i32
        %dma_start3A_541 = tpu.memref_slice %arg19[%add3A_358, %dma_start3A_540] : memref<10000x128xf32, #tpu.memory_space<vmem_shared>> -> memref<5x128xf32, #tpu.memory_space<vmem_shared>>
        tpu.enqueue_dma source(%arg18 : memref<5x128xf32, #tpu.memory_space<vmem>>) target(%dma_start3A_541 : memref<5x128xf32, #tpu.memory_space<vmem_shared>>) target_semaphore(%run_scoped3A : memref<!tpu.dma_semaphore, #tpu.memory_space<semaphore_mem>>)
        %dma_wait3A = arith.constant 0 : i32
        %dma_wait3A_542 = tpu.memref_slice %arg19[%add3A_358, %dma_wait3A] : memref<10000x128xf32, #tpu.memory_space<vmem_shared>> -> memref<5x128xf32, #tpu.memory_space<vmem_shared>>
        %dma_wait3A_543 = arith.constant 0 : i32
        %dma_wait3A_544 = tpu.memref_slice %arg19[%add3A_358, %dma_wait3A_543] : memref<10000x128xf32, #tpu.memory_space<vmem_shared>> -> memref<5x128xf32, #tpu.memory_space<vmem_shared>>
        tpu.wait_dma2 semaphore(%run_scoped3A : memref<!tpu.dma_semaphore, #tpu.memory_space<semaphore_mem>>) src(%arg18 : memref<5x128xf32, #tpu.memory_space<vmem>>) dst(%dma_wait3A_544 : memref<5x128xf32, #tpu.memory_space<vmem_shared>>)
        tpu.yield
      }) : () -> ()
      %mul3A_359 = arith.constant 625 : i32
      %mul3A_360 = arith.muli %arg1, %mul3A_359 : i32
      %add3A_361 = arith.constant 400 : i32
      %add3A_362 = arith.addi %mul3A_360, %add3A_361 : i32
      "tpu.region"() ({
        %run_scoped3A = tpu.sem_alloc : memref<!tpu.dma_semaphore, #tpu.memory_space<semaphore_mem>>
        %dma_start3A = arith.constant 0 : i32
        %dma_start3A_539 = tpu.memref_slice %arg19[%add3A_362, %dma_start3A] : memref<10000x128xf32, #tpu.memory_space<vmem_shared>> -> memref<5x128xf32, #tpu.memory_space<vmem_shared>>
        %dma_start3A_540 = arith.constant 0 : i32
        %dma_start3A_541 = tpu.memref_slice %arg19[%add3A_362, %dma_start3A_540] : memref<10000x128xf32, #tpu.memory_space<vmem_shared>> -> memref<5x128xf32, #tpu.memory_space<vmem_shared>>
        tpu.enqueue_dma source(%arg18 : memref<5x128xf32, #tpu.memory_space<vmem>>) target(%dma_start3A_541 : memref<5x128xf32, #tpu.memory_space<vmem_shared>>) target_semaphore(%run_scoped3A : memref<!tpu.dma_semaphore, #tpu.memory_space<semaphore_mem>>)
        %dma_wait3A = arith.constant 0 : i32
        %dma_wait3A_542 = tpu.memref_slice %arg19[%add3A_362, %dma_wait3A] : memref<10000x128xf32, #tpu.memory_space<vmem_shared>> -> memref<5x128xf32, #tpu.memory_space<vmem_shared>>
        %dma_wait3A_543 = arith.constant 0 : i32
        %dma_wait3A_544 = tpu.memref_slice %arg19[%add3A_362, %dma_wait3A_543] : memref<10000x128xf32, #tpu.memory_space<vmem_shared>> -> memref<5x128xf32, #tpu.memory_space<vmem_shared>>
        tpu.wait_dma2 semaphore(%run_scoped3A : memref<!tpu.dma_semaphore, #tpu.memory_space<semaphore_mem>>) src(%arg18 : memref<5x128xf32, #tpu.memory_space<vmem>>) dst(%dma_wait3A_544 : memref<5x128xf32, #tpu.memory_space<vmem_shared>>)
        tpu.yield
      }) : () -> ()
      %mul3A_363 = arith.constant 625 : i32
      %mul3A_364 = arith.muli %arg1, %mul3A_363 : i32
      %add3A_365 = arith.constant 405 : i32
      %add3A_366 = arith.addi %mul3A_364, %add3A_365 : i32
      "tpu.region"() ({
        %run_scoped3A = tpu.sem_alloc : memref<!tpu.dma_semaphore, #tpu.memory_space<semaphore_mem>>
        %dma_start3A = arith.constant 0 : i32
        %dma_start3A_539 = tpu.memref_slice %arg19[%add3A_366, %dma_start3A] : memref<10000x128xf32, #tpu.memory_space<vmem_shared>> -> memref<5x128xf32, #tpu.memory_space<vmem_shared>>
        %dma_start3A_540 = arith.constant 0 : i32
        %dma_start3A_541 = tpu.memref_slice %arg19[%add3A_366, %dma_start3A_540] : memref<10000x128xf32, #tpu.memory_space<vmem_shared>> -> memref<5x128xf32, #tpu.memory_space<vmem_shared>>
        tpu.enqueue_dma source(%arg18 : memref<5x128xf32, #tpu.memory_space<vmem>>) target(%dma_start3A_541 : memref<5x128xf32, #tpu.memory_space<vmem_shared>>) target_semaphore(%run_scoped3A : memref<!tpu.dma_semaphore, #tpu.memory_space<semaphore_mem>>)
        %dma_wait3A = arith.constant 0 : i32
        %dma_wait3A_542 = tpu.memref_slice %arg19[%add3A_366, %dma_wait3A] : memref<10000x128xf32, #tpu.memory_space<vmem_shared>> -> memref<5x128xf32, #tpu.memory_space<vmem_shared>>
        %dma_wait3A_543 = arith.constant 0 : i32
        %dma_wait3A_544 = tpu.memref_slice %arg19[%add3A_366, %dma_wait3A_543] : memref<10000x128xf32, #tpu.memory_space<vmem_shared>> -> memref<5x128xf32, #tpu.memory_space<vmem_shared>>
        tpu.wait_dma2 semaphore(%run_scoped3A : memref<!tpu.dma_semaphore, #tpu.memory_space<semaphore_mem>>) src(%arg18 : memref<5x128xf32, #tpu.memory_space<vmem>>) dst(%dma_wait3A_544 : memref<5x128xf32, #tpu.memory_space<vmem_shared>>)
        tpu.yield
      }) : () -> ()
      %mul3A_367 = arith.constant 625 : i32
      %mul3A_368 = arith.muli %arg1, %mul3A_367 : i32
      %add3A_369 = arith.constant 410 : i32
      %add3A_370 = arith.addi %mul3A_368, %add3A_369 : i32
      "tpu.region"() ({
        %run_scoped3A = tpu.sem_alloc : memref<!tpu.dma_semaphore, #tpu.memory_space<semaphore_mem>>
        %dma_start3A = arith.constant 0 : i32
        %dma_start3A_539 = tpu.memref_slice %arg19[%add3A_370, %dma_start3A] : memref<10000x128xf32, #tpu.memory_space<vmem_shared>> -> memref<5x128xf32, #tpu.memory_space<vmem_shared>>
        %dma_start3A_540 = arith.constant 0 : i32
        %dma_start3A_541 = tpu.memref_slice %arg19[%add3A_370, %dma_start3A_540] : memref<10000x128xf32, #tpu.memory_space<vmem_shared>> -> memref<5x128xf32, #tpu.memory_space<vmem_shared>>
        tpu.enqueue_dma source(%arg18 : memref<5x128xf32, #tpu.memory_space<vmem>>) target(%dma_start3A_541 : memref<5x128xf32, #tpu.memory_space<vmem_shared>>) target_semaphore(%run_scoped3A : memref<!tpu.dma_semaphore, #tpu.memory_space<semaphore_mem>>)
        %dma_wait3A = arith.constant 0 : i32
        %dma_wait3A_542 = tpu.memref_slice %arg19[%add3A_370, %dma_wait3A] : memref<10000x128xf32, #tpu.memory_space<vmem_shared>> -> memref<5x128xf32, #tpu.memory_space<vmem_shared>>
        %dma_wait3A_543 = arith.constant 0 : i32
        %dma_wait3A_544 = tpu.memref_slice %arg19[%add3A_370, %dma_wait3A_543] : memref<10000x128xf32, #tpu.memory_space<vmem_shared>> -> memref<5x128xf32, #tpu.memory_space<vmem_shared>>
        tpu.wait_dma2 semaphore(%run_scoped3A : memref<!tpu.dma_semaphore, #tpu.memory_space<semaphore_mem>>) src(%arg18 : memref<5x128xf32, #tpu.memory_space<vmem>>) dst(%dma_wait3A_544 : memref<5x128xf32, #tpu.memory_space<vmem_shared>>)
        tpu.yield
      }) : () -> ()
      %mul3A_371 = arith.constant 625 : i32
      %mul3A_372 = arith.muli %arg1, %mul3A_371 : i32
      %add3A_373 = arith.constant 415 : i32
      %add3A_374 = arith.addi %mul3A_372, %add3A_373 : i32
      "tpu.region"() ({
        %run_scoped3A = tpu.sem_alloc : memref<!tpu.dma_semaphore, #tpu.memory_space<semaphore_mem>>
        %dma_start3A = arith.constant 0 : i32
        %dma_start3A_539 = tpu.memref_slice %arg19[%add3A_374, %dma_start3A] : memref<10000x128xf32, #tpu.memory_space<vmem_shared>> -> memref<5x128xf32, #tpu.memory_space<vmem_shared>>
        %dma_start3A_540 = arith.constant 0 : i32
        %dma_start3A_541 = tpu.memref_slice %arg19[%add3A_374, %dma_start3A_540] : memref<10000x128xf32, #tpu.memory_space<vmem_shared>> -> memref<5x128xf32, #tpu.memory_space<vmem_shared>>
        tpu.enqueue_dma source(%arg18 : memref<5x128xf32, #tpu.memory_space<vmem>>) target(%dma_start3A_541 : memref<5x128xf32, #tpu.memory_space<vmem_shared>>) target_semaphore(%run_scoped3A : memref<!tpu.dma_semaphore, #tpu.memory_space<semaphore_mem>>)
        %dma_wait3A = arith.constant 0 : i32
        %dma_wait3A_542 = tpu.memref_slice %arg19[%add3A_374, %dma_wait3A] : memref<10000x128xf32, #tpu.memory_space<vmem_shared>> -> memref<5x128xf32, #tpu.memory_space<vmem_shared>>
        %dma_wait3A_543 = arith.constant 0 : i32
        %dma_wait3A_544 = tpu.memref_slice %arg19[%add3A_374, %dma_wait3A_543] : memref<10000x128xf32, #tpu.memory_space<vmem_shared>> -> memref<5x128xf32, #tpu.memory_space<vmem_shared>>
        tpu.wait_dma2 semaphore(%run_scoped3A : memref<!tpu.dma_semaphore, #tpu.memory_space<semaphore_mem>>) src(%arg18 : memref<5x128xf32, #tpu.memory_space<vmem>>) dst(%dma_wait3A_544 : memref<5x128xf32, #tpu.memory_space<vmem_shared>>)
        tpu.yield
      }) : () -> ()
      %mul3A_375 = arith.constant 625 : i32
      %mul3A_376 = arith.muli %arg1, %mul3A_375 : i32
      %add3A_377 = arith.constant 420 : i32
      %add3A_378 = arith.addi %mul3A_376, %add3A_377 : i32
      "tpu.region"() ({
        %run_scoped3A = tpu.sem_alloc : memref<!tpu.dma_semaphore, #tpu.memory_space<semaphore_mem>>
        %dma_start3A = arith.constant 0 : i32
        %dma_start3A_539 = tpu.memref_slice %arg19[%add3A_378, %dma_start3A] : memref<10000x128xf32, #tpu.memory_space<vmem_shared>> -> memref<5x128xf32, #tpu.memory_space<vmem_shared>>
        %dma_start3A_540 = arith.constant 0 : i32
        %dma_start3A_541 = tpu.memref_slice %arg19[%add3A_378, %dma_start3A_540] : memref<10000x128xf32, #tpu.memory_space<vmem_shared>> -> memref<5x128xf32, #tpu.memory_space<vmem_shared>>
        tpu.enqueue_dma source(%arg18 : memref<5x128xf32, #tpu.memory_space<vmem>>) target(%dma_start3A_541 : memref<5x128xf32, #tpu.memory_space<vmem_shared>>) target_semaphore(%run_scoped3A : memref<!tpu.dma_semaphore, #tpu.memory_space<semaphore_mem>>)
        %dma_wait3A = arith.constant 0 : i32
        %dma_wait3A_542 = tpu.memref_slice %arg19[%add3A_378, %dma_wait3A] : memref<10000x128xf32, #tpu.memory_space<vmem_shared>> -> memref<5x128xf32, #tpu.memory_space<vmem_shared>>
        %dma_wait3A_543 = arith.constant 0 : i32
        %dma_wait3A_544 = tpu.memref_slice %arg19[%add3A_378, %dma_wait3A_543] : memref<10000x128xf32, #tpu.memory_space<vmem_shared>> -> memref<5x128xf32, #tpu.memory_space<vmem_shared>>
        tpu.wait_dma2 semaphore(%run_scoped3A : memref<!tpu.dma_semaphore, #tpu.memory_space<semaphore_mem>>) src(%arg18 : memref<5x128xf32, #tpu.memory_space<vmem>>) dst(%dma_wait3A_544 : memref<5x128xf32, #tpu.memory_space<vmem_shared>>)
        tpu.yield
      }) : () -> ()
      %mul3A_379 = arith.constant 625 : i32
      %mul3A_380 = arith.muli %arg1, %mul3A_379 : i32
      %add3A_381 = arith.constant 425 : i32
      %add3A_382 = arith.addi %mul3A_380, %add3A_381 : i32
      "tpu.region"() ({
        %run_scoped3A = tpu.sem_alloc : memref<!tpu.dma_semaphore, #tpu.memory_space<semaphore_mem>>
        %dma_start3A = arith.constant 0 : i32
        %dma_start3A_539 = tpu.memref_slice %arg19[%add3A_382, %dma_start3A] : memref<10000x128xf32, #tpu.memory_space<vmem_shared>> -> memref<5x128xf32, #tpu.memory_space<vmem_shared>>
        %dma_start3A_540 = arith.constant 0 : i32
        %dma_start3A_541 = tpu.memref_slice %arg19[%add3A_382, %dma_start3A_540] : memref<10000x128xf32, #tpu.memory_space<vmem_shared>> -> memref<5x128xf32, #tpu.memory_space<vmem_shared>>
        tpu.enqueue_dma source(%arg18 : memref<5x128xf32, #tpu.memory_space<vmem>>) target(%dma_start3A_541 : memref<5x128xf32, #tpu.memory_space<vmem_shared>>) target_semaphore(%run_scoped3A : memref<!tpu.dma_semaphore, #tpu.memory_space<semaphore_mem>>)
        %dma_wait3A = arith.constant 0 : i32
        %dma_wait3A_542 = tpu.memref_slice %arg19[%add3A_382, %dma_wait3A] : memref<10000x128xf32, #tpu.memory_space<vmem_shared>> -> memref<5x128xf32, #tpu.memory_space<vmem_shared>>
        %dma_wait3A_543 = arith.constant 0 : i32
        %dma_wait3A_544 = tpu.memref_slice %arg19[%add3A_382, %dma_wait3A_543] : memref<10000x128xf32, #tpu.memory_space<vmem_shared>> -> memref<5x128xf32, #tpu.memory_space<vmem_shared>>
        tpu.wait_dma2 semaphore(%run_scoped3A : memref<!tpu.dma_semaphore, #tpu.memory_space<semaphore_mem>>) src(%arg18 : memref<5x128xf32, #tpu.memory_space<vmem>>) dst(%dma_wait3A_544 : memref<5x128xf32, #tpu.memory_space<vmem_shared>>)
        tpu.yield
      }) : () -> ()
      %mul3A_383 = arith.constant 625 : i32
      %mul3A_384 = arith.muli %arg1, %mul3A_383 : i32
      %add3A_385 = arith.constant 430 : i32
      %add3A_386 = arith.addi %mul3A_384, %add3A_385 : i32
      "tpu.region"() ({
        %run_scoped3A = tpu.sem_alloc : memref<!tpu.dma_semaphore, #tpu.memory_space<semaphore_mem>>
        %dma_start3A = arith.constant 0 : i32
        %dma_start3A_539 = tpu.memref_slice %arg19[%add3A_386, %dma_start3A] : memref<10000x128xf32, #tpu.memory_space<vmem_shared>> -> memref<5x128xf32, #tpu.memory_space<vmem_shared>>
        %dma_start3A_540 = arith.constant 0 : i32
        %dma_start3A_541 = tpu.memref_slice %arg19[%add3A_386, %dma_start3A_540] : memref<10000x128xf32, #tpu.memory_space<vmem_shared>> -> memref<5x128xf32, #tpu.memory_space<vmem_shared>>
        tpu.enqueue_dma source(%arg18 : memref<5x128xf32, #tpu.memory_space<vmem>>) target(%dma_start3A_541 : memref<5x128xf32, #tpu.memory_space<vmem_shared>>) target_semaphore(%run_scoped3A : memref<!tpu.dma_semaphore, #tpu.memory_space<semaphore_mem>>)
        %dma_wait3A = arith.constant 0 : i32
        %dma_wait3A_542 = tpu.memref_slice %arg19[%add3A_386, %dma_wait3A] : memref<10000x128xf32, #tpu.memory_space<vmem_shared>> -> memref<5x128xf32, #tpu.memory_space<vmem_shared>>
        %dma_wait3A_543 = arith.constant 0 : i32
        %dma_wait3A_544 = tpu.memref_slice %arg19[%add3A_386, %dma_wait3A_543] : memref<10000x128xf32, #tpu.memory_space<vmem_shared>> -> memref<5x128xf32, #tpu.memory_space<vmem_shared>>
        tpu.wait_dma2 semaphore(%run_scoped3A : memref<!tpu.dma_semaphore, #tpu.memory_space<semaphore_mem>>) src(%arg18 : memref<5x128xf32, #tpu.memory_space<vmem>>) dst(%dma_wait3A_544 : memref<5x128xf32, #tpu.memory_space<vmem_shared>>)
        tpu.yield
      }) : () -> ()
      %mul3A_387 = arith.constant 625 : i32
      %mul3A_388 = arith.muli %arg1, %mul3A_387 : i32
      %add3A_389 = arith.constant 435 : i32
      %add3A_390 = arith.addi %mul3A_388, %add3A_389 : i32
      "tpu.region"() ({
        %run_scoped3A = tpu.sem_alloc : memref<!tpu.dma_semaphore, #tpu.memory_space<semaphore_mem>>
        %dma_start3A = arith.constant 0 : i32
        %dma_start3A_539 = tpu.memref_slice %arg19[%add3A_390, %dma_start3A] : memref<10000x128xf32, #tpu.memory_space<vmem_shared>> -> memref<5x128xf32, #tpu.memory_space<vmem_shared>>
        %dma_start3A_540 = arith.constant 0 : i32
        %dma_start3A_541 = tpu.memref_slice %arg19[%add3A_390, %dma_start3A_540] : memref<10000x128xf32, #tpu.memory_space<vmem_shared>> -> memref<5x128xf32, #tpu.memory_space<vmem_shared>>
        tpu.enqueue_dma source(%arg18 : memref<5x128xf32, #tpu.memory_space<vmem>>) target(%dma_start3A_541 : memref<5x128xf32, #tpu.memory_space<vmem_shared>>) target_semaphore(%run_scoped3A : memref<!tpu.dma_semaphore, #tpu.memory_space<semaphore_mem>>)
        %dma_wait3A = arith.constant 0 : i32
        %dma_wait3A_542 = tpu.memref_slice %arg19[%add3A_390, %dma_wait3A] : memref<10000x128xf32, #tpu.memory_space<vmem_shared>> -> memref<5x128xf32, #tpu.memory_space<vmem_shared>>
        %dma_wait3A_543 = arith.constant 0 : i32
        %dma_wait3A_544 = tpu.memref_slice %arg19[%add3A_390, %dma_wait3A_543] : memref<10000x128xf32, #tpu.memory_space<vmem_shared>> -> memref<5x128xf32, #tpu.memory_space<vmem_shared>>
        tpu.wait_dma2 semaphore(%run_scoped3A : memref<!tpu.dma_semaphore, #tpu.memory_space<semaphore_mem>>) src(%arg18 : memref<5x128xf32, #tpu.memory_space<vmem>>) dst(%dma_wait3A_544 : memref<5x128xf32, #tpu.memory_space<vmem_shared>>)
        tpu.yield
      }) : () -> ()
      %mul3A_391 = arith.constant 625 : i32
      %mul3A_392 = arith.muli %arg1, %mul3A_391 : i32
      %add3A_393 = arith.constant 440 : i32
      %add3A_394 = arith.addi %mul3A_392, %add3A_393 : i32
      "tpu.region"() ({
        %run_scoped3A = tpu.sem_alloc : memref<!tpu.dma_semaphore, #tpu.memory_space<semaphore_mem>>
        %dma_start3A = arith.constant 0 : i32
        %dma_start3A_539 = tpu.memref_slice %arg19[%add3A_394, %dma_start3A] : memref<10000x128xf32, #tpu.memory_space<vmem_shared>> -> memref<5x128xf32, #tpu.memory_space<vmem_shared>>
        %dma_start3A_540 = arith.constant 0 : i32
        %dma_start3A_541 = tpu.memref_slice %arg19[%add3A_394, %dma_start3A_540] : memref<10000x128xf32, #tpu.memory_space<vmem_shared>> -> memref<5x128xf32, #tpu.memory_space<vmem_shared>>
        tpu.enqueue_dma source(%arg18 : memref<5x128xf32, #tpu.memory_space<vmem>>) target(%dma_start3A_541 : memref<5x128xf32, #tpu.memory_space<vmem_shared>>) target_semaphore(%run_scoped3A : memref<!tpu.dma_semaphore, #tpu.memory_space<semaphore_mem>>)
        %dma_wait3A = arith.constant 0 : i32
        %dma_wait3A_542 = tpu.memref_slice %arg19[%add3A_394, %dma_wait3A] : memref<10000x128xf32, #tpu.memory_space<vmem_shared>> -> memref<5x128xf32, #tpu.memory_space<vmem_shared>>
        %dma_wait3A_543 = arith.constant 0 : i32
        %dma_wait3A_544 = tpu.memref_slice %arg19[%add3A_394, %dma_wait3A_543] : memref<10000x128xf32, #tpu.memory_space<vmem_shared>> -> memref<5x128xf32, #tpu.memory_space<vmem_shared>>
        tpu.wait_dma2 semaphore(%run_scoped3A : memref<!tpu.dma_semaphore, #tpu.memory_space<semaphore_mem>>) src(%arg18 : memref<5x128xf32, #tpu.memory_space<vmem>>) dst(%dma_wait3A_544 : memref<5x128xf32, #tpu.memory_space<vmem_shared>>)
        tpu.yield
      }) : () -> ()
      %mul3A_395 = arith.constant 625 : i32
      %mul3A_396 = arith.muli %arg1, %mul3A_395 : i32
      %add3A_397 = arith.constant 445 : i32
      %add3A_398 = arith.addi %mul3A_396, %add3A_397 : i32
      "tpu.region"() ({
        %run_scoped3A = tpu.sem_alloc : memref<!tpu.dma_semaphore, #tpu.memory_space<semaphore_mem>>
        %dma_start3A = arith.constant 0 : i32
        %dma_start3A_539 = tpu.memref_slice %arg19[%add3A_398, %dma_start3A] : memref<10000x128xf32, #tpu.memory_space<vmem_shared>> -> memref<5x128xf32, #tpu.memory_space<vmem_shared>>
        %dma_start3A_540 = arith.constant 0 : i32
        %dma_start3A_541 = tpu.memref_slice %arg19[%add3A_398, %dma_start3A_540] : memref<10000x128xf32, #tpu.memory_space<vmem_shared>> -> memref<5x128xf32, #tpu.memory_space<vmem_shared>>
        tpu.enqueue_dma source(%arg18 : memref<5x128xf32, #tpu.memory_space<vmem>>) target(%dma_start3A_541 : memref<5x128xf32, #tpu.memory_space<vmem_shared>>) target_semaphore(%run_scoped3A : memref<!tpu.dma_semaphore, #tpu.memory_space<semaphore_mem>>)
        %dma_wait3A = arith.constant 0 : i32
        %dma_wait3A_542 = tpu.memref_slice %arg19[%add3A_398, %dma_wait3A] : memref<10000x128xf32, #tpu.memory_space<vmem_shared>> -> memref<5x128xf32, #tpu.memory_space<vmem_shared>>
        %dma_wait3A_543 = arith.constant 0 : i32
        %dma_wait3A_544 = tpu.memref_slice %arg19[%add3A_398, %dma_wait3A_543] : memref<10000x128xf32, #tpu.memory_space<vmem_shared>> -> memref<5x128xf32, #tpu.memory_space<vmem_shared>>
        tpu.wait_dma2 semaphore(%run_scoped3A : memref<!tpu.dma_semaphore, #tpu.memory_space<semaphore_mem>>) src(%arg18 : memref<5x128xf32, #tpu.memory_space<vmem>>) dst(%dma_wait3A_544 : memref<5x128xf32, #tpu.memory_space<vmem_shared>>)
        tpu.yield
      }) : () -> ()
      %mul3A_399 = arith.constant 625 : i32
      %mul3A_400 = arith.muli %arg1, %mul3A_399 : i32
      %add3A_401 = arith.constant 450 : i32
      %add3A_402 = arith.addi %mul3A_400, %add3A_401 : i32
      "tpu.region"() ({
        %run_scoped3A = tpu.sem_alloc : memref<!tpu.dma_semaphore, #tpu.memory_space<semaphore_mem>>
        %dma_start3A = arith.constant 0 : i32
        %dma_start3A_539 = tpu.memref_slice %arg19[%add3A_402, %dma_start3A] : memref<10000x128xf32, #tpu.memory_space<vmem_shared>> -> memref<5x128xf32, #tpu.memory_space<vmem_shared>>
        %dma_start3A_540 = arith.constant 0 : i32
        %dma_start3A_541 = tpu.memref_slice %arg19[%add3A_402, %dma_start3A_540] : memref<10000x128xf32, #tpu.memory_space<vmem_shared>> -> memref<5x128xf32, #tpu.memory_space<vmem_shared>>
        tpu.enqueue_dma source(%arg18 : memref<5x128xf32, #tpu.memory_space<vmem>>) target(%dma_start3A_541 : memref<5x128xf32, #tpu.memory_space<vmem_shared>>) target_semaphore(%run_scoped3A : memref<!tpu.dma_semaphore, #tpu.memory_space<semaphore_mem>>)
        %dma_wait3A = arith.constant 0 : i32
        %dma_wait3A_542 = tpu.memref_slice %arg19[%add3A_402, %dma_wait3A] : memref<10000x128xf32, #tpu.memory_space<vmem_shared>> -> memref<5x128xf32, #tpu.memory_space<vmem_shared>>
        %dma_wait3A_543 = arith.constant 0 : i32
        %dma_wait3A_544 = tpu.memref_slice %arg19[%add3A_402, %dma_wait3A_543] : memref<10000x128xf32, #tpu.memory_space<vmem_shared>> -> memref<5x128xf32, #tpu.memory_space<vmem_shared>>
        tpu.wait_dma2 semaphore(%run_scoped3A : memref<!tpu.dma_semaphore, #tpu.memory_space<semaphore_mem>>) src(%arg18 : memref<5x128xf32, #tpu.memory_space<vmem>>) dst(%dma_wait3A_544 : memref<5x128xf32, #tpu.memory_space<vmem_shared>>)
        tpu.yield
      }) : () -> ()
      %mul3A_403 = arith.constant 625 : i32
      %mul3A_404 = arith.muli %arg1, %mul3A_403 : i32
      %add3A_405 = arith.constant 455 : i32
      %add3A_406 = arith.addi %mul3A_404, %add3A_405 : i32
      "tpu.region"() ({
        %run_scoped3A = tpu.sem_alloc : memref<!tpu.dma_semaphore, #tpu.memory_space<semaphore_mem>>
        %dma_start3A = arith.constant 0 : i32
        %dma_start3A_539 = tpu.memref_slice %arg19[%add3A_406, %dma_start3A] : memref<10000x128xf32, #tpu.memory_space<vmem_shared>> -> memref<5x128xf32, #tpu.memory_space<vmem_shared>>
        %dma_start3A_540 = arith.constant 0 : i32
        %dma_start3A_541 = tpu.memref_slice %arg19[%add3A_406, %dma_start3A_540] : memref<10000x128xf32, #tpu.memory_space<vmem_shared>> -> memref<5x128xf32, #tpu.memory_space<vmem_shared>>
        tpu.enqueue_dma source(%arg18 : memref<5x128xf32, #tpu.memory_space<vmem>>) target(%dma_start3A_541 : memref<5x128xf32, #tpu.memory_space<vmem_shared>>) target_semaphore(%run_scoped3A : memref<!tpu.dma_semaphore, #tpu.memory_space<semaphore_mem>>)
        %dma_wait3A = arith.constant 0 : i32
        %dma_wait3A_542 = tpu.memref_slice %arg19[%add3A_406, %dma_wait3A] : memref<10000x128xf32, #tpu.memory_space<vmem_shared>> -> memref<5x128xf32, #tpu.memory_space<vmem_shared>>
        %dma_wait3A_543 = arith.constant 0 : i32
        %dma_wait3A_544 = tpu.memref_slice %arg19[%add3A_406, %dma_wait3A_543] : memref<10000x128xf32, #tpu.memory_space<vmem_shared>> -> memref<5x128xf32, #tpu.memory_space<vmem_shared>>
        tpu.wait_dma2 semaphore(%run_scoped3A : memref<!tpu.dma_semaphore, #tpu.memory_space<semaphore_mem>>) src(%arg18 : memref<5x128xf32, #tpu.memory_space<vmem>>) dst(%dma_wait3A_544 : memref<5x128xf32, #tpu.memory_space<vmem_shared>>)
        tpu.yield
      }) : () -> ()
      %mul3A_407 = arith.constant 625 : i32
      %mul3A_408 = arith.muli %arg1, %mul3A_407 : i32
      %add3A_409 = arith.constant 460 : i32
      %add3A_410 = arith.addi %mul3A_408, %add3A_409 : i32
      "tpu.region"() ({
        %run_scoped3A = tpu.sem_alloc : memref<!tpu.dma_semaphore, #tpu.memory_space<semaphore_mem>>
        %dma_start3A = arith.constant 0 : i32
        %dma_start3A_539 = tpu.memref_slice %arg19[%add3A_410, %dma_start3A] : memref<10000x128xf32, #tpu.memory_space<vmem_shared>> -> memref<5x128xf32, #tpu.memory_space<vmem_shared>>
        %dma_start3A_540 = arith.constant 0 : i32
        %dma_start3A_541 = tpu.memref_slice %arg19[%add3A_410, %dma_start3A_540] : memref<10000x128xf32, #tpu.memory_space<vmem_shared>> -> memref<5x128xf32, #tpu.memory_space<vmem_shared>>
        tpu.enqueue_dma source(%arg18 : memref<5x128xf32, #tpu.memory_space<vmem>>) target(%dma_start3A_541 : memref<5x128xf32, #tpu.memory_space<vmem_shared>>) target_semaphore(%run_scoped3A : memref<!tpu.dma_semaphore, #tpu.memory_space<semaphore_mem>>)
        %dma_wait3A = arith.constant 0 : i32
        %dma_wait3A_542 = tpu.memref_slice %arg19[%add3A_410, %dma_wait3A] : memref<10000x128xf32, #tpu.memory_space<vmem_shared>> -> memref<5x128xf32, #tpu.memory_space<vmem_shared>>
        %dma_wait3A_543 = arith.constant 0 : i32
        %dma_wait3A_544 = tpu.memref_slice %arg19[%add3A_410, %dma_wait3A_543] : memref<10000x128xf32, #tpu.memory_space<vmem_shared>> -> memref<5x128xf32, #tpu.memory_space<vmem_shared>>
        tpu.wait_dma2 semaphore(%run_scoped3A : memref<!tpu.dma_semaphore, #tpu.memory_space<semaphore_mem>>) src(%arg18 : memref<5x128xf32, #tpu.memory_space<vmem>>) dst(%dma_wait3A_544 : memref<5x128xf32, #tpu.memory_space<vmem_shared>>)
        tpu.yield
      }) : () -> ()
      %mul3A_411 = arith.constant 625 : i32
      %mul3A_412 = arith.muli %arg1, %mul3A_411 : i32
      %add3A_413 = arith.constant 465 : i32
      %add3A_414 = arith.addi %mul3A_412, %add3A_413 : i32
      "tpu.region"() ({
        %run_scoped3A = tpu.sem_alloc : memref<!tpu.dma_semaphore, #tpu.memory_space<semaphore_mem>>
        %dma_start3A = arith.constant 0 : i32
        %dma_start3A_539 = tpu.memref_slice %arg19[%add3A_414, %dma_start3A] : memref<10000x128xf32, #tpu.memory_space<vmem_shared>> -> memref<5x128xf32, #tpu.memory_space<vmem_shared>>
        %dma_start3A_540 = arith.constant 0 : i32
        %dma_start3A_541 = tpu.memref_slice %arg19[%add3A_414, %dma_start3A_540] : memref<10000x128xf32, #tpu.memory_space<vmem_shared>> -> memref<5x128xf32, #tpu.memory_space<vmem_shared>>
        tpu.enqueue_dma source(%arg18 : memref<5x128xf32, #tpu.memory_space<vmem>>) target(%dma_start3A_541 : memref<5x128xf32, #tpu.memory_space<vmem_shared>>) target_semaphore(%run_scoped3A : memref<!tpu.dma_semaphore, #tpu.memory_space<semaphore_mem>>)
        %dma_wait3A = arith.constant 0 : i32
        %dma_wait3A_542 = tpu.memref_slice %arg19[%add3A_414, %dma_wait3A] : memref<10000x128xf32, #tpu.memory_space<vmem_shared>> -> memref<5x128xf32, #tpu.memory_space<vmem_shared>>
        %dma_wait3A_543 = arith.constant 0 : i32
        %dma_wait3A_544 = tpu.memref_slice %arg19[%add3A_414, %dma_wait3A_543] : memref<10000x128xf32, #tpu.memory_space<vmem_shared>> -> memref<5x128xf32, #tpu.memory_space<vmem_shared>>
        tpu.wait_dma2 semaphore(%run_scoped3A : memref<!tpu.dma_semaphore, #tpu.memory_space<semaphore_mem>>) src(%arg18 : memref<5x128xf32, #tpu.memory_space<vmem>>) dst(%dma_wait3A_544 : memref<5x128xf32, #tpu.memory_space<vmem_shared>>)
        tpu.yield
      }) : () -> ()
      %mul3A_415 = arith.constant 625 : i32
      %mul3A_416 = arith.muli %arg1, %mul3A_415 : i32
      %add3A_417 = arith.constant 470 : i32
      %add3A_418 = arith.addi %mul3A_416, %add3A_417 : i32
      "tpu.region"() ({
        %run_scoped3A = tpu.sem_alloc : memref<!tpu.dma_semaphore, #tpu.memory_space<semaphore_mem>>
        %dma_start3A = arith.constant 0 : i32
        %dma_start3A_539 = tpu.memref_slice %arg19[%add3A_418, %dma_start3A] : memref<10000x128xf32, #tpu.memory_space<vmem_shared>> -> memref<5x128xf32, #tpu.memory_space<vmem_shared>>
        %dma_start3A_540 = arith.constant 0 : i32
        %dma_start3A_541 = tpu.memref_slice %arg19[%add3A_418, %dma_start3A_540] : memref<10000x128xf32, #tpu.memory_space<vmem_shared>> -> memref<5x128xf32, #tpu.memory_space<vmem_shared>>
        tpu.enqueue_dma source(%arg18 : memref<5x128xf32, #tpu.memory_space<vmem>>) target(%dma_start3A_541 : memref<5x128xf32, #tpu.memory_space<vmem_shared>>) target_semaphore(%run_scoped3A : memref<!tpu.dma_semaphore, #tpu.memory_space<semaphore_mem>>)
        %dma_wait3A = arith.constant 0 : i32
        %dma_wait3A_542 = tpu.memref_slice %arg19[%add3A_418, %dma_wait3A] : memref<10000x128xf32, #tpu.memory_space<vmem_shared>> -> memref<5x128xf32, #tpu.memory_space<vmem_shared>>
        %dma_wait3A_543 = arith.constant 0 : i32
        %dma_wait3A_544 = tpu.memref_slice %arg19[%add3A_418, %dma_wait3A_543] : memref<10000x128xf32, #tpu.memory_space<vmem_shared>> -> memref<5x128xf32, #tpu.memory_space<vmem_shared>>
        tpu.wait_dma2 semaphore(%run_scoped3A : memref<!tpu.dma_semaphore, #tpu.memory_space<semaphore_mem>>) src(%arg18 : memref<5x128xf32, #tpu.memory_space<vmem>>) dst(%dma_wait3A_544 : memref<5x128xf32, #tpu.memory_space<vmem_shared>>)
        tpu.yield
      }) : () -> ()
      %mul3A_419 = arith.constant 625 : i32
      %mul3A_420 = arith.muli %arg1, %mul3A_419 : i32
      %add3A_421 = arith.constant 475 : i32
      %add3A_422 = arith.addi %mul3A_420, %add3A_421 : i32
      "tpu.region"() ({
        %run_scoped3A = tpu.sem_alloc : memref<!tpu.dma_semaphore, #tpu.memory_space<semaphore_mem>>
        %dma_start3A = arith.constant 0 : i32
        %dma_start3A_539 = tpu.memref_slice %arg19[%add3A_422, %dma_start3A] : memref<10000x128xf32, #tpu.memory_space<vmem_shared>> -> memref<5x128xf32, #tpu.memory_space<vmem_shared>>
        %dma_start3A_540 = arith.constant 0 : i32
        %dma_start3A_541 = tpu.memref_slice %arg19[%add3A_422, %dma_start3A_540] : memref<10000x128xf32, #tpu.memory_space<vmem_shared>> -> memref<5x128xf32, #tpu.memory_space<vmem_shared>>
        tpu.enqueue_dma source(%arg18 : memref<5x128xf32, #tpu.memory_space<vmem>>) target(%dma_start3A_541 : memref<5x128xf32, #tpu.memory_space<vmem_shared>>) target_semaphore(%run_scoped3A : memref<!tpu.dma_semaphore, #tpu.memory_space<semaphore_mem>>)
        %dma_wait3A = arith.constant 0 : i32
        %dma_wait3A_542 = tpu.memref_slice %arg19[%add3A_422, %dma_wait3A] : memref<10000x128xf32, #tpu.memory_space<vmem_shared>> -> memref<5x128xf32, #tpu.memory_space<vmem_shared>>
        %dma_wait3A_543 = arith.constant 0 : i32
        %dma_wait3A_544 = tpu.memref_slice %arg19[%add3A_422, %dma_wait3A_543] : memref<10000x128xf32, #tpu.memory_space<vmem_shared>> -> memref<5x128xf32, #tpu.memory_space<vmem_shared>>
        tpu.wait_dma2 semaphore(%run_scoped3A : memref<!tpu.dma_semaphore, #tpu.memory_space<semaphore_mem>>) src(%arg18 : memref<5x128xf32, #tpu.memory_space<vmem>>) dst(%dma_wait3A_544 : memref<5x128xf32, #tpu.memory_space<vmem_shared>>)
        tpu.yield
      }) : () -> ()
      %mul3A_423 = arith.constant 625 : i32
      %mul3A_424 = arith.muli %arg1, %mul3A_423 : i32
      %add3A_425 = arith.constant 480 : i32
      %add3A_426 = arith.addi %mul3A_424, %add3A_425 : i32
      "tpu.region"() ({
        %run_scoped3A = tpu.sem_alloc : memref<!tpu.dma_semaphore, #tpu.memory_space<semaphore_mem>>
        %dma_start3A = arith.constant 0 : i32
        %dma_start3A_539 = tpu.memref_slice %arg19[%add3A_426, %dma_start3A] : memref<10000x128xf32, #tpu.memory_space<vmem_shared>> -> memref<5x128xf32, #tpu.memory_space<vmem_shared>>
        %dma_start3A_540 = arith.constant 0 : i32
        %dma_start3A_541 = tpu.memref_slice %arg19[%add3A_426, %dma_start3A_540] : memref<10000x128xf32, #tpu.memory_space<vmem_shared>> -> memref<5x128xf32, #tpu.memory_space<vmem_shared>>
        tpu.enqueue_dma source(%arg18 : memref<5x128xf32, #tpu.memory_space<vmem>>) target(%dma_start3A_541 : memref<5x128xf32, #tpu.memory_space<vmem_shared>>) target_semaphore(%run_scoped3A : memref<!tpu.dma_semaphore, #tpu.memory_space<semaphore_mem>>)
        %dma_wait3A = arith.constant 0 : i32
        %dma_wait3A_542 = tpu.memref_slice %arg19[%add3A_426, %dma_wait3A] : memref<10000x128xf32, #tpu.memory_space<vmem_shared>> -> memref<5x128xf32, #tpu.memory_space<vmem_shared>>
        %dma_wait3A_543 = arith.constant 0 : i32
        %dma_wait3A_544 = tpu.memref_slice %arg19[%add3A_426, %dma_wait3A_543] : memref<10000x128xf32, #tpu.memory_space<vmem_shared>> -> memref<5x128xf32, #tpu.memory_space<vmem_shared>>
        tpu.wait_dma2 semaphore(%run_scoped3A : memref<!tpu.dma_semaphore, #tpu.memory_space<semaphore_mem>>) src(%arg18 : memref<5x128xf32, #tpu.memory_space<vmem>>) dst(%dma_wait3A_544 : memref<5x128xf32, #tpu.memory_space<vmem_shared>>)
        tpu.yield
      }) : () -> ()
      %mul3A_427 = arith.constant 625 : i32
      %mul3A_428 = arith.muli %arg1, %mul3A_427 : i32
      %add3A_429 = arith.constant 485 : i32
      %add3A_430 = arith.addi %mul3A_428, %add3A_429 : i32
      "tpu.region"() ({
        %run_scoped3A = tpu.sem_alloc : memref<!tpu.dma_semaphore, #tpu.memory_space<semaphore_mem>>
        %dma_start3A = arith.constant 0 : i32
        %dma_start3A_539 = tpu.memref_slice %arg19[%add3A_430, %dma_start3A] : memref<10000x128xf32, #tpu.memory_space<vmem_shared>> -> memref<5x128xf32, #tpu.memory_space<vmem_shared>>
        %dma_start3A_540 = arith.constant 0 : i32
        %dma_start3A_541 = tpu.memref_slice %arg19[%add3A_430, %dma_start3A_540] : memref<10000x128xf32, #tpu.memory_space<vmem_shared>> -> memref<5x128xf32, #tpu.memory_space<vmem_shared>>
        tpu.enqueue_dma source(%arg18 : memref<5x128xf32, #tpu.memory_space<vmem>>) target(%dma_start3A_541 : memref<5x128xf32, #tpu.memory_space<vmem_shared>>) target_semaphore(%run_scoped3A : memref<!tpu.dma_semaphore, #tpu.memory_space<semaphore_mem>>)
        %dma_wait3A = arith.constant 0 : i32
        %dma_wait3A_542 = tpu.memref_slice %arg19[%add3A_430, %dma_wait3A] : memref<10000x128xf32, #tpu.memory_space<vmem_shared>> -> memref<5x128xf32, #tpu.memory_space<vmem_shared>>
        %dma_wait3A_543 = arith.constant 0 : i32
        %dma_wait3A_544 = tpu.memref_slice %arg19[%add3A_430, %dma_wait3A_543] : memref<10000x128xf32, #tpu.memory_space<vmem_shared>> -> memref<5x128xf32, #tpu.memory_space<vmem_shared>>
        tpu.wait_dma2 semaphore(%run_scoped3A : memref<!tpu.dma_semaphore, #tpu.memory_space<semaphore_mem>>) src(%arg18 : memref<5x128xf32, #tpu.memory_space<vmem>>) dst(%dma_wait3A_544 : memref<5x128xf32, #tpu.memory_space<vmem_shared>>)
        tpu.yield
      }) : () -> ()
      %mul3A_431 = arith.constant 625 : i32
      %mul3A_432 = arith.muli %arg1, %mul3A_431 : i32
      %add3A_433 = arith.constant 490 : i32
      %add3A_434 = arith.addi %mul3A_432, %add3A_433 : i32
      "tpu.region"() ({
        %run_scoped3A = tpu.sem_alloc : memref<!tpu.dma_semaphore, #tpu.memory_space<semaphore_mem>>
        %dma_start3A = arith.constant 0 : i32
        %dma_start3A_539 = tpu.memref_slice %arg19[%add3A_434, %dma_start3A] : memref<10000x128xf32, #tpu.memory_space<vmem_shared>> -> memref<5x128xf32, #tpu.memory_space<vmem_shared>>
        %dma_start3A_540 = arith.constant 0 : i32
        %dma_start3A_541 = tpu.memref_slice %arg19[%add3A_434, %dma_start3A_540] : memref<10000x128xf32, #tpu.memory_space<vmem_shared>> -> memref<5x128xf32, #tpu.memory_space<vmem_shared>>
        tpu.enqueue_dma source(%arg18 : memref<5x128xf32, #tpu.memory_space<vmem>>) target(%dma_start3A_541 : memref<5x128xf32, #tpu.memory_space<vmem_shared>>) target_semaphore(%run_scoped3A : memref<!tpu.dma_semaphore, #tpu.memory_space<semaphore_mem>>)
        %dma_wait3A = arith.constant 0 : i32
        %dma_wait3A_542 = tpu.memref_slice %arg19[%add3A_434, %dma_wait3A] : memref<10000x128xf32, #tpu.memory_space<vmem_shared>> -> memref<5x128xf32, #tpu.memory_space<vmem_shared>>
        %dma_wait3A_543 = arith.constant 0 : i32
        %dma_wait3A_544 = tpu.memref_slice %arg19[%add3A_434, %dma_wait3A_543] : memref<10000x128xf32, #tpu.memory_space<vmem_shared>> -> memref<5x128xf32, #tpu.memory_space<vmem_shared>>
        tpu.wait_dma2 semaphore(%run_scoped3A : memref<!tpu.dma_semaphore, #tpu.memory_space<semaphore_mem>>) src(%arg18 : memref<5x128xf32, #tpu.memory_space<vmem>>) dst(%dma_wait3A_544 : memref<5x128xf32, #tpu.memory_space<vmem_shared>>)
        tpu.yield
      }) : () -> ()
      %mul3A_435 = arith.constant 625 : i32
      %mul3A_436 = arith.muli %arg1, %mul3A_435 : i32
      %add3A_437 = arith.constant 495 : i32
      %add3A_438 = arith.addi %mul3A_436, %add3A_437 : i32
      "tpu.region"() ({
        %run_scoped3A = tpu.sem_alloc : memref<!tpu.dma_semaphore, #tpu.memory_space<semaphore_mem>>
        %dma_start3A = arith.constant 0 : i32
        %dma_start3A_539 = tpu.memref_slice %arg19[%add3A_438, %dma_start3A] : memref<10000x128xf32, #tpu.memory_space<vmem_shared>> -> memref<5x128xf32, #tpu.memory_space<vmem_shared>>
        %dma_start3A_540 = arith.constant 0 : i32
        %dma_start3A_541 = tpu.memref_slice %arg19[%add3A_438, %dma_start3A_540] : memref<10000x128xf32, #tpu.memory_space<vmem_shared>> -> memref<5x128xf32, #tpu.memory_space<vmem_shared>>
        tpu.enqueue_dma source(%arg18 : memref<5x128xf32, #tpu.memory_space<vmem>>) target(%dma_start3A_541 : memref<5x128xf32, #tpu.memory_space<vmem_shared>>) target_semaphore(%run_scoped3A : memref<!tpu.dma_semaphore, #tpu.memory_space<semaphore_mem>>)
        %dma_wait3A = arith.constant 0 : i32
        %dma_wait3A_542 = tpu.memref_slice %arg19[%add3A_438, %dma_wait3A] : memref<10000x128xf32, #tpu.memory_space<vmem_shared>> -> memref<5x128xf32, #tpu.memory_space<vmem_shared>>
        %dma_wait3A_543 = arith.constant 0 : i32
        %dma_wait3A_544 = tpu.memref_slice %arg19[%add3A_438, %dma_wait3A_543] : memref<10000x128xf32, #tpu.memory_space<vmem_shared>> -> memref<5x128xf32, #tpu.memory_space<vmem_shared>>
        tpu.wait_dma2 semaphore(%run_scoped3A : memref<!tpu.dma_semaphore, #tpu.memory_space<semaphore_mem>>) src(%arg18 : memref<5x128xf32, #tpu.memory_space<vmem>>) dst(%dma_wait3A_544 : memref<5x128xf32, #tpu.memory_space<vmem_shared>>)
        tpu.yield
      }) : () -> ()
      %mul3A_439 = arith.constant 625 : i32
      %mul3A_440 = arith.muli %arg1, %mul3A_439 : i32
      %add3A_441 = arith.constant 500 : i32
      %add3A_442 = arith.addi %mul3A_440, %add3A_441 : i32
      "tpu.region"() ({
        %run_scoped3A = tpu.sem_alloc : memref<!tpu.dma_semaphore, #tpu.memory_space<semaphore_mem>>
        %dma_start3A = arith.constant 0 : i32
        %dma_start3A_539 = tpu.memref_slice %arg19[%add3A_442, %dma_start3A] : memref<10000x128xf32, #tpu.memory_space<vmem_shared>> -> memref<5x128xf32, #tpu.memory_space<vmem_shared>>
        %dma_start3A_540 = arith.constant 0 : i32
        %dma_start3A_541 = tpu.memref_slice %arg19[%add3A_442, %dma_start3A_540] : memref<10000x128xf32, #tpu.memory_space<vmem_shared>> -> memref<5x128xf32, #tpu.memory_space<vmem_shared>>
        tpu.enqueue_dma source(%arg18 : memref<5x128xf32, #tpu.memory_space<vmem>>) target(%dma_start3A_541 : memref<5x128xf32, #tpu.memory_space<vmem_shared>>) target_semaphore(%run_scoped3A : memref<!tpu.dma_semaphore, #tpu.memory_space<semaphore_mem>>)
        %dma_wait3A = arith.constant 0 : i32
        %dma_wait3A_542 = tpu.memref_slice %arg19[%add3A_442, %dma_wait3A] : memref<10000x128xf32, #tpu.memory_space<vmem_shared>> -> memref<5x128xf32, #tpu.memory_space<vmem_shared>>
        %dma_wait3A_543 = arith.constant 0 : i32
        %dma_wait3A_544 = tpu.memref_slice %arg19[%add3A_442, %dma_wait3A_543] : memref<10000x128xf32, #tpu.memory_space<vmem_shared>> -> memref<5x128xf32, #tpu.memory_space<vmem_shared>>
        tpu.wait_dma2 semaphore(%run_scoped3A : memref<!tpu.dma_semaphore, #tpu.memory_space<semaphore_mem>>) src(%arg18 : memref<5x128xf32, #tpu.memory_space<vmem>>) dst(%dma_wait3A_544 : memref<5x128xf32, #tpu.memory_space<vmem_shared>>)
        tpu.yield
      }) : () -> ()
      %mul3A_443 = arith.constant 625 : i32
      %mul3A_444 = arith.muli %arg1, %mul3A_443 : i32
      %add3A_445 = arith.constant 505 : i32
      %add3A_446 = arith.addi %mul3A_444, %add3A_445 : i32
      "tpu.region"() ({
        %run_scoped3A = tpu.sem_alloc : memref<!tpu.dma_semaphore, #tpu.memory_space<semaphore_mem>>
        %dma_start3A = arith.constant 0 : i32
        %dma_start3A_539 = tpu.memref_slice %arg19[%add3A_446, %dma_start3A] : memref<10000x128xf32, #tpu.memory_space<vmem_shared>> -> memref<5x128xf32, #tpu.memory_space<vmem_shared>>
        %dma_start3A_540 = arith.constant 0 : i32
        %dma_start3A_541 = tpu.memref_slice %arg19[%add3A_446, %dma_start3A_540] : memref<10000x128xf32, #tpu.memory_space<vmem_shared>> -> memref<5x128xf32, #tpu.memory_space<vmem_shared>>
        tpu.enqueue_dma source(%arg18 : memref<5x128xf32, #tpu.memory_space<vmem>>) target(%dma_start3A_541 : memref<5x128xf32, #tpu.memory_space<vmem_shared>>) target_semaphore(%run_scoped3A : memref<!tpu.dma_semaphore, #tpu.memory_space<semaphore_mem>>)
        %dma_wait3A = arith.constant 0 : i32
        %dma_wait3A_542 = tpu.memref_slice %arg19[%add3A_446, %dma_wait3A] : memref<10000x128xf32, #tpu.memory_space<vmem_shared>> -> memref<5x128xf32, #tpu.memory_space<vmem_shared>>
        %dma_wait3A_543 = arith.constant 0 : i32
        %dma_wait3A_544 = tpu.memref_slice %arg19[%add3A_446, %dma_wait3A_543] : memref<10000x128xf32, #tpu.memory_space<vmem_shared>> -> memref<5x128xf32, #tpu.memory_space<vmem_shared>>
        tpu.wait_dma2 semaphore(%run_scoped3A : memref<!tpu.dma_semaphore, #tpu.memory_space<semaphore_mem>>) src(%arg18 : memref<5x128xf32, #tpu.memory_space<vmem>>) dst(%dma_wait3A_544 : memref<5x128xf32, #tpu.memory_space<vmem_shared>>)
        tpu.yield
      }) : () -> ()
      %mul3A_447 = arith.constant 625 : i32
      %mul3A_448 = arith.muli %arg1, %mul3A_447 : i32
      %add3A_449 = arith.constant 510 : i32
      %add3A_450 = arith.addi %mul3A_448, %add3A_449 : i32
      "tpu.region"() ({
        %run_scoped3A = tpu.sem_alloc : memref<!tpu.dma_semaphore, #tpu.memory_space<semaphore_mem>>
        %dma_start3A = arith.constant 0 : i32
        %dma_start3A_539 = tpu.memref_slice %arg19[%add3A_450, %dma_start3A] : memref<10000x128xf32, #tpu.memory_space<vmem_shared>> -> memref<5x128xf32, #tpu.memory_space<vmem_shared>>
        %dma_start3A_540 = arith.constant 0 : i32
        %dma_start3A_541 = tpu.memref_slice %arg19[%add3A_450, %dma_start3A_540] : memref<10000x128xf32, #tpu.memory_space<vmem_shared>> -> memref<5x128xf32, #tpu.memory_space<vmem_shared>>
        tpu.enqueue_dma source(%arg18 : memref<5x128xf32, #tpu.memory_space<vmem>>) target(%dma_start3A_541 : memref<5x128xf32, #tpu.memory_space<vmem_shared>>) target_semaphore(%run_scoped3A : memref<!tpu.dma_semaphore, #tpu.memory_space<semaphore_mem>>)
        %dma_wait3A = arith.constant 0 : i32
        %dma_wait3A_542 = tpu.memref_slice %arg19[%add3A_450, %dma_wait3A] : memref<10000x128xf32, #tpu.memory_space<vmem_shared>> -> memref<5x128xf32, #tpu.memory_space<vmem_shared>>
        %dma_wait3A_543 = arith.constant 0 : i32
        %dma_wait3A_544 = tpu.memref_slice %arg19[%add3A_450, %dma_wait3A_543] : memref<10000x128xf32, #tpu.memory_space<vmem_shared>> -> memref<5x128xf32, #tpu.memory_space<vmem_shared>>
        tpu.wait_dma2 semaphore(%run_scoped3A : memref<!tpu.dma_semaphore, #tpu.memory_space<semaphore_mem>>) src(%arg18 : memref<5x128xf32, #tpu.memory_space<vmem>>) dst(%dma_wait3A_544 : memref<5x128xf32, #tpu.memory_space<vmem_shared>>)
        tpu.yield
      }) : () -> ()
      %mul3A_451 = arith.constant 625 : i32
      %mul3A_452 = arith.muli %arg1, %mul3A_451 : i32
      %add3A_453 = arith.constant 515 : i32
      %add3A_454 = arith.addi %mul3A_452, %add3A_453 : i32
      "tpu.region"() ({
        %run_scoped3A = tpu.sem_alloc : memref<!tpu.dma_semaphore, #tpu.memory_space<semaphore_mem>>
        %dma_start3A = arith.constant 0 : i32
        %dma_start3A_539 = tpu.memref_slice %arg19[%add3A_454, %dma_start3A] : memref<10000x128xf32, #tpu.memory_space<vmem_shared>> -> memref<5x128xf32, #tpu.memory_space<vmem_shared>>
        %dma_start3A_540 = arith.constant 0 : i32
        %dma_start3A_541 = tpu.memref_slice %arg19[%add3A_454, %dma_start3A_540] : memref<10000x128xf32, #tpu.memory_space<vmem_shared>> -> memref<5x128xf32, #tpu.memory_space<vmem_shared>>
        tpu.enqueue_dma source(%arg18 : memref<5x128xf32, #tpu.memory_space<vmem>>) target(%dma_start3A_541 : memref<5x128xf32, #tpu.memory_space<vmem_shared>>) target_semaphore(%run_scoped3A : memref<!tpu.dma_semaphore, #tpu.memory_space<semaphore_mem>>)
        %dma_wait3A = arith.constant 0 : i32
        %dma_wait3A_542 = tpu.memref_slice %arg19[%add3A_454, %dma_wait3A] : memref<10000x128xf32, #tpu.memory_space<vmem_shared>> -> memref<5x128xf32, #tpu.memory_space<vmem_shared>>
        %dma_wait3A_543 = arith.constant 0 : i32
        %dma_wait3A_544 = tpu.memref_slice %arg19[%add3A_454, %dma_wait3A_543] : memref<10000x128xf32, #tpu.memory_space<vmem_shared>> -> memref<5x128xf32, #tpu.memory_space<vmem_shared>>
        tpu.wait_dma2 semaphore(%run_scoped3A : memref<!tpu.dma_semaphore, #tpu.memory_space<semaphore_mem>>) src(%arg18 : memref<5x128xf32, #tpu.memory_space<vmem>>) dst(%dma_wait3A_544 : memref<5x128xf32, #tpu.memory_space<vmem_shared>>)
        tpu.yield
      }) : () -> ()
      %mul3A_455 = arith.constant 625 : i32
      %mul3A_456 = arith.muli %arg1, %mul3A_455 : i32
      %add3A_457 = arith.constant 520 : i32
      %add3A_458 = arith.addi %mul3A_456, %add3A_457 : i32
      "tpu.region"() ({
        %run_scoped3A = tpu.sem_alloc : memref<!tpu.dma_semaphore, #tpu.memory_space<semaphore_mem>>
        %dma_start3A = arith.constant 0 : i32
        %dma_start3A_539 = tpu.memref_slice %arg19[%add3A_458, %dma_start3A] : memref<10000x128xf32, #tpu.memory_space<vmem_shared>> -> memref<5x128xf32, #tpu.memory_space<vmem_shared>>
        %dma_start3A_540 = arith.constant 0 : i32
        %dma_start3A_541 = tpu.memref_slice %arg19[%add3A_458, %dma_start3A_540] : memref<10000x128xf32, #tpu.memory_space<vmem_shared>> -> memref<5x128xf32, #tpu.memory_space<vmem_shared>>
        tpu.enqueue_dma source(%arg18 : memref<5x128xf32, #tpu.memory_space<vmem>>) target(%dma_start3A_541 : memref<5x128xf32, #tpu.memory_space<vmem_shared>>) target_semaphore(%run_scoped3A : memref<!tpu.dma_semaphore, #tpu.memory_space<semaphore_mem>>)
        %dma_wait3A = arith.constant 0 : i32
        %dma_wait3A_542 = tpu.memref_slice %arg19[%add3A_458, %dma_wait3A] : memref<10000x128xf32, #tpu.memory_space<vmem_shared>> -> memref<5x128xf32, #tpu.memory_space<vmem_shared>>
        %dma_wait3A_543 = arith.constant 0 : i32
        %dma_wait3A_544 = tpu.memref_slice %arg19[%add3A_458, %dma_wait3A_543] : memref<10000x128xf32, #tpu.memory_space<vmem_shared>> -> memref<5x128xf32, #tpu.memory_space<vmem_shared>>
        tpu.wait_dma2 semaphore(%run_scoped3A : memref<!tpu.dma_semaphore, #tpu.memory_space<semaphore_mem>>) src(%arg18 : memref<5x128xf32, #tpu.memory_space<vmem>>) dst(%dma_wait3A_544 : memref<5x128xf32, #tpu.memory_space<vmem_shared>>)
        tpu.yield
      }) : () -> ()
      %mul3A_459 = arith.constant 625 : i32
      %mul3A_460 = arith.muli %arg1, %mul3A_459 : i32
      %add3A_461 = arith.constant 525 : i32
      %add3A_462 = arith.addi %mul3A_460, %add3A_461 : i32
      "tpu.region"() ({
        %run_scoped3A = tpu.sem_alloc : memref<!tpu.dma_semaphore, #tpu.memory_space<semaphore_mem>>
        %dma_start3A = arith.constant 0 : i32
        %dma_start3A_539 = tpu.memref_slice %arg19[%add3A_462, %dma_start3A] : memref<10000x128xf32, #tpu.memory_space<vmem_shared>> -> memref<5x128xf32, #tpu.memory_space<vmem_shared>>
        %dma_start3A_540 = arith.constant 0 : i32
        %dma_start3A_541 = tpu.memref_slice %arg19[%add3A_462, %dma_start3A_540] : memref<10000x128xf32, #tpu.memory_space<vmem_shared>> -> memref<5x128xf32, #tpu.memory_space<vmem_shared>>
        tpu.enqueue_dma source(%arg18 : memref<5x128xf32, #tpu.memory_space<vmem>>) target(%dma_start3A_541 : memref<5x128xf32, #tpu.memory_space<vmem_shared>>) target_semaphore(%run_scoped3A : memref<!tpu.dma_semaphore, #tpu.memory_space<semaphore_mem>>)
        %dma_wait3A = arith.constant 0 : i32
        %dma_wait3A_542 = tpu.memref_slice %arg19[%add3A_462, %dma_wait3A] : memref<10000x128xf32, #tpu.memory_space<vmem_shared>> -> memref<5x128xf32, #tpu.memory_space<vmem_shared>>
        %dma_wait3A_543 = arith.constant 0 : i32
        %dma_wait3A_544 = tpu.memref_slice %arg19[%add3A_462, %dma_wait3A_543] : memref<10000x128xf32, #tpu.memory_space<vmem_shared>> -> memref<5x128xf32, #tpu.memory_space<vmem_shared>>
        tpu.wait_dma2 semaphore(%run_scoped3A : memref<!tpu.dma_semaphore, #tpu.memory_space<semaphore_mem>>) src(%arg18 : memref<5x128xf32, #tpu.memory_space<vmem>>) dst(%dma_wait3A_544 : memref<5x128xf32, #tpu.memory_space<vmem_shared>>)
        tpu.yield
      }) : () -> ()
      %mul3A_463 = arith.constant 625 : i32
      %mul3A_464 = arith.muli %arg1, %mul3A_463 : i32
      %add3A_465 = arith.constant 530 : i32
      %add3A_466 = arith.addi %mul3A_464, %add3A_465 : i32
      "tpu.region"() ({
        %run_scoped3A = tpu.sem_alloc : memref<!tpu.dma_semaphore, #tpu.memory_space<semaphore_mem>>
        %dma_start3A = arith.constant 0 : i32
        %dma_start3A_539 = tpu.memref_slice %arg19[%add3A_466, %dma_start3A] : memref<10000x128xf32, #tpu.memory_space<vmem_shared>> -> memref<5x128xf32, #tpu.memory_space<vmem_shared>>
        %dma_start3A_540 = arith.constant 0 : i32
        %dma_start3A_541 = tpu.memref_slice %arg19[%add3A_466, %dma_start3A_540] : memref<10000x128xf32, #tpu.memory_space<vmem_shared>> -> memref<5x128xf32, #tpu.memory_space<vmem_shared>>
        tpu.enqueue_dma source(%arg18 : memref<5x128xf32, #tpu.memory_space<vmem>>) target(%dma_start3A_541 : memref<5x128xf32, #tpu.memory_space<vmem_shared>>) target_semaphore(%run_scoped3A : memref<!tpu.dma_semaphore, #tpu.memory_space<semaphore_mem>>)
        %dma_wait3A = arith.constant 0 : i32
        %dma_wait3A_542 = tpu.memref_slice %arg19[%add3A_466, %dma_wait3A] : memref<10000x128xf32, #tpu.memory_space<vmem_shared>> -> memref<5x128xf32, #tpu.memory_space<vmem_shared>>
        %dma_wait3A_543 = arith.constant 0 : i32
        %dma_wait3A_544 = tpu.memref_slice %arg19[%add3A_466, %dma_wait3A_543] : memref<10000x128xf32, #tpu.memory_space<vmem_shared>> -> memref<5x128xf32, #tpu.memory_space<vmem_shared>>
        tpu.wait_dma2 semaphore(%run_scoped3A : memref<!tpu.dma_semaphore, #tpu.memory_space<semaphore_mem>>) src(%arg18 : memref<5x128xf32, #tpu.memory_space<vmem>>) dst(%dma_wait3A_544 : memref<5x128xf32, #tpu.memory_space<vmem_shared>>)
        tpu.yield
      }) : () -> ()
      %mul3A_467 = arith.constant 625 : i32
      %mul3A_468 = arith.muli %arg1, %mul3A_467 : i32
      %add3A_469 = arith.constant 535 : i32
      %add3A_470 = arith.addi %mul3A_468, %add3A_469 : i32
      "tpu.region"() ({
        %run_scoped3A = tpu.sem_alloc : memref<!tpu.dma_semaphore, #tpu.memory_space<semaphore_mem>>
        %dma_start3A = arith.constant 0 : i32
        %dma_start3A_539 = tpu.memref_slice %arg19[%add3A_470, %dma_start3A] : memref<10000x128xf32, #tpu.memory_space<vmem_shared>> -> memref<5x128xf32, #tpu.memory_space<vmem_shared>>
        %dma_start3A_540 = arith.constant 0 : i32
        %dma_start3A_541 = tpu.memref_slice %arg19[%add3A_470, %dma_start3A_540] : memref<10000x128xf32, #tpu.memory_space<vmem_shared>> -> memref<5x128xf32, #tpu.memory_space<vmem_shared>>
        tpu.enqueue_dma source(%arg18 : memref<5x128xf32, #tpu.memory_space<vmem>>) target(%dma_start3A_541 : memref<5x128xf32, #tpu.memory_space<vmem_shared>>) target_semaphore(%run_scoped3A : memref<!tpu.dma_semaphore, #tpu.memory_space<semaphore_mem>>)
        %dma_wait3A = arith.constant 0 : i32
        %dma_wait3A_542 = tpu.memref_slice %arg19[%add3A_470, %dma_wait3A] : memref<10000x128xf32, #tpu.memory_space<vmem_shared>> -> memref<5x128xf32, #tpu.memory_space<vmem_shared>>
        %dma_wait3A_543 = arith.constant 0 : i32
        %dma_wait3A_544 = tpu.memref_slice %arg19[%add3A_470, %dma_wait3A_543] : memref<10000x128xf32, #tpu.memory_space<vmem_shared>> -> memref<5x128xf32, #tpu.memory_space<vmem_shared>>
        tpu.wait_dma2 semaphore(%run_scoped3A : memref<!tpu.dma_semaphore, #tpu.memory_space<semaphore_mem>>) src(%arg18 : memref<5x128xf32, #tpu.memory_space<vmem>>) dst(%dma_wait3A_544 : memref<5x128xf32, #tpu.memory_space<vmem_shared>>)
        tpu.yield
      }) : () -> ()
      %mul3A_471 = arith.constant 625 : i32
      %mul3A_472 = arith.muli %arg1, %mul3A_471 : i32
      %add3A_473 = arith.constant 540 : i32
      %add3A_474 = arith.addi %mul3A_472, %add3A_473 : i32
      "tpu.region"() ({
        %run_scoped3A = tpu.sem_alloc : memref<!tpu.dma_semaphore, #tpu.memory_space<semaphore_mem>>
        %dma_start3A = arith.constant 0 : i32
        %dma_start3A_539 = tpu.memref_slice %arg19[%add3A_474, %dma_start3A] : memref<10000x128xf32, #tpu.memory_space<vmem_shared>> -> memref<5x128xf32, #tpu.memory_space<vmem_shared>>
        %dma_start3A_540 = arith.constant 0 : i32
        %dma_start3A_541 = tpu.memref_slice %arg19[%add3A_474, %dma_start3A_540] : memref<10000x128xf32, #tpu.memory_space<vmem_shared>> -> memref<5x128xf32, #tpu.memory_space<vmem_shared>>
        tpu.enqueue_dma source(%arg18 : memref<5x128xf32, #tpu.memory_space<vmem>>) target(%dma_start3A_541 : memref<5x128xf32, #tpu.memory_space<vmem_shared>>) target_semaphore(%run_scoped3A : memref<!tpu.dma_semaphore, #tpu.memory_space<semaphore_mem>>)
        %dma_wait3A = arith.constant 0 : i32
        %dma_wait3A_542 = tpu.memref_slice %arg19[%add3A_474, %dma_wait3A] : memref<10000x128xf32, #tpu.memory_space<vmem_shared>> -> memref<5x128xf32, #tpu.memory_space<vmem_shared>>
        %dma_wait3A_543 = arith.constant 0 : i32
        %dma_wait3A_544 = tpu.memref_slice %arg19[%add3A_474, %dma_wait3A_543] : memref<10000x128xf32, #tpu.memory_space<vmem_shared>> -> memref<5x128xf32, #tpu.memory_space<vmem_shared>>
        tpu.wait_dma2 semaphore(%run_scoped3A : memref<!tpu.dma_semaphore, #tpu.memory_space<semaphore_mem>>) src(%arg18 : memref<5x128xf32, #tpu.memory_space<vmem>>) dst(%dma_wait3A_544 : memref<5x128xf32, #tpu.memory_space<vmem_shared>>)
        tpu.yield
      }) : () -> ()
      %mul3A_475 = arith.constant 625 : i32
      %mul3A_476 = arith.muli %arg1, %mul3A_475 : i32
      %add3A_477 = arith.constant 545 : i32
      %add3A_478 = arith.addi %mul3A_476, %add3A_477 : i32
      "tpu.region"() ({
        %run_scoped3A = tpu.sem_alloc : memref<!tpu.dma_semaphore, #tpu.memory_space<semaphore_mem>>
        %dma_start3A = arith.constant 0 : i32
        %dma_start3A_539 = tpu.memref_slice %arg19[%add3A_478, %dma_start3A] : memref<10000x128xf32, #tpu.memory_space<vmem_shared>> -> memref<5x128xf32, #tpu.memory_space<vmem_shared>>
        %dma_start3A_540 = arith.constant 0 : i32
        %dma_start3A_541 = tpu.memref_slice %arg19[%add3A_478, %dma_start3A_540] : memref<10000x128xf32, #tpu.memory_space<vmem_shared>> -> memref<5x128xf32, #tpu.memory_space<vmem_shared>>
        tpu.enqueue_dma source(%arg18 : memref<5x128xf32, #tpu.memory_space<vmem>>) target(%dma_start3A_541 : memref<5x128xf32, #tpu.memory_space<vmem_shared>>) target_semaphore(%run_scoped3A : memref<!tpu.dma_semaphore, #tpu.memory_space<semaphore_mem>>)
        %dma_wait3A = arith.constant 0 : i32
        %dma_wait3A_542 = tpu.memref_slice %arg19[%add3A_478, %dma_wait3A] : memref<10000x128xf32, #tpu.memory_space<vmem_shared>> -> memref<5x128xf32, #tpu.memory_space<vmem_shared>>
        %dma_wait3A_543 = arith.constant 0 : i32
        %dma_wait3A_544 = tpu.memref_slice %arg19[%add3A_478, %dma_wait3A_543] : memref<10000x128xf32, #tpu.memory_space<vmem_shared>> -> memref<5x128xf32, #tpu.memory_space<vmem_shared>>
        tpu.wait_dma2 semaphore(%run_scoped3A : memref<!tpu.dma_semaphore, #tpu.memory_space<semaphore_mem>>) src(%arg18 : memref<5x128xf32, #tpu.memory_space<vmem>>) dst(%dma_wait3A_544 : memref<5x128xf32, #tpu.memory_space<vmem_shared>>)
        tpu.yield
      }) : () -> ()
      %mul3A_479 = arith.constant 625 : i32
      %mul3A_480 = arith.muli %arg1, %mul3A_479 : i32
      %add3A_481 = arith.constant 550 : i32
      %add3A_482 = arith.addi %mul3A_480, %add3A_481 : i32
      "tpu.region"() ({
        %run_scoped3A = tpu.sem_alloc : memref<!tpu.dma_semaphore, #tpu.memory_space<semaphore_mem>>
        %dma_start3A = arith.constant 0 : i32
        %dma_start3A_539 = tpu.memref_slice %arg19[%add3A_482, %dma_start3A] : memref<10000x128xf32, #tpu.memory_space<vmem_shared>> -> memref<5x128xf32, #tpu.memory_space<vmem_shared>>
        %dma_start3A_540 = arith.constant 0 : i32
        %dma_start3A_541 = tpu.memref_slice %arg19[%add3A_482, %dma_start3A_540] : memref<10000x128xf32, #tpu.memory_space<vmem_shared>> -> memref<5x128xf32, #tpu.memory_space<vmem_shared>>
        tpu.enqueue_dma source(%arg18 : memref<5x128xf32, #tpu.memory_space<vmem>>) target(%dma_start3A_541 : memref<5x128xf32, #tpu.memory_space<vmem_shared>>) target_semaphore(%run_scoped3A : memref<!tpu.dma_semaphore, #tpu.memory_space<semaphore_mem>>)
        %dma_wait3A = arith.constant 0 : i32
        %dma_wait3A_542 = tpu.memref_slice %arg19[%add3A_482, %dma_wait3A] : memref<10000x128xf32, #tpu.memory_space<vmem_shared>> -> memref<5x128xf32, #tpu.memory_space<vmem_shared>>
        %dma_wait3A_543 = arith.constant 0 : i32
        %dma_wait3A_544 = tpu.memref_slice %arg19[%add3A_482, %dma_wait3A_543] : memref<10000x128xf32, #tpu.memory_space<vmem_shared>> -> memref<5x128xf32, #tpu.memory_space<vmem_shared>>
        tpu.wait_dma2 semaphore(%run_scoped3A : memref<!tpu.dma_semaphore, #tpu.memory_space<semaphore_mem>>) src(%arg18 : memref<5x128xf32, #tpu.memory_space<vmem>>) dst(%dma_wait3A_544 : memref<5x128xf32, #tpu.memory_space<vmem_shared>>)
        tpu.yield
      }) : () -> ()
      %mul3A_483 = arith.constant 625 : i32
      %mul3A_484 = arith.muli %arg1, %mul3A_483 : i32
      %add3A_485 = arith.constant 555 : i32
      %add3A_486 = arith.addi %mul3A_484, %add3A_485 : i32
      "tpu.region"() ({
        %run_scoped3A = tpu.sem_alloc : memref<!tpu.dma_semaphore, #tpu.memory_space<semaphore_mem>>
        %dma_start3A = arith.constant 0 : i32
        %dma_start3A_539 = tpu.memref_slice %arg19[%add3A_486, %dma_start3A] : memref<10000x128xf32, #tpu.memory_space<vmem_shared>> -> memref<5x128xf32, #tpu.memory_space<vmem_shared>>
        %dma_start3A_540 = arith.constant 0 : i32
        %dma_start3A_541 = tpu.memref_slice %arg19[%add3A_486, %dma_start3A_540] : memref<10000x128xf32, #tpu.memory_space<vmem_shared>> -> memref<5x128xf32, #tpu.memory_space<vmem_shared>>
        tpu.enqueue_dma source(%arg18 : memref<5x128xf32, #tpu.memory_space<vmem>>) target(%dma_start3A_541 : memref<5x128xf32, #tpu.memory_space<vmem_shared>>) target_semaphore(%run_scoped3A : memref<!tpu.dma_semaphore, #tpu.memory_space<semaphore_mem>>)
        %dma_wait3A = arith.constant 0 : i32
        %dma_wait3A_542 = tpu.memref_slice %arg19[%add3A_486, %dma_wait3A] : memref<10000x128xf32, #tpu.memory_space<vmem_shared>> -> memref<5x128xf32, #tpu.memory_space<vmem_shared>>
        %dma_wait3A_543 = arith.constant 0 : i32
        %dma_wait3A_544 = tpu.memref_slice %arg19[%add3A_486, %dma_wait3A_543] : memref<10000x128xf32, #tpu.memory_space<vmem_shared>> -> memref<5x128xf32, #tpu.memory_space<vmem_shared>>
        tpu.wait_dma2 semaphore(%run_scoped3A : memref<!tpu.dma_semaphore, #tpu.memory_space<semaphore_mem>>) src(%arg18 : memref<5x128xf32, #tpu.memory_space<vmem>>) dst(%dma_wait3A_544 : memref<5x128xf32, #tpu.memory_space<vmem_shared>>)
        tpu.yield
      }) : () -> ()
      %mul3A_487 = arith.constant 625 : i32
      %mul3A_488 = arith.muli %arg1, %mul3A_487 : i32
      %add3A_489 = arith.constant 560 : i32
      %add3A_490 = arith.addi %mul3A_488, %add3A_489 : i32
      "tpu.region"() ({
        %run_scoped3A = tpu.sem_alloc : memref<!tpu.dma_semaphore, #tpu.memory_space<semaphore_mem>>
        %dma_start3A = arith.constant 0 : i32
        %dma_start3A_539 = tpu.memref_slice %arg19[%add3A_490, %dma_start3A] : memref<10000x128xf32, #tpu.memory_space<vmem_shared>> -> memref<5x128xf32, #tpu.memory_space<vmem_shared>>
        %dma_start3A_540 = arith.constant 0 : i32
        %dma_start3A_541 = tpu.memref_slice %arg19[%add3A_490, %dma_start3A_540] : memref<10000x128xf32, #tpu.memory_space<vmem_shared>> -> memref<5x128xf32, #tpu.memory_space<vmem_shared>>
        tpu.enqueue_dma source(%arg18 : memref<5x128xf32, #tpu.memory_space<vmem>>) target(%dma_start3A_541 : memref<5x128xf32, #tpu.memory_space<vmem_shared>>) target_semaphore(%run_scoped3A : memref<!tpu.dma_semaphore, #tpu.memory_space<semaphore_mem>>)
        %dma_wait3A = arith.constant 0 : i32
        %dma_wait3A_542 = tpu.memref_slice %arg19[%add3A_490, %dma_wait3A] : memref<10000x128xf32, #tpu.memory_space<vmem_shared>> -> memref<5x128xf32, #tpu.memory_space<vmem_shared>>
        %dma_wait3A_543 = arith.constant 0 : i32
        %dma_wait3A_544 = tpu.memref_slice %arg19[%add3A_490, %dma_wait3A_543] : memref<10000x128xf32, #tpu.memory_space<vmem_shared>> -> memref<5x128xf32, #tpu.memory_space<vmem_shared>>
        tpu.wait_dma2 semaphore(%run_scoped3A : memref<!tpu.dma_semaphore, #tpu.memory_space<semaphore_mem>>) src(%arg18 : memref<5x128xf32, #tpu.memory_space<vmem>>) dst(%dma_wait3A_544 : memref<5x128xf32, #tpu.memory_space<vmem_shared>>)
        tpu.yield
      }) : () -> ()
      %mul3A_491 = arith.constant 625 : i32
      %mul3A_492 = arith.muli %arg1, %mul3A_491 : i32
      %add3A_493 = arith.constant 565 : i32
      %add3A_494 = arith.addi %mul3A_492, %add3A_493 : i32
      "tpu.region"() ({
        %run_scoped3A = tpu.sem_alloc : memref<!tpu.dma_semaphore, #tpu.memory_space<semaphore_mem>>
        %dma_start3A = arith.constant 0 : i32
        %dma_start3A_539 = tpu.memref_slice %arg19[%add3A_494, %dma_start3A] : memref<10000x128xf32, #tpu.memory_space<vmem_shared>> -> memref<5x128xf32, #tpu.memory_space<vmem_shared>>
        %dma_start3A_540 = arith.constant 0 : i32
        %dma_start3A_541 = tpu.memref_slice %arg19[%add3A_494, %dma_start3A_540] : memref<10000x128xf32, #tpu.memory_space<vmem_shared>> -> memref<5x128xf32, #tpu.memory_space<vmem_shared>>
        tpu.enqueue_dma source(%arg18 : memref<5x128xf32, #tpu.memory_space<vmem>>) target(%dma_start3A_541 : memref<5x128xf32, #tpu.memory_space<vmem_shared>>) target_semaphore(%run_scoped3A : memref<!tpu.dma_semaphore, #tpu.memory_space<semaphore_mem>>)
        %dma_wait3A = arith.constant 0 : i32
        %dma_wait3A_542 = tpu.memref_slice %arg19[%add3A_494, %dma_wait3A] : memref<10000x128xf32, #tpu.memory_space<vmem_shared>> -> memref<5x128xf32, #tpu.memory_space<vmem_shared>>
        %dma_wait3A_543 = arith.constant 0 : i32
        %dma_wait3A_544 = tpu.memref_slice %arg19[%add3A_494, %dma_wait3A_543] : memref<10000x128xf32, #tpu.memory_space<vmem_shared>> -> memref<5x128xf32, #tpu.memory_space<vmem_shared>>
        tpu.wait_dma2 semaphore(%run_scoped3A : memref<!tpu.dma_semaphore, #tpu.memory_space<semaphore_mem>>) src(%arg18 : memref<5x128xf32, #tpu.memory_space<vmem>>) dst(%dma_wait3A_544 : memref<5x128xf32, #tpu.memory_space<vmem_shared>>)
        tpu.yield
      }) : () -> ()
      %mul3A_495 = arith.constant 625 : i32
      %mul3A_496 = arith.muli %arg1, %mul3A_495 : i32
      %add3A_497 = arith.constant 570 : i32
      %add3A_498 = arith.addi %mul3A_496, %add3A_497 : i32
      "tpu.region"() ({
        %run_scoped3A = tpu.sem_alloc : memref<!tpu.dma_semaphore, #tpu.memory_space<semaphore_mem>>
        %dma_start3A = arith.constant 0 : i32
        %dma_start3A_539 = tpu.memref_slice %arg19[%add3A_498, %dma_start3A] : memref<10000x128xf32, #tpu.memory_space<vmem_shared>> -> memref<5x128xf32, #tpu.memory_space<vmem_shared>>
        %dma_start3A_540 = arith.constant 0 : i32
        %dma_start3A_541 = tpu.memref_slice %arg19[%add3A_498, %dma_start3A_540] : memref<10000x128xf32, #tpu.memory_space<vmem_shared>> -> memref<5x128xf32, #tpu.memory_space<vmem_shared>>
        tpu.enqueue_dma source(%arg18 : memref<5x128xf32, #tpu.memory_space<vmem>>) target(%dma_start3A_541 : memref<5x128xf32, #tpu.memory_space<vmem_shared>>) target_semaphore(%run_scoped3A : memref<!tpu.dma_semaphore, #tpu.memory_space<semaphore_mem>>)
        %dma_wait3A = arith.constant 0 : i32
        %dma_wait3A_542 = tpu.memref_slice %arg19[%add3A_498, %dma_wait3A] : memref<10000x128xf32, #tpu.memory_space<vmem_shared>> -> memref<5x128xf32, #tpu.memory_space<vmem_shared>>
        %dma_wait3A_543 = arith.constant 0 : i32
        %dma_wait3A_544 = tpu.memref_slice %arg19[%add3A_498, %dma_wait3A_543] : memref<10000x128xf32, #tpu.memory_space<vmem_shared>> -> memref<5x128xf32, #tpu.memory_space<vmem_shared>>
        tpu.wait_dma2 semaphore(%run_scoped3A : memref<!tpu.dma_semaphore, #tpu.memory_space<semaphore_mem>>) src(%arg18 : memref<5x128xf32, #tpu.memory_space<vmem>>) dst(%dma_wait3A_544 : memref<5x128xf32, #tpu.memory_space<vmem_shared>>)
        tpu.yield
      }) : () -> ()
      %mul3A_499 = arith.constant 625 : i32
      %mul3A_500 = arith.muli %arg1, %mul3A_499 : i32
      %add3A_501 = arith.constant 575 : i32
      %add3A_502 = arith.addi %mul3A_500, %add3A_501 : i32
      "tpu.region"() ({
        %run_scoped3A = tpu.sem_alloc : memref<!tpu.dma_semaphore, #tpu.memory_space<semaphore_mem>>
        %dma_start3A = arith.constant 0 : i32
        %dma_start3A_539 = tpu.memref_slice %arg19[%add3A_502, %dma_start3A] : memref<10000x128xf32, #tpu.memory_space<vmem_shared>> -> memref<5x128xf32, #tpu.memory_space<vmem_shared>>
        %dma_start3A_540 = arith.constant 0 : i32
        %dma_start3A_541 = tpu.memref_slice %arg19[%add3A_502, %dma_start3A_540] : memref<10000x128xf32, #tpu.memory_space<vmem_shared>> -> memref<5x128xf32, #tpu.memory_space<vmem_shared>>
        tpu.enqueue_dma source(%arg18 : memref<5x128xf32, #tpu.memory_space<vmem>>) target(%dma_start3A_541 : memref<5x128xf32, #tpu.memory_space<vmem_shared>>) target_semaphore(%run_scoped3A : memref<!tpu.dma_semaphore, #tpu.memory_space<semaphore_mem>>)
        %dma_wait3A = arith.constant 0 : i32
        %dma_wait3A_542 = tpu.memref_slice %arg19[%add3A_502, %dma_wait3A] : memref<10000x128xf32, #tpu.memory_space<vmem_shared>> -> memref<5x128xf32, #tpu.memory_space<vmem_shared>>
        %dma_wait3A_543 = arith.constant 0 : i32
        %dma_wait3A_544 = tpu.memref_slice %arg19[%add3A_502, %dma_wait3A_543] : memref<10000x128xf32, #tpu.memory_space<vmem_shared>> -> memref<5x128xf32, #tpu.memory_space<vmem_shared>>
        tpu.wait_dma2 semaphore(%run_scoped3A : memref<!tpu.dma_semaphore, #tpu.memory_space<semaphore_mem>>) src(%arg18 : memref<5x128xf32, #tpu.memory_space<vmem>>) dst(%dma_wait3A_544 : memref<5x128xf32, #tpu.memory_space<vmem_shared>>)
        tpu.yield
      }) : () -> ()
      %mul3A_503 = arith.constant 625 : i32
      %mul3A_504 = arith.muli %arg1, %mul3A_503 : i32
      %add3A_505 = arith.constant 580 : i32
      %add3A_506 = arith.addi %mul3A_504, %add3A_505 : i32
      "tpu.region"() ({
        %run_scoped3A = tpu.sem_alloc : memref<!tpu.dma_semaphore, #tpu.memory_space<semaphore_mem>>
        %dma_start3A = arith.constant 0 : i32
        %dma_start3A_539 = tpu.memref_slice %arg19[%add3A_506, %dma_start3A] : memref<10000x128xf32, #tpu.memory_space<vmem_shared>> -> memref<5x128xf32, #tpu.memory_space<vmem_shared>>
        %dma_start3A_540 = arith.constant 0 : i32
        %dma_start3A_541 = tpu.memref_slice %arg19[%add3A_506, %dma_start3A_540] : memref<10000x128xf32, #tpu.memory_space<vmem_shared>> -> memref<5x128xf32, #tpu.memory_space<vmem_shared>>
        tpu.enqueue_dma source(%arg18 : memref<5x128xf32, #tpu.memory_space<vmem>>) target(%dma_start3A_541 : memref<5x128xf32, #tpu.memory_space<vmem_shared>>) target_semaphore(%run_scoped3A : memref<!tpu.dma_semaphore, #tpu.memory_space<semaphore_mem>>)
        %dma_wait3A = arith.constant 0 : i32
        %dma_wait3A_542 = tpu.memref_slice %arg19[%add3A_506, %dma_wait3A] : memref<10000x128xf32, #tpu.memory_space<vmem_shared>> -> memref<5x128xf32, #tpu.memory_space<vmem_shared>>
        %dma_wait3A_543 = arith.constant 0 : i32
        %dma_wait3A_544 = tpu.memref_slice %arg19[%add3A_506, %dma_wait3A_543] : memref<10000x128xf32, #tpu.memory_space<vmem_shared>> -> memref<5x128xf32, #tpu.memory_space<vmem_shared>>
        tpu.wait_dma2 semaphore(%run_scoped3A : memref<!tpu.dma_semaphore, #tpu.memory_space<semaphore_mem>>) src(%arg18 : memref<5x128xf32, #tpu.memory_space<vmem>>) dst(%dma_wait3A_544 : memref<5x128xf32, #tpu.memory_space<vmem_shared>>)
        tpu.yield
      }) : () -> ()
      %mul3A_507 = arith.constant 625 : i32
      %mul3A_508 = arith.muli %arg1, %mul3A_507 : i32
      %add3A_509 = arith.constant 585 : i32
      %add3A_510 = arith.addi %mul3A_508, %add3A_509 : i32
      "tpu.region"() ({
        %run_scoped3A = tpu.sem_alloc : memref<!tpu.dma_semaphore, #tpu.memory_space<semaphore_mem>>
        %dma_start3A = arith.constant 0 : i32
        %dma_start3A_539 = tpu.memref_slice %arg19[%add3A_510, %dma_start3A] : memref<10000x128xf32, #tpu.memory_space<vmem_shared>> -> memref<5x128xf32, #tpu.memory_space<vmem_shared>>
        %dma_start3A_540 = arith.constant 0 : i32
        %dma_start3A_541 = tpu.memref_slice %arg19[%add3A_510, %dma_start3A_540] : memref<10000x128xf32, #tpu.memory_space<vmem_shared>> -> memref<5x128xf32, #tpu.memory_space<vmem_shared>>
        tpu.enqueue_dma source(%arg18 : memref<5x128xf32, #tpu.memory_space<vmem>>) target(%dma_start3A_541 : memref<5x128xf32, #tpu.memory_space<vmem_shared>>) target_semaphore(%run_scoped3A : memref<!tpu.dma_semaphore, #tpu.memory_space<semaphore_mem>>)
        %dma_wait3A = arith.constant 0 : i32
        %dma_wait3A_542 = tpu.memref_slice %arg19[%add3A_510, %dma_wait3A] : memref<10000x128xf32, #tpu.memory_space<vmem_shared>> -> memref<5x128xf32, #tpu.memory_space<vmem_shared>>
        %dma_wait3A_543 = arith.constant 0 : i32
        %dma_wait3A_544 = tpu.memref_slice %arg19[%add3A_510, %dma_wait3A_543] : memref<10000x128xf32, #tpu.memory_space<vmem_shared>> -> memref<5x128xf32, #tpu.memory_space<vmem_shared>>
        tpu.wait_dma2 semaphore(%run_scoped3A : memref<!tpu.dma_semaphore, #tpu.memory_space<semaphore_mem>>) src(%arg18 : memref<5x128xf32, #tpu.memory_space<vmem>>) dst(%dma_wait3A_544 : memref<5x128xf32, #tpu.memory_space<vmem_shared>>)
        tpu.yield
      }) : () -> ()
      %mul3A_511 = arith.constant 625 : i32
      %mul3A_512 = arith.muli %arg1, %mul3A_511 : i32
      %add3A_513 = arith.constant 590 : i32
      %add3A_514 = arith.addi %mul3A_512, %add3A_513 : i32
      "tpu.region"() ({
        %run_scoped3A = tpu.sem_alloc : memref<!tpu.dma_semaphore, #tpu.memory_space<semaphore_mem>>
        %dma_start3A = arith.constant 0 : i32
        %dma_start3A_539 = tpu.memref_slice %arg19[%add3A_514, %dma_start3A] : memref<10000x128xf32, #tpu.memory_space<vmem_shared>> -> memref<5x128xf32, #tpu.memory_space<vmem_shared>>
        %dma_start3A_540 = arith.constant 0 : i32
        %dma_start3A_541 = tpu.memref_slice %arg19[%add3A_514, %dma_start3A_540] : memref<10000x128xf32, #tpu.memory_space<vmem_shared>> -> memref<5x128xf32, #tpu.memory_space<vmem_shared>>
        tpu.enqueue_dma source(%arg18 : memref<5x128xf32, #tpu.memory_space<vmem>>) target(%dma_start3A_541 : memref<5x128xf32, #tpu.memory_space<vmem_shared>>) target_semaphore(%run_scoped3A : memref<!tpu.dma_semaphore, #tpu.memory_space<semaphore_mem>>)
        %dma_wait3A = arith.constant 0 : i32
        %dma_wait3A_542 = tpu.memref_slice %arg19[%add3A_514, %dma_wait3A] : memref<10000x128xf32, #tpu.memory_space<vmem_shared>> -> memref<5x128xf32, #tpu.memory_space<vmem_shared>>
        %dma_wait3A_543 = arith.constant 0 : i32
        %dma_wait3A_544 = tpu.memref_slice %arg19[%add3A_514, %dma_wait3A_543] : memref<10000x128xf32, #tpu.memory_space<vmem_shared>> -> memref<5x128xf32, #tpu.memory_space<vmem_shared>>
        tpu.wait_dma2 semaphore(%run_scoped3A : memref<!tpu.dma_semaphore, #tpu.memory_space<semaphore_mem>>) src(%arg18 : memref<5x128xf32, #tpu.memory_space<vmem>>) dst(%dma_wait3A_544 : memref<5x128xf32, #tpu.memory_space<vmem_shared>>)
        tpu.yield
      }) : () -> ()
      %mul3A_515 = arith.constant 625 : i32
      %mul3A_516 = arith.muli %arg1, %mul3A_515 : i32
      %add3A_517 = arith.constant 595 : i32
      %add3A_518 = arith.addi %mul3A_516, %add3A_517 : i32
      "tpu.region"() ({
        %run_scoped3A = tpu.sem_alloc : memref<!tpu.dma_semaphore, #tpu.memory_space<semaphore_mem>>
        %dma_start3A = arith.constant 0 : i32
        %dma_start3A_539 = tpu.memref_slice %arg19[%add3A_518, %dma_start3A] : memref<10000x128xf32, #tpu.memory_space<vmem_shared>> -> memref<5x128xf32, #tpu.memory_space<vmem_shared>>
        %dma_start3A_540 = arith.constant 0 : i32
        %dma_start3A_541 = tpu.memref_slice %arg19[%add3A_518, %dma_start3A_540] : memref<10000x128xf32, #tpu.memory_space<vmem_shared>> -> memref<5x128xf32, #tpu.memory_space<vmem_shared>>
        tpu.enqueue_dma source(%arg18 : memref<5x128xf32, #tpu.memory_space<vmem>>) target(%dma_start3A_541 : memref<5x128xf32, #tpu.memory_space<vmem_shared>>) target_semaphore(%run_scoped3A : memref<!tpu.dma_semaphore, #tpu.memory_space<semaphore_mem>>)
        %dma_wait3A = arith.constant 0 : i32
        %dma_wait3A_542 = tpu.memref_slice %arg19[%add3A_518, %dma_wait3A] : memref<10000x128xf32, #tpu.memory_space<vmem_shared>> -> memref<5x128xf32, #tpu.memory_space<vmem_shared>>
        %dma_wait3A_543 = arith.constant 0 : i32
        %dma_wait3A_544 = tpu.memref_slice %arg19[%add3A_518, %dma_wait3A_543] : memref<10000x128xf32, #tpu.memory_space<vmem_shared>> -> memref<5x128xf32, #tpu.memory_space<vmem_shared>>
        tpu.wait_dma2 semaphore(%run_scoped3A : memref<!tpu.dma_semaphore, #tpu.memory_space<semaphore_mem>>) src(%arg18 : memref<5x128xf32, #tpu.memory_space<vmem>>) dst(%dma_wait3A_544 : memref<5x128xf32, #tpu.memory_space<vmem_shared>>)
        tpu.yield
      }) : () -> ()
      %mul3A_519 = arith.constant 625 : i32
      %mul3A_520 = arith.muli %arg1, %mul3A_519 : i32
      %add3A_521 = arith.constant 600 : i32
      %add3A_522 = arith.addi %mul3A_520, %add3A_521 : i32
      "tpu.region"() ({
        %run_scoped3A = tpu.sem_alloc : memref<!tpu.dma_semaphore, #tpu.memory_space<semaphore_mem>>
        %dma_start3A = arith.constant 0 : i32
        %dma_start3A_539 = tpu.memref_slice %arg19[%add3A_522, %dma_start3A] : memref<10000x128xf32, #tpu.memory_space<vmem_shared>> -> memref<5x128xf32, #tpu.memory_space<vmem_shared>>
        %dma_start3A_540 = arith.constant 0 : i32
        %dma_start3A_541 = tpu.memref_slice %arg19[%add3A_522, %dma_start3A_540] : memref<10000x128xf32, #tpu.memory_space<vmem_shared>> -> memref<5x128xf32, #tpu.memory_space<vmem_shared>>
        tpu.enqueue_dma source(%arg18 : memref<5x128xf32, #tpu.memory_space<vmem>>) target(%dma_start3A_541 : memref<5x128xf32, #tpu.memory_space<vmem_shared>>) target_semaphore(%run_scoped3A : memref<!tpu.dma_semaphore, #tpu.memory_space<semaphore_mem>>)
        %dma_wait3A = arith.constant 0 : i32
        %dma_wait3A_542 = tpu.memref_slice %arg19[%add3A_522, %dma_wait3A] : memref<10000x128xf32, #tpu.memory_space<vmem_shared>> -> memref<5x128xf32, #tpu.memory_space<vmem_shared>>
        %dma_wait3A_543 = arith.constant 0 : i32
        %dma_wait3A_544 = tpu.memref_slice %arg19[%add3A_522, %dma_wait3A_543] : memref<10000x128xf32, #tpu.memory_space<vmem_shared>> -> memref<5x128xf32, #tpu.memory_space<vmem_shared>>
        tpu.wait_dma2 semaphore(%run_scoped3A : memref<!tpu.dma_semaphore, #tpu.memory_space<semaphore_mem>>) src(%arg18 : memref<5x128xf32, #tpu.memory_space<vmem>>) dst(%dma_wait3A_544 : memref<5x128xf32, #tpu.memory_space<vmem_shared>>)
        tpu.yield
      }) : () -> ()
      %mul3A_523 = arith.constant 625 : i32
      %mul3A_524 = arith.muli %arg1, %mul3A_523 : i32
      %add3A_525 = arith.constant 605 : i32
      %add3A_526 = arith.addi %mul3A_524, %add3A_525 : i32
      "tpu.region"() ({
        %run_scoped3A = tpu.sem_alloc : memref<!tpu.dma_semaphore, #tpu.memory_space<semaphore_mem>>
        %dma_start3A = arith.constant 0 : i32
        %dma_start3A_539 = tpu.memref_slice %arg19[%add3A_526, %dma_start3A] : memref<10000x128xf32, #tpu.memory_space<vmem_shared>> -> memref<5x128xf32, #tpu.memory_space<vmem_shared>>
        %dma_start3A_540 = arith.constant 0 : i32
        %dma_start3A_541 = tpu.memref_slice %arg19[%add3A_526, %dma_start3A_540] : memref<10000x128xf32, #tpu.memory_space<vmem_shared>> -> memref<5x128xf32, #tpu.memory_space<vmem_shared>>
        tpu.enqueue_dma source(%arg18 : memref<5x128xf32, #tpu.memory_space<vmem>>) target(%dma_start3A_541 : memref<5x128xf32, #tpu.memory_space<vmem_shared>>) target_semaphore(%run_scoped3A : memref<!tpu.dma_semaphore, #tpu.memory_space<semaphore_mem>>)
        %dma_wait3A = arith.constant 0 : i32
        %dma_wait3A_542 = tpu.memref_slice %arg19[%add3A_526, %dma_wait3A] : memref<10000x128xf32, #tpu.memory_space<vmem_shared>> -> memref<5x128xf32, #tpu.memory_space<vmem_shared>>
        %dma_wait3A_543 = arith.constant 0 : i32
        %dma_wait3A_544 = tpu.memref_slice %arg19[%add3A_526, %dma_wait3A_543] : memref<10000x128xf32, #tpu.memory_space<vmem_shared>> -> memref<5x128xf32, #tpu.memory_space<vmem_shared>>
        tpu.wait_dma2 semaphore(%run_scoped3A : memref<!tpu.dma_semaphore, #tpu.memory_space<semaphore_mem>>) src(%arg18 : memref<5x128xf32, #tpu.memory_space<vmem>>) dst(%dma_wait3A_544 : memref<5x128xf32, #tpu.memory_space<vmem_shared>>)
        tpu.yield
      }) : () -> ()
      %mul3A_527 = arith.constant 625 : i32
      %mul3A_528 = arith.muli %arg1, %mul3A_527 : i32
      %add3A_529 = arith.constant 610 : i32
      %add3A_530 = arith.addi %mul3A_528, %add3A_529 : i32
      "tpu.region"() ({
        %run_scoped3A = tpu.sem_alloc : memref<!tpu.dma_semaphore, #tpu.memory_space<semaphore_mem>>
        %dma_start3A = arith.constant 0 : i32
        %dma_start3A_539 = tpu.memref_slice %arg19[%add3A_530, %dma_start3A] : memref<10000x128xf32, #tpu.memory_space<vmem_shared>> -> memref<5x128xf32, #tpu.memory_space<vmem_shared>>
        %dma_start3A_540 = arith.constant 0 : i32
        %dma_start3A_541 = tpu.memref_slice %arg19[%add3A_530, %dma_start3A_540] : memref<10000x128xf32, #tpu.memory_space<vmem_shared>> -> memref<5x128xf32, #tpu.memory_space<vmem_shared>>
        tpu.enqueue_dma source(%arg18 : memref<5x128xf32, #tpu.memory_space<vmem>>) target(%dma_start3A_541 : memref<5x128xf32, #tpu.memory_space<vmem_shared>>) target_semaphore(%run_scoped3A : memref<!tpu.dma_semaphore, #tpu.memory_space<semaphore_mem>>)
        %dma_wait3A = arith.constant 0 : i32
        %dma_wait3A_542 = tpu.memref_slice %arg19[%add3A_530, %dma_wait3A] : memref<10000x128xf32, #tpu.memory_space<vmem_shared>> -> memref<5x128xf32, #tpu.memory_space<vmem_shared>>
        %dma_wait3A_543 = arith.constant 0 : i32
        %dma_wait3A_544 = tpu.memref_slice %arg19[%add3A_530, %dma_wait3A_543] : memref<10000x128xf32, #tpu.memory_space<vmem_shared>> -> memref<5x128xf32, #tpu.memory_space<vmem_shared>>
        tpu.wait_dma2 semaphore(%run_scoped3A : memref<!tpu.dma_semaphore, #tpu.memory_space<semaphore_mem>>) src(%arg18 : memref<5x128xf32, #tpu.memory_space<vmem>>) dst(%dma_wait3A_544 : memref<5x128xf32, #tpu.memory_space<vmem_shared>>)
        tpu.yield
      }) : () -> ()
      %mul3A_531 = arith.constant 625 : i32
      %mul3A_532 = arith.muli %arg1, %mul3A_531 : i32
      %add3A_533 = arith.constant 615 : i32
      %add3A_534 = arith.addi %mul3A_532, %add3A_533 : i32
      "tpu.region"() ({
        %run_scoped3A = tpu.sem_alloc : memref<!tpu.dma_semaphore, #tpu.memory_space<semaphore_mem>>
        %dma_start3A = arith.constant 0 : i32
        %dma_start3A_539 = tpu.memref_slice %arg19[%add3A_534, %dma_start3A] : memref<10000x128xf32, #tpu.memory_space<vmem_shared>> -> memref<5x128xf32, #tpu.memory_space<vmem_shared>>
        %dma_start3A_540 = arith.constant 0 : i32
        %dma_start3A_541 = tpu.memref_slice %arg19[%add3A_534, %dma_start3A_540] : memref<10000x128xf32, #tpu.memory_space<vmem_shared>> -> memref<5x128xf32, #tpu.memory_space<vmem_shared>>
        tpu.enqueue_dma source(%arg18 : memref<5x128xf32, #tpu.memory_space<vmem>>) target(%dma_start3A_541 : memref<5x128xf32, #tpu.memory_space<vmem_shared>>) target_semaphore(%run_scoped3A : memref<!tpu.dma_semaphore, #tpu.memory_space<semaphore_mem>>)
        %dma_wait3A = arith.constant 0 : i32
        %dma_wait3A_542 = tpu.memref_slice %arg19[%add3A_534, %dma_wait3A] : memref<10000x128xf32, #tpu.memory_space<vmem_shared>> -> memref<5x128xf32, #tpu.memory_space<vmem_shared>>
        %dma_wait3A_543 = arith.constant 0 : i32
        %dma_wait3A_544 = tpu.memref_slice %arg19[%add3A_534, %dma_wait3A_543] : memref<10000x128xf32, #tpu.memory_space<vmem_shared>> -> memref<5x128xf32, #tpu.memory_space<vmem_shared>>
        tpu.wait_dma2 semaphore(%run_scoped3A : memref<!tpu.dma_semaphore, #tpu.memory_space<semaphore_mem>>) src(%arg18 : memref<5x128xf32, #tpu.memory_space<vmem>>) dst(%dma_wait3A_544 : memref<5x128xf32, #tpu.memory_space<vmem_shared>>)
        tpu.yield
      }) : () -> ()
      %mul3A_535 = arith.constant 625 : i32
      %mul3A_536 = arith.muli %arg1, %mul3A_535 : i32
      %add3A_537 = arith.constant 620 : i32
      %add3A_538 = arith.addi %mul3A_536, %add3A_537 : i32
      "tpu.region"() ({
        %run_scoped3A = tpu.sem_alloc : memref<!tpu.dma_semaphore, #tpu.memory_space<semaphore_mem>>
        %dma_start3A = arith.constant 0 : i32
        %dma_start3A_539 = tpu.memref_slice %arg19[%add3A_538, %dma_start3A] : memref<10000x128xf32, #tpu.memory_space<vmem_shared>> -> memref<5x128xf32, #tpu.memory_space<vmem_shared>>
        %dma_start3A_540 = arith.constant 0 : i32
        %dma_start3A_541 = tpu.memref_slice %arg19[%add3A_538, %dma_start3A_540] : memref<10000x128xf32, #tpu.memory_space<vmem_shared>> -> memref<5x128xf32, #tpu.memory_space<vmem_shared>>
        tpu.enqueue_dma source(%arg18 : memref<5x128xf32, #tpu.memory_space<vmem>>) target(%dma_start3A_541 : memref<5x128xf32, #tpu.memory_space<vmem_shared>>) target_semaphore(%run_scoped3A : memref<!tpu.dma_semaphore, #tpu.memory_space<semaphore_mem>>)
        %dma_wait3A = arith.constant 0 : i32
        %dma_wait3A_542 = tpu.memref_slice %arg19[%add3A_538, %dma_wait3A] : memref<10000x128xf32, #tpu.memory_space<vmem_shared>> -> memref<5x128xf32, #tpu.memory_space<vmem_shared>>
        %dma_wait3A_543 = arith.constant 0 : i32
        %dma_wait3A_544 = tpu.memref_slice %arg19[%add3A_538, %dma_wait3A_543] : memref<10000x128xf32, #tpu.memory_space<vmem_shared>> -> memref<5x128xf32, #tpu.memory_space<vmem_shared>>
        tpu.wait_dma2 semaphore(%run_scoped3A : memref<!tpu.dma_semaphore, #tpu.memory_space<semaphore_mem>>) src(%arg18 : memref<5x128xf32, #tpu.memory_space<vmem>>) dst(%dma_wait3A_544 : memref<5x128xf32, #tpu.memory_space<vmem_shared>>)
        tpu.yield
      }) : () -> ()
    } else {
    }
    %barrier3A = arith.constant 0 : index
    tpu.barrier barrier_id(%barrier3A)
    %mul3A = arith.constant 320000 : i32
    %mul3A_2 = arith.muli %arg0, %mul3A : i32
    %mul3A_3 = arith.constant 20000 : i32
    %mul3A_4 = arith.muli %arg1, %mul3A_3 : i32
    %add3A = arith.addi %mul3A_2, %mul3A_4 : i32
    %mul3A_5 = arith.constant 20000 : i32
    %mul3A_6 = arith.muli %arg1, %mul3A_5 : i32
    %scan3A = arith.constant 0 : i32
    %scan3A_7 = arith.constant 0 : i32
    %scan3A_8 = arith.constant 5 : i32
    %scan3A_9 = arith.addi %scan3A_7, %scan3A_8 : i32
    %scan3A_10 = arith.constant 1 : i32
    scf.for %scan3A_33 = %scan3A_7 to %scan3A_9 step %scan3A_10  : i32 {
      %mul3A_34 = arith.constant 4000 : i32
      %mul3A_35 = arith.muli %scan3A_33, %mul3A_34 : i32
      %add3A_36 = arith.addi %add3A, %mul3A_35 : i32
      "tpu.region"() ({
        %run_scoped3A = tpu.sem_alloc : memref<!tpu.dma_semaphore, #tpu.memory_space<semaphore_mem>>
        %dma_start3A = tpu.memref_slice %arg5[%add3A_36] : memref<640000xi32, #tpu.memory_space<hbm>> -> memref<4000xi32, #tpu.memory_space<hbm>>
        %dma_start3A_46 = tpu.memref_slice %arg5[%add3A_36] : memref<640000xi32, #tpu.memory_space<hbm>> -> memref<4000xi32, #tpu.memory_space<hbm>>
        tpu.enqueue_dma source(%dma_start3A_46 : memref<4000xi32, #tpu.memory_space<hbm>>) target(%arg16 : memref<4000xi32, #tpu.memory_space<vmem>>) target_semaphore(%run_scoped3A : memref<!tpu.dma_semaphore, #tpu.memory_space<semaphore_mem>>)
        %dma_wait3A = tpu.memref_slice %arg5[%add3A_36] : memref<640000xi32, #tpu.memory_space<hbm>> -> memref<4000xi32, #tpu.memory_space<hbm>>
        %dma_wait3A_47 = tpu.memref_slice %arg5[%add3A_36] : memref<640000xi32, #tpu.memory_space<hbm>> -> memref<4000xi32, #tpu.memory_space<hbm>>
        tpu.wait_dma2 semaphore(%run_scoped3A : memref<!tpu.dma_semaphore, #tpu.memory_space<semaphore_mem>>) src(%dma_wait3A_47 : memref<4000xi32, #tpu.memory_space<hbm>>) dst(%arg16 : memref<4000xi32, #tpu.memory_space<vmem>>)
        tpu.yield
      }) : () -> ()
      %mul3A_37 = arith.constant 4000 : i32
      %mul3A_38 = arith.muli %scan3A_33, %mul3A_37 : i32
      %add3A_39 = arith.addi %mul3A_6, %mul3A_38 : i32
      "tpu.region"() ({
        %run_scoped3A = tpu.sem_alloc : memref<!tpu.dma_semaphore, #tpu.memory_space<semaphore_mem>>
        %dma_start3A = tpu.memref_slice %arg6[%add3A_39] : memref<320000xi32, #tpu.memory_space<hbm>> -> memref<4000xi32, #tpu.memory_space<hbm>>
        %dma_start3A_46 = tpu.memref_slice %arg6[%add3A_39] : memref<320000xi32, #tpu.memory_space<hbm>> -> memref<4000xi32, #tpu.memory_space<hbm>>
        tpu.enqueue_dma source(%dma_start3A_46 : memref<4000xi32, #tpu.memory_space<hbm>>) target(%arg17 : memref<4000xi32, #tpu.memory_space<vmem>>) target_semaphore(%run_scoped3A : memref<!tpu.dma_semaphore, #tpu.memory_space<semaphore_mem>>)
        %dma_wait3A = tpu.memref_slice %arg6[%add3A_39] : memref<320000xi32, #tpu.memory_space<hbm>> -> memref<4000xi32, #tpu.memory_space<hbm>>
        %dma_wait3A_47 = tpu.memref_slice %arg6[%add3A_39] : memref<320000xi32, #tpu.memory_space<hbm>> -> memref<4000xi32, #tpu.memory_space<hbm>>
        tpu.wait_dma2 semaphore(%run_scoped3A : memref<!tpu.dma_semaphore, #tpu.memory_space<semaphore_mem>>) src(%dma_wait3A_47 : memref<4000xi32, #tpu.memory_space<hbm>>) dst(%arg17 : memref<4000xi32, #tpu.memory_space<vmem>>)
        tpu.yield
      }) : () -> ()
      %scan3A_40 = arith.constant 0 : i32
      %scan3A_41 = arith.constant 0 : i32
      %scan3A_42 = arith.constant 25 : i32
      %scan3A_43 = arith.addi %scan3A_41, %scan3A_42 : i32
      %scan3A_44 = arith.constant 1 : i32
      scf.for %scan3A_46 = %scan3A_41 to %scan3A_43 step %scan3A_44  : i32 {
        %mul3A_47 = arith.constant 25 : i32
        %mul3A_48 = arith.muli %scan3A_33, %mul3A_47 : i32
        %add3A_49 = arith.addi %mul3A_48, %scan3A_46 : i32
        %gt3A = arith.constant 0 : i32
        %gt3A_50 = arith.cmpi sgt, %add3A_49, %gt3A : i32
        %convert_element_type3A_51 = arith.extui %gt3A_50 : i1 to i32
        %cond3A_52 = arith.constant 0 : i32
        %cond3A_53 = arith.cmpi ne, %convert_element_type3A_51, %cond3A_52 : i32
        scf.if %cond3A_53 {
          %convert_element_type3A_126 = arith.extui %eq3A_0 : i1 to i32
          %cond3A_127 = arith.constant 0 : i32
          %cond3A_128 = arith.cmpi ne, %convert_element_type3A_126, %cond3A_127 : i32
          scf.if %cond3A_128 {
            %dma_wait3A = arith.constant 0 : i32
            %dma_wait3A_142 = arith.constant 0 : i32
            %dma_wait3A_143 = tpu.memref_slice %arg19[%dma_wait3A, %dma_wait3A_142] : memref<10000x128xf32, #tpu.memory_space<vmem_shared>> -> memref<10000x128xf32, #tpu.memory_space<vmem_shared>>
            tpu.wait_indirect_dma semaphore(%arg22 : memref<!tpu.dma_semaphore, #tpu.memory_space<semaphore_mem>>) src(%arg12 : memref<80x128xf32, #tpu.memory_space<vmem>>) dst(%dma_wait3A_143 : memref<10000x128xf32, #tpu.memory_space<vmem_shared>>)
          } else {
          }
          %not3A_129 = arith.constant true
          %not3A_130 = arith.xori %eq3A_0, %not3A_129 : i1
          %convert_element_type3A_131 = arith.extui %not3A_130 : i1 to i32
          %cond3A_132 = arith.constant 0 : i32
          %cond3A_133 = arith.cmpi ne, %convert_element_type3A_131, %cond3A_132 : i32
          scf.if %cond3A_133 {
            %dma_wait3A = arith.constant 0 : i32
            %dma_wait3A_142 = arith.constant 0 : i32
            %dma_wait3A_143 = tpu.memref_slice %arg8[%dma_wait3A, %dma_wait3A_142] : memref<320000x128xf32, #tpu.memory_space<hbm>> -> memref<80x128xf32, #tpu.memory_space<hbm>>
            %dma_wait3A_144 = arith.constant 0 : i32
            %dma_wait3A_145 = arith.constant 0 : i32
            %dma_wait3A_146 = tpu.memref_slice %arg8[%dma_wait3A_144, %dma_wait3A_145] : memref<320000x128xf32, #tpu.memory_space<hbm>> -> memref<80x128xf32, #tpu.memory_space<hbm>>
            tpu.wait_dma2 semaphore(%arg22 : memref<!tpu.dma_semaphore, #tpu.memory_space<semaphore_mem>>) src(%arg12 : memref<80x128xf32, #tpu.memory_space<vmem>>) dst(%dma_wait3A_146 : memref<80x128xf32, #tpu.memory_space<hbm>>)
          } else {
          }
          %convert_element_type3A_134 = arith.extui %eq3A_0 : i1 to i32
          %cond3A_135 = arith.constant 0 : i32
          %cond3A_136 = arith.cmpi ne, %convert_element_type3A_134, %cond3A_135 : i32
          scf.if %cond3A_136 {
            %dma_wait3A = arith.constant 0 : i32
            %dma_wait3A_142 = arith.constant 0 : i32
            %dma_wait3A_143 = tpu.memref_slice %arg19[%dma_wait3A, %dma_wait3A_142] : memref<10000x128xf32, #tpu.memory_space<vmem_shared>> -> memref<10000x128xf32, #tpu.memory_space<vmem_shared>>
            tpu.wait_indirect_dma semaphore(%arg23 : memref<!tpu.dma_semaphore, #tpu.memory_space<semaphore_mem>>) src(%arg15 : memref<80x128xf32, #tpu.memory_space<vmem>>) dst(%dma_wait3A_143 : memref<10000x128xf32, #tpu.memory_space<vmem_shared>>)
          } else {
          }
          %not3A_137 = arith.constant true
          %not3A_138 = arith.xori %eq3A_0, %not3A_137 : i1
          %convert_element_type3A_139 = arith.extui %not3A_138 : i1 to i32
          %cond3A_140 = arith.constant 0 : i32
          %cond3A_141 = arith.cmpi ne, %convert_element_type3A_139, %cond3A_140 : i32
          scf.if %cond3A_141 {
            %dma_wait3A = arith.constant 0 : i32
            %dma_wait3A_142 = arith.constant 0 : i32
            %dma_wait3A_143 = tpu.memref_slice %arg8[%dma_wait3A, %dma_wait3A_142] : memref<320000x128xf32, #tpu.memory_space<hbm>> -> memref<80x128xf32, #tpu.memory_space<hbm>>
            %dma_wait3A_144 = arith.constant 0 : i32
            %dma_wait3A_145 = arith.constant 0 : i32
            %dma_wait3A_146 = tpu.memref_slice %arg8[%dma_wait3A_144, %dma_wait3A_145] : memref<320000x128xf32, #tpu.memory_space<hbm>> -> memref<80x128xf32, #tpu.memory_space<hbm>>
            tpu.wait_dma2 semaphore(%arg23 : memref<!tpu.dma_semaphore, #tpu.memory_space<semaphore_mem>>) src(%arg15 : memref<80x128xf32, #tpu.memory_space<vmem>>) dst(%dma_wait3A_146 : memref<80x128xf32, #tpu.memory_space<hbm>>)
          } else {
          }
        } else {
        }
        %mul3A_54 = arith.constant 2 : i32
        %mul3A_55 = arith.muli %mul3A_54, %scan3A_46 : i32
        %add3A_56 = arith.constant 0 : i32
        %add3A_57 = arith.addi %mul3A_55, %add3A_56 : i32
        %mul3A_58 = arith.constant 80 : i32
        %mul3A_59 = arith.muli %add3A_57, %mul3A_58 : i32
        %mul3A_60 = arith.constant 4000 : i32
        %mul3A_61 = arith.muli %scan3A_33, %mul3A_60 : i32
        %add3A_62 = arith.addi %add3A, %mul3A_61 : i32
        %add3A_63 = arith.addi %add3A_62, %mul3A_59 : i32
        %dma_start3A = tpu.memref_slice %arg7[%add3A_63] : memref<640000xi32, #tpu.memory_space<hbm>> -> memref<80xi32, #tpu.memory_space<hbm>>
        %dma_start3A_64 = tpu.memref_slice %arg7[%add3A_63] : memref<640000xi32, #tpu.memory_space<hbm>> -> memref<80xi32, #tpu.memory_space<hbm>>
        tpu.enqueue_dma source(%dma_start3A_64 : memref<80xi32, #tpu.memory_space<hbm>>) target(%arg10 : memref<80xi32, #tpu.memory_space<vmem>>) target_semaphore(%arg24 : memref<!tpu.dma_semaphore, #tpu.memory_space<semaphore_mem>>)
        %convert_element_type3A_65 = arith.extui %eq3A_0 : i1 to i32
        %cond3A_66 = arith.constant 0 : i32
        %cond3A_67 = arith.cmpi ne, %convert_element_type3A_65, %cond3A_66 : i32
        scf.if %cond3A_67 {
          %dma_start3A_126 = tpu.memref_slice %arg16[%mul3A_59] : memref<4000xi32, #tpu.memory_space<vmem>> -> memref<80xi32, #tpu.memory_space<vmem>>
          %dma_start3A_127 = arith.constant 0 : i32
          %dma_start3A_128 = arith.constant 0 : i32
          %dma_start3A_129 = tpu.memref_slice %arg2[%dma_start3A_127, %dma_start3A_128] : memref<20000x128xf32, #tpu.memory_space<hbm>> -> memref<20000x128xf32, #tpu.memory_space<hbm>>
          tpu.enqueue_indirect_dma source(%dma_start3A_129 : memref<20000x128xf32, #tpu.memory_space<hbm>>) target(%arg11 : memref<80x128xf32, #tpu.memory_space<vmem>>) offsets(%dma_start3A_126 : memref<80xi32, #tpu.memory_space<vmem>>) semaphore(%arg20 : memref<!tpu.dma_semaphore, #tpu.memory_space<semaphore_mem>>)
          %mul3A_130 = arith.constant 4000 : i32
          %mul3A_131 = arith.muli %scan3A_33, %mul3A_130 : i32
          %add3A_132 = arith.addi %mul3A_6, %mul3A_131 : i32
          %add3A_133 = arith.addi %add3A_132, %mul3A_59 : i32
          %dma_start3A_134 = arith.constant 0 : i32
          %dma_start3A_135 = tpu.memref_slice %arg4[%add3A_133, %dma_start3A_134] : memref<320000x128xf32, #tpu.memory_space<hbm>> -> memref<80x128xf32, #tpu.memory_space<hbm>>
          %dma_start3A_136 = arith.constant 0 : i32
          %dma_start3A_137 = tpu.memref_slice %arg4[%add3A_133, %dma_start3A_136] : memref<320000x128xf32, #tpu.memory_space<hbm>> -> memref<80x128xf32, #tpu.memory_space<hbm>>
          tpu.enqueue_dma source(%dma_start3A_137 : memref<80x128xf32, #tpu.memory_space<hbm>>) target(%arg12 : memref<80x128xf32, #tpu.memory_space<vmem>>) target_semaphore(%arg20 : memref<!tpu.dma_semaphore, #tpu.memory_space<semaphore_mem>>)
        } else {
        }
        %not3A_68 = arith.constant true
        %not3A_69 = arith.xori %eq3A_0, %not3A_68 : i1
        %convert_element_type3A_70 = arith.extui %not3A_69 : i1 to i32
        %cond3A_71 = arith.constant 0 : i32
        %cond3A_72 = arith.cmpi ne, %convert_element_type3A_70, %cond3A_71 : i32
        scf.if %cond3A_72 {
          %dma_start3A_126 = tpu.memref_slice %arg17[%mul3A_59] : memref<4000xi32, #tpu.memory_space<vmem>> -> memref<80xi32, #tpu.memory_space<vmem>>
          %dma_start3A_127 = arith.constant 0 : i32
          %dma_start3A_128 = arith.constant 0 : i32
          %dma_start3A_129 = tpu.memref_slice %arg3[%dma_start3A_127, %dma_start3A_128] : memref<10000x128xf32, #tpu.memory_space<hbm>> -> memref<10000x128xf32, #tpu.memory_space<hbm>>
          tpu.enqueue_indirect_dma source(%dma_start3A_129 : memref<10000x128xf32, #tpu.memory_space<hbm>>) target(%arg12 : memref<80x128xf32, #tpu.memory_space<vmem>>) offsets(%dma_start3A_126 : memref<80xi32, #tpu.memory_space<vmem>>) semaphore(%arg20 : memref<!tpu.dma_semaphore, #tpu.memory_space<semaphore_mem>>)
        } else {
        }
        %mul3A_73 = arith.constant 2 : i32
        %mul3A_74 = arith.muli %mul3A_73, %scan3A_46 : i32
        %add3A_75 = arith.constant 1 : i32
        %add3A_76 = arith.addi %mul3A_74, %add3A_75 : i32
        %mul3A_77 = arith.constant 80 : i32
        %mul3A_78 = arith.muli %add3A_76, %mul3A_77 : i32
        %mul3A_79 = arith.constant 4000 : i32
        %mul3A_80 = arith.muli %scan3A_33, %mul3A_79 : i32
        %add3A_81 = arith.addi %add3A, %mul3A_80 : i32
        %add3A_82 = arith.addi %add3A_81, %mul3A_78 : i32
        %dma_start3A_83 = tpu.memref_slice %arg7[%add3A_82] : memref<640000xi32, #tpu.memory_space<hbm>> -> memref<80xi32, #tpu.memory_space<hbm>>
        %dma_start3A_84 = tpu.memref_slice %arg7[%add3A_82] : memref<640000xi32, #tpu.memory_space<hbm>> -> memref<80xi32, #tpu.memory_space<hbm>>
        tpu.enqueue_dma source(%dma_start3A_84 : memref<80xi32, #tpu.memory_space<hbm>>) target(%arg13 : memref<80xi32, #tpu.memory_space<vmem>>) target_semaphore(%arg25 : memref<!tpu.dma_semaphore, #tpu.memory_space<semaphore_mem>>)
        %convert_element_type3A_85 = arith.extui %eq3A_0 : i1 to i32
        %cond3A_86 = arith.constant 0 : i32
        %cond3A_87 = arith.cmpi ne, %convert_element_type3A_85, %cond3A_86 : i32
        scf.if %cond3A_87 {
          %dma_start3A_126 = tpu.memref_slice %arg16[%mul3A_78] : memref<4000xi32, #tpu.memory_space<vmem>> -> memref<80xi32, #tpu.memory_space<vmem>>
          %dma_start3A_127 = arith.constant 0 : i32
          %dma_start3A_128 = arith.constant 0 : i32
          %dma_start3A_129 = tpu.memref_slice %arg2[%dma_start3A_127, %dma_start3A_128] : memref<20000x128xf32, #tpu.memory_space<hbm>> -> memref<20000x128xf32, #tpu.memory_space<hbm>>
          tpu.enqueue_indirect_dma source(%dma_start3A_129 : memref<20000x128xf32, #tpu.memory_space<hbm>>) target(%arg14 : memref<80x128xf32, #tpu.memory_space<vmem>>) offsets(%dma_start3A_126 : memref<80xi32, #tpu.memory_space<vmem>>) semaphore(%arg21 : memref<!tpu.dma_semaphore, #tpu.memory_space<semaphore_mem>>)
          %mul3A_130 = arith.constant 4000 : i32
          %mul3A_131 = arith.muli %scan3A_33, %mul3A_130 : i32
          %add3A_132 = arith.addi %mul3A_6, %mul3A_131 : i32
          %add3A_133 = arith.addi %add3A_132, %mul3A_78 : i32
          %dma_start3A_134 = arith.constant 0 : i32
          %dma_start3A_135 = tpu.memref_slice %arg4[%add3A_133, %dma_start3A_134] : memref<320000x128xf32, #tpu.memory_space<hbm>> -> memref<80x128xf32, #tpu.memory_space<hbm>>
          %dma_start3A_136 = arith.constant 0 : i32
          %dma_start3A_137 = tpu.memref_slice %arg4[%add3A_133, %dma_start3A_136] : memref<320000x128xf32, #tpu.memory_space<hbm>> -> memref<80x128xf32, #tpu.memory_space<hbm>>
          tpu.enqueue_dma source(%dma_start3A_137 : memref<80x128xf32, #tpu.memory_space<hbm>>) target(%arg15 : memref<80x128xf32, #tpu.memory_space<vmem>>) target_semaphore(%arg21 : memref<!tpu.dma_semaphore, #tpu.memory_space<semaphore_mem>>)
        } else {
        }
        %not3A_88 = arith.constant true
        %not3A_89 = arith.xori %eq3A_0, %not3A_88 : i1
        %convert_element_type3A_90 = arith.extui %not3A_89 : i1 to i32
        %cond3A_91 = arith.constant 0 : i32
        %cond3A_92 = arith.cmpi ne, %convert_element_type3A_90, %cond3A_91 : i32
        scf.if %cond3A_92 {
          %dma_start3A_126 = tpu.memref_slice %arg17[%mul3A_78] : memref<4000xi32, #tpu.memory_space<vmem>> -> memref<80xi32, #tpu.memory_space<vmem>>
          %dma_start3A_127 = arith.constant 0 : i32
          %dma_start3A_128 = arith.constant 0 : i32
          %dma_start3A_129 = tpu.memref_slice %arg3[%dma_start3A_127, %dma_start3A_128] : memref<10000x128xf32, #tpu.memory_space<hbm>> -> memref<10000x128xf32, #tpu.memory_space<hbm>>
          tpu.enqueue_indirect_dma source(%dma_start3A_129 : memref<10000x128xf32, #tpu.memory_space<hbm>>) target(%arg15 : memref<80x128xf32, #tpu.memory_space<vmem>>) offsets(%dma_start3A_126 : memref<80xi32, #tpu.memory_space<vmem>>) semaphore(%arg21 : memref<!tpu.dma_semaphore, #tpu.memory_space<semaphore_mem>>)
        } else {
        }
        %mul3A_93 = arith.constant 2 : i32
        %mul3A_94 = arith.muli %mul3A_93, %scan3A_46 : i32
        %add3A_95 = arith.constant 0 : i32
        %add3A_96 = arith.addi %mul3A_94, %add3A_95 : i32
        %mul3A_97 = arith.constant 80 : i32
        %mul3A_98 = arith.muli %add3A_96, %mul3A_97 : i32
        %convert_element_type3A_99 = arith.extui %eq3A_0 : i1 to i32
        %cond3A_100 = arith.constant 0 : i32
        %cond3A_101 = arith.cmpi ne, %convert_element_type3A_99, %cond3A_100 : i32
        scf.if %cond3A_101 {
          %dma_wait3A = tpu.memref_slice %arg16[%mul3A_98] : memref<4000xi32, #tpu.memory_space<vmem>> -> memref<80xi32, #tpu.memory_space<vmem>>
          %dma_wait3A_126 = arith.constant 0 : i32
          %dma_wait3A_127 = arith.constant 0 : i32
          %dma_wait3A_128 = tpu.memref_slice %arg2[%dma_wait3A_126, %dma_wait3A_127] : memref<20000x128xf32, #tpu.memory_space<hbm>> -> memref<20000x128xf32, #tpu.memory_space<hbm>>
          tpu.wait_indirect_dma semaphore(%arg20 : memref<!tpu.dma_semaphore, #tpu.memory_space<semaphore_mem>>) src(%dma_wait3A_128 : memref<20000x128xf32, #tpu.memory_space<hbm>>) dst(%arg11 : memref<80x128xf32, #tpu.memory_space<vmem>>)
          %dma_wait3A_129 = arith.constant 0 : i32
          %dma_wait3A_130 = arith.constant 0 : i32
          %dma_wait3A_131 = tpu.memref_slice %arg4[%dma_wait3A_129, %dma_wait3A_130] : memref<320000x128xf32, #tpu.memory_space<hbm>> -> memref<80x128xf32, #tpu.memory_space<hbm>>
          %dma_wait3A_132 = arith.constant 0 : i32
          %dma_wait3A_133 = arith.constant 0 : i32
          %dma_wait3A_134 = tpu.memref_slice %arg4[%dma_wait3A_132, %dma_wait3A_133] : memref<320000x128xf32, #tpu.memory_space<hbm>> -> memref<80x128xf32, #tpu.memory_space<hbm>>
          tpu.wait_dma2 semaphore(%arg20 : memref<!tpu.dma_semaphore, #tpu.memory_space<semaphore_mem>>) src(%dma_wait3A_134 : memref<80x128xf32, #tpu.memory_space<hbm>>) dst(%arg12 : memref<80x128xf32, #tpu.memory_space<vmem>>)
          %scan3A_135 = arith.constant 0 : i32
          %scan3A_136 = arith.constant 0 : i32
          %scan3A_137 = arith.constant 80 : i32
          %scan3A_138 = arith.addi %scan3A_136, %scan3A_137 : i32
          %scan3A_139 = arith.constant 4 : i32
          scf.for %scan3A_146 = %scan3A_136 to %scan3A_138 step %scan3A_139  : i32 {
            %get3A = arith.index_cast %scan3A_146 : i32 to index
            %get3A_147 = arith.constant 0 : index
            %get3A_148 = tpu.vector_load %arg11[%get3A, %get3A_147] {strides = array<i32>} : memref<80x128xf32, #tpu.memory_space<vmem>>, vector<1x16xf32>,
            %get3A_149 = vector.shape_cast %get3A_148 : vector<1x16xf32> to vector<16xf32>
            %get3A_150 = arith.index_cast %scan3A_146 : i32 to index
            %get3A_151 = arith.constant 0 : index
            %get3A_152 = tpu.vector_load %arg12[%get3A_150, %get3A_151] {strides = array<i32>} : memref<80x128xf32, #tpu.memory_space<vmem>>, vector<1x16xf32>,
            %get3A_153 = vector.shape_cast %get3A_152 : vector<1x16xf32> to vector<16xf32>
            %mul3A_154 = arith.mulf %get3A_149, %get3A_153 : vector<16xf32>
            %swap3A = arith.index_cast %scan3A_146 : i32 to index
            %swap3A_155 = arith.constant 0 : index
            %swap3A_156 = tpu.vector_load %arg12[%swap3A, %swap3A_155] {strides = array<i32>} : memref<80x128xf32, #tpu.memory_space<vmem>>, vector<1x16xf32>,
            %swap3A_157 = vector.shape_cast %swap3A_156 : vector<1x16xf32> to vector<16xf32>
            %swap3A_158 = vector.shape_cast %mul3A_154 : vector<16xf32> to vector<1x16xf32>
            tpu.vector_store %arg12[%swap3A, %swap3A_155], %swap3A_158 {strides = array<i32>} : memref<80x128xf32, #tpu.memory_space<vmem>>, vector<1x16xf32>,
            %get3A_159 = arith.index_cast %scan3A_146 : i32 to index
            %get3A_160 = arith.constant 16 : index
            %get3A_161 = tpu.vector_load %arg11[%get3A_159, %get3A_160] {strides = array<i32>} : memref<80x128xf32, #tpu.memory_space<vmem>>, vector<1x16xf32>,
            %get3A_162 = vector.shape_cast %get3A_161 : vector<1x16xf32> to vector<16xf32>
            %get3A_163 = arith.index_cast %scan3A_146 : i32 to index
            %get3A_164 = arith.constant 16 : index
            %get3A_165 = tpu.vector_load %arg12[%get3A_163, %get3A_164] {strides = array<i32>} : memref<80x128xf32, #tpu.memory_space<vmem>>, vector<1x16xf32>,
            %get3A_166 = vector.shape_cast %get3A_165 : vector<1x16xf32> to vector<16xf32>
            %mul3A_167 = arith.mulf %get3A_162, %get3A_166 : vector<16xf32>
            %swap3A_168 = arith.index_cast %scan3A_146 : i32 to index
            %swap3A_169 = arith.constant 16 : index
            %swap3A_170 = tpu.vector_load %arg12[%swap3A_168, %swap3A_169] {strides = array<i32>} : memref<80x128xf32, #tpu.memory_space<vmem>>, vector<1x16xf32>,
            %swap3A_171 = vector.shape_cast %swap3A_170 : vector<1x16xf32> to vector<16xf32>
            %swap3A_172 = vector.shape_cast %mul3A_167 : vector<16xf32> to vector<1x16xf32>
            tpu.vector_store %arg12[%swap3A_168, %swap3A_169], %swap3A_172 {strides = array<i32>} : memref<80x128xf32, #tpu.memory_space<vmem>>, vector<1x16xf32>,
            %get3A_173 = arith.index_cast %scan3A_146 : i32 to index
            %get3A_174 = arith.constant 32 : index
            %get3A_175 = tpu.vector_load %arg11[%get3A_173, %get3A_174] {strides = array<i32>} : memref<80x128xf32, #tpu.memory_space<vmem>>, vector<1x16xf32>,
            %get3A_176 = vector.shape_cast %get3A_175 : vector<1x16xf32> to vector<16xf32>
            %get3A_177 = arith.index_cast %scan3A_146 : i32 to index
            %get3A_178 = arith.constant 32 : index
            %get3A_179 = tpu.vector_load %arg12[%get3A_177, %get3A_178] {strides = array<i32>} : memref<80x128xf32, #tpu.memory_space<vmem>>, vector<1x16xf32>,
            %get3A_180 = vector.shape_cast %get3A_179 : vector<1x16xf32> to vector<16xf32>
            %mul3A_181 = arith.mulf %get3A_176, %get3A_180 : vector<16xf32>
            %swap3A_182 = arith.index_cast %scan3A_146 : i32 to index
            %swap3A_183 = arith.constant 32 : index
            %swap3A_184 = tpu.vector_load %arg12[%swap3A_182, %swap3A_183] {strides = array<i32>} : memref<80x128xf32, #tpu.memory_space<vmem>>, vector<1x16xf32>,
            %swap3A_185 = vector.shape_cast %swap3A_184 : vector<1x16xf32> to vector<16xf32>
            %swap3A_186 = vector.shape_cast %mul3A_181 : vector<16xf32> to vector<1x16xf32>
            tpu.vector_store %arg12[%swap3A_182, %swap3A_183], %swap3A_186 {strides = array<i32>} : memref<80x128xf32, #tpu.memory_space<vmem>>, vector<1x16xf32>,
            %get3A_187 = arith.index_cast %scan3A_146 : i32 to index
            %get3A_188 = arith.constant 48 : index
            %get3A_189 = tpu.vector_load %arg11[%get3A_187, %get3A_188] {strides = array<i32>} : memref<80x128xf32, #tpu.memory_space<vmem>>, vector<1x16xf32>,
            %get3A_190 = vector.shape_cast %get3A_189 : vector<1x16xf32> to vector<16xf32>
            %get3A_191 = arith.index_cast %scan3A_146 : i32 to index
            %get3A_192 = arith.constant 48 : index
            %get3A_193 = tpu.vector_load %arg12[%get3A_191, %get3A_192] {strides = array<i32>} : memref<80x128xf32, #tpu.memory_space<vmem>>, vector<1x16xf32>,
            %get3A_194 = vector.shape_cast %get3A_193 : vector<1x16xf32> to vector<16xf32>
            %mul3A_195 = arith.mulf %get3A_190, %get3A_194 : vector<16xf32>
            %swap3A_196 = arith.index_cast %scan3A_146 : i32 to index
            %swap3A_197 = arith.constant 48 : index
            %swap3A_198 = tpu.vector_load %arg12[%swap3A_196, %swap3A_197] {strides = array<i32>} : memref<80x128xf32, #tpu.memory_space<vmem>>, vector<1x16xf32>,
            %swap3A_199 = vector.shape_cast %swap3A_198 : vector<1x16xf32> to vector<16xf32>
            %swap3A_200 = vector.shape_cast %mul3A_195 : vector<16xf32> to vector<1x16xf32>
            tpu.vector_store %arg12[%swap3A_196, %swap3A_197], %swap3A_200 {strides = array<i32>} : memref<80x128xf32, #tpu.memory_space<vmem>>, vector<1x16xf32>,
            %get3A_201 = arith.index_cast %scan3A_146 : i32 to index
            %get3A_202 = arith.constant 64 : index
            %get3A_203 = tpu.vector_load %arg11[%get3A_201, %get3A_202] {strides = array<i32>} : memref<80x128xf32, #tpu.memory_space<vmem>>, vector<1x16xf32>,
            %get3A_204 = vector.shape_cast %get3A_203 : vector<1x16xf32> to vector<16xf32>
            %get3A_205 = arith.index_cast %scan3A_146 : i32 to index
            %get3A_206 = arith.constant 64 : index
            %get3A_207 = tpu.vector_load %arg12[%get3A_205, %get3A_206] {strides = array<i32>} : memref<80x128xf32, #tpu.memory_space<vmem>>, vector<1x16xf32>,
            %get3A_208 = vector.shape_cast %get3A_207 : vector<1x16xf32> to vector<16xf32>
            %mul3A_209 = arith.mulf %get3A_204, %get3A_208 : vector<16xf32>
            %swap3A_210 = arith.index_cast %scan3A_146 : i32 to index
            %swap3A_211 = arith.constant 64 : index
            %swap3A_212 = tpu.vector_load %arg12[%swap3A_210, %swap3A_211] {strides = array<i32>} : memref<80x128xf32, #tpu.memory_space<vmem>>, vector<1x16xf32>,
            %swap3A_213 = vector.shape_cast %swap3A_212 : vector<1x16xf32> to vector<16xf32>
            %swap3A_214 = vector.shape_cast %mul3A_209 : vector<16xf32> to vector<1x16xf32>
            tpu.vector_store %arg12[%swap3A_210, %swap3A_211], %swap3A_214 {strides = array<i32>} : memref<80x128xf32, #tpu.memory_space<vmem>>, vector<1x16xf32>,
            %get3A_215 = arith.index_cast %scan3A_146 : i32 to index
            %get3A_216 = arith.constant 80 : index
            %get3A_217 = tpu.vector_load %arg11[%get3A_215, %get3A_216] {strides = array<i32>} : memref<80x128xf32, #tpu.memory_space<vmem>>, vector<1x16xf32>,
            %get3A_218 = vector.shape_cast %get3A_217 : vector<1x16xf32> to vector<16xf32>
            %get3A_219 = arith.index_cast %scan3A_146 : i32 to index
            %get3A_220 = arith.constant 80 : index
            %get3A_221 = tpu.vector_load %arg12[%get3A_219, %get3A_220] {strides = array<i32>} : memref<80x128xf32, #tpu.memory_space<vmem>>, vector<1x16xf32>,
            %get3A_222 = vector.shape_cast %get3A_221 : vector<1x16xf32> to vector<16xf32>
            %mul3A_223 = arith.mulf %get3A_218, %get3A_222 : vector<16xf32>
            %swap3A_224 = arith.index_cast %scan3A_146 : i32 to index
            %swap3A_225 = arith.constant 80 : index
            %swap3A_226 = tpu.vector_load %arg12[%swap3A_224, %swap3A_225] {strides = array<i32>} : memref<80x128xf32, #tpu.memory_space<vmem>>, vector<1x16xf32>,
            %swap3A_227 = vector.shape_cast %swap3A_226 : vector<1x16xf32> to vector<16xf32>
            %swap3A_228 = vector.shape_cast %mul3A_223 : vector<16xf32> to vector<1x16xf32>
            tpu.vector_store %arg12[%swap3A_224, %swap3A_225], %swap3A_228 {strides = array<i32>} : memref<80x128xf32, #tpu.memory_space<vmem>>, vector<1x16xf32>,
            %get3A_229 = arith.index_cast %scan3A_146 : i32 to index
            %get3A_230 = arith.constant 96 : index
            %get3A_231 = tpu.vector_load %arg11[%get3A_229, %get3A_230] {strides = array<i32>} : memref<80x128xf32, #tpu.memory_space<vmem>>, vector<1x16xf32>,
            %get3A_232 = vector.shape_cast %get3A_231 : vector<1x16xf32> to vector<16xf32>
            %get3A_233 = arith.index_cast %scan3A_146 : i32 to index
            %get3A_234 = arith.constant 96 : index
            %get3A_235 = tpu.vector_load %arg12[%get3A_233, %get3A_234] {strides = array<i32>} : memref<80x128xf32, #tpu.memory_space<vmem>>, vector<1x16xf32>,
            %get3A_236 = vector.shape_cast %get3A_235 : vector<1x16xf32> to vector<16xf32>
            %mul3A_237 = arith.mulf %get3A_232, %get3A_236 : vector<16xf32>
            %swap3A_238 = arith.index_cast %scan3A_146 : i32 to index
            %swap3A_239 = arith.constant 96 : index
            %swap3A_240 = tpu.vector_load %arg12[%swap3A_238, %swap3A_239] {strides = array<i32>} : memref<80x128xf32, #tpu.memory_space<vmem>>, vector<1x16xf32>,
            %swap3A_241 = vector.shape_cast %swap3A_240 : vector<1x16xf32> to vector<16xf32>
            %swap3A_242 = vector.shape_cast %mul3A_237 : vector<16xf32> to vector<1x16xf32>
            tpu.vector_store %arg12[%swap3A_238, %swap3A_239], %swap3A_242 {strides = array<i32>} : memref<80x128xf32, #tpu.memory_space<vmem>>, vector<1x16xf32>,
            %get3A_243 = arith.index_cast %scan3A_146 : i32 to index
            %get3A_244 = arith.constant 112 : index
            %get3A_245 = tpu.vector_load %arg11[%get3A_243, %get3A_244] {strides = array<i32>} : memref<80x128xf32, #tpu.memory_space<vmem>>, vector<1x16xf32>,
            %get3A_246 = vector.shape_cast %get3A_245 : vector<1x16xf32> to vector<16xf32>
            %get3A_247 = arith.index_cast %scan3A_146 : i32 to index
            %get3A_248 = arith.constant 112 : index
            %get3A_249 = tpu.vector_load %arg12[%get3A_247, %get3A_248] {strides = array<i32>} : memref<80x128xf32, #tpu.memory_space<vmem>>, vector<1x16xf32>,
            %get3A_250 = vector.shape_cast %get3A_249 : vector<1x16xf32> to vector<16xf32>
            %mul3A_251 = arith.mulf %get3A_246, %get3A_250 : vector<16xf32>
            %swap3A_252 = arith.index_cast %scan3A_146 : i32 to index
            %swap3A_253 = arith.constant 112 : index
            %swap3A_254 = tpu.vector_load %arg12[%swap3A_252, %swap3A_253] {strides = array<i32>} : memref<80x128xf32, #tpu.memory_space<vmem>>, vector<1x16xf32>,
            %swap3A_255 = vector.shape_cast %swap3A_254 : vector<1x16xf32> to vector<16xf32>
            %swap3A_256 = vector.shape_cast %mul3A_251 : vector<16xf32> to vector<1x16xf32>
            tpu.vector_store %arg12[%swap3A_252, %swap3A_253], %swap3A_256 {strides = array<i32>} : memref<80x128xf32, #tpu.memory_space<vmem>>, vector<1x16xf32>,
            %scan3A_257 = arith.constant 1 : i32
            %scan3A_258 = arith.addi %scan3A_146, %scan3A_257 : i32
            %get3A_259 = arith.index_cast %scan3A_258 : i32 to index
            %get3A_260 = arith.constant 0 : index
            %get3A_261 = tpu.vector_load %arg11[%get3A_259, %get3A_260] {strides = array<i32>} : memref<80x128xf32, #tpu.memory_space<vmem>>, vector<1x16xf32>,
            %get3A_262 = vector.shape_cast %get3A_261 : vector<1x16xf32> to vector<16xf32>
            %get3A_263 = arith.index_cast %scan3A_258 : i32 to index
            %get3A_264 = arith.constant 0 : index
            %get3A_265 = tpu.vector_load %arg12[%get3A_263, %get3A_264] {strides = array<i32>} : memref<80x128xf32, #tpu.memory_space<vmem>>, vector<1x16xf32>,
            %get3A_266 = vector.shape_cast %get3A_265 : vector<1x16xf32> to vector<16xf32>
            %mul3A_267 = arith.mulf %get3A_262, %get3A_266 : vector<16xf32>
            %swap3A_268 = arith.index_cast %scan3A_258 : i32 to index
            %swap3A_269 = arith.constant 0 : index
            %swap3A_270 = tpu.vector_load %arg12[%swap3A_268, %swap3A_269] {strides = array<i32>} : memref<80x128xf32, #tpu.memory_space<vmem>>, vector<1x16xf32>,
            %swap3A_271 = vector.shape_cast %swap3A_270 : vector<1x16xf32> to vector<16xf32>
            %swap3A_272 = vector.shape_cast %mul3A_267 : vector<16xf32> to vector<1x16xf32>
            tpu.vector_store %arg12[%swap3A_268, %swap3A_269], %swap3A_272 {strides = array<i32>} : memref<80x128xf32, #tpu.memory_space<vmem>>, vector<1x16xf32>,
            %get3A_273 = arith.index_cast %scan3A_258 : i32 to index
            %get3A_274 = arith.constant 16 : index
            %get3A_275 = tpu.vector_load %arg11[%get3A_273, %get3A_274] {strides = array<i32>} : memref<80x128xf32, #tpu.memory_space<vmem>>, vector<1x16xf32>,
            %get3A_276 = vector.shape_cast %get3A_275 : vector<1x16xf32> to vector<16xf32>
            %get3A_277 = arith.index_cast %scan3A_258 : i32 to index
            %get3A_278 = arith.constant 16 : index
            %get3A_279 = tpu.vector_load %arg12[%get3A_277, %get3A_278] {strides = array<i32>} : memref<80x128xf32, #tpu.memory_space<vmem>>, vector<1x16xf32>,
            %get3A_280 = vector.shape_cast %get3A_279 : vector<1x16xf32> to vector<16xf32>
            %mul3A_281 = arith.mulf %get3A_276, %get3A_280 : vector<16xf32>
            %swap3A_282 = arith.index_cast %scan3A_258 : i32 to index
            %swap3A_283 = arith.constant 16 : index
            %swap3A_284 = tpu.vector_load %arg12[%swap3A_282, %swap3A_283] {strides = array<i32>} : memref<80x128xf32, #tpu.memory_space<vmem>>, vector<1x16xf32>,
            %swap3A_285 = vector.shape_cast %swap3A_284 : vector<1x16xf32> to vector<16xf32>
            %swap3A_286 = vector.shape_cast %mul3A_281 : vector<16xf32> to vector<1x16xf32>
            tpu.vector_store %arg12[%swap3A_282, %swap3A_283], %swap3A_286 {strides = array<i32>} : memref<80x128xf32, #tpu.memory_space<vmem>>, vector<1x16xf32>,
            %get3A_287 = arith.index_cast %scan3A_258 : i32 to index
            %get3A_288 = arith.constant 32 : index
            %get3A_289 = tpu.vector_load %arg11[%get3A_287, %get3A_288] {strides = array<i32>} : memref<80x128xf32, #tpu.memory_space<vmem>>, vector<1x16xf32>,
            %get3A_290 = vector.shape_cast %get3A_289 : vector<1x16xf32> to vector<16xf32>
            %get3A_291 = arith.index_cast %scan3A_258 : i32 to index
            %get3A_292 = arith.constant 32 : index
            %get3A_293 = tpu.vector_load %arg12[%get3A_291, %get3A_292] {strides = array<i32>} : memref<80x128xf32, #tpu.memory_space<vmem>>, vector<1x16xf32>,
            %get3A_294 = vector.shape_cast %get3A_293 : vector<1x16xf32> to vector<16xf32>
            %mul3A_295 = arith.mulf %get3A_290, %get3A_294 : vector<16xf32>
            %swap3A_296 = arith.index_cast %scan3A_258 : i32 to index
            %swap3A_297 = arith.constant 32 : index
            %swap3A_298 = tpu.vector_load %arg12[%swap3A_296, %swap3A_297] {strides = array<i32>} : memref<80x128xf32, #tpu.memory_space<vmem>>, vector<1x16xf32>,
            %swap3A_299 = vector.shape_cast %swap3A_298 : vector<1x16xf32> to vector<16xf32>
            %swap3A_300 = vector.shape_cast %mul3A_295 : vector<16xf32> to vector<1x16xf32>
            tpu.vector_store %arg12[%swap3A_296, %swap3A_297], %swap3A_300 {strides = array<i32>} : memref<80x128xf32, #tpu.memory_space<vmem>>, vector<1x16xf32>,
            %get3A_301 = arith.index_cast %scan3A_258 : i32 to index
            %get3A_302 = arith.constant 48 : index
            %get3A_303 = tpu.vector_load %arg11[%get3A_301, %get3A_302] {strides = array<i32>} : memref<80x128xf32, #tpu.memory_space<vmem>>, vector<1x16xf32>,
            %get3A_304 = vector.shape_cast %get3A_303 : vector<1x16xf32> to vector<16xf32>
            %get3A_305 = arith.index_cast %scan3A_258 : i32 to index
            %get3A_306 = arith.constant 48 : index
            %get3A_307 = tpu.vector_load %arg12[%get3A_305, %get3A_306] {strides = array<i32>} : memref<80x128xf32, #tpu.memory_space<vmem>>, vector<1x16xf32>,
            %get3A_308 = vector.shape_cast %get3A_307 : vector<1x16xf32> to vector<16xf32>
            %mul3A_309 = arith.mulf %get3A_304, %get3A_308 : vector<16xf32>
            %swap3A_310 = arith.index_cast %scan3A_258 : i32 to index
            %swap3A_311 = arith.constant 48 : index
            %swap3A_312 = tpu.vector_load %arg12[%swap3A_310, %swap3A_311] {strides = array<i32>} : memref<80x128xf32, #tpu.memory_space<vmem>>, vector<1x16xf32>,
            %swap3A_313 = vector.shape_cast %swap3A_312 : vector<1x16xf32> to vector<16xf32>
            %swap3A_314 = vector.shape_cast %mul3A_309 : vector<16xf32> to vector<1x16xf32>
            tpu.vector_store %arg12[%swap3A_310, %swap3A_311], %swap3A_314 {strides = array<i32>} : memref<80x128xf32, #tpu.memory_space<vmem>>, vector<1x16xf32>,
            %get3A_315 = arith.index_cast %scan3A_258 : i32 to index
            %get3A_316 = arith.constant 64 : index
            %get3A_317 = tpu.vector_load %arg11[%get3A_315, %get3A_316] {strides = array<i32>} : memref<80x128xf32, #tpu.memory_space<vmem>>, vector<1x16xf32>,
            %get3A_318 = vector.shape_cast %get3A_317 : vector<1x16xf32> to vector<16xf32>
            %get3A_319 = arith.index_cast %scan3A_258 : i32 to index
            %get3A_320 = arith.constant 64 : index
            %get3A_321 = tpu.vector_load %arg12[%get3A_319, %get3A_320] {strides = array<i32>} : memref<80x128xf32, #tpu.memory_space<vmem>>, vector<1x16xf32>,
            %get3A_322 = vector.shape_cast %get3A_321 : vector<1x16xf32> to vector<16xf32>
            %mul3A_323 = arith.mulf %get3A_318, %get3A_322 : vector<16xf32>
            %swap3A_324 = arith.index_cast %scan3A_258 : i32 to index
            %swap3A_325 = arith.constant 64 : index
            %swap3A_326 = tpu.vector_load %arg12[%swap3A_324, %swap3A_325] {strides = array<i32>} : memref<80x128xf32, #tpu.memory_space<vmem>>, vector<1x16xf32>,
            %swap3A_327 = vector.shape_cast %swap3A_326 : vector<1x16xf32> to vector<16xf32>
            %swap3A_328 = vector.shape_cast %mul3A_323 : vector<16xf32> to vector<1x16xf32>
            tpu.vector_store %arg12[%swap3A_324, %swap3A_325], %swap3A_328 {strides = array<i32>} : memref<80x128xf32, #tpu.memory_space<vmem>>, vector<1x16xf32>,
            %get3A_329 = arith.index_cast %scan3A_258 : i32 to index
            %get3A_330 = arith.constant 80 : index
            %get3A_331 = tpu.vector_load %arg11[%get3A_329, %get3A_330] {strides = array<i32>} : memref<80x128xf32, #tpu.memory_space<vmem>>, vector<1x16xf32>,
            %get3A_332 = vector.shape_cast %get3A_331 : vector<1x16xf32> to vector<16xf32>
            %get3A_333 = arith.index_cast %scan3A_258 : i32 to index
            %get3A_334 = arith.constant 80 : index
            %get3A_335 = tpu.vector_load %arg12[%get3A_333, %get3A_334] {strides = array<i32>} : memref<80x128xf32, #tpu.memory_space<vmem>>, vector<1x16xf32>,
            %get3A_336 = vector.shape_cast %get3A_335 : vector<1x16xf32> to vector<16xf32>
            %mul3A_337 = arith.mulf %get3A_332, %get3A_336 : vector<16xf32>
            %swap3A_338 = arith.index_cast %scan3A_258 : i32 to index
            %swap3A_339 = arith.constant 80 : index
            %swap3A_340 = tpu.vector_load %arg12[%swap3A_338, %swap3A_339] {strides = array<i32>} : memref<80x128xf32, #tpu.memory_space<vmem>>, vector<1x16xf32>,
            %swap3A_341 = vector.shape_cast %swap3A_340 : vector<1x16xf32> to vector<16xf32>
            %swap3A_342 = vector.shape_cast %mul3A_337 : vector<16xf32> to vector<1x16xf32>
            tpu.vector_store %arg12[%swap3A_338, %swap3A_339], %swap3A_342 {strides = array<i32>} : memref<80x128xf32, #tpu.memory_space<vmem>>, vector<1x16xf32>,
            %get3A_343 = arith.index_cast %scan3A_258 : i32 to index
            %get3A_344 = arith.constant 96 : index
            %get3A_345 = tpu.vector_load %arg11[%get3A_343, %get3A_344] {strides = array<i32>} : memref<80x128xf32, #tpu.memory_space<vmem>>, vector<1x16xf32>,
            %get3A_346 = vector.shape_cast %get3A_345 : vector<1x16xf32> to vector<16xf32>
            %get3A_347 = arith.index_cast %scan3A_258 : i32 to index
            %get3A_348 = arith.constant 96 : index
            %get3A_349 = tpu.vector_load %arg12[%get3A_347, %get3A_348] {strides = array<i32>} : memref<80x128xf32, #tpu.memory_space<vmem>>, vector<1x16xf32>,
            %get3A_350 = vector.shape_cast %get3A_349 : vector<1x16xf32> to vector<16xf32>
            %mul3A_351 = arith.mulf %get3A_346, %get3A_350 : vector<16xf32>
            %swap3A_352 = arith.index_cast %scan3A_258 : i32 to index
            %swap3A_353 = arith.constant 96 : index
            %swap3A_354 = tpu.vector_load %arg12[%swap3A_352, %swap3A_353] {strides = array<i32>} : memref<80x128xf32, #tpu.memory_space<vmem>>, vector<1x16xf32>,
            %swap3A_355 = vector.shape_cast %swap3A_354 : vector<1x16xf32> to vector<16xf32>
            %swap3A_356 = vector.shape_cast %mul3A_351 : vector<16xf32> to vector<1x16xf32>
            tpu.vector_store %arg12[%swap3A_352, %swap3A_353], %swap3A_356 {strides = array<i32>} : memref<80x128xf32, #tpu.memory_space<vmem>>, vector<1x16xf32>,
            %get3A_357 = arith.index_cast %scan3A_258 : i32 to index
            %get3A_358 = arith.constant 112 : index
            %get3A_359 = tpu.vector_load %arg11[%get3A_357, %get3A_358] {strides = array<i32>} : memref<80x128xf32, #tpu.memory_space<vmem>>, vector<1x16xf32>,
            %get3A_360 = vector.shape_cast %get3A_359 : vector<1x16xf32> to vector<16xf32>
            %get3A_361 = arith.index_cast %scan3A_258 : i32 to index
            %get3A_362 = arith.constant 112 : index
            %get3A_363 = tpu.vector_load %arg12[%get3A_361, %get3A_362] {strides = array<i32>} : memref<80x128xf32, #tpu.memory_space<vmem>>, vector<1x16xf32>,
            %get3A_364 = vector.shape_cast %get3A_363 : vector<1x16xf32> to vector<16xf32>
            %mul3A_365 = arith.mulf %get3A_360, %get3A_364 : vector<16xf32>
            %swap3A_366 = arith.index_cast %scan3A_258 : i32 to index
            %swap3A_367 = arith.constant 112 : index
            %swap3A_368 = tpu.vector_load %arg12[%swap3A_366, %swap3A_367] {strides = array<i32>} : memref<80x128xf32, #tpu.memory_space<vmem>>, vector<1x16xf32>,
            %swap3A_369 = vector.shape_cast %swap3A_368 : vector<1x16xf32> to vector<16xf32>
            %swap3A_370 = vector.shape_cast %mul3A_365 : vector<16xf32> to vector<1x16xf32>
            tpu.vector_store %arg12[%swap3A_366, %swap3A_367], %swap3A_370 {strides = array<i32>} : memref<80x128xf32, #tpu.memory_space<vmem>>, vector<1x16xf32>,
            %scan3A_371 = arith.constant 2 : i32
            %scan3A_372 = arith.addi %scan3A_146, %scan3A_371 : i32
            %get3A_373 = arith.index_cast %scan3A_372 : i32 to index
            %get3A_374 = arith.constant 0 : index
            %get3A_375 = tpu.vector_load %arg11[%get3A_373, %get3A_374] {strides = array<i32>} : memref<80x128xf32, #tpu.memory_space<vmem>>, vector<1x16xf32>,
            %get3A_376 = vector.shape_cast %get3A_375 : vector<1x16xf32> to vector<16xf32>
            %get3A_377 = arith.index_cast %scan3A_372 : i32 to index
            %get3A_378 = arith.constant 0 : index
            %get3A_379 = tpu.vector_load %arg12[%get3A_377, %get3A_378] {strides = array<i32>} : memref<80x128xf32, #tpu.memory_space<vmem>>, vector<1x16xf32>,
            %get3A_380 = vector.shape_cast %get3A_379 : vector<1x16xf32> to vector<16xf32>
            %mul3A_381 = arith.mulf %get3A_376, %get3A_380 : vector<16xf32>
            %swap3A_382 = arith.index_cast %scan3A_372 : i32 to index
            %swap3A_383 = arith.constant 0 : index
            %swap3A_384 = tpu.vector_load %arg12[%swap3A_382, %swap3A_383] {strides = array<i32>} : memref<80x128xf32, #tpu.memory_space<vmem>>, vector<1x16xf32>,
            %swap3A_385 = vector.shape_cast %swap3A_384 : vector<1x16xf32> to vector<16xf32>
            %swap3A_386 = vector.shape_cast %mul3A_381 : vector<16xf32> to vector<1x16xf32>
            tpu.vector_store %arg12[%swap3A_382, %swap3A_383], %swap3A_386 {strides = array<i32>} : memref<80x128xf32, #tpu.memory_space<vmem>>, vector<1x16xf32>,
            %get3A_387 = arith.index_cast %scan3A_372 : i32 to index
            %get3A_388 = arith.constant 16 : index
            %get3A_389 = tpu.vector_load %arg11[%get3A_387, %get3A_388] {strides = array<i32>} : memref<80x128xf32, #tpu.memory_space<vmem>>, vector<1x16xf32>,
            %get3A_390 = vector.shape_cast %get3A_389 : vector<1x16xf32> to vector<16xf32>
            %get3A_391 = arith.index_cast %scan3A_372 : i32 to index
            %get3A_392 = arith.constant 16 : index
            %get3A_393 = tpu.vector_load %arg12[%get3A_391, %get3A_392] {strides = array<i32>} : memref<80x128xf32, #tpu.memory_space<vmem>>, vector<1x16xf32>,
            %get3A_394 = vector.shape_cast %get3A_393 : vector<1x16xf32> to vector<16xf32>
            %mul3A_395 = arith.mulf %get3A_390, %get3A_394 : vector<16xf32>
            %swap3A_396 = arith.index_cast %scan3A_372 : i32 to index
            %swap3A_397 = arith.constant 16 : index
            %swap3A_398 = tpu.vector_load %arg12[%swap3A_396, %swap3A_397] {strides = array<i32>} : memref<80x128xf32, #tpu.memory_space<vmem>>, vector<1x16xf32>,
            %swap3A_399 = vector.shape_cast %swap3A_398 : vector<1x16xf32> to vector<16xf32>
            %swap3A_400 = vector.shape_cast %mul3A_395 : vector<16xf32> to vector<1x16xf32>
            tpu.vector_store %arg12[%swap3A_396, %swap3A_397], %swap3A_400 {strides = array<i32>} : memref<80x128xf32, #tpu.memory_space<vmem>>, vector<1x16xf32>,
            %get3A_401 = arith.index_cast %scan3A_372 : i32 to index
            %get3A_402 = arith.constant 32 : index
            %get3A_403 = tpu.vector_load %arg11[%get3A_401, %get3A_402] {strides = array<i32>} : memref<80x128xf32, #tpu.memory_space<vmem>>, vector<1x16xf32>,
            %get3A_404 = vector.shape_cast %get3A_403 : vector<1x16xf32> to vector<16xf32>
            %get3A_405 = arith.index_cast %scan3A_372 : i32 to index
            %get3A_406 = arith.constant 32 : index
            %get3A_407 = tpu.vector_load %arg12[%get3A_405, %get3A_406] {strides = array<i32>} : memref<80x128xf32, #tpu.memory_space<vmem>>, vector<1x16xf32>,
            %get3A_408 = vector.shape_cast %get3A_407 : vector<1x16xf32> to vector<16xf32>
            %mul3A_409 = arith.mulf %get3A_404, %get3A_408 : vector<16xf32>
            %swap3A_410 = arith.index_cast %scan3A_372 : i32 to index
            %swap3A_411 = arith.constant 32 : index
            %swap3A_412 = tpu.vector_load %arg12[%swap3A_410, %swap3A_411] {strides = array<i32>} : memref<80x128xf32, #tpu.memory_space<vmem>>, vector<1x16xf32>,
            %swap3A_413 = vector.shape_cast %swap3A_412 : vector<1x16xf32> to vector<16xf32>
            %swap3A_414 = vector.shape_cast %mul3A_409 : vector<16xf32> to vector<1x16xf32>
            tpu.vector_store %arg12[%swap3A_410, %swap3A_411], %swap3A_414 {strides = array<i32>} : memref<80x128xf32, #tpu.memory_space<vmem>>, vector<1x16xf32>,
            %get3A_415 = arith.index_cast %scan3A_372 : i32 to index
            %get3A_416 = arith.constant 48 : index
            %get3A_417 = tpu.vector_load %arg11[%get3A_415, %get3A_416] {strides = array<i32>} : memref<80x128xf32, #tpu.memory_space<vmem>>, vector<1x16xf32>,
            %get3A_418 = vector.shape_cast %get3A_417 : vector<1x16xf32> to vector<16xf32>
            %get3A_419 = arith.index_cast %scan3A_372 : i32 to index
            %get3A_420 = arith.constant 48 : index
            %get3A_421 = tpu.vector_load %arg12[%get3A_419, %get3A_420] {strides = array<i32>} : memref<80x128xf32, #tpu.memory_space<vmem>>, vector<1x16xf32>,
            %get3A_422 = vector.shape_cast %get3A_421 : vector<1x16xf32> to vector<16xf32>
            %mul3A_423 = arith.mulf %get3A_418, %get3A_422 : vector<16xf32>
            %swap3A_424 = arith.index_cast %scan3A_372 : i32 to index
            %swap3A_425 = arith.constant 48 : index
            %swap3A_426 = tpu.vector_load %arg12[%swap3A_424, %swap3A_425] {strides = array<i32>} : memref<80x128xf32, #tpu.memory_space<vmem>>, vector<1x16xf32>,
            %swap3A_427 = vector.shape_cast %swap3A_426 : vector<1x16xf32> to vector<16xf32>
            %swap3A_428 = vector.shape_cast %mul3A_423 : vector<16xf32> to vector<1x16xf32>
            tpu.vector_store %arg12[%swap3A_424, %swap3A_425], %swap3A_428 {strides = array<i32>} : memref<80x128xf32, #tpu.memory_space<vmem>>, vector<1x16xf32>,
            %get3A_429 = arith.index_cast %scan3A_372 : i32 to index
            %get3A_430 = arith.constant 64 : index
            %get3A_431 = tpu.vector_load %arg11[%get3A_429, %get3A_430] {strides = array<i32>} : memref<80x128xf32, #tpu.memory_space<vmem>>, vector<1x16xf32>,
            %get3A_432 = vector.shape_cast %get3A_431 : vector<1x16xf32> to vector<16xf32>
            %get3A_433 = arith.index_cast %scan3A_372 : i32 to index
            %get3A_434 = arith.constant 64 : index
            %get3A_435 = tpu.vector_load %arg12[%get3A_433, %get3A_434] {strides = array<i32>} : memref<80x128xf32, #tpu.memory_space<vmem>>, vector<1x16xf32>,
            %get3A_436 = vector.shape_cast %get3A_435 : vector<1x16xf32> to vector<16xf32>
            %mul3A_437 = arith.mulf %get3A_432, %get3A_436 : vector<16xf32>
            %swap3A_438 = arith.index_cast %scan3A_372 : i32 to index
            %swap3A_439 = arith.constant 64 : index
            %swap3A_440 = tpu.vector_load %arg12[%swap3A_438, %swap3A_439] {strides = array<i32>} : memref<80x128xf32, #tpu.memory_space<vmem>>, vector<1x16xf32>,
            %swap3A_441 = vector.shape_cast %swap3A_440 : vector<1x16xf32> to vector<16xf32>
            %swap3A_442 = vector.shape_cast %mul3A_437 : vector<16xf32> to vector<1x16xf32>
            tpu.vector_store %arg12[%swap3A_438, %swap3A_439], %swap3A_442 {strides = array<i32>} : memref<80x128xf32, #tpu.memory_space<vmem>>, vector<1x16xf32>,
            %get3A_443 = arith.index_cast %scan3A_372 : i32 to index
            %get3A_444 = arith.constant 80 : index
            %get3A_445 = tpu.vector_load %arg11[%get3A_443, %get3A_444] {strides = array<i32>} : memref<80x128xf32, #tpu.memory_space<vmem>>, vector<1x16xf32>,
            %get3A_446 = vector.shape_cast %get3A_445 : vector<1x16xf32> to vector<16xf32>
            %get3A_447 = arith.index_cast %scan3A_372 : i32 to index
            %get3A_448 = arith.constant 80 : index
            %get3A_449 = tpu.vector_load %arg12[%get3A_447, %get3A_448] {strides = array<i32>} : memref<80x128xf32, #tpu.memory_space<vmem>>, vector<1x16xf32>,
            %get3A_450 = vector.shape_cast %get3A_449 : vector<1x16xf32> to vector<16xf32>
            %mul3A_451 = arith.mulf %get3A_446, %get3A_450 : vector<16xf32>
            %swap3A_452 = arith.index_cast %scan3A_372 : i32 to index
            %swap3A_453 = arith.constant 80 : index
            %swap3A_454 = tpu.vector_load %arg12[%swap3A_452, %swap3A_453] {strides = array<i32>} : memref<80x128xf32, #tpu.memory_space<vmem>>, vector<1x16xf32>,
            %swap3A_455 = vector.shape_cast %swap3A_454 : vector<1x16xf32> to vector<16xf32>
            %swap3A_456 = vector.shape_cast %mul3A_451 : vector<16xf32> to vector<1x16xf32>
            tpu.vector_store %arg12[%swap3A_452, %swap3A_453], %swap3A_456 {strides = array<i32>} : memref<80x128xf32, #tpu.memory_space<vmem>>, vector<1x16xf32>,
            %get3A_457 = arith.index_cast %scan3A_372 : i32 to index
            %get3A_458 = arith.constant 96 : index
            %get3A_459 = tpu.vector_load %arg11[%get3A_457, %get3A_458] {strides = array<i32>} : memref<80x128xf32, #tpu.memory_space<vmem>>, vector<1x16xf32>,
            %get3A_460 = vector.shape_cast %get3A_459 : vector<1x16xf32> to vector<16xf32>
            %get3A_461 = arith.index_cast %scan3A_372 : i32 to index
            %get3A_462 = arith.constant 96 : index
            %get3A_463 = tpu.vector_load %arg12[%get3A_461, %get3A_462] {strides = array<i32>} : memref<80x128xf32, #tpu.memory_space<vmem>>, vector<1x16xf32>,
            %get3A_464 = vector.shape_cast %get3A_463 : vector<1x16xf32> to vector<16xf32>
            %mul3A_465 = arith.mulf %get3A_460, %get3A_464 : vector<16xf32>
            %swap3A_466 = arith.index_cast %scan3A_372 : i32 to index
            %swap3A_467 = arith.constant 96 : index
            %swap3A_468 = tpu.vector_load %arg12[%swap3A_466, %swap3A_467] {strides = array<i32>} : memref<80x128xf32, #tpu.memory_space<vmem>>, vector<1x16xf32>,
            %swap3A_469 = vector.shape_cast %swap3A_468 : vector<1x16xf32> to vector<16xf32>
            %swap3A_470 = vector.shape_cast %mul3A_465 : vector<16xf32> to vector<1x16xf32>
            tpu.vector_store %arg12[%swap3A_466, %swap3A_467], %swap3A_470 {strides = array<i32>} : memref<80x128xf32, #tpu.memory_space<vmem>>, vector<1x16xf32>,
            %get3A_471 = arith.index_cast %scan3A_372 : i32 to index
            %get3A_472 = arith.constant 112 : index
            %get3A_473 = tpu.vector_load %arg11[%get3A_471, %get3A_472] {strides = array<i32>} : memref<80x128xf32, #tpu.memory_space<vmem>>, vector<1x16xf32>,
            %get3A_474 = vector.shape_cast %get3A_473 : vector<1x16xf32> to vector<16xf32>
            %get3A_475 = arith.index_cast %scan3A_372 : i32 to index
            %get3A_476 = arith.constant 112 : index
            %get3A_477 = tpu.vector_load %arg12[%get3A_475, %get3A_476] {strides = array<i32>} : memref<80x128xf32, #tpu.memory_space<vmem>>, vector<1x16xf32>,
            %get3A_478 = vector.shape_cast %get3A_477 : vector<1x16xf32> to vector<16xf32>
            %mul3A_479 = arith.mulf %get3A_474, %get3A_478 : vector<16xf32>
            %swap3A_480 = arith.index_cast %scan3A_372 : i32 to index
            %swap3A_481 = arith.constant 112 : index
            %swap3A_482 = tpu.vector_load %arg12[%swap3A_480, %swap3A_481] {strides = array<i32>} : memref<80x128xf32, #tpu.memory_space<vmem>>, vector<1x16xf32>,
            %swap3A_483 = vector.shape_cast %swap3A_482 : vector<1x16xf32> to vector<16xf32>
            %swap3A_484 = vector.shape_cast %mul3A_479 : vector<16xf32> to vector<1x16xf32>
            tpu.vector_store %arg12[%swap3A_480, %swap3A_481], %swap3A_484 {strides = array<i32>} : memref<80x128xf32, #tpu.memory_space<vmem>>, vector<1x16xf32>,
            %scan3A_485 = arith.constant 3 : i32
            %scan3A_486 = arith.addi %scan3A_146, %scan3A_485 : i32
            %get3A_487 = arith.index_cast %scan3A_486 : i32 to index
            %get3A_488 = arith.constant 0 : index
            %get3A_489 = tpu.vector_load %arg11[%get3A_487, %get3A_488] {strides = array<i32>} : memref<80x128xf32, #tpu.memory_space<vmem>>, vector<1x16xf32>,
            %get3A_490 = vector.shape_cast %get3A_489 : vector<1x16xf32> to vector<16xf32>
            %get3A_491 = arith.index_cast %scan3A_486 : i32 to index
            %get3A_492 = arith.constant 0 : index
            %get3A_493 = tpu.vector_load %arg12[%get3A_491, %get3A_492] {strides = array<i32>} : memref<80x128xf32, #tpu.memory_space<vmem>>, vector<1x16xf32>,
            %get3A_494 = vector.shape_cast %get3A_493 : vector<1x16xf32> to vector<16xf32>
            %mul3A_495 = arith.mulf %get3A_490, %get3A_494 : vector<16xf32>
            %swap3A_496 = arith.index_cast %scan3A_486 : i32 to index
            %swap3A_497 = arith.constant 0 : index
            %swap3A_498 = tpu.vector_load %arg12[%swap3A_496, %swap3A_497] {strides = array<i32>} : memref<80x128xf32, #tpu.memory_space<vmem>>, vector<1x16xf32>,
            %swap3A_499 = vector.shape_cast %swap3A_498 : vector<1x16xf32> to vector<16xf32>
            %swap3A_500 = vector.shape_cast %mul3A_495 : vector<16xf32> to vector<1x16xf32>
            tpu.vector_store %arg12[%swap3A_496, %swap3A_497], %swap3A_500 {strides = array<i32>} : memref<80x128xf32, #tpu.memory_space<vmem>>, vector<1x16xf32>,
            %get3A_501 = arith.index_cast %scan3A_486 : i32 to index
            %get3A_502 = arith.constant 16 : index
            %get3A_503 = tpu.vector_load %arg11[%get3A_501, %get3A_502] {strides = array<i32>} : memref<80x128xf32, #tpu.memory_space<vmem>>, vector<1x16xf32>,
            %get3A_504 = vector.shape_cast %get3A_503 : vector<1x16xf32> to vector<16xf32>
            %get3A_505 = arith.index_cast %scan3A_486 : i32 to index
            %get3A_506 = arith.constant 16 : index
            %get3A_507 = tpu.vector_load %arg12[%get3A_505, %get3A_506] {strides = array<i32>} : memref<80x128xf32, #tpu.memory_space<vmem>>, vector<1x16xf32>,
            %get3A_508 = vector.shape_cast %get3A_507 : vector<1x16xf32> to vector<16xf32>
            %mul3A_509 = arith.mulf %get3A_504, %get3A_508 : vector<16xf32>
            %swap3A_510 = arith.index_cast %scan3A_486 : i32 to index
            %swap3A_511 = arith.constant 16 : index
            %swap3A_512 = tpu.vector_load %arg12[%swap3A_510, %swap3A_511] {strides = array<i32>} : memref<80x128xf32, #tpu.memory_space<vmem>>, vector<1x16xf32>,
            %swap3A_513 = vector.shape_cast %swap3A_512 : vector<1x16xf32> to vector<16xf32>
            %swap3A_514 = vector.shape_cast %mul3A_509 : vector<16xf32> to vector<1x16xf32>
            tpu.vector_store %arg12[%swap3A_510, %swap3A_511], %swap3A_514 {strides = array<i32>} : memref<80x128xf32, #tpu.memory_space<vmem>>, vector<1x16xf32>,
            %get3A_515 = arith.index_cast %scan3A_486 : i32 to index
            %get3A_516 = arith.constant 32 : index
            %get3A_517 = tpu.vector_load %arg11[%get3A_515, %get3A_516] {strides = array<i32>} : memref<80x128xf32, #tpu.memory_space<vmem>>, vector<1x16xf32>,
            %get3A_518 = vector.shape_cast %get3A_517 : vector<1x16xf32> to vector<16xf32>
            %get3A_519 = arith.index_cast %scan3A_486 : i32 to index
            %get3A_520 = arith.constant 32 : index
            %get3A_521 = tpu.vector_load %arg12[%get3A_519, %get3A_520] {strides = array<i32>} : memref<80x128xf32, #tpu.memory_space<vmem>>, vector<1x16xf32>,
            %get3A_522 = vector.shape_cast %get3A_521 : vector<1x16xf32> to vector<16xf32>
            %mul3A_523 = arith.mulf %get3A_518, %get3A_522 : vector<16xf32>
            %swap3A_524 = arith.index_cast %scan3A_486 : i32 to index
            %swap3A_525 = arith.constant 32 : index
            %swap3A_526 = tpu.vector_load %arg12[%swap3A_524, %swap3A_525] {strides = array<i32>} : memref<80x128xf32, #tpu.memory_space<vmem>>, vector<1x16xf32>,
            %swap3A_527 = vector.shape_cast %swap3A_526 : vector<1x16xf32> to vector<16xf32>
            %swap3A_528 = vector.shape_cast %mul3A_523 : vector<16xf32> to vector<1x16xf32>
            tpu.vector_store %arg12[%swap3A_524, %swap3A_525], %swap3A_528 {strides = array<i32>} : memref<80x128xf32, #tpu.memory_space<vmem>>, vector<1x16xf32>,
            %get3A_529 = arith.index_cast %scan3A_486 : i32 to index
            %get3A_530 = arith.constant 48 : index
            %get3A_531 = tpu.vector_load %arg11[%get3A_529, %get3A_530] {strides = array<i32>} : memref<80x128xf32, #tpu.memory_space<vmem>>, vector<1x16xf32>,
            %get3A_532 = vector.shape_cast %get3A_531 : vector<1x16xf32> to vector<16xf32>
            %get3A_533 = arith.index_cast %scan3A_486 : i32 to index
            %get3A_534 = arith.constant 48 : index
            %get3A_535 = tpu.vector_load %arg12[%get3A_533, %get3A_534] {strides = array<i32>} : memref<80x128xf32, #tpu.memory_space<vmem>>, vector<1x16xf32>,
            %get3A_536 = vector.shape_cast %get3A_535 : vector<1x16xf32> to vector<16xf32>
            %mul3A_537 = arith.mulf %get3A_532, %get3A_536 : vector<16xf32>
            %swap3A_538 = arith.index_cast %scan3A_486 : i32 to index
            %swap3A_539 = arith.constant 48 : index
            %swap3A_540 = tpu.vector_load %arg12[%swap3A_538, %swap3A_539] {strides = array<i32>} : memref<80x128xf32, #tpu.memory_space<vmem>>, vector<1x16xf32>,
            %swap3A_541 = vector.shape_cast %swap3A_540 : vector<1x16xf32> to vector<16xf32>
            %swap3A_542 = vector.shape_cast %mul3A_537 : vector<16xf32> to vector<1x16xf32>
            tpu.vector_store %arg12[%swap3A_538, %swap3A_539], %swap3A_542 {strides = array<i32>} : memref<80x128xf32, #tpu.memory_space<vmem>>, vector<1x16xf32>,
            %get3A_543 = arith.index_cast %scan3A_486 : i32 to index
            %get3A_544 = arith.constant 64 : index
            %get3A_545 = tpu.vector_load %arg11[%get3A_543, %get3A_544] {strides = array<i32>} : memref<80x128xf32, #tpu.memory_space<vmem>>, vector<1x16xf32>,
            %get3A_546 = vector.shape_cast %get3A_545 : vector<1x16xf32> to vector<16xf32>
            %get3A_547 = arith.index_cast %scan3A_486 : i32 to index
            %get3A_548 = arith.constant 64 : index
            %get3A_549 = tpu.vector_load %arg12[%get3A_547, %get3A_548] {strides = array<i32>} : memref<80x128xf32, #tpu.memory_space<vmem>>, vector<1x16xf32>,
            %get3A_550 = vector.shape_cast %get3A_549 : vector<1x16xf32> to vector<16xf32>
            %mul3A_551 = arith.mulf %get3A_546, %get3A_550 : vector<16xf32>
            %swap3A_552 = arith.index_cast %scan3A_486 : i32 to index
            %swap3A_553 = arith.constant 64 : index
            %swap3A_554 = tpu.vector_load %arg12[%swap3A_552, %swap3A_553] {strides = array<i32>} : memref<80x128xf32, #tpu.memory_space<vmem>>, vector<1x16xf32>,
            %swap3A_555 = vector.shape_cast %swap3A_554 : vector<1x16xf32> to vector<16xf32>
            %swap3A_556 = vector.shape_cast %mul3A_551 : vector<16xf32> to vector<1x16xf32>
            tpu.vector_store %arg12[%swap3A_552, %swap3A_553], %swap3A_556 {strides = array<i32>} : memref<80x128xf32, #tpu.memory_space<vmem>>, vector<1x16xf32>,
            %get3A_557 = arith.index_cast %scan3A_486 : i32 to index
            %get3A_558 = arith.constant 80 : index
            %get3A_559 = tpu.vector_load %arg11[%get3A_557, %get3A_558] {strides = array<i32>} : memref<80x128xf32, #tpu.memory_space<vmem>>, vector<1x16xf32>,
            %get3A_560 = vector.shape_cast %get3A_559 : vector<1x16xf32> to vector<16xf32>
            %get3A_561 = arith.index_cast %scan3A_486 : i32 to index
            %get3A_562 = arith.constant 80 : index
            %get3A_563 = tpu.vector_load %arg12[%get3A_561, %get3A_562] {strides = array<i32>} : memref<80x128xf32, #tpu.memory_space<vmem>>, vector<1x16xf32>,
            %get3A_564 = vector.shape_cast %get3A_563 : vector<1x16xf32> to vector<16xf32>
            %mul3A_565 = arith.mulf %get3A_560, %get3A_564 : vector<16xf32>
            %swap3A_566 = arith.index_cast %scan3A_486 : i32 to index
            %swap3A_567 = arith.constant 80 : index
            %swap3A_568 = tpu.vector_load %arg12[%swap3A_566, %swap3A_567] {strides = array<i32>} : memref<80x128xf32, #tpu.memory_space<vmem>>, vector<1x16xf32>,
            %swap3A_569 = vector.shape_cast %swap3A_568 : vector<1x16xf32> to vector<16xf32>
            %swap3A_570 = vector.shape_cast %mul3A_565 : vector<16xf32> to vector<1x16xf32>
            tpu.vector_store %arg12[%swap3A_566, %swap3A_567], %swap3A_570 {strides = array<i32>} : memref<80x128xf32, #tpu.memory_space<vmem>>, vector<1x16xf32>,
            %get3A_571 = arith.index_cast %scan3A_486 : i32 to index
            %get3A_572 = arith.constant 96 : index
            %get3A_573 = tpu.vector_load %arg11[%get3A_571, %get3A_572] {strides = array<i32>} : memref<80x128xf32, #tpu.memory_space<vmem>>, vector<1x16xf32>,
            %get3A_574 = vector.shape_cast %get3A_573 : vector<1x16xf32> to vector<16xf32>
            %get3A_575 = arith.index_cast %scan3A_486 : i32 to index
            %get3A_576 = arith.constant 96 : index
            %get3A_577 = tpu.vector_load %arg12[%get3A_575, %get3A_576] {strides = array<i32>} : memref<80x128xf32, #tpu.memory_space<vmem>>, vector<1x16xf32>,
            %get3A_578 = vector.shape_cast %get3A_577 : vector<1x16xf32> to vector<16xf32>
            %mul3A_579 = arith.mulf %get3A_574, %get3A_578 : vector<16xf32>
            %swap3A_580 = arith.index_cast %scan3A_486 : i32 to index
            %swap3A_581 = arith.constant 96 : index
            %swap3A_582 = tpu.vector_load %arg12[%swap3A_580, %swap3A_581] {strides = array<i32>} : memref<80x128xf32, #tpu.memory_space<vmem>>, vector<1x16xf32>,
            %swap3A_583 = vector.shape_cast %swap3A_582 : vector<1x16xf32> to vector<16xf32>
            %swap3A_584 = vector.shape_cast %mul3A_579 : vector<16xf32> to vector<1x16xf32>
            tpu.vector_store %arg12[%swap3A_580, %swap3A_581], %swap3A_584 {strides = array<i32>} : memref<80x128xf32, #tpu.memory_space<vmem>>, vector<1x16xf32>,
            %get3A_585 = arith.index_cast %scan3A_486 : i32 to index
            %get3A_586 = arith.constant 112 : index
            %get3A_587 = tpu.vector_load %arg11[%get3A_585, %get3A_586] {strides = array<i32>} : memref<80x128xf32, #tpu.memory_space<vmem>>, vector<1x16xf32>,
            %get3A_588 = vector.shape_cast %get3A_587 : vector<1x16xf32> to vector<16xf32>
            %get3A_589 = arith.index_cast %scan3A_486 : i32 to index
            %get3A_590 = arith.constant 112 : index
            %get3A_591 = tpu.vector_load %arg12[%get3A_589, %get3A_590] {strides = array<i32>} : memref<80x128xf32, #tpu.memory_space<vmem>>, vector<1x16xf32>,
            %get3A_592 = vector.shape_cast %get3A_591 : vector<1x16xf32> to vector<16xf32>
            %mul3A_593 = arith.mulf %get3A_588, %get3A_592 : vector<16xf32>
            %swap3A_594 = arith.index_cast %scan3A_486 : i32 to index
            %swap3A_595 = arith.constant 112 : index
            %swap3A_596 = tpu.vector_load %arg12[%swap3A_594, %swap3A_595] {strides = array<i32>} : memref<80x128xf32, #tpu.memory_space<vmem>>, vector<1x16xf32>,
            %swap3A_597 = vector.shape_cast %swap3A_596 : vector<1x16xf32> to vector<16xf32>
            %swap3A_598 = vector.shape_cast %mul3A_593 : vector<16xf32> to vector<1x16xf32>
            tpu.vector_store %arg12[%swap3A_594, %swap3A_595], %swap3A_598 {strides = array<i32>} : memref<80x128xf32, #tpu.memory_space<vmem>>, vector<1x16xf32>,
          }
          %scan3A_140 = arith.constant 80 : i32
          %dma_wait3A_141 = tpu.memref_slice %arg7[%add3A_63] : memref<640000xi32, #tpu.memory_space<hbm>> -> memref<80xi32, #tpu.memory_space<hbm>>
          %dma_wait3A_142 = tpu.memref_slice %arg7[%add3A_63] : memref<640000xi32, #tpu.memory_space<hbm>> -> memref<80xi32, #tpu.memory_space<hbm>>
          tpu.wait_dma2 semaphore(%arg24 : memref<!tpu.dma_semaphore, #tpu.memory_space<semaphore_mem>>) src(%dma_wait3A_142 : memref<80xi32, #tpu.memory_space<hbm>>) dst(%arg10 : memref<80xi32, #tpu.memory_space<vmem>>)
          %dma_start3A_143 = arith.constant 0 : i32
          %dma_start3A_144 = arith.constant 0 : i32
          %dma_start3A_145 = tpu.memref_slice %arg19[%dma_start3A_143, %dma_start3A_144] : memref<10000x128xf32, #tpu.memory_space<vmem_shared>> -> memref<10000x128xf32, #tpu.memory_space<vmem_shared>>
          tpu.enqueue_indirect_dma source(%arg12 : memref<80x128xf32, #tpu.memory_space<vmem>>) target(%dma_start3A_145 : memref<10000x128xf32, #tpu.memory_space<vmem_shared>>) offsets(%arg10 : memref<80xi32, #tpu.memory_space<vmem>>) semaphore(%arg22 : memref<!tpu.dma_semaphore, #tpu.memory_space<semaphore_mem>>) {add = true}
        } else {
        }
        %not3A_102 = arith.constant true
        %not3A_103 = arith.xori %eq3A_0, %not3A_102 : i1
        %convert_element_type3A_104 = arith.extui %not3A_103 : i1 to i32
        %cond3A_105 = arith.constant 0 : i32
        %cond3A_106 = arith.cmpi ne, %convert_element_type3A_104, %cond3A_105 : i32
        scf.if %cond3A_106 {
          %dma_wait3A = tpu.memref_slice %arg17[%mul3A_98] : memref<4000xi32, #tpu.memory_space<vmem>> -> memref<80xi32, #tpu.memory_space<vmem>>
          %dma_wait3A_126 = arith.constant 0 : i32
          %dma_wait3A_127 = arith.constant 0 : i32
          %dma_wait3A_128 = tpu.memref_slice %arg3[%dma_wait3A_126, %dma_wait3A_127] : memref<10000x128xf32, #tpu.memory_space<hbm>> -> memref<10000x128xf32, #tpu.memory_space<hbm>>
          tpu.wait_indirect_dma semaphore(%arg20 : memref<!tpu.dma_semaphore, #tpu.memory_space<semaphore_mem>>) src(%dma_wait3A_128 : memref<10000x128xf32, #tpu.memory_space<hbm>>) dst(%arg12 : memref<80x128xf32, #tpu.memory_space<vmem>>)
          %dma_wait3A_129 = tpu.memref_slice %arg7[%add3A_63] : memref<640000xi32, #tpu.memory_space<hbm>> -> memref<80xi32, #tpu.memory_space<hbm>>
          %dma_wait3A_130 = tpu.memref_slice %arg7[%add3A_63] : memref<640000xi32, #tpu.memory_space<hbm>> -> memref<80xi32, #tpu.memory_space<hbm>>
          tpu.wait_dma2 semaphore(%arg24 : memref<!tpu.dma_semaphore, #tpu.memory_space<semaphore_mem>>) src(%dma_wait3A_130 : memref<80xi32, #tpu.memory_space<hbm>>) dst(%arg10 : memref<80xi32, #tpu.memory_space<vmem>>)
          %dma_start3A_131 = arith.constant 0 : i32
          %dma_start3A_132 = arith.constant 0 : i32
          %dma_start3A_133 = tpu.memref_slice %arg2[%dma_start3A_131, %dma_start3A_132] : memref<20000x128xf32, #tpu.memory_space<hbm>> -> memref<20000x128xf32, #tpu.memory_space<hbm>>
          tpu.enqueue_indirect_dma source(%dma_start3A_133 : memref<20000x128xf32, #tpu.memory_space<hbm>>) target(%arg12 : memref<80x128xf32, #tpu.memory_space<vmem>>) offsets(%arg10 : memref<80xi32, #tpu.memory_space<vmem>>) semaphore(%arg20 : memref<!tpu.dma_semaphore, #tpu.memory_space<semaphore_mem>>) {add = true}
        } else {
        }
        %mul3A_107 = arith.constant 2 : i32
        %mul3A_108 = arith.muli %mul3A_107, %scan3A_46 : i32
        %add3A_109 = arith.constant 1 : i32
        %add3A_110 = arith.addi %mul3A_108, %add3A_109 : i32
        %mul3A_111 = arith.constant 80 : i32
        %mul3A_112 = arith.muli %add3A_110, %mul3A_111 : i32
        %convert_element_type3A_113 = arith.extui %eq3A_0 : i1 to i32
        %cond3A_114 = arith.constant 0 : i32
        %cond3A_115 = arith.cmpi ne, %convert_element_type3A_113, %cond3A_114 : i32
        scf.if %cond3A_115 {
          %dma_wait3A = tpu.memref_slice %arg16[%mul3A_112] : memref<4000xi32, #tpu.memory_space<vmem>> -> memref<80xi32, #tpu.memory_space<vmem>>
          %dma_wait3A_126 = arith.constant 0 : i32
          %dma_wait3A_127 = arith.constant 0 : i32
          %dma_wait3A_128 = tpu.memref_slice %arg2[%dma_wait3A_126, %dma_wait3A_127] : memref<20000x128xf32, #tpu.memory_space<hbm>> -> memref<20000x128xf32, #tpu.memory_space<hbm>>
          tpu.wait_indirect_dma semaphore(%arg21 : memref<!tpu.dma_semaphore, #tpu.memory_space<semaphore_mem>>) src(%dma_wait3A_128 : memref<20000x128xf32, #tpu.memory_space<hbm>>) dst(%arg14 : memref<80x128xf32, #tpu.memory_space<vmem>>)
          %dma_wait3A_129 = arith.constant 0 : i32
          %dma_wait3A_130 = arith.constant 0 : i32
          %dma_wait3A_131 = tpu.memref_slice %arg4[%dma_wait3A_129, %dma_wait3A_130] : memref<320000x128xf32, #tpu.memory_space<hbm>> -> memref<80x128xf32, #tpu.memory_space<hbm>>
          %dma_wait3A_132 = arith.constant 0 : i32
          %dma_wait3A_133 = arith.constant 0 : i32
          %dma_wait3A_134 = tpu.memref_slice %arg4[%dma_wait3A_132, %dma_wait3A_133] : memref<320000x128xf32, #tpu.memory_space<hbm>> -> memref<80x128xf32, #tpu.memory_space<hbm>>
          tpu.wait_dma2 semaphore(%arg21 : memref<!tpu.dma_semaphore, #tpu.memory_space<semaphore_mem>>) src(%dma_wait3A_134 : memref<80x128xf32, #tpu.memory_space<hbm>>) dst(%arg15 : memref<80x128xf32, #tpu.memory_space<vmem>>)
          %scan3A_135 = arith.constant 0 : i32
          %scan3A_136 = arith.constant 0 : i32
          %scan3A_137 = arith.constant 80 : i32
          %scan3A_138 = arith.addi %scan3A_136, %scan3A_137 : i32
          %scan3A_139 = arith.constant 4 : i32
          scf.for %scan3A_146 = %scan3A_136 to %scan3A_138 step %scan3A_139  : i32 {
            %get3A = arith.index_cast %scan3A_146 : i32 to index
            %get3A_147 = arith.constant 0 : index
            %get3A_148 = tpu.vector_load %arg14[%get3A, %get3A_147] {strides = array<i32>} : memref<80x128xf32, #tpu.memory_space<vmem>>, vector<1x16xf32>,
            %get3A_149 = vector.shape_cast %get3A_148 : vector<1x16xf32> to vector<16xf32>
            %get3A_150 = arith.index_cast %scan3A_146 : i32 to index
            %get3A_151 = arith.constant 0 : index
            %get3A_152 = tpu.vector_load %arg15[%get3A_150, %get3A_151] {strides = array<i32>} : memref<80x128xf32, #tpu.memory_space<vmem>>, vector<1x16xf32>,
            %get3A_153 = vector.shape_cast %get3A_152 : vector<1x16xf32> to vector<16xf32>
            %mul3A_154 = arith.mulf %get3A_149, %get3A_153 : vector<16xf32>
            %swap3A = arith.index_cast %scan3A_146 : i32 to index
            %swap3A_155 = arith.constant 0 : index
            %swap3A_156 = tpu.vector_load %arg15[%swap3A, %swap3A_155] {strides = array<i32>} : memref<80x128xf32, #tpu.memory_space<vmem>>, vector<1x16xf32>,
            %swap3A_157 = vector.shape_cast %swap3A_156 : vector<1x16xf32> to vector<16xf32>
            %swap3A_158 = vector.shape_cast %mul3A_154 : vector<16xf32> to vector<1x16xf32>
            tpu.vector_store %arg15[%swap3A, %swap3A_155], %swap3A_158 {strides = array<i32>} : memref<80x128xf32, #tpu.memory_space<vmem>>, vector<1x16xf32>,
            %get3A_159 = arith.index_cast %scan3A_146 : i32 to index
            %get3A_160 = arith.constant 16 : index
            %get3A_161 = tpu.vector_load %arg14[%get3A_159, %get3A_160] {strides = array<i32>} : memref<80x128xf32, #tpu.memory_space<vmem>>, vector<1x16xf32>,
            %get3A_162 = vector.shape_cast %get3A_161 : vector<1x16xf32> to vector<16xf32>
            %get3A_163 = arith.index_cast %scan3A_146 : i32 to index
            %get3A_164 = arith.constant 16 : index
            %get3A_165 = tpu.vector_load %arg15[%get3A_163, %get3A_164] {strides = array<i32>} : memref<80x128xf32, #tpu.memory_space<vmem>>, vector<1x16xf32>,
            %get3A_166 = vector.shape_cast %get3A_165 : vector<1x16xf32> to vector<16xf32>
            %mul3A_167 = arith.mulf %get3A_162, %get3A_166 : vector<16xf32>
            %swap3A_168 = arith.index_cast %scan3A_146 : i32 to index
            %swap3A_169 = arith.constant 16 : index
            %swap3A_170 = tpu.vector_load %arg15[%swap3A_168, %swap3A_169] {strides = array<i32>} : memref<80x128xf32, #tpu.memory_space<vmem>>, vector<1x16xf32>,
            %swap3A_171 = vector.shape_cast %swap3A_170 : vector<1x16xf32> to vector<16xf32>
            %swap3A_172 = vector.shape_cast %mul3A_167 : vector<16xf32> to vector<1x16xf32>
            tpu.vector_store %arg15[%swap3A_168, %swap3A_169], %swap3A_172 {strides = array<i32>} : memref<80x128xf32, #tpu.memory_space<vmem>>, vector<1x16xf32>,
            %get3A_173 = arith.index_cast %scan3A_146 : i32 to index
            %get3A_174 = arith.constant 32 : index
            %get3A_175 = tpu.vector_load %arg14[%get3A_173, %get3A_174] {strides = array<i32>} : memref<80x128xf32, #tpu.memory_space<vmem>>, vector<1x16xf32>,
            %get3A_176 = vector.shape_cast %get3A_175 : vector<1x16xf32> to vector<16xf32>
            %get3A_177 = arith.index_cast %scan3A_146 : i32 to index
            %get3A_178 = arith.constant 32 : index
            %get3A_179 = tpu.vector_load %arg15[%get3A_177, %get3A_178] {strides = array<i32>} : memref<80x128xf32, #tpu.memory_space<vmem>>, vector<1x16xf32>,
            %get3A_180 = vector.shape_cast %get3A_179 : vector<1x16xf32> to vector<16xf32>
            %mul3A_181 = arith.mulf %get3A_176, %get3A_180 : vector<16xf32>
            %swap3A_182 = arith.index_cast %scan3A_146 : i32 to index
            %swap3A_183 = arith.constant 32 : index
            %swap3A_184 = tpu.vector_load %arg15[%swap3A_182, %swap3A_183] {strides = array<i32>} : memref<80x128xf32, #tpu.memory_space<vmem>>, vector<1x16xf32>,
            %swap3A_185 = vector.shape_cast %swap3A_184 : vector<1x16xf32> to vector<16xf32>
            %swap3A_186 = vector.shape_cast %mul3A_181 : vector<16xf32> to vector<1x16xf32>
            tpu.vector_store %arg15[%swap3A_182, %swap3A_183], %swap3A_186 {strides = array<i32>} : memref<80x128xf32, #tpu.memory_space<vmem>>, vector<1x16xf32>,
            %get3A_187 = arith.index_cast %scan3A_146 : i32 to index
            %get3A_188 = arith.constant 48 : index
            %get3A_189 = tpu.vector_load %arg14[%get3A_187, %get3A_188] {strides = array<i32>} : memref<80x128xf32, #tpu.memory_space<vmem>>, vector<1x16xf32>,
            %get3A_190 = vector.shape_cast %get3A_189 : vector<1x16xf32> to vector<16xf32>
            %get3A_191 = arith.index_cast %scan3A_146 : i32 to index
            %get3A_192 = arith.constant 48 : index
            %get3A_193 = tpu.vector_load %arg15[%get3A_191, %get3A_192] {strides = array<i32>} : memref<80x128xf32, #tpu.memory_space<vmem>>, vector<1x16xf32>,
            %get3A_194 = vector.shape_cast %get3A_193 : vector<1x16xf32> to vector<16xf32>
            %mul3A_195 = arith.mulf %get3A_190, %get3A_194 : vector<16xf32>
            %swap3A_196 = arith.index_cast %scan3A_146 : i32 to index
            %swap3A_197 = arith.constant 48 : index
            %swap3A_198 = tpu.vector_load %arg15[%swap3A_196, %swap3A_197] {strides = array<i32>} : memref<80x128xf32, #tpu.memory_space<vmem>>, vector<1x16xf32>,
            %swap3A_199 = vector.shape_cast %swap3A_198 : vector<1x16xf32> to vector<16xf32>
            %swap3A_200 = vector.shape_cast %mul3A_195 : vector<16xf32> to vector<1x16xf32>
            tpu.vector_store %arg15[%swap3A_196, %swap3A_197], %swap3A_200 {strides = array<i32>} : memref<80x128xf32, #tpu.memory_space<vmem>>, vector<1x16xf32>,
            %get3A_201 = arith.index_cast %scan3A_146 : i32 to index
            %get3A_202 = arith.constant 64 : index
            %get3A_203 = tpu.vector_load %arg14[%get3A_201, %get3A_202] {strides = array<i32>} : memref<80x128xf32, #tpu.memory_space<vmem>>, vector<1x16xf32>,
            %get3A_204 = vector.shape_cast %get3A_203 : vector<1x16xf32> to vector<16xf32>
            %get3A_205 = arith.index_cast %scan3A_146 : i32 to index
            %get3A_206 = arith.constant 64 : index
            %get3A_207 = tpu.vector_load %arg15[%get3A_205, %get3A_206] {strides = array<i32>} : memref<80x128xf32, #tpu.memory_space<vmem>>, vector<1x16xf32>,
            %get3A_208 = vector.shape_cast %get3A_207 : vector<1x16xf32> to vector<16xf32>
            %mul3A_209 = arith.mulf %get3A_204, %get3A_208 : vector<16xf32>
            %swap3A_210 = arith.index_cast %scan3A_146 : i32 to index
            %swap3A_211 = arith.constant 64 : index
            %swap3A_212 = tpu.vector_load %arg15[%swap3A_210, %swap3A_211] {strides = array<i32>} : memref<80x128xf32, #tpu.memory_space<vmem>>, vector<1x16xf32>,
            %swap3A_213 = vector.shape_cast %swap3A_212 : vector<1x16xf32> to vector<16xf32>
            %swap3A_214 = vector.shape_cast %mul3A_209 : vector<16xf32> to vector<1x16xf32>
            tpu.vector_store %arg15[%swap3A_210, %swap3A_211], %swap3A_214 {strides = array<i32>} : memref<80x128xf32, #tpu.memory_space<vmem>>, vector<1x16xf32>,
            %get3A_215 = arith.index_cast %scan3A_146 : i32 to index
            %get3A_216 = arith.constant 80 : index
            %get3A_217 = tpu.vector_load %arg14[%get3A_215, %get3A_216] {strides = array<i32>} : memref<80x128xf32, #tpu.memory_space<vmem>>, vector<1x16xf32>,
            %get3A_218 = vector.shape_cast %get3A_217 : vector<1x16xf32> to vector<16xf32>
            %get3A_219 = arith.index_cast %scan3A_146 : i32 to index
            %get3A_220 = arith.constant 80 : index
            %get3A_221 = tpu.vector_load %arg15[%get3A_219, %get3A_220] {strides = array<i32>} : memref<80x128xf32, #tpu.memory_space<vmem>>, vector<1x16xf32>,
            %get3A_222 = vector.shape_cast %get3A_221 : vector<1x16xf32> to vector<16xf32>
            %mul3A_223 = arith.mulf %get3A_218, %get3A_222 : vector<16xf32>
            %swap3A_224 = arith.index_cast %scan3A_146 : i32 to index
            %swap3A_225 = arith.constant 80 : index
            %swap3A_226 = tpu.vector_load %arg15[%swap3A_224, %swap3A_225] {strides = array<i32>} : memref<80x128xf32, #tpu.memory_space<vmem>>, vector<1x16xf32>,
            %swap3A_227 = vector.shape_cast %swap3A_226 : vector<1x16xf32> to vector<16xf32>
            %swap3A_228 = vector.shape_cast %mul3A_223 : vector<16xf32> to vector<1x16xf32>
            tpu.vector_store %arg15[%swap3A_224, %swap3A_225], %swap3A_228 {strides = array<i32>} : memref<80x128xf32, #tpu.memory_space<vmem>>, vector<1x16xf32>,
            %get3A_229 = arith.index_cast %scan3A_146 : i32 to index
            %get3A_230 = arith.constant 96 : index
            %get3A_231 = tpu.vector_load %arg14[%get3A_229, %get3A_230] {strides = array<i32>} : memref<80x128xf32, #tpu.memory_space<vmem>>, vector<1x16xf32>,
            %get3A_232 = vector.shape_cast %get3A_231 : vector<1x16xf32> to vector<16xf32>
            %get3A_233 = arith.index_cast %scan3A_146 : i32 to index
            %get3A_234 = arith.constant 96 : index
            %get3A_235 = tpu.vector_load %arg15[%get3A_233, %get3A_234] {strides = array<i32>} : memref<80x128xf32, #tpu.memory_space<vmem>>, vector<1x16xf32>,
            %get3A_236 = vector.shape_cast %get3A_235 : vector<1x16xf32> to vector<16xf32>
            %mul3A_237 = arith.mulf %get3A_232, %get3A_236 : vector<16xf32>
            %swap3A_238 = arith.index_cast %scan3A_146 : i32 to index
            %swap3A_239 = arith.constant 96 : index
            %swap3A_240 = tpu.vector_load %arg15[%swap3A_238, %swap3A_239] {strides = array<i32>} : memref<80x128xf32, #tpu.memory_space<vmem>>, vector<1x16xf32>,
            %swap3A_241 = vector.shape_cast %swap3A_240 : vector<1x16xf32> to vector<16xf32>
            %swap3A_242 = vector.shape_cast %mul3A_237 : vector<16xf32> to vector<1x16xf32>
            tpu.vector_store %arg15[%swap3A_238, %swap3A_239], %swap3A_242 {strides = array<i32>} : memref<80x128xf32, #tpu.memory_space<vmem>>, vector<1x16xf32>,
            %get3A_243 = arith.index_cast %scan3A_146 : i32 to index
            %get3A_244 = arith.constant 112 : index
            %get3A_245 = tpu.vector_load %arg14[%get3A_243, %get3A_244] {strides = array<i32>} : memref<80x128xf32, #tpu.memory_space<vmem>>, vector<1x16xf32>,
            %get3A_246 = vector.shape_cast %get3A_245 : vector<1x16xf32> to vector<16xf32>
            %get3A_247 = arith.index_cast %scan3A_146 : i32 to index
            %get3A_248 = arith.constant 112 : index
            %get3A_249 = tpu.vector_load %arg15[%get3A_247, %get3A_248] {strides = array<i32>} : memref<80x128xf32, #tpu.memory_space<vmem>>, vector<1x16xf32>,
            %get3A_250 = vector.shape_cast %get3A_249 : vector<1x16xf32> to vector<16xf32>
            %mul3A_251 = arith.mulf %get3A_246, %get3A_250 : vector<16xf32>
            %swap3A_252 = arith.index_cast %scan3A_146 : i32 to index
            %swap3A_253 = arith.constant 112 : index
            %swap3A_254 = tpu.vector_load %arg15[%swap3A_252, %swap3A_253] {strides = array<i32>} : memref<80x128xf32, #tpu.memory_space<vmem>>, vector<1x16xf32>,
            %swap3A_255 = vector.shape_cast %swap3A_254 : vector<1x16xf32> to vector<16xf32>
            %swap3A_256 = vector.shape_cast %mul3A_251 : vector<16xf32> to vector<1x16xf32>
            tpu.vector_store %arg15[%swap3A_252, %swap3A_253], %swap3A_256 {strides = array<i32>} : memref<80x128xf32, #tpu.memory_space<vmem>>, vector<1x16xf32>,
            %scan3A_257 = arith.constant 1 : i32
            %scan3A_258 = arith.addi %scan3A_146, %scan3A_257 : i32
            %get3A_259 = arith.index_cast %scan3A_258 : i32 to index
            %get3A_260 = arith.constant 0 : index
            %get3A_261 = tpu.vector_load %arg14[%get3A_259, %get3A_260] {strides = array<i32>} : memref<80x128xf32, #tpu.memory_space<vmem>>, vector<1x16xf32>,
            %get3A_262 = vector.shape_cast %get3A_261 : vector<1x16xf32> to vector<16xf32>
            %get3A_263 = arith.index_cast %scan3A_258 : i32 to index
            %get3A_264 = arith.constant 0 : index
            %get3A_265 = tpu.vector_load %arg15[%get3A_263, %get3A_264] {strides = array<i32>} : memref<80x128xf32, #tpu.memory_space<vmem>>, vector<1x16xf32>,
            %get3A_266 = vector.shape_cast %get3A_265 : vector<1x16xf32> to vector<16xf32>
            %mul3A_267 = arith.mulf %get3A_262, %get3A_266 : vector<16xf32>
            %swap3A_268 = arith.index_cast %scan3A_258 : i32 to index
            %swap3A_269 = arith.constant 0 : index
            %swap3A_270 = tpu.vector_load %arg15[%swap3A_268, %swap3A_269] {strides = array<i32>} : memref<80x128xf32, #tpu.memory_space<vmem>>, vector<1x16xf32>,
            %swap3A_271 = vector.shape_cast %swap3A_270 : vector<1x16xf32> to vector<16xf32>
            %swap3A_272 = vector.shape_cast %mul3A_267 : vector<16xf32> to vector<1x16xf32>
            tpu.vector_store %arg15[%swap3A_268, %swap3A_269], %swap3A_272 {strides = array<i32>} : memref<80x128xf32, #tpu.memory_space<vmem>>, vector<1x16xf32>,
            %get3A_273 = arith.index_cast %scan3A_258 : i32 to index
            %get3A_274 = arith.constant 16 : index
            %get3A_275 = tpu.vector_load %arg14[%get3A_273, %get3A_274] {strides = array<i32>} : memref<80x128xf32, #tpu.memory_space<vmem>>, vector<1x16xf32>,
            %get3A_276 = vector.shape_cast %get3A_275 : vector<1x16xf32> to vector<16xf32>
            %get3A_277 = arith.index_cast %scan3A_258 : i32 to index
            %get3A_278 = arith.constant 16 : index
            %get3A_279 = tpu.vector_load %arg15[%get3A_277, %get3A_278] {strides = array<i32>} : memref<80x128xf32, #tpu.memory_space<vmem>>, vector<1x16xf32>,
            %get3A_280 = vector.shape_cast %get3A_279 : vector<1x16xf32> to vector<16xf32>
            %mul3A_281 = arith.mulf %get3A_276, %get3A_280 : vector<16xf32>
            %swap3A_282 = arith.index_cast %scan3A_258 : i32 to index
            %swap3A_283 = arith.constant 16 : index
            %swap3A_284 = tpu.vector_load %arg15[%swap3A_282, %swap3A_283] {strides = array<i32>} : memref<80x128xf32, #tpu.memory_space<vmem>>, vector<1x16xf32>,
            %swap3A_285 = vector.shape_cast %swap3A_284 : vector<1x16xf32> to vector<16xf32>
            %swap3A_286 = vector.shape_cast %mul3A_281 : vector<16xf32> to vector<1x16xf32>
            tpu.vector_store %arg15[%swap3A_282, %swap3A_283], %swap3A_286 {strides = array<i32>} : memref<80x128xf32, #tpu.memory_space<vmem>>, vector<1x16xf32>,
            %get3A_287 = arith.index_cast %scan3A_258 : i32 to index
            %get3A_288 = arith.constant 32 : index
            %get3A_289 = tpu.vector_load %arg14[%get3A_287, %get3A_288] {strides = array<i32>} : memref<80x128xf32, #tpu.memory_space<vmem>>, vector<1x16xf32>,
            %get3A_290 = vector.shape_cast %get3A_289 : vector<1x16xf32> to vector<16xf32>
            %get3A_291 = arith.index_cast %scan3A_258 : i32 to index
            %get3A_292 = arith.constant 32 : index
            %get3A_293 = tpu.vector_load %arg15[%get3A_291, %get3A_292] {strides = array<i32>} : memref<80x128xf32, #tpu.memory_space<vmem>>, vector<1x16xf32>,
            %get3A_294 = vector.shape_cast %get3A_293 : vector<1x16xf32> to vector<16xf32>
            %mul3A_295 = arith.mulf %get3A_290, %get3A_294 : vector<16xf32>
            %swap3A_296 = arith.index_cast %scan3A_258 : i32 to index
            %swap3A_297 = arith.constant 32 : index
            %swap3A_298 = tpu.vector_load %arg15[%swap3A_296, %swap3A_297] {strides = array<i32>} : memref<80x128xf32, #tpu.memory_space<vmem>>, vector<1x16xf32>,
            %swap3A_299 = vector.shape_cast %swap3A_298 : vector<1x16xf32> to vector<16xf32>
            %swap3A_300 = vector.shape_cast %mul3A_295 : vector<16xf32> to vector<1x16xf32>
            tpu.vector_store %arg15[%swap3A_296, %swap3A_297], %swap3A_300 {strides = array<i32>} : memref<80x128xf32, #tpu.memory_space<vmem>>, vector<1x16xf32>,
            %get3A_301 = arith.index_cast %scan3A_258 : i32 to index
            %get3A_302 = arith.constant 48 : index
            %get3A_303 = tpu.vector_load %arg14[%get3A_301, %get3A_302] {strides = array<i32>} : memref<80x128xf32, #tpu.memory_space<vmem>>, vector<1x16xf32>,
            %get3A_304 = vector.shape_cast %get3A_303 : vector<1x16xf32> to vector<16xf32>
            %get3A_305 = arith.index_cast %scan3A_258 : i32 to index
            %get3A_306 = arith.constant 48 : index
            %get3A_307 = tpu.vector_load %arg15[%get3A_305, %get3A_306] {strides = array<i32>} : memref<80x128xf32, #tpu.memory_space<vmem>>, vector<1x16xf32>,
            %get3A_308 = vector.shape_cast %get3A_307 : vector<1x16xf32> to vector<16xf32>
            %mul3A_309 = arith.mulf %get3A_304, %get3A_308 : vector<16xf32>
            %swap3A_310 = arith.index_cast %scan3A_258 : i32 to index
            %swap3A_311 = arith.constant 48 : index
            %swap3A_312 = tpu.vector_load %arg15[%swap3A_310, %swap3A_311] {strides = array<i32>} : memref<80x128xf32, #tpu.memory_space<vmem>>, vector<1x16xf32>,
            %swap3A_313 = vector.shape_cast %swap3A_312 : vector<1x16xf32> to vector<16xf32>
            %swap3A_314 = vector.shape_cast %mul3A_309 : vector<16xf32> to vector<1x16xf32>
            tpu.vector_store %arg15[%swap3A_310, %swap3A_311], %swap3A_314 {strides = array<i32>} : memref<80x128xf32, #tpu.memory_space<vmem>>, vector<1x16xf32>,
            %get3A_315 = arith.index_cast %scan3A_258 : i32 to index
            %get3A_316 = arith.constant 64 : index
            %get3A_317 = tpu.vector_load %arg14[%get3A_315, %get3A_316] {strides = array<i32>} : memref<80x128xf32, #tpu.memory_space<vmem>>, vector<1x16xf32>,
            %get3A_318 = vector.shape_cast %get3A_317 : vector<1x16xf32> to vector<16xf32>
            %get3A_319 = arith.index_cast %scan3A_258 : i32 to index
            %get3A_320 = arith.constant 64 : index
            %get3A_321 = tpu.vector_load %arg15[%get3A_319, %get3A_320] {strides = array<i32>} : memref<80x128xf32, #tpu.memory_space<vmem>>, vector<1x16xf32>,
            %get3A_322 = vector.shape_cast %get3A_321 : vector<1x16xf32> to vector<16xf32>
            %mul3A_323 = arith.mulf %get3A_318, %get3A_322 : vector<16xf32>
            %swap3A_324 = arith.index_cast %scan3A_258 : i32 to index
            %swap3A_325 = arith.constant 64 : index
            %swap3A_326 = tpu.vector_load %arg15[%swap3A_324, %swap3A_325] {strides = array<i32>} : memref<80x128xf32, #tpu.memory_space<vmem>>, vector<1x16xf32>,
            %swap3A_327 = vector.shape_cast %swap3A_326 : vector<1x16xf32> to vector<16xf32>
            %swap3A_328 = vector.shape_cast %mul3A_323 : vector<16xf32> to vector<1x16xf32>
            tpu.vector_store %arg15[%swap3A_324, %swap3A_325], %swap3A_328 {strides = array<i32>} : memref<80x128xf32, #tpu.memory_space<vmem>>, vector<1x16xf32>,
            %get3A_329 = arith.index_cast %scan3A_258 : i32 to index
            %get3A_330 = arith.constant 80 : index
            %get3A_331 = tpu.vector_load %arg14[%get3A_329, %get3A_330] {strides = array<i32>} : memref<80x128xf32, #tpu.memory_space<vmem>>, vector<1x16xf32>,
            %get3A_332 = vector.shape_cast %get3A_331 : vector<1x16xf32> to vector<16xf32>
            %get3A_333 = arith.index_cast %scan3A_258 : i32 to index
            %get3A_334 = arith.constant 80 : index
            %get3A_335 = tpu.vector_load %arg15[%get3A_333, %get3A_334] {strides = array<i32>} : memref<80x128xf32, #tpu.memory_space<vmem>>, vector<1x16xf32>,
            %get3A_336 = vector.shape_cast %get3A_335 : vector<1x16xf32> to vector<16xf32>
            %mul3A_337 = arith.mulf %get3A_332, %get3A_336 : vector<16xf32>
            %swap3A_338 = arith.index_cast %scan3A_258 : i32 to index
            %swap3A_339 = arith.constant 80 : index
            %swap3A_340 = tpu.vector_load %arg15[%swap3A_338, %swap3A_339] {strides = array<i32>} : memref<80x128xf32, #tpu.memory_space<vmem>>, vector<1x16xf32>,
            %swap3A_341 = vector.shape_cast %swap3A_340 : vector<1x16xf32> to vector<16xf32>
            %swap3A_342 = vector.shape_cast %mul3A_337 : vector<16xf32> to vector<1x16xf32>
            tpu.vector_store %arg15[%swap3A_338, %swap3A_339], %swap3A_342 {strides = array<i32>} : memref<80x128xf32, #tpu.memory_space<vmem>>, vector<1x16xf32>,
            %get3A_343 = arith.index_cast %scan3A_258 : i32 to index
            %get3A_344 = arith.constant 96 : index
            %get3A_345 = tpu.vector_load %arg14[%get3A_343, %get3A_344] {strides = array<i32>} : memref<80x128xf32, #tpu.memory_space<vmem>>, vector<1x16xf32>,
            %get3A_346 = vector.shape_cast %get3A_345 : vector<1x16xf32> to vector<16xf32>
            %get3A_347 = arith.index_cast %scan3A_258 : i32 to index
            %get3A_348 = arith.constant 96 : index
            %get3A_349 = tpu.vector_load %arg15[%get3A_347, %get3A_348] {strides = array<i32>} : memref<80x128xf32, #tpu.memory_space<vmem>>, vector<1x16xf32>,
            %get3A_350 = vector.shape_cast %get3A_349 : vector<1x16xf32> to vector<16xf32>
            %mul3A_351 = arith.mulf %get3A_346, %get3A_350 : vector<16xf32>
            %swap3A_352 = arith.index_cast %scan3A_258 : i32 to index
            %swap3A_353 = arith.constant 96 : index
            %swap3A_354 = tpu.vector_load %arg15[%swap3A_352, %swap3A_353] {strides = array<i32>} : memref<80x128xf32, #tpu.memory_space<vmem>>, vector<1x16xf32>,
            %swap3A_355 = vector.shape_cast %swap3A_354 : vector<1x16xf32> to vector<16xf32>
            %swap3A_356 = vector.shape_cast %mul3A_351 : vector<16xf32> to vector<1x16xf32>
            tpu.vector_store %arg15[%swap3A_352, %swap3A_353], %swap3A_356 {strides = array<i32>} : memref<80x128xf32, #tpu.memory_space<vmem>>, vector<1x16xf32>,
            %get3A_357 = arith.index_cast %scan3A_258 : i32 to index
            %get3A_358 = arith.constant 112 : index
            %get3A_359 = tpu.vector_load %arg14[%get3A_357, %get3A_358] {strides = array<i32>} : memref<80x128xf32, #tpu.memory_space<vmem>>, vector<1x16xf32>,
            %get3A_360 = vector.shape_cast %get3A_359 : vector<1x16xf32> to vector<16xf32>
            %get3A_361 = arith.index_cast %scan3A_258 : i32 to index
            %get3A_362 = arith.constant 112 : index
            %get3A_363 = tpu.vector_load %arg15[%get3A_361, %get3A_362] {strides = array<i32>} : memref<80x128xf32, #tpu.memory_space<vmem>>, vector<1x16xf32>,
            %get3A_364 = vector.shape_cast %get3A_363 : vector<1x16xf32> to vector<16xf32>
            %mul3A_365 = arith.mulf %get3A_360, %get3A_364 : vector<16xf32>
            %swap3A_366 = arith.index_cast %scan3A_258 : i32 to index
            %swap3A_367 = arith.constant 112 : index
            %swap3A_368 = tpu.vector_load %arg15[%swap3A_366, %swap3A_367] {strides = array<i32>} : memref<80x128xf32, #tpu.memory_space<vmem>>, vector<1x16xf32>,
            %swap3A_369 = vector.shape_cast %swap3A_368 : vector<1x16xf32> to vector<16xf32>
            %swap3A_370 = vector.shape_cast %mul3A_365 : vector<16xf32> to vector<1x16xf32>
            tpu.vector_store %arg15[%swap3A_366, %swap3A_367], %swap3A_370 {strides = array<i32>} : memref<80x128xf32, #tpu.memory_space<vmem>>, vector<1x16xf32>,
            %scan3A_371 = arith.constant 2 : i32
            %scan3A_372 = arith.addi %scan3A_146, %scan3A_371 : i32
            %get3A_373 = arith.index_cast %scan3A_372 : i32 to index
            %get3A_374 = arith.constant 0 : index
            %get3A_375 = tpu.vector_load %arg14[%get3A_373, %get3A_374] {strides = array<i32>} : memref<80x128xf32, #tpu.memory_space<vmem>>, vector<1x16xf32>,
            %get3A_376 = vector.shape_cast %get3A_375 : vector<1x16xf32> to vector<16xf32>
            %get3A_377 = arith.index_cast %scan3A_372 : i32 to index
            %get3A_378 = arith.constant 0 : index
            %get3A_379 = tpu.vector_load %arg15[%get3A_377, %get3A_378] {strides = array<i32>} : memref<80x128xf32, #tpu.memory_space<vmem>>, vector<1x16xf32>,
            %get3A_380 = vector.shape_cast %get3A_379 : vector<1x16xf32> to vector<16xf32>
            %mul3A_381 = arith.mulf %get3A_376, %get3A_380 : vector<16xf32>
            %swap3A_382 = arith.index_cast %scan3A_372 : i32 to index
            %swap3A_383 = arith.constant 0 : index
            %swap3A_384 = tpu.vector_load %arg15[%swap3A_382, %swap3A_383] {strides = array<i32>} : memref<80x128xf32, #tpu.memory_space<vmem>>, vector<1x16xf32>,
            %swap3A_385 = vector.shape_cast %swap3A_384 : vector<1x16xf32> to vector<16xf32>
            %swap3A_386 = vector.shape_cast %mul3A_381 : vector<16xf32> to vector<1x16xf32>
            tpu.vector_store %arg15[%swap3A_382, %swap3A_383], %swap3A_386 {strides = array<i32>} : memref<80x128xf32, #tpu.memory_space<vmem>>, vector<1x16xf32>,
            %get3A_387 = arith.index_cast %scan3A_372 : i32 to index
            %get3A_388 = arith.constant 16 : index
            %get3A_389 = tpu.vector_load %arg14[%get3A_387, %get3A_388] {strides = array<i32>} : memref<80x128xf32, #tpu.memory_space<vmem>>, vector<1x16xf32>,
            %get3A_390 = vector.shape_cast %get3A_389 : vector<1x16xf32> to vector<16xf32>
            %get3A_391 = arith.index_cast %scan3A_372 : i32 to index
            %get3A_392 = arith.constant 16 : index
            %get3A_393 = tpu.vector_load %arg15[%get3A_391, %get3A_392] {strides = array<i32>} : memref<80x128xf32, #tpu.memory_space<vmem>>, vector<1x16xf32>,
            %get3A_394 = vector.shape_cast %get3A_393 : vector<1x16xf32> to vector<16xf32>
            %mul3A_395 = arith.mulf %get3A_390, %get3A_394 : vector<16xf32>
            %swap3A_396 = arith.index_cast %scan3A_372 : i32 to index
            %swap3A_397 = arith.constant 16 : index
            %swap3A_398 = tpu.vector_load %arg15[%swap3A_396, %swap3A_397] {strides = array<i32>} : memref<80x128xf32, #tpu.memory_space<vmem>>, vector<1x16xf32>,
            %swap3A_399 = vector.shape_cast %swap3A_398 : vector<1x16xf32> to vector<16xf32>
            %swap3A_400 = vector.shape_cast %mul3A_395 : vector<16xf32> to vector<1x16xf32>
            tpu.vector_store %arg15[%swap3A_396, %swap3A_397], %swap3A_400 {strides = array<i32>} : memref<80x128xf32, #tpu.memory_space<vmem>>, vector<1x16xf32>,
            %get3A_401 = arith.index_cast %scan3A_372 : i32 to index
            %get3A_402 = arith.constant 32 : index
            %get3A_403 = tpu.vector_load %arg14[%get3A_401, %get3A_402] {strides = array<i32>} : memref<80x128xf32, #tpu.memory_space<vmem>>, vector<1x16xf32>,
            %get3A_404 = vector.shape_cast %get3A_403 : vector<1x16xf32> to vector<16xf32>
            %get3A_405 = arith.index_cast %scan3A_372 : i32 to index
            %get3A_406 = arith.constant 32 : index
            %get3A_407 = tpu.vector_load %arg15[%get3A_405, %get3A_406] {strides = array<i32>} : memref<80x128xf32, #tpu.memory_space<vmem>>, vector<1x16xf32>,
            %get3A_408 = vector.shape_cast %get3A_407 : vector<1x16xf32> to vector<16xf32>
            %mul3A_409 = arith.mulf %get3A_404, %get3A_408 : vector<16xf32>
            %swap3A_410 = arith.index_cast %scan3A_372 : i32 to index
            %swap3A_411 = arith.constant 32 : index
            %swap3A_412 = tpu.vector_load %arg15[%swap3A_410, %swap3A_411] {strides = array<i32>} : memref<80x128xf32, #tpu.memory_space<vmem>>, vector<1x16xf32>,
            %swap3A_413 = vector.shape_cast %swap3A_412 : vector<1x16xf32> to vector<16xf32>
            %swap3A_414 = vector.shape_cast %mul3A_409 : vector<16xf32> to vector<1x16xf32>
            tpu.vector_store %arg15[%swap3A_410, %swap3A_411], %swap3A_414 {strides = array<i32>} : memref<80x128xf32, #tpu.memory_space<vmem>>, vector<1x16xf32>,
            %get3A_415 = arith.index_cast %scan3A_372 : i32 to index
            %get3A_416 = arith.constant 48 : index
            %get3A_417 = tpu.vector_load %arg14[%get3A_415, %get3A_416] {strides = array<i32>} : memref<80x128xf32, #tpu.memory_space<vmem>>, vector<1x16xf32>,
            %get3A_418 = vector.shape_cast %get3A_417 : vector<1x16xf32> to vector<16xf32>
            %get3A_419 = arith.index_cast %scan3A_372 : i32 to index
            %get3A_420 = arith.constant 48 : index
            %get3A_421 = tpu.vector_load %arg15[%get3A_419, %get3A_420] {strides = array<i32>} : memref<80x128xf32, #tpu.memory_space<vmem>>, vector<1x16xf32>,
            %get3A_422 = vector.shape_cast %get3A_421 : vector<1x16xf32> to vector<16xf32>
            %mul3A_423 = arith.mulf %get3A_418, %get3A_422 : vector<16xf32>
            %swap3A_424 = arith.index_cast %scan3A_372 : i32 to index
            %swap3A_425 = arith.constant 48 : index
            %swap3A_426 = tpu.vector_load %arg15[%swap3A_424, %swap3A_425] {strides = array<i32>} : memref<80x128xf32, #tpu.memory_space<vmem>>, vector<1x16xf32>,
            %swap3A_427 = vector.shape_cast %swap3A_426 : vector<1x16xf32> to vector<16xf32>
            %swap3A_428 = vector.shape_cast %mul3A_423 : vector<16xf32> to vector<1x16xf32>
            tpu.vector_store %arg15[%swap3A_424, %swap3A_425], %swap3A_428 {strides = array<i32>} : memref<80x128xf32, #tpu.memory_space<vmem>>, vector<1x16xf32>,
            %get3A_429 = arith.index_cast %scan3A_372 : i32 to index
            %get3A_430 = arith.constant 64 : index
            %get3A_431 = tpu.vector_load %arg14[%get3A_429, %get3A_430] {strides = array<i32>} : memref<80x128xf32, #tpu.memory_space<vmem>>, vector<1x16xf32>,
            %get3A_432 = vector.shape_cast %get3A_431 : vector<1x16xf32> to vector<16xf32>
            %get3A_433 = arith.index_cast %scan3A_372 : i32 to index
            %get3A_434 = arith.constant 64 : index
            %get3A_435 = tpu.vector_load %arg15[%get3A_433, %get3A_434] {strides = array<i32>} : memref<80x128xf32, #tpu.memory_space<vmem>>, vector<1x16xf32>,
            %get3A_436 = vector.shape_cast %get3A_435 : vector<1x16xf32> to vector<16xf32>
            %mul3A_437 = arith.mulf %get3A_432, %get3A_436 : vector<16xf32>
            %swap3A_438 = arith.index_cast %scan3A_372 : i32 to index
            %swap3A_439 = arith.constant 64 : index
            %swap3A_440 = tpu.vector_load %arg15[%swap3A_438, %swap3A_439] {strides = array<i32>} : memref<80x128xf32, #tpu.memory_space<vmem>>, vector<1x16xf32>,
            %swap3A_441 = vector.shape_cast %swap3A_440 : vector<1x16xf32> to vector<16xf32>
            %swap3A_442 = vector.shape_cast %mul3A_437 : vector<16xf32> to vector<1x16xf32>
            tpu.vector_store %arg15[%swap3A_438, %swap3A_439], %swap3A_442 {strides = array<i32>} : memref<80x128xf32, #tpu.memory_space<vmem>>, vector<1x16xf32>,
            %get3A_443 = arith.index_cast %scan3A_372 : i32 to index
            %get3A_444 = arith.constant 80 : index
            %get3A_445 = tpu.vector_load %arg14[%get3A_443, %get3A_444] {strides = array<i32>} : memref<80x128xf32, #tpu.memory_space<vmem>>, vector<1x16xf32>,
            %get3A_446 = vector.shape_cast %get3A_445 : vector<1x16xf32> to vector<16xf32>
            %get3A_447 = arith.index_cast %scan3A_372 : i32 to index
            %get3A_448 = arith.constant 80 : index
            %get3A_449 = tpu.vector_load %arg15[%get3A_447, %get3A_448] {strides = array<i32>} : memref<80x128xf32, #tpu.memory_space<vmem>>, vector<1x16xf32>,
            %get3A_450 = vector.shape_cast %get3A_449 : vector<1x16xf32> to vector<16xf32>
            %mul3A_451 = arith.mulf %get3A_446, %get3A_450 : vector<16xf32>
            %swap3A_452 = arith.index_cast %scan3A_372 : i32 to index
            %swap3A_453 = arith.constant 80 : index
            %swap3A_454 = tpu.vector_load %arg15[%swap3A_452, %swap3A_453] {strides = array<i32>} : memref<80x128xf32, #tpu.memory_space<vmem>>, vector<1x16xf32>,
            %swap3A_455 = vector.shape_cast %swap3A_454 : vector<1x16xf32> to vector<16xf32>
            %swap3A_456 = vector.shape_cast %mul3A_451 : vector<16xf32> to vector<1x16xf32>
            tpu.vector_store %arg15[%swap3A_452, %swap3A_453], %swap3A_456 {strides = array<i32>} : memref<80x128xf32, #tpu.memory_space<vmem>>, vector<1x16xf32>,
            %get3A_457 = arith.index_cast %scan3A_372 : i32 to index
            %get3A_458 = arith.constant 96 : index
            %get3A_459 = tpu.vector_load %arg14[%get3A_457, %get3A_458] {strides = array<i32>} : memref<80x128xf32, #tpu.memory_space<vmem>>, vector<1x16xf32>,
            %get3A_460 = vector.shape_cast %get3A_459 : vector<1x16xf32> to vector<16xf32>
            %get3A_461 = arith.index_cast %scan3A_372 : i32 to index
            %get3A_462 = arith.constant 96 : index
            %get3A_463 = tpu.vector_load %arg15[%get3A_461, %get3A_462] {strides = array<i32>} : memref<80x128xf32, #tpu.memory_space<vmem>>, vector<1x16xf32>,
            %get3A_464 = vector.shape_cast %get3A_463 : vector<1x16xf32> to vector<16xf32>
            %mul3A_465 = arith.mulf %get3A_460, %get3A_464 : vector<16xf32>
            %swap3A_466 = arith.index_cast %scan3A_372 : i32 to index
            %swap3A_467 = arith.constant 96 : index
            %swap3A_468 = tpu.vector_load %arg15[%swap3A_466, %swap3A_467] {strides = array<i32>} : memref<80x128xf32, #tpu.memory_space<vmem>>, vector<1x16xf32>,
            %swap3A_469 = vector.shape_cast %swap3A_468 : vector<1x16xf32> to vector<16xf32>
            %swap3A_470 = vector.shape_cast %mul3A_465 : vector<16xf32> to vector<1x16xf32>
            tpu.vector_store %arg15[%swap3A_466, %swap3A_467], %swap3A_470 {strides = array<i32>} : memref<80x128xf32, #tpu.memory_space<vmem>>, vector<1x16xf32>,
            %get3A_471 = arith.index_cast %scan3A_372 : i32 to index
            %get3A_472 = arith.constant 112 : index
            %get3A_473 = tpu.vector_load %arg14[%get3A_471, %get3A_472] {strides = array<i32>} : memref<80x128xf32, #tpu.memory_space<vmem>>, vector<1x16xf32>,
            %get3A_474 = vector.shape_cast %get3A_473 : vector<1x16xf32> to vector<16xf32>
            %get3A_475 = arith.index_cast %scan3A_372 : i32 to index
            %get3A_476 = arith.constant 112 : index
            %get3A_477 = tpu.vector_load %arg15[%get3A_475, %get3A_476] {strides = array<i32>} : memref<80x128xf32, #tpu.memory_space<vmem>>, vector<1x16xf32>,
            %get3A_478 = vector.shape_cast %get3A_477 : vector<1x16xf32> to vector<16xf32>
            %mul3A_479 = arith.mulf %get3A_474, %get3A_478 : vector<16xf32>
            %swap3A_480 = arith.index_cast %scan3A_372 : i32 to index
            %swap3A_481 = arith.constant 112 : index
            %swap3A_482 = tpu.vector_load %arg15[%swap3A_480, %swap3A_481] {strides = array<i32>} : memref<80x128xf32, #tpu.memory_space<vmem>>, vector<1x16xf32>,
            %swap3A_483 = vector.shape_cast %swap3A_482 : vector<1x16xf32> to vector<16xf32>
            %swap3A_484 = vector.shape_cast %mul3A_479 : vector<16xf32> to vector<1x16xf32>
            tpu.vector_store %arg15[%swap3A_480, %swap3A_481], %swap3A_484 {strides = array<i32>} : memref<80x128xf32, #tpu.memory_space<vmem>>, vector<1x16xf32>,
            %scan3A_485 = arith.constant 3 : i32
            %scan3A_486 = arith.addi %scan3A_146, %scan3A_485 : i32
            %get3A_487 = arith.index_cast %scan3A_486 : i32 to index
            %get3A_488 = arith.constant 0 : index
            %get3A_489 = tpu.vector_load %arg14[%get3A_487, %get3A_488] {strides = array<i32>} : memref<80x128xf32, #tpu.memory_space<vmem>>, vector<1x16xf32>,
            %get3A_490 = vector.shape_cast %get3A_489 : vector<1x16xf32> to vector<16xf32>
            %get3A_491 = arith.index_cast %scan3A_486 : i32 to index
            %get3A_492 = arith.constant 0 : index
            %get3A_493 = tpu.vector_load %arg15[%get3A_491, %get3A_492] {strides = array<i32>} : memref<80x128xf32, #tpu.memory_space<vmem>>, vector<1x16xf32>,
            %get3A_494 = vector.shape_cast %get3A_493 : vector<1x16xf32> to vector<16xf32>
            %mul3A_495 = arith.mulf %get3A_490, %get3A_494 : vector<16xf32>
            %swap3A_496 = arith.index_cast %scan3A_486 : i32 to index
            %swap3A_497 = arith.constant 0 : index
            %swap3A_498 = tpu.vector_load %arg15[%swap3A_496, %swap3A_497] {strides = array<i32>} : memref<80x128xf32, #tpu.memory_space<vmem>>, vector<1x16xf32>,
            %swap3A_499 = vector.shape_cast %swap3A_498 : vector<1x16xf32> to vector<16xf32>
            %swap3A_500 = vector.shape_cast %mul3A_495 : vector<16xf32> to vector<1x16xf32>
            tpu.vector_store %arg15[%swap3A_496, %swap3A_497], %swap3A_500 {strides = array<i32>} : memref<80x128xf32, #tpu.memory_space<vmem>>, vector<1x16xf32>,
            %get3A_501 = arith.index_cast %scan3A_486 : i32 to index
            %get3A_502 = arith.constant 16 : index
            %get3A_503 = tpu.vector_load %arg14[%get3A_501, %get3A_502] {strides = array<i32>} : memref<80x128xf32, #tpu.memory_space<vmem>>, vector<1x16xf32>,
            %get3A_504 = vector.shape_cast %get3A_503 : vector<1x16xf32> to vector<16xf32>
            %get3A_505 = arith.index_cast %scan3A_486 : i32 to index
            %get3A_506 = arith.constant 16 : index
            %get3A_507 = tpu.vector_load %arg15[%get3A_505, %get3A_506] {strides = array<i32>} : memref<80x128xf32, #tpu.memory_space<vmem>>, vector<1x16xf32>,
            %get3A_508 = vector.shape_cast %get3A_507 : vector<1x16xf32> to vector<16xf32>
            %mul3A_509 = arith.mulf %get3A_504, %get3A_508 : vector<16xf32>
            %swap3A_510 = arith.index_cast %scan3A_486 : i32 to index
            %swap3A_511 = arith.constant 16 : index
            %swap3A_512 = tpu.vector_load %arg15[%swap3A_510, %swap3A_511] {strides = array<i32>} : memref<80x128xf32, #tpu.memory_space<vmem>>, vector<1x16xf32>,
            %swap3A_513 = vector.shape_cast %swap3A_512 : vector<1x16xf32> to vector<16xf32>
            %swap3A_514 = vector.shape_cast %mul3A_509 : vector<16xf32> to vector<1x16xf32>
            tpu.vector_store %arg15[%swap3A_510, %swap3A_511], %swap3A_514 {strides = array<i32>} : memref<80x128xf32, #tpu.memory_space<vmem>>, vector<1x16xf32>,
            %get3A_515 = arith.index_cast %scan3A_486 : i32 to index
            %get3A_516 = arith.constant 32 : index
            %get3A_517 = tpu.vector_load %arg14[%get3A_515, %get3A_516] {strides = array<i32>} : memref<80x128xf32, #tpu.memory_space<vmem>>, vector<1x16xf32>,
            %get3A_518 = vector.shape_cast %get3A_517 : vector<1x16xf32> to vector<16xf32>
            %get3A_519 = arith.index_cast %scan3A_486 : i32 to index
            %get3A_520 = arith.constant 32 : index
            %get3A_521 = tpu.vector_load %arg15[%get3A_519, %get3A_520] {strides = array<i32>} : memref<80x128xf32, #tpu.memory_space<vmem>>, vector<1x16xf32>,
            %get3A_522 = vector.shape_cast %get3A_521 : vector<1x16xf32> to vector<16xf32>
            %mul3A_523 = arith.mulf %get3A_518, %get3A_522 : vector<16xf32>
            %swap3A_524 = arith.index_cast %scan3A_486 : i32 to index
            %swap3A_525 = arith.constant 32 : index
            %swap3A_526 = tpu.vector_load %arg15[%swap3A_524, %swap3A_525] {strides = array<i32>} : memref<80x128xf32, #tpu.memory_space<vmem>>, vector<1x16xf32>,
            %swap3A_527 = vector.shape_cast %swap3A_526 : vector<1x16xf32> to vector<16xf32>
            %swap3A_528 = vector.shape_cast %mul3A_523 : vector<16xf32> to vector<1x16xf32>
            tpu.vector_store %arg15[%swap3A_524, %swap3A_525], %swap3A_528 {strides = array<i32>} : memref<80x128xf32, #tpu.memory_space<vmem>>, vector<1x16xf32>,
            %get3A_529 = arith.index_cast %scan3A_486 : i32 to index
            %get3A_530 = arith.constant 48 : index
            %get3A_531 = tpu.vector_load %arg14[%get3A_529, %get3A_530] {strides = array<i32>} : memref<80x128xf32, #tpu.memory_space<vmem>>, vector<1x16xf32>,
            %get3A_532 = vector.shape_cast %get3A_531 : vector<1x16xf32> to vector<16xf32>
            %get3A_533 = arith.index_cast %scan3A_486 : i32 to index
            %get3A_534 = arith.constant 48 : index
            %get3A_535 = tpu.vector_load %arg15[%get3A_533, %get3A_534] {strides = array<i32>} : memref<80x128xf32, #tpu.memory_space<vmem>>, vector<1x16xf32>,
            %get3A_536 = vector.shape_cast %get3A_535 : vector<1x16xf32> to vector<16xf32>
            %mul3A_537 = arith.mulf %get3A_532, %get3A_536 : vector<16xf32>
            %swap3A_538 = arith.index_cast %scan3A_486 : i32 to index
            %swap3A_539 = arith.constant 48 : index
            %swap3A_540 = tpu.vector_load %arg15[%swap3A_538, %swap3A_539] {strides = array<i32>} : memref<80x128xf32, #tpu.memory_space<vmem>>, vector<1x16xf32>,
            %swap3A_541 = vector.shape_cast %swap3A_540 : vector<1x16xf32> to vector<16xf32>
            %swap3A_542 = vector.shape_cast %mul3A_537 : vector<16xf32> to vector<1x16xf32>
            tpu.vector_store %arg15[%swap3A_538, %swap3A_539], %swap3A_542 {strides = array<i32>} : memref<80x128xf32, #tpu.memory_space<vmem>>, vector<1x16xf32>,
            %get3A_543 = arith.index_cast %scan3A_486 : i32 to index
            %get3A_544 = arith.constant 64 : index
            %get3A_545 = tpu.vector_load %arg14[%get3A_543, %get3A_544] {strides = array<i32>} : memref<80x128xf32, #tpu.memory_space<vmem>>, vector<1x16xf32>,
            %get3A_546 = vector.shape_cast %get3A_545 : vector<1x16xf32> to vector<16xf32>
            %get3A_547 = arith.index_cast %scan3A_486 : i32 to index
            %get3A_548 = arith.constant 64 : index
            %get3A_549 = tpu.vector_load %arg15[%get3A_547, %get3A_548] {strides = array<i32>} : memref<80x128xf32, #tpu.memory_space<vmem>>, vector<1x16xf32>,
            %get3A_550 = vector.shape_cast %get3A_549 : vector<1x16xf32> to vector<16xf32>
            %mul3A_551 = arith.mulf %get3A_546, %get3A_550 : vector<16xf32>
            %swap3A_552 = arith.index_cast %scan3A_486 : i32 to index
            %swap3A_553 = arith.constant 64 : index
            %swap3A_554 = tpu.vector_load %arg15[%swap3A_552, %swap3A_553] {strides = array<i32>} : memref<80x128xf32, #tpu.memory_space<vmem>>, vector<1x16xf32>,
            %swap3A_555 = vector.shape_cast %swap3A_554 : vector<1x16xf32> to vector<16xf32>
            %swap3A_556 = vector.shape_cast %mul3A_551 : vector<16xf32> to vector<1x16xf32>
            tpu.vector_store %arg15[%swap3A_552, %swap3A_553], %swap3A_556 {strides = array<i32>} : memref<80x128xf32, #tpu.memory_space<vmem>>, vector<1x16xf32>,
            %get3A_557 = arith.index_cast %scan3A_486 : i32 to index
            %get3A_558 = arith.constant 80 : index
            %get3A_559 = tpu.vector_load %arg14[%get3A_557, %get3A_558] {strides = array<i32>} : memref<80x128xf32, #tpu.memory_space<vmem>>, vector<1x16xf32>,
            %get3A_560 = vector.shape_cast %get3A_559 : vector<1x16xf32> to vector<16xf32>
            %get3A_561 = arith.index_cast %scan3A_486 : i32 to index
            %get3A_562 = arith.constant 80 : index
            %get3A_563 = tpu.vector_load %arg15[%get3A_561, %get3A_562] {strides = array<i32>} : memref<80x128xf32, #tpu.memory_space<vmem>>, vector<1x16xf32>,
            %get3A_564 = vector.shape_cast %get3A_563 : vector<1x16xf32> to vector<16xf32>
            %mul3A_565 = arith.mulf %get3A_560, %get3A_564 : vector<16xf32>
            %swap3A_566 = arith.index_cast %scan3A_486 : i32 to index
            %swap3A_567 = arith.constant 80 : index
            %swap3A_568 = tpu.vector_load %arg15[%swap3A_566, %swap3A_567] {strides = array<i32>} : memref<80x128xf32, #tpu.memory_space<vmem>>, vector<1x16xf32>,
            %swap3A_569 = vector.shape_cast %swap3A_568 : vector<1x16xf32> to vector<16xf32>
            %swap3A_570 = vector.shape_cast %mul3A_565 : vector<16xf32> to vector<1x16xf32>
            tpu.vector_store %arg15[%swap3A_566, %swap3A_567], %swap3A_570 {strides = array<i32>} : memref<80x128xf32, #tpu.memory_space<vmem>>, vector<1x16xf32>,
            %get3A_571 = arith.index_cast %scan3A_486 : i32 to index
            %get3A_572 = arith.constant 96 : index
            %get3A_573 = tpu.vector_load %arg14[%get3A_571, %get3A_572] {strides = array<i32>} : memref<80x128xf32, #tpu.memory_space<vmem>>, vector<1x16xf32>,
            %get3A_574 = vector.shape_cast %get3A_573 : vector<1x16xf32> to vector<16xf32>
            %get3A_575 = arith.index_cast %scan3A_486 : i32 to index
            %get3A_576 = arith.constant 96 : index
            %get3A_577 = tpu.vector_load %arg15[%get3A_575, %get3A_576] {strides = array<i32>} : memref<80x128xf32, #tpu.memory_space<vmem>>, vector<1x16xf32>,
            %get3A_578 = vector.shape_cast %get3A_577 : vector<1x16xf32> to vector<16xf32>
            %mul3A_579 = arith.mulf %get3A_574, %get3A_578 : vector<16xf32>
            %swap3A_580 = arith.index_cast %scan3A_486 : i32 to index
            %swap3A_581 = arith.constant 96 : index
            %swap3A_582 = tpu.vector_load %arg15[%swap3A_580, %swap3A_581] {strides = array<i32>} : memref<80x128xf32, #tpu.memory_space<vmem>>, vector<1x16xf32>,
            %swap3A_583 = vector.shape_cast %swap3A_582 : vector<1x16xf32> to vector<16xf32>
            %swap3A_584 = vector.shape_cast %mul3A_579 : vector<16xf32> to vector<1x16xf32>
            tpu.vector_store %arg15[%swap3A_580, %swap3A_581], %swap3A_584 {strides = array<i32>} : memref<80x128xf32, #tpu.memory_space<vmem>>, vector<1x16xf32>,
            %get3A_585 = arith.index_cast %scan3A_486 : i32 to index
            %get3A_586 = arith.constant 112 : index
            %get3A_587 = tpu.vector_load %arg14[%get3A_585, %get3A_586] {strides = array<i32>} : memref<80x128xf32, #tpu.memory_space<vmem>>, vector<1x16xf32>,
            %get3A_588 = vector.shape_cast %get3A_587 : vector<1x16xf32> to vector<16xf32>
            %get3A_589 = arith.index_cast %scan3A_486 : i32 to index
            %get3A_590 = arith.constant 112 : index
            %get3A_591 = tpu.vector_load %arg15[%get3A_589, %get3A_590] {strides = array<i32>} : memref<80x128xf32, #tpu.memory_space<vmem>>, vector<1x16xf32>,
            %get3A_592 = vector.shape_cast %get3A_591 : vector<1x16xf32> to vector<16xf32>
            %mul3A_593 = arith.mulf %get3A_588, %get3A_592 : vector<16xf32>
            %swap3A_594 = arith.index_cast %scan3A_486 : i32 to index
            %swap3A_595 = arith.constant 112 : index
            %swap3A_596 = tpu.vector_load %arg15[%swap3A_594, %swap3A_595] {strides = array<i32>} : memref<80x128xf32, #tpu.memory_space<vmem>>, vector<1x16xf32>,
            %swap3A_597 = vector.shape_cast %swap3A_596 : vector<1x16xf32> to vector<16xf32>
            %swap3A_598 = vector.shape_cast %mul3A_593 : vector<16xf32> to vector<1x16xf32>
            tpu.vector_store %arg15[%swap3A_594, %swap3A_595], %swap3A_598 {strides = array<i32>} : memref<80x128xf32, #tpu.memory_space<vmem>>, vector<1x16xf32>,
          }
          %scan3A_140 = arith.constant 80 : i32
          %dma_wait3A_141 = tpu.memref_slice %arg7[%add3A_82] : memref<640000xi32, #tpu.memory_space<hbm>> -> memref<80xi32, #tpu.memory_space<hbm>>
          %dma_wait3A_142 = tpu.memref_slice %arg7[%add3A_82] : memref<640000xi32, #tpu.memory_space<hbm>> -> memref<80xi32, #tpu.memory_space<hbm>>
          tpu.wait_dma2 semaphore(%arg25 : memref<!tpu.dma_semaphore, #tpu.memory_space<semaphore_mem>>) src(%dma_wait3A_142 : memref<80xi32, #tpu.memory_space<hbm>>) dst(%arg13 : memref<80xi32, #tpu.memory_space<vmem>>)
          %dma_start3A_143 = arith.constant 0 : i32
          %dma_start3A_144 = arith.constant 0 : i32
          %dma_start3A_145 = tpu.memref_slice %arg19[%dma_start3A_143, %dma_start3A_144] : memref<10000x128xf32, #tpu.memory_space<vmem_shared>> -> memref<10000x128xf32, #tpu.memory_space<vmem_shared>>
          tpu.enqueue_indirect_dma source(%arg15 : memref<80x128xf32, #tpu.memory_space<vmem>>) target(%dma_start3A_145 : memref<10000x128xf32, #tpu.memory_space<vmem_shared>>) offsets(%arg13 : memref<80xi32, #tpu.memory_space<vmem>>) semaphore(%arg23 : memref<!tpu.dma_semaphore, #tpu.memory_space<semaphore_mem>>) {add = true}
        } else {
        }
        %not3A_116 = arith.constant true
        %not3A_117 = arith.xori %eq3A_0, %not3A_116 : i1
        %convert_element_type3A_118 = arith.extui %not3A_117 : i1 to i32
        %cond3A_119 = arith.constant 0 : i32
        %cond3A_120 = arith.cmpi ne, %convert_element_type3A_118, %cond3A_119 : i32
        scf.if %cond3A_120 {
          %dma_wait3A = tpu.memref_slice %arg17[%mul3A_112] : memref<4000xi32, #tpu.memory_space<vmem>> -> memref<80xi32, #tpu.memory_space<vmem>>
          %dma_wait3A_126 = arith.constant 0 : i32
          %dma_wait3A_127 = arith.constant 0 : i32
          %dma_wait3A_128 = tpu.memref_slice %arg3[%dma_wait3A_126, %dma_wait3A_127] : memref<10000x128xf32, #tpu.memory_space<hbm>> -> memref<10000x128xf32, #tpu.memory_space<hbm>>
          tpu.wait_indirect_dma semaphore(%arg21 : memref<!tpu.dma_semaphore, #tpu.memory_space<semaphore_mem>>) src(%dma_wait3A_128 : memref<10000x128xf32, #tpu.memory_space<hbm>>) dst(%arg15 : memref<80x128xf32, #tpu.memory_space<vmem>>)
          %dma_wait3A_129 = tpu.memref_slice %arg7[%add3A_82] : memref<640000xi32, #tpu.memory_space<hbm>> -> memref<80xi32, #tpu.memory_space<hbm>>
          %dma_wait3A_130 = tpu.memref_slice %arg7[%add3A_82] : memref<640000xi32, #tpu.memory_space<hbm>> -> memref<80xi32, #tpu.memory_space<hbm>>
          tpu.wait_dma2 semaphore(%arg25 : memref<!tpu.dma_semaphore, #tpu.memory_space<semaphore_mem>>) src(%dma_wait3A_130 : memref<80xi32, #tpu.memory_space<hbm>>) dst(%arg13 : memref<80xi32, #tpu.memory_space<vmem>>)
          %dma_start3A_131 = arith.constant 0 : i32
          %dma_start3A_132 = arith.constant 0 : i32
          %dma_start3A_133 = tpu.memref_slice %arg2[%dma_start3A_131, %dma_start3A_132] : memref<20000x128xf32, #tpu.memory_space<hbm>> -> memref<20000x128xf32, #tpu.memory_space<hbm>>
          tpu.enqueue_indirect_dma source(%dma_start3A_133 : memref<20000x128xf32, #tpu.memory_space<hbm>>) target(%arg15 : memref<80x128xf32, #tpu.memory_space<vmem>>) offsets(%arg13 : memref<80xi32, #tpu.memory_space<vmem>>) semaphore(%arg21 : memref<!tpu.dma_semaphore, #tpu.memory_space<semaphore_mem>>) {add = true}
        } else {
        }
        %not3A_121 = arith.constant true
        %not3A_122 = arith.xori %eq3A_0, %not3A_121 : i1
        %convert_element_type3A_123 = arith.extui %not3A_122 : i1 to i32
        %cond3A_124 = arith.constant 0 : i32
        %cond3A_125 = arith.cmpi ne, %convert_element_type3A_123, %cond3A_124 : i32
        scf.if %cond3A_125 {
          %mul3A_126 = arith.constant 2 : i32
          %mul3A_127 = arith.muli %mul3A_126, %scan3A_46 : i32
          %add3A_128 = arith.constant 0 : i32
          %add3A_129 = arith.addi %mul3A_127, %add3A_128 : i32
          %mul3A_130 = arith.constant 80 : i32
          %mul3A_131 = arith.muli %add3A_129, %mul3A_130 : i32
          %dma_wait3A = arith.constant 0 : i32
          %dma_wait3A_132 = arith.constant 0 : i32
          %dma_wait3A_133 = tpu.memref_slice %arg2[%dma_wait3A, %dma_wait3A_132] : memref<20000x128xf32, #tpu.memory_space<hbm>> -> memref<20000x128xf32, #tpu.memory_space<hbm>>
          tpu.wait_indirect_dma semaphore(%arg20 : memref<!tpu.dma_semaphore, #tpu.memory_space<semaphore_mem>>) src(%dma_wait3A_133 : memref<20000x128xf32, #tpu.memory_space<hbm>>) dst(%arg12 : memref<80x128xf32, #tpu.memory_space<vmem>>)
          %mul3A_134 = arith.constant 4000 : i32
          %mul3A_135 = arith.muli %scan3A_33, %mul3A_134 : i32
          %add3A_136 = arith.addi %mul3A_6, %mul3A_135 : i32
          %add3A_137 = arith.addi %add3A_136, %mul3A_131 : i32
          %dma_start3A_138 = arith.constant 0 : i32
          %dma_start3A_139 = tpu.memref_slice %arg8[%add3A_137, %dma_start3A_138] : memref<320000x128xf32, #tpu.memory_space<hbm>> -> memref<80x128xf32, #tpu.memory_space<hbm>>
          %dma_start3A_140 = arith.constant 0 : i32
          %dma_start3A_141 = tpu.memref_slice %arg8[%add3A_137, %dma_start3A_140] : memref<320000x128xf32, #tpu.memory_space<hbm>> -> memref<80x128xf32, #tpu.memory_space<hbm>>
          tpu.enqueue_dma source(%arg12 : memref<80x128xf32, #tpu.memory_space<vmem>>) target(%dma_start3A_141 : memref<80x128xf32, #tpu.memory_space<hbm>>) target_semaphore(%arg22 : memref<!tpu.dma_semaphore, #tpu.memory_space<semaphore_mem>>)
          %mul3A_142 = arith.constant 2 : i32
          %mul3A_143 = arith.muli %mul3A_142, %scan3A_46 : i32
          %add3A_144 = arith.constant 1 : i32
          %add3A_145 = arith.addi %mul3A_143, %add3A_144 : i32
          %mul3A_146 = arith.constant 80 : i32
          %mul3A_147 = arith.muli %add3A_145, %mul3A_146 : i32
          %dma_wait3A_148 = arith.constant 0 : i32
          %dma_wait3A_149 = arith.constant 0 : i32
          %dma_wait3A_150 = tpu.memref_slice %arg2[%dma_wait3A_148, %dma_wait3A_149] : memref<20000x128xf32, #tpu.memory_space<hbm>> -> memref<20000x128xf32, #tpu.memory_space<hbm>>
          tpu.wait_indirect_dma semaphore(%arg21 : memref<!tpu.dma_semaphore, #tpu.memory_space<semaphore_mem>>) src(%dma_wait3A_150 : memref<20000x128xf32, #tpu.memory_space<hbm>>) dst(%arg15 : memref<80x128xf32, #tpu.memory_space<vmem>>)
          %mul3A_151 = arith.constant 4000 : i32
          %mul3A_152 = arith.muli %scan3A_33, %mul3A_151 : i32
          %add3A_153 = arith.addi %mul3A_6, %mul3A_152 : i32
          %add3A_154 = arith.addi %add3A_153, %mul3A_147 : i32
          %dma_start3A_155 = arith.constant 0 : i32
          %dma_start3A_156 = tpu.memref_slice %arg8[%add3A_154, %dma_start3A_155] : memref<320000x128xf32, #tpu.memory_space<hbm>> -> memref<80x128xf32, #tpu.memory_space<hbm>>
          %dma_start3A_157 = arith.constant 0 : i32
          %dma_start3A_158 = tpu.memref_slice %arg8[%add3A_154, %dma_start3A_157] : memref<320000x128xf32, #tpu.memory_space<hbm>> -> memref<80x128xf32, #tpu.memory_space<hbm>>
          tpu.enqueue_dma source(%arg15 : memref<80x128xf32, #tpu.memory_space<vmem>>) target(%dma_start3A_158 : memref<80x128xf32, #tpu.memory_space<hbm>>) target_semaphore(%arg23 : memref<!tpu.dma_semaphore, #tpu.memory_space<semaphore_mem>>)
        } else {
        }
      }
      %scan3A_45 = arith.constant 25 : i32
    }
    %scan3A_11 = arith.constant 5 : i32
    %convert_element_type3A_12 = arith.extui %eq3A_0 : i1 to i32
    %cond3A_13 = arith.constant 0 : i32
    %cond3A_14 = arith.cmpi ne, %convert_element_type3A_12, %cond3A_13 : i32
    scf.if %cond3A_14 {
      %dma_wait3A = arith.constant 0 : i32
      %dma_wait3A_33 = arith.constant 0 : i32
      %dma_wait3A_34 = tpu.memref_slice %arg19[%dma_wait3A, %dma_wait3A_33] : memref<10000x128xf32, #tpu.memory_space<vmem_shared>> -> memref<10000x128xf32, #tpu.memory_space<vmem_shared>>
      tpu.wait_indirect_dma semaphore(%arg22 : memref<!tpu.dma_semaphore, #tpu.memory_space<semaphore_mem>>) src(%arg12 : memref<80x128xf32, #tpu.memory_space<vmem>>) dst(%dma_wait3A_34 : memref<10000x128xf32, #tpu.memory_space<vmem_shared>>)
    } else {
    }
    %not3A = arith.constant true
    %not3A_15 = arith.xori %eq3A_0, %not3A : i1
    %convert_element_type3A_16 = arith.extui %not3A_15 : i1 to i32
    %cond3A_17 = arith.constant 0 : i32
    %cond3A_18 = arith.cmpi ne, %convert_element_type3A_16, %cond3A_17 : i32
    scf.if %cond3A_18 {
      %dma_wait3A = arith.constant 0 : i32
      %dma_wait3A_33 = arith.constant 0 : i32
      %dma_wait3A_34 = tpu.memref_slice %arg8[%dma_wait3A, %dma_wait3A_33] : memref<320000x128xf32, #tpu.memory_space<hbm>> -> memref<80x128xf32, #tpu.memory_space<hbm>>
      %dma_wait3A_35 = arith.constant 0 : i32
      %dma_wait3A_36 = arith.constant 0 : i32
      %dma_wait3A_37 = tpu.memref_slice %arg8[%dma_wait3A_35, %dma_wait3A_36] : memref<320000x128xf32, #tpu.memory_space<hbm>> -> memref<80x128xf32, #tpu.memory_space<hbm>>
      tpu.wait_dma2 semaphore(%arg22 : memref<!tpu.dma_semaphore, #tpu.memory_space<semaphore_mem>>) src(%arg12 : memref<80x128xf32, #tpu.memory_space<vmem>>) dst(%dma_wait3A_37 : memref<80x128xf32, #tpu.memory_space<hbm>>)
    } else {
    }
    %convert_element_type3A_19 = arith.extui %eq3A_0 : i1 to i32
    %cond3A_20 = arith.constant 0 : i32
    %cond3A_21 = arith.cmpi ne, %convert_element_type3A_19, %cond3A_20 : i32
    scf.if %cond3A_21 {
      %dma_wait3A = arith.constant 0 : i32
      %dma_wait3A_33 = arith.constant 0 : i32
      %dma_wait3A_34 = tpu.memref_slice %arg19[%dma_wait3A, %dma_wait3A_33] : memref<10000x128xf32, #tpu.memory_space<vmem_shared>> -> memref<10000x128xf32, #tpu.memory_space<vmem_shared>>
      tpu.wait_indirect_dma semaphore(%arg23 : memref<!tpu.dma_semaphore, #tpu.memory_space<semaphore_mem>>) src(%arg15 : memref<80x128xf32, #tpu.memory_space<vmem>>) dst(%dma_wait3A_34 : memref<10000x128xf32, #tpu.memory_space<vmem_shared>>)
    } else {
    }
    %not3A_22 = arith.constant true
    %not3A_23 = arith.xori %eq3A_0, %not3A_22 : i1
    %convert_element_type3A_24 = arith.extui %not3A_23 : i1 to i32
    %cond3A_25 = arith.constant 0 : i32
    %cond3A_26 = arith.cmpi ne, %convert_element_type3A_24, %cond3A_25 : i32
    scf.if %cond3A_26 {
      %dma_wait3A = arith.constant 0 : i32
      %dma_wait3A_33 = arith.constant 0 : i32
      %dma_wait3A_34 = tpu.memref_slice %arg8[%dma_wait3A, %dma_wait3A_33] : memref<320000x128xf32, #tpu.memory_space<hbm>> -> memref<80x128xf32, #tpu.memory_space<hbm>>
      %dma_wait3A_35 = arith.constant 0 : i32
      %dma_wait3A_36 = arith.constant 0 : i32
      %dma_wait3A_37 = tpu.memref_slice %arg8[%dma_wait3A_35, %dma_wait3A_36] : memref<320000x128xf32, #tpu.memory_space<hbm>> -> memref<80x128xf32, #tpu.memory_space<hbm>>
      tpu.wait_dma2 semaphore(%arg23 : memref<!tpu.dma_semaphore, #tpu.memory_space<semaphore_mem>>) src(%arg15 : memref<80x128xf32, #tpu.memory_space<vmem>>) dst(%dma_wait3A_37 : memref<80x128xf32, #tpu.memory_space<hbm>>)
    } else {
    }
    %barrier3A_27 = arith.constant 0 : index
    tpu.barrier barrier_id(%barrier3A_27)
    %eq3A_28 = arith.constant 0 : i32
    %eq3A_29 = arith.cmpi eq, %arg1, %eq3A_28 : i32
    %and3A = arith.andi %eq3A_0, %eq3A_29 : i1
    %convert_element_type3A_30 = arith.extui %and3A : i1 to i32
    %cond3A_31 = arith.constant 0 : i32
    %cond3A_32 = arith.cmpi ne, %convert_element_type3A_30, %cond3A_31 : i32
    scf.if %cond3A_32 {
      "tpu.region"() ({
        %run_scoped3A = tpu.sem_alloc : memref<!tpu.dma_semaphore, #tpu.memory_space<semaphore_mem>>
        tpu.enqueue_dma source(%arg19 : memref<10000x128xf32, #tpu.memory_space<vmem_shared>>) target(%arg9 : memref<10000x128xf32, #tpu.memory_space<hbm>>) target_semaphore(%run_scoped3A : memref<!tpu.dma_semaphore, #tpu.memory_space<semaphore_mem>>)
        tpu.wait_dma2 semaphore(%run_scoped3A : memref<!tpu.dma_semaphore, #tpu.memory_space<semaphore_mem>>) src(%arg19 : memref<10000x128xf32, #tpu.memory_space<vmem_shared>>) dst(%arg9 : memref<10000x128xf32, #tpu.memory_space<hbm>>)
        tpu.yield
      }) : () -> ()
    } else {
    }
    return
  }
}

module attributes {stable_mosaic.version = 14 : i64} {
  func.func @_tables_body(%arg0: i32, %arg1: memref<1000x128xf32, #tpu.memory_space<vmem>>, %arg2: memref<128x128xf32, #tpu.memory_space<vmem>>, %arg3: memref<128x128xf32, #tpu.memory_space<vmem>>, %arg4: memref<128x128xf32, #tpu.memory_space<vmem>>, %arg5: memref<128x128xf32, #tpu.memory_space<vmem>>, %arg6: memref<2x1000x128xf32, #tpu.memory_space<vmem>>, %arg7: memref<1000x128xf32, #tpu.memory_space<vmem>>, %arg8: memref<1000x128xf32, #tpu.memory_space<vmem>>) attributes {dimension_semantics = [#tpu.dimension_semantics<arbitrary>], iteration_bounds = array<i64: 10>, scalar_prefetch = 0 : i64, scratch_operands = 0 : i64, tpu.core_type = #tpu.core_type<tc>, window_params = [{transform_indices = @transform_0, window_bounds = array<i64: 1000, 128>}, {pipeline_mode = #tpu.pipeline_mode<synchronous>, transform_indices = @transform_1, window_bounds = array<i64: 128, 128>}, {pipeline_mode = #tpu.pipeline_mode<synchronous>, transform_indices = @transform_2, window_bounds = array<i64: 128, 128>}, {pipeline_mode = #tpu.pipeline_mode<synchronous>, transform_indices = @transform_3, window_bounds = array<i64: 128, 128>}, {pipeline_mode = #tpu.pipeline_mode<synchronous>, transform_indices = @transform_4, window_bounds = array<i64: 128, 128>}, {transform_indices = @transform_5, window_bounds = array<i64: 2, 1000, 128>}, {transform_indices = @transform_6, window_bounds = array<i64: 1000, 128>}, {transform_indices = @transform_7, window_bounds = array<i64: 1000, 128>}]} {
    %get3A = arith.constant 0 : index
    %get3A_0 = arith.constant 0 : index
    %get3A_1 = vector.load %arg1[%get3A, %get3A_0] : memref<1000x128xf32, #tpu.memory_space<vmem>>, vector<1000x128xf32>
    %get3A_2 = arith.constant 0 : index
    %get3A_3 = arith.constant 0 : index
    %get3A_4 = vector.load %arg2[%get3A_2, %get3A_3] : memref<128x128xf32, #tpu.memory_space<vmem>>, vector<128x128xf32>
    %dot_general3A = arith.constant dense<0.000000e+00> : vector<1000x128xf32>
    %dot_general3A_5 = tpu.matmul %get3A_1, %get3A_4, %dot_general3A {dimension_numbers = #tpu.dot_dimension_numbers<[1], [0], [0], [1], [0, 0, 1, 1], [], []>, transpose_lhs_hint = false} : vector<1000x128xf32>, vector<128x128xf32>, vector<1000x128xf32> -> vector<1000x128xf32>
    %swap3A = arith.constant 0 : index
    %swap3A_6 = arith.constant 0 : index
    %swap3A_7 = arith.constant 0 : index
    %swap3A_8 = vector.load %arg6[%swap3A, %swap3A_6, %swap3A_7] : memref<2x1000x128xf32, #tpu.memory_space<vmem>>, vector<1x1000x128xf32>
    %swap3A_9 = vector.shape_cast %swap3A_8 : vector<1x1000x128xf32> to vector<1000x128xf32>
    %swap3A_10 = vector.shape_cast %dot_general3A_5 : vector<1000x128xf32> to vector<1x1000x128xf32>
    tpu.vector_store %arg6[%swap3A, %swap3A_6, %swap3A_7], %swap3A_10 {strides = array<i32>} : memref<2x1000x128xf32, #tpu.memory_space<vmem>>, vector<1x1000x128xf32>,
    %get3A_11 = arith.constant 0 : index
    %get3A_12 = arith.constant 0 : index
    %get3A_13 = vector.load %arg3[%get3A_11, %get3A_12] : memref<128x128xf32, #tpu.memory_space<vmem>>, vector<128x128xf32>
    %dot_general3A_14 = arith.constant dense<0.000000e+00> : vector<1000x128xf32>
    %dot_general3A_15 = tpu.matmul %get3A_1, %get3A_13, %dot_general3A_14 {dimension_numbers = #tpu.dot_dimension_numbers<[1], [0], [0], [1], [0, 0, 1, 1], [], []>, transpose_lhs_hint = false} : vector<1000x128xf32>, vector<128x128xf32>, vector<1000x128xf32> -> vector<1000x128xf32>
    %swap3A_16 = arith.constant 1 : index
    %swap3A_17 = arith.constant 0 : index
    %swap3A_18 = arith.constant 0 : index
    %swap3A_19 = vector.load %arg6[%swap3A_16, %swap3A_17, %swap3A_18] : memref<2x1000x128xf32, #tpu.memory_space<vmem>>, vector<1x1000x128xf32>
    %swap3A_20 = vector.shape_cast %swap3A_19 : vector<1x1000x128xf32> to vector<1000x128xf32>
    %swap3A_21 = vector.shape_cast %dot_general3A_15 : vector<1000x128xf32> to vector<1x1000x128xf32>
    tpu.vector_store %arg6[%swap3A_16, %swap3A_17, %swap3A_18], %swap3A_21 {strides = array<i32>} : memref<2x1000x128xf32, #tpu.memory_space<vmem>>, vector<1x1000x128xf32>,
    %get3A_22 = arith.constant 0 : index
    %get3A_23 = arith.constant 0 : index
    %get3A_24 = vector.load %arg4[%get3A_22, %get3A_23] : memref<128x128xf32, #tpu.memory_space<vmem>>, vector<128x128xf32>
    %dot_general3A_25 = arith.constant dense<0.000000e+00> : vector<1000x128xf32>
    %dot_general3A_26 = tpu.matmul %get3A_1, %get3A_24, %dot_general3A_25 {dimension_numbers = #tpu.dot_dimension_numbers<[1], [0], [0], [1], [0, 0, 1, 1], [], []>, transpose_lhs_hint = false} : vector<1000x128xf32>, vector<128x128xf32>, vector<1000x128xf32> -> vector<1000x128xf32>
    %swap3A_27 = arith.constant 0 : index
    %swap3A_28 = arith.constant 0 : index
    %swap3A_29 = vector.load %arg7[%swap3A_27, %swap3A_28] : memref<1000x128xf32, #tpu.memory_space<vmem>>, vector<1000x128xf32>
    tpu.vector_store %arg7[%swap3A_27, %swap3A_28], %dot_general3A_26 {strides = array<i32>} : memref<1000x128xf32, #tpu.memory_space<vmem>>, vector<1000x128xf32>,
    %get3A_30 = arith.constant 0 : index
    %get3A_31 = arith.constant 0 : index
    %get3A_32 = vector.load %arg5[%get3A_30, %get3A_31] : memref<128x128xf32, #tpu.memory_space<vmem>>, vector<128x128xf32>
    %dot_general3A_33 = arith.constant dense<0.000000e+00> : vector<1000x128xf32>
    %dot_general3A_34 = tpu.matmul %get3A_1, %get3A_32, %dot_general3A_33 {dimension_numbers = #tpu.dot_dimension_numbers<[1], [0], [0], [1], [0, 0, 1, 1], [], []>, transpose_lhs_hint = false} : vector<1000x128xf32>, vector<128x128xf32>, vector<1000x128xf32> -> vector<1000x128xf32>
    %swap3A_35 = arith.constant 0 : index
    %swap3A_36 = arith.constant 0 : index
    %swap3A_37 = vector.load %arg8[%swap3A_35, %swap3A_36] : memref<1000x128xf32, #tpu.memory_space<vmem>>, vector<1000x128xf32>
    tpu.vector_store %arg8[%swap3A_35, %swap3A_36], %dot_general3A_34 {strides = array<i32>} : memref<1000x128xf32, #tpu.memory_space<vmem>>, vector<1000x128xf32>,
    return
  }
  func.func @transform_0(%arg0: i32) -> (i32, i32) {
    %c0_i32 = arith.constant 0 : i32
    %c0_i32_0 = arith.constant 0 : i32
    return %arg0, %c0_i32 : i32, i32
  }
  func.func @transform_1(%arg0: i32) -> (i32, i32) {
    %c0_i32 = arith.constant 0 : i32
    %c0_i32_0 = arith.constant 0 : i32
    %c0_i32_1 = arith.constant 0 : i32
    return %c0_i32, %c0_i32_0 : i32, i32
  }
  func.func @transform_2(%arg0: i32) -> (i32, i32) {
    %c0_i32 = arith.constant 0 : i32
    %c0_i32_0 = arith.constant 0 : i32
    %c0_i32_1 = arith.constant 0 : i32
    return %c0_i32, %c0_i32_0 : i32, i32
  }
  func.func @transform_3(%arg0: i32) -> (i32, i32) {
    %c0_i32 = arith.constant 0 : i32
    %c0_i32_0 = arith.constant 0 : i32
    %c0_i32_1 = arith.constant 0 : i32
    return %c0_i32, %c0_i32_0 : i32, i32
  }
  func.func @transform_4(%arg0: i32) -> (i32, i32) {
    %c0_i32 = arith.constant 0 : i32
    %c0_i32_0 = arith.constant 0 : i32
    %c0_i32_1 = arith.constant 0 : i32
    return %c0_i32, %c0_i32_0 : i32, i32
  }
  func.func @transform_5(%arg0: i32) -> (i32, i32, i32) {
    %c0_i32 = arith.constant 0 : i32
    %c0_i32_0 = arith.constant 0 : i32
    %c0_i32_1 = arith.constant 0 : i32
    return %c0_i32, %arg0, %c0_i32_0 : i32, i32, i32
  }
  func.func @transform_6(%arg0: i32) -> (i32, i32) {
    %c0_i32 = arith.constant 0 : i32
    %c0_i32_0 = arith.constant 0 : i32
    return %arg0, %c0_i32 : i32, i32
  }
  func.func @transform_7(%arg0: i32) -> (i32, i32) {
    %c0_i32 = arith.constant 0 : i32
    %c0_i32_0 = arith.constant 0 : i32
    return %arg0, %c0_i32 : i32, i32
  }
}

module attributes {stable_mosaic.version = 14 : i64} {
  func.func @_x_stats_body(%arg0: i32, %arg1: memref<1000x128xf32, #tpu.memory_space<vmem>>, %arg2: memref<1000x128xf32, #tpu.memory_space<vmem>>, %arg3: memref<8x128xf32, #tpu.memory_space<vmem>>) attributes {dimension_semantics = [#tpu.dimension_semantics<arbitrary>], iteration_bounds = array<i64: 10>, scalar_prefetch = 0 : i64, scratch_operands = 0 : i64, tpu.core_type = #tpu.core_type<tc>, window_params = [{transform_indices = @transform_0, window_bounds = array<i64: 1000, 128>}, {transform_indices = @transform_1, window_bounds = array<i64: 1000, 128>}, {pipeline_mode = #tpu.pipeline_mode<synchronous>, transform_indices = @transform_2, window_bounds = array<i64: 8, 128>}]} {
    %get3A = arith.constant 0 : index
    %get3A_0 = arith.constant 0 : index
    %get3A_1 = vector.load %arg1[%get3A, %get3A_0] : memref<1000x128xf32, #tpu.memory_space<vmem>>, vector<1000x128xf32>
    %get3A_2 = arith.constant 0 : index
    %get3A_3 = arith.constant 0 : index
    %get3A_4 = vector.load %arg2[%get3A_2, %get3A_3] : memref<1000x128xf32, #tpu.memory_space<vmem>>, vector<1000x128xf32>
    %add3A = arith.addf %get3A_1, %get3A_4 : vector<1000x128xf32>
    %eq3A = arith.constant 0 : i32
    %eq3A_5 = arith.cmpi eq, %arg0, %eq3A : i32
    %convert_element_type3A = arith.extui %eq3A_5 : i1 to i32
    %cond3A = arith.constant 0 : i32
    %cond3A_6 = arith.cmpi ne, %convert_element_type3A, %cond3A : i32
    scf.if %cond3A_6 {
      %broadcast_in_dim3A = arith.constant 0.000000e+00 : f32
      %broadcast_in_dim3A_29 = vector.broadcast %broadcast_in_dim3A : f32 to vector<8x128xf32>
      %swap3A_30 = arith.constant 0 : index
      %swap3A_31 = arith.constant 0 : index
      %swap3A_32 = vector.load %arg3[%swap3A_30, %swap3A_31] : memref<8x128xf32, #tpu.memory_space<vmem>>, vector<8x128xf32>
      tpu.vector_store %arg3[%swap3A_30, %swap3A_31], %broadcast_in_dim3A_29 {strides = array<i32>} : memref<8x128xf32, #tpu.memory_space<vmem>>, vector<8x128xf32>,
    } else {
    }
    %get3A_7 = arith.constant 0 : index
    %get3A_8 = arith.constant 0 : index
    %get3A_9 = vector.load %arg3[%get3A_7, %get3A_8] : memref<8x128xf32, #tpu.memory_space<vmem>>, vector<1x128xf32>
    %get3A_10 = vector.shape_cast %get3A_9 : vector<1x128xf32> to vector<128xf32>
    %reduce_sum3A = arith.constant dense<0.000000e+00> : vector<128xf32>
    %reduce_sum3A_11 = vector.multi_reduction <add>, %add3A, %reduce_sum3A [0] : vector<1000x128xf32> to vector<128xf32>
    %add3A_12 = arith.addf %get3A_10, %reduce_sum3A_11 : vector<128xf32>
    %swap3A = arith.constant 0 : index
    %swap3A_13 = arith.constant 0 : index
    %swap3A_14 = vector.load %arg3[%swap3A, %swap3A_13] : memref<8x128xf32, #tpu.memory_space<vmem>>, vector<1x128xf32>
    %swap3A_15 = vector.shape_cast %swap3A_14 : vector<1x128xf32> to vector<128xf32>
    %swap3A_16 = vector.shape_cast %add3A_12 : vector<128xf32> to vector<1x128xf32>
    tpu.vector_store %arg3[%swap3A, %swap3A_13], %swap3A_16 {strides = array<i32>} : memref<8x128xf32, #tpu.memory_space<vmem>>, vector<1x128xf32>,
    %get3A_17 = arith.constant 1 : index
    %get3A_18 = arith.constant 0 : index
    %get3A_19 = vector.load %arg3[%get3A_17, %get3A_18] : memref<8x128xf32, #tpu.memory_space<vmem>>, vector<1x128xf32>
    %get3A_20 = vector.shape_cast %get3A_19 : vector<1x128xf32> to vector<128xf32>
    %mul3A = arith.mulf %add3A, %add3A : vector<1000x128xf32>
    %reduce_sum3A_21 = arith.constant dense<0.000000e+00> : vector<128xf32>
    %reduce_sum3A_22 = vector.multi_reduction <add>, %mul3A, %reduce_sum3A_21 [0] : vector<1000x128xf32> to vector<128xf32>
    %add3A_23 = arith.addf %get3A_20, %reduce_sum3A_22 : vector<128xf32>
    %swap3A_24 = arith.constant 1 : index
    %swap3A_25 = arith.constant 0 : index
    %swap3A_26 = vector.load %arg3[%swap3A_24, %swap3A_25] : memref<8x128xf32, #tpu.memory_space<vmem>>, vector<1x128xf32>
    %swap3A_27 = vector.shape_cast %swap3A_26 : vector<1x128xf32> to vector<128xf32>
    %swap3A_28 = vector.shape_cast %add3A_23 : vector<128xf32> to vector<1x128xf32>
    tpu.vector_store %arg3[%swap3A_24, %swap3A_25], %swap3A_28 {strides = array<i32>} : memref<8x128xf32, #tpu.memory_space<vmem>>, vector<1x128xf32>,
    return
  }
  func.func @transform_0(%arg0: i32) -> (i32, i32) {
    %c0_i32 = arith.constant 0 : i32
    %c0_i32_0 = arith.constant 0 : i32
    return %arg0, %c0_i32 : i32, i32
  }
  func.func @transform_1(%arg0: i32) -> (i32, i32) {
    %c0_i32 = arith.constant 0 : i32
    %c0_i32_0 = arith.constant 0 : i32
    return %arg0, %c0_i32 : i32, i32
  }
  func.func @transform_2(%arg0: i32) -> (i32, i32) {
    %c0_i32 = arith.constant 0 : i32
    %c0_i32_0 = arith.constant 0 : i32
    %c0_i32_1 = arith.constant 0 : i32
    return %c0_i32, %c0_i32_0 : i32, i32
  }
}

module attributes {stable_mosaic.version = 14 : i64} {
  func.func @_e_stats_body(%arg0: i32, %arg1: memref<4000x128xf32, #tpu.memory_space<vmem>>, %arg2: memref<4000x128xf32, #tpu.memory_space<vmem>>, %arg3: memref<128x128xf32, #tpu.memory_space<vmem>>, %arg4: memref<8x128xf32, #tpu.memory_space<vmem>>) attributes {dimension_semantics = [#tpu.dimension_semantics<arbitrary>], iteration_bounds = array<i64: 80>, scalar_prefetch = 0 : i64, scratch_operands = 0 : i64, tpu.core_type = #tpu.core_type<tc>, window_params = [{transform_indices = @transform_0, window_bounds = array<i64: 4000, 128>}, {transform_indices = @transform_1, window_bounds = array<i64: 4000, 128>}, {pipeline_mode = #tpu.pipeline_mode<synchronous>, transform_indices = @transform_2, window_bounds = array<i64: 128, 128>}, {pipeline_mode = #tpu.pipeline_mode<synchronous>, transform_indices = @transform_3, window_bounds = array<i64: 8, 128>}]} {
    %get3A = arith.constant 0 : index
    %get3A_0 = arith.constant 0 : index
    %get3A_1 = vector.load %arg1[%get3A, %get3A_0] : memref<4000x128xf32, #tpu.memory_space<vmem>>, vector<4000x128xf32>
    %get3A_2 = arith.constant 0 : index
    %get3A_3 = arith.constant 0 : index
    %get3A_4 = vector.load %arg3[%get3A_2, %get3A_3] : memref<128x128xf32, #tpu.memory_space<vmem>>, vector<128x128xf32>
    %dot_general3A = arith.constant dense<0.000000e+00> : vector<4000x128xf32>
    %dot_general3A_5 = tpu.matmul %get3A_1, %get3A_4, %dot_general3A {dimension_numbers = #tpu.dot_dimension_numbers<[1], [0], [0], [1], [0, 0, 1, 1], [], []>, transpose_lhs_hint = false} : vector<4000x128xf32>, vector<128x128xf32>, vector<4000x128xf32> -> vector<4000x128xf32>
    %get3A_6 = arith.constant 0 : index
    %get3A_7 = arith.constant 0 : index
    %get3A_8 = vector.load %arg2[%get3A_6, %get3A_7] : memref<4000x128xf32, #tpu.memory_space<vmem>>, vector<4000x128xf32>
    %add3A = arith.addf %dot_general3A_5, %get3A_8 : vector<4000x128xf32>
    %eq3A = arith.constant 0 : i32
    %eq3A_9 = arith.cmpi eq, %arg0, %eq3A : i32
    %convert_element_type3A = arith.extui %eq3A_9 : i1 to i32
    %cond3A = arith.constant 0 : i32
    %cond3A_10 = arith.cmpi ne, %convert_element_type3A, %cond3A : i32
    scf.if %cond3A_10 {
      %broadcast_in_dim3A = arith.constant 0.000000e+00 : f32
      %broadcast_in_dim3A_33 = vector.broadcast %broadcast_in_dim3A : f32 to vector<8x128xf32>
      %swap3A_34 = arith.constant 0 : index
      %swap3A_35 = arith.constant 0 : index
      %swap3A_36 = vector.load %arg4[%swap3A_34, %swap3A_35] : memref<8x128xf32, #tpu.memory_space<vmem>>, vector<8x128xf32>
      tpu.vector_store %arg4[%swap3A_34, %swap3A_35], %broadcast_in_dim3A_33 {strides = array<i32>} : memref<8x128xf32, #tpu.memory_space<vmem>>, vector<8x128xf32>,
    } else {
    }
    %get3A_11 = arith.constant 0 : index
    %get3A_12 = arith.constant 0 : index
    %get3A_13 = vector.load %arg4[%get3A_11, %get3A_12] : memref<8x128xf32, #tpu.memory_space<vmem>>, vector<1x128xf32>
    %get3A_14 = vector.shape_cast %get3A_13 : vector<1x128xf32> to vector<128xf32>
    %reduce_sum3A = arith.constant dense<0.000000e+00> : vector<128xf32>
    %reduce_sum3A_15 = vector.multi_reduction <add>, %add3A, %reduce_sum3A [0] : vector<4000x128xf32> to vector<128xf32>
    %add3A_16 = arith.addf %get3A_14, %reduce_sum3A_15 : vector<128xf32>
    %swap3A = arith.constant 0 : index
    %swap3A_17 = arith.constant 0 : index
    %swap3A_18 = vector.load %arg4[%swap3A, %swap3A_17] : memref<8x128xf32, #tpu.memory_space<vmem>>, vector<1x128xf32>
    %swap3A_19 = vector.shape_cast %swap3A_18 : vector<1x128xf32> to vector<128xf32>
    %swap3A_20 = vector.shape_cast %add3A_16 : vector<128xf32> to vector<1x128xf32>
    tpu.vector_store %arg4[%swap3A, %swap3A_17], %swap3A_20 {strides = array<i32>} : memref<8x128xf32, #tpu.memory_space<vmem>>, vector<1x128xf32>,
    %get3A_21 = arith.constant 1 : index
    %get3A_22 = arith.constant 0 : index
    %get3A_23 = vector.load %arg4[%get3A_21, %get3A_22] : memref<8x128xf32, #tpu.memory_space<vmem>>, vector<1x128xf32>
    %get3A_24 = vector.shape_cast %get3A_23 : vector<1x128xf32> to vector<128xf32>
    %mul3A = arith.mulf %add3A, %add3A : vector<4000x128xf32>
    %reduce_sum3A_25 = arith.constant dense<0.000000e+00> : vector<128xf32>
    %reduce_sum3A_26 = vector.multi_reduction <add>, %mul3A, %reduce_sum3A_25 [0] : vector<4000x128xf32> to vector<128xf32>
    %add3A_27 = arith.addf %get3A_24, %reduce_sum3A_26 : vector<128xf32>
    %swap3A_28 = arith.constant 1 : index
    %swap3A_29 = arith.constant 0 : index
    %swap3A_30 = vector.load %arg4[%swap3A_28, %swap3A_29] : memref<8x128xf32, #tpu.memory_space<vmem>>, vector<1x128xf32>
    %swap3A_31 = vector.shape_cast %swap3A_30 : vector<1x128xf32> to vector<128xf32>
    %swap3A_32 = vector.shape_cast %add3A_27 : vector<128xf32> to vector<1x128xf32>
    tpu.vector_store %arg4[%swap3A_28, %swap3A_29], %swap3A_32 {strides = array<i32>} : memref<8x128xf32, #tpu.memory_space<vmem>>, vector<1x128xf32>,
    return
  }
  func.func @transform_0(%arg0: i32) -> (i32, i32) {
    %c0_i32 = arith.constant 0 : i32
    %c0_i32_0 = arith.constant 0 : i32
    return %arg0, %c0_i32 : i32, i32
  }
  func.func @transform_1(%arg0: i32) -> (i32, i32) {
    %c0_i32 = arith.constant 0 : i32
    %c0_i32_0 = arith.constant 0 : i32
    return %arg0, %c0_i32 : i32, i32
  }
  func.func @transform_2(%arg0: i32) -> (i32, i32) {
    %c0_i32 = arith.constant 0 : i32
    %c0_i32_0 = arith.constant 0 : i32
    %c0_i32_1 = arith.constant 0 : i32
    return %c0_i32, %c0_i32_0 : i32, i32
  }
  func.func @transform_3(%arg0: i32) -> (i32, i32) {
    %c0_i32 = arith.constant 0 : i32
    %c0_i32_0 = arith.constant 0 : i32
    %c0_i32_1 = arith.constant 0 : i32
    return %c0_i32, %c0_i32_0 : i32, i32
  }
}

module attributes {stable_mosaic.version = 14 : i64} {
  func.func @_x_apply_body(%arg0: i32, %arg1: memref<1000x128xf32, #tpu.memory_space<vmem>>, %arg2: memref<1000x128xf32, #tpu.memory_space<vmem>>, %arg3: memref<1000x128xf32, #tpu.memory_space<vmem>>, %arg4: memref<8x128xf32, #tpu.memory_space<vmem>>, %arg5: memref<1x128xf32, #tpu.memory_space<vmem>>, %arg6: memref<1x128xf32, #tpu.memory_space<vmem>>, %arg7: memref<1000x128xf32, #tpu.memory_space<vmem>>) attributes {dimension_semantics = [#tpu.dimension_semantics<arbitrary>], iteration_bounds = array<i64: 10>, scalar_prefetch = 0 : i64, scratch_operands = 0 : i64, tpu.core_type = #tpu.core_type<tc>, window_params = [{transform_indices = @transform_0, window_bounds = array<i64: 1000, 128>}, {transform_indices = @transform_1, window_bounds = array<i64: 1000, 128>}, {transform_indices = @transform_2, window_bounds = array<i64: 1000, 128>}, {pipeline_mode = #tpu.pipeline_mode<synchronous>, transform_indices = @transform_3, window_bounds = array<i64: 8, 128>}, {pipeline_mode = #tpu.pipeline_mode<synchronous>, transform_indices = @transform_4, window_bounds = array<i64: 1, 128>}, {pipeline_mode = #tpu.pipeline_mode<synchronous>, transform_indices = @transform_5, window_bounds = array<i64: 1, 128>}, {transform_indices = @transform_6, window_bounds = array<i64: 1000, 128>}]} {
    %get3A = arith.constant 0 : index
    %get3A_0 = arith.constant 0 : index
    %get3A_1 = vector.load %arg2[%get3A, %get3A_0] : memref<1000x128xf32, #tpu.memory_space<vmem>>, vector<1000x128xf32>
    %get3A_2 = arith.constant 0 : index
    %get3A_3 = arith.constant 0 : index
    %get3A_4 = vector.load %arg3[%get3A_2, %get3A_3] : memref<1000x128xf32, #tpu.memory_space<vmem>>, vector<1000x128xf32>
    %add3A = arith.addf %get3A_1, %get3A_4 : vector<1000x128xf32>
    %get3A_5 = arith.constant 0 : index
    %get3A_6 = arith.constant 0 : index
    %get3A_7 = vector.load %arg4[%get3A_5, %get3A_6] : memref<8x128xf32, #tpu.memory_space<vmem>>, vector<1x128xf32>
    %mul3A = arith.constant 9.99999974E-5 : f32
    %mul3A_8 = vector.broadcast %mul3A : f32 to vector<1x128xf32>
    %mul3A_9 = arith.mulf %get3A_7, %mul3A_8 : vector<1x128xf32>
    %get3A_10 = arith.constant 1 : index
    %get3A_11 = arith.constant 0 : index
    %get3A_12 = vector.load %arg4[%get3A_10, %get3A_11] : memref<8x128xf32, #tpu.memory_space<vmem>>, vector<1x128xf32>
    %mul3A_13 = arith.constant 9.99999974E-5 : f32
    %mul3A_14 = vector.broadcast %mul3A_13 : f32 to vector<1x128xf32>
    %mul3A_15 = arith.mulf %get3A_12, %mul3A_14 : vector<1x128xf32>
    %mul3A_16 = arith.mulf %mul3A_9, %mul3A_9 : vector<1x128xf32>
    %sub3A = arith.subf %mul3A_15, %mul3A_16 : vector<1x128xf32>
    %get3A_17 = arith.constant 0 : index
    %get3A_18 = arith.constant 0 : index
    %get3A_19 = vector.load %arg5[%get3A_17, %get3A_18] : memref<1x128xf32, #tpu.memory_space<vmem>>, vector<1x128xf32>
    %add3A_20 = arith.constant 9.99999974E-6 : f32
    %add3A_21 = vector.broadcast %add3A_20 : f32 to vector<1x128xf32>
    %add3A_22 = arith.addf %sub3A, %add3A_21 : vector<1x128xf32>
    %rsqrt3A = math.rsqrt %add3A_22 : vector<1x128xf32>
    %mul3A_23 = arith.mulf %get3A_19, %rsqrt3A : vector<1x128xf32>
    %get3A_24 = arith.constant 0 : index
    %get3A_25 = arith.constant 0 : index
    %get3A_26 = vector.load %arg6[%get3A_24, %get3A_25] : memref<1x128xf32, #tpu.memory_space<vmem>>, vector<1x128xf32>
    %mul3A_27 = arith.mulf %mul3A_9, %mul3A_23 : vector<1x128xf32>
    %sub3A_28 = arith.subf %get3A_26, %mul3A_27 : vector<1x128xf32>
    %get3A_29 = arith.constant 0 : index
    %get3A_30 = arith.constant 0 : index
    %get3A_31 = vector.load %arg1[%get3A_29, %get3A_30] : memref<1000x128xf32, #tpu.memory_space<vmem>>, vector<1000x128xf32>
    %mul3A_32 = vector.broadcast %mul3A_23 : vector<1x128xf32> to vector<1000x128xf32>
    %mul3A_33 = arith.mulf %add3A, %mul3A_32 : vector<1000x128xf32>
    %add3A_34 = vector.broadcast %sub3A_28 : vector<1x128xf32> to vector<1000x128xf32>
    %add3A_35 = arith.addf %mul3A_33, %add3A_34 : vector<1000x128xf32>
    %max3A = arith.constant 0.000000e+00 : f32
    %max3A_36 = vector.broadcast %max3A : f32 to vector<1000x128xf32>
    %max3A_37 = arith.maximumf %add3A_35, %max3A_36 : vector<1000x128xf32>
    %add3A_38 = arith.addf %get3A_31, %max3A_37 : vector<1000x128xf32>
    %swap3A = arith.constant 0 : index
    %swap3A_39 = arith.constant 0 : index
    %swap3A_40 = vector.load %arg7[%swap3A, %swap3A_39] : memref<1000x128xf32, #tpu.memory_space<vmem>>, vector<1000x128xf32>
    tpu.vector_store %arg7[%swap3A, %swap3A_39], %add3A_38 {strides = array<i32>} : memref<1000x128xf32, #tpu.memory_space<vmem>>, vector<1000x128xf32>,
    return
  }
  func.func @transform_0(%arg0: i32) -> (i32, i32) {
    %c0_i32 = arith.constant 0 : i32
    %c0_i32_0 = arith.constant 0 : i32
    return %arg0, %c0_i32 : i32, i32
  }
  func.func @transform_1(%arg0: i32) -> (i32, i32) {
    %c0_i32 = arith.constant 0 : i32
    %c0_i32_0 = arith.constant 0 : i32
    return %arg0, %c0_i32 : i32, i32
  }
  func.func @transform_2(%arg0: i32) -> (i32, i32) {
    %c0_i32 = arith.constant 0 : i32
    %c0_i32_0 = arith.constant 0 : i32
    return %arg0, %c0_i32 : i32, i32
  }
  func.func @transform_3(%arg0: i32) -> (i32, i32) {
    %c0_i32 = arith.constant 0 : i32
    %c0_i32_0 = arith.constant 0 : i32
    %c0_i32_1 = arith.constant 0 : i32
    return %c0_i32, %c0_i32_0 : i32, i32
  }
  func.func @transform_4(%arg0: i32) -> (i32, i32) {
    %c0_i32 = arith.constant 0 : i32
    %c0_i32_0 = arith.constant 0 : i32
    %c0_i32_1 = arith.constant 0 : i32
    return %c0_i32, %c0_i32_0 : i32, i32
  }
  func.func @transform_5(%arg0: i32) -> (i32, i32) {
    %c0_i32 = arith.constant 0 : i32
    %c0_i32_0 = arith.constant 0 : i32
    %c0_i32_1 = arith.constant 0 : i32
    return %c0_i32, %c0_i32_0 : i32, i32
  }
  func.func @transform_6(%arg0: i32) -> (i32, i32) {
    %c0_i32 = arith.constant 0 : i32
    %c0_i32_0 = arith.constant 0 : i32
    return %arg0, %c0_i32 : i32, i32
  }
}

module attributes {stable_mosaic.version = 14 : i64} {
  func.func @_e_apply_body(%arg0: i32, %arg1: memref<4000x128xf32, #tpu.memory_space<vmem>>, %arg2: memref<4000x128xf32, #tpu.memory_space<vmem>>, %arg3: memref<128x128xf32, #tpu.memory_space<vmem>>, %arg4: memref<8x128xf32, #tpu.memory_space<vmem>>, %arg5: memref<1x128xf32, #tpu.memory_space<vmem>>, %arg6: memref<1x128xf32, #tpu.memory_space<vmem>>, %arg7: memref<4000x128xf32, #tpu.memory_space<vmem>>) attributes {dimension_semantics = [#tpu.dimension_semantics<arbitrary>], iteration_bounds = array<i64: 80>, scalar_prefetch = 0 : i64, scratch_operands = 0 : i64, tpu.core_type = #tpu.core_type<tc>, window_params = [{transform_indices = @transform_0, window_bounds = array<i64: 4000, 128>}, {transform_indices = @transform_1, window_bounds = array<i64: 4000, 128>}, {pipeline_mode = #tpu.pipeline_mode<synchronous>, transform_indices = @transform_2, window_bounds = array<i64: 128, 128>}, {pipeline_mode = #tpu.pipeline_mode<synchronous>, transform_indices = @transform_3, window_bounds = array<i64: 8, 128>}, {pipeline_mode = #tpu.pipeline_mode<synchronous>, transform_indices = @transform_4, window_bounds = array<i64: 1, 128>}, {pipeline_mode = #tpu.pipeline_mode<synchronous>, transform_indices = @transform_5, window_bounds = array<i64: 1, 128>}, {transform_indices = @transform_6, window_bounds = array<i64: 4000, 128>}]} {
    %get3A = arith.constant 0 : index
    %get3A_0 = arith.constant 0 : index
    %get3A_1 = vector.load %arg1[%get3A, %get3A_0] : memref<4000x128xf32, #tpu.memory_space<vmem>>, vector<4000x128xf32>
    %get3A_2 = arith.constant 0 : index
    %get3A_3 = arith.constant 0 : index
    %get3A_4 = vector.load %arg3[%get3A_2, %get3A_3] : memref<128x128xf32, #tpu.memory_space<vmem>>, vector<128x128xf32>
    %dot_general3A = arith.constant dense<0.000000e+00> : vector<4000x128xf32>
    %dot_general3A_5 = tpu.matmul %get3A_1, %get3A_4, %dot_general3A {dimension_numbers = #tpu.dot_dimension_numbers<[1], [0], [0], [1], [0, 0, 1, 1], [], []>, transpose_lhs_hint = false} : vector<4000x128xf32>, vector<128x128xf32>, vector<4000x128xf32> -> vector<4000x128xf32>
    %get3A_6 = arith.constant 0 : index
    %get3A_7 = arith.constant 0 : index
    %get3A_8 = vector.load %arg2[%get3A_6, %get3A_7] : memref<4000x128xf32, #tpu.memory_space<vmem>>, vector<4000x128xf32>
    %add3A = arith.addf %dot_general3A_5, %get3A_8 : vector<4000x128xf32>
    %get3A_9 = arith.constant 0 : index
    %get3A_10 = arith.constant 0 : index
    %get3A_11 = vector.load %arg4[%get3A_9, %get3A_10] : memref<8x128xf32, #tpu.memory_space<vmem>>, vector<1x128xf32>
    %mul3A = arith.constant 3.125000e-06 : f32
    %mul3A_12 = vector.broadcast %mul3A : f32 to vector<1x128xf32>
    %mul3A_13 = arith.mulf %get3A_11, %mul3A_12 : vector<1x128xf32>
    %get3A_14 = arith.constant 1 : index
    %get3A_15 = arith.constant 0 : index
    %get3A_16 = vector.load %arg4[%get3A_14, %get3A_15] : memref<8x128xf32, #tpu.memory_space<vmem>>, vector<1x128xf32>
    %mul3A_17 = arith.constant 3.125000e-06 : f32
    %mul3A_18 = vector.broadcast %mul3A_17 : f32 to vector<1x128xf32>
    %mul3A_19 = arith.mulf %get3A_16, %mul3A_18 : vector<1x128xf32>
    %mul3A_20 = arith.mulf %mul3A_13, %mul3A_13 : vector<1x128xf32>
    %sub3A = arith.subf %mul3A_19, %mul3A_20 : vector<1x128xf32>
    %get3A_21 = arith.constant 0 : index
    %get3A_22 = arith.constant 0 : index
    %get3A_23 = vector.load %arg5[%get3A_21, %get3A_22] : memref<1x128xf32, #tpu.memory_space<vmem>>, vector<1x128xf32>
    %add3A_24 = arith.constant 9.99999974E-6 : f32
    %add3A_25 = vector.broadcast %add3A_24 : f32 to vector<1x128xf32>
    %add3A_26 = arith.addf %sub3A, %add3A_25 : vector<1x128xf32>
    %rsqrt3A = math.rsqrt %add3A_26 : vector<1x128xf32>
    %mul3A_27 = arith.mulf %get3A_23, %rsqrt3A : vector<1x128xf32>
    %get3A_28 = arith.constant 0 : index
    %get3A_29 = arith.constant 0 : index
    %get3A_30 = vector.load %arg6[%get3A_28, %get3A_29] : memref<1x128xf32, #tpu.memory_space<vmem>>, vector<1x128xf32>
    %mul3A_31 = arith.mulf %mul3A_13, %mul3A_27 : vector<1x128xf32>
    %sub3A_32 = arith.subf %get3A_30, %mul3A_31 : vector<1x128xf32>
    %get3A_33 = arith.constant 0 : index
    %get3A_34 = arith.constant 0 : index
    %get3A_35 = vector.load %arg1[%get3A_33, %get3A_34] : memref<4000x128xf32, #tpu.memory_space<vmem>>, vector<4000x128xf32>
    %mul3A_36 = vector.broadcast %mul3A_27 : vector<1x128xf32> to vector<4000x128xf32>
    %mul3A_37 = arith.mulf %add3A, %mul3A_36 : vector<4000x128xf32>
    %add3A_38 = vector.broadcast %sub3A_32 : vector<1x128xf32> to vector<4000x128xf32>
    %add3A_39 = arith.addf %mul3A_37, %add3A_38 : vector<4000x128xf32>
    %max3A = arith.constant 0.000000e+00 : f32
    %max3A_40 = vector.broadcast %max3A : f32 to vector<4000x128xf32>
    %max3A_41 = arith.maximumf %add3A_39, %max3A_40 : vector<4000x128xf32>
    %add3A_42 = arith.addf %get3A_35, %max3A_41 : vector<4000x128xf32>
    %swap3A = arith.constant 0 : index
    %swap3A_43 = arith.constant 0 : index
    %swap3A_44 = vector.load %arg7[%swap3A, %swap3A_43] : memref<4000x128xf32, #tpu.memory_space<vmem>>, vector<4000x128xf32>
    tpu.vector_store %arg7[%swap3A, %swap3A_43], %add3A_42 {strides = array<i32>} : memref<4000x128xf32, #tpu.memory_space<vmem>>, vector<4000x128xf32>,
    return
  }
  func.func @transform_0(%arg0: i32) -> (i32, i32) {
    %c0_i32 = arith.constant 0 : i32
    %c0_i32_0 = arith.constant 0 : i32
    return %arg0, %c0_i32 : i32, i32
  }
  func.func @transform_1(%arg0: i32) -> (i32, i32) {
    %c0_i32 = arith.constant 0 : i32
    %c0_i32_0 = arith.constant 0 : i32
    return %arg0, %c0_i32 : i32, i32
  }
  func.func @transform_2(%arg0: i32) -> (i32, i32) {
    %c0_i32 = arith.constant 0 : i32
    %c0_i32_0 = arith.constant 0 : i32
    %c0_i32_1 = arith.constant 0 : i32
    return %c0_i32, %c0_i32_0 : i32, i32
  }
  func.func @transform_3(%arg0: i32) -> (i32, i32) {
    %c0_i32 = arith.constant 0 : i32
    %c0_i32_0 = arith.constant 0 : i32
    %c0_i32_1 = arith.constant 0 : i32
    return %c0_i32, %c0_i32_0 : i32, i32
  }
  func.func @transform_4(%arg0: i32) -> (i32, i32) {
    %c0_i32 = arith.constant 0 : i32
    %c0_i32_0 = arith.constant 0 : i32
    %c0_i32_1 = arith.constant 0 : i32
    return %c0_i32, %c0_i32_0 : i32, i32
  }
  func.func @transform_5(%arg0: i32) -> (i32, i32) {
    %c0_i32 = arith.constant 0 : i32
    %c0_i32_0 = arith.constant 0 : i32
    %c0_i32_1 = arith.constant 0 : i32
    return %c0_i32, %c0_i32_0 : i32, i32
  }
  func.func @transform_6(%arg0: i32) -> (i32, i32) {
    %c0_i32 = arith.constant 0 : i32
    %c0_i32_0 = arith.constant 0 : i32
    return %arg0, %c0_i32 : i32, i32
  }
}

</mosaic_0001>

<sc_bundles>
// kernel: kernel.8.cloned.1.call-start
scs
__scs_entry_jumppad:
0x0: {  	(pc) =	sbr.rel $0x88, $3  }
0x1: {  	(tag) =	ssettag $0x0;
	lr =	simm.s32 $0x1  }
0x2: {  	[smem:$0x3F95] =	sst lr;
	_ =	strace $0xD0000000  }
0x3: {  	_ = 	snop  }
0x4: {  	_ = 	snop  }
0x5: {  	_ = 	snop  }
0x6: {  	_ = 	snop  }
0x7: {  	_ = 	snop  }
__scs_overlays_trampoline_lowered:
0x8: {  	[smem:$0x3FA4] =	sst s0  }
0x9: {  	[smem:$0x3FA5] =	sst s1  }
0xa: {  	[smem:$0x3FA6] =	sst s2  }
0xb: {  	[smem:$0x3FA7] =	sst s3  }
0xc: {  	[smem:$0x3FA8] =	sst s4  }
0xd: {  	[smem:$0x3FA9] =	sst s5  }
0xe: {  	[smem:$0x3FAA] =	sst s6  }
0xf: {  	[smem:$0x3FAB] =	sst s7  }
0x10: {  	[smem:$0x3FAC] =	sst s8  }
0x11: {  	[smem:$0x3FAD] =	sst s9;
	s0 =	simm.s32 @!p0 $0x0  }
0x12: {  	s1 =	sld [smem:$0x3F93];
	s0 =	simm.s32 @p0 $0x1  }
0x13: {  	[smem:$0x3FAE] =	sst s0;
	s0 =	simm.s32 @!p1 $0x0  }
0x14: {  	s2 =	sld [smem:$0x3F92];
	s0 =	simm.s32 @p1 $0x1  }
0x15: {  	[smem:$0x3FAF] =	sst s0;
	s0 =	simm.s32 @!p2 $0x0  }
0x16: {  	s3 =	sld [smem:$0x3FDB];
	s0 =	simm.s32 @p2 $0x1  }
0x17: {  	s4 =	simm.s32 $0x1BF5;
	[smem:$0x3FB1] =	sst s0  }
0x18: {  	s0 =	sld [smem:$0x3F94];
	_ =	swait.ge [sflag:s4], $0x0  }
0x19: {  	s7 =	sld [smem:$0x3F95]  }
0x1a: {  	s8 =	sadd.s32 $0xFFFFE003, lr  }
0x1b: {  	s9 =	sadd.s32 $0xFFFFFEF7, lr;
	s5 =	simm.s32 $0xFFFFFFFF;
	p2 =	slt.u32 s8, $0xFFFFF086  }
0x1c: {  	p1 =	slt.u32 s9, $0xF7A;
	s5 =	simm.s32 @!p2 $0x0  }
0x1d: {  	s5 =	simm.s32 @p1 $0x1;
	p0 =	seq.s32 s7, s2  }
0x1e: {  	s7 =	smul.u32 @!p0 $0xF7A, s2;
	p2 =	seq.s32 @!p0 s5, $0x0  }
0x1f: {  	s9 =	smul.u32 $0xF7A, s1;
	s8 =	simm.s32 @!p0 $0x1BF5;
	p2 =	por !p2, p0  }
0x20: {  	[sflag:s8] =	ssyncset.s32 @!p0 $0xFFFFF086;
	s6 =	sadd.s32 @!p0 s3, s7;
	s7 =	simm.s32 @!p0 $0x108  }
0x21: {  	s3 =	sadd.s32 s3, s9;
	s6 =	sadd.s32 @!p0 $0x88, s6;
	s7 =	simm.s32 @p2 $0x1082  }
0x22: {  	[simem:s7], [sflag:s8] =	dma.local @!p0 [hbm:s6], $0xF7A  }
0x23: {  	s9 =	sor.u32 $0xD0000000, s2;
	s6 =	simm.s32 $0x108;
	_ =	swait.ge @!p0 [sflag:s8], $0x0  }
0x24: {  	s3 =	sadd.s32 $0x88, s3;
	s6 =	simm.s32 @!p1 $0x1082;
	[sflag:s4] =	ssyncset.s32 $0xFFFFF086  }
0x25: {  	[simem:s6], [sflag:s4] =	dma.local [hbm:s3], $0xF7A  }
0x26: {  	[smem:$0x3F95] =	sst s1;
	(tag) =	ssettag s2;
	_ =	strace s9  }
0x27: {  	s1 =	sld [smem:$0x3FA5]  }
0x28: {  	s2 =	sld [smem:$0x3FA6]  }
0x29: {  	s4 =	sld [smem:$0x3FA8]  }
0x2a: {  	p0 =	seq.s32 s5, $0x0;
	s5 =	sld [smem:$0x3FA9]  }
0x2b: {  	s6 =	sld [smem:$0x3FAA]  }
0x2c: {  	s7 =	sld [smem:$0x3FAB]  }
0x2d: {  	s3 =	simm.s32 $0x108;
	s8 =	sld [smem:$0x3FAC]  }
0x2e: {  	s3 =	simm.s32 @!p0 $0x1082;
	s9 =	sld [smem:$0x3FAD]  }
0x2f: {  	lr =	sadd.s32 s0, s3;
	s0 =	sld [smem:$0x3FA4]  }
0x30: {  	s3 =	sld [smem:$0x3FA7]  }
0x31: {  	[smem:$0x3FB0] =	sst s10  }
0x32: {  	s10 =	sld [smem:$0x3FAE];
	_ =	sdelay $0x3  }
0x33: {  	p0 =	seq.s32 s10, $0x1;
	s10 =	sld [smem:$0x3FB0];
	_ =	sdelay $0x3  }
0x34: {  	[smem:$0x3FB0] =	sst s10  }
0x35: {  	s10 =	sld [smem:$0x3FAF];
	_ =	sdelay $0x3  }
0x36: {  	p1 =	seq.s32 s10, $0x1;
	s10 =	sld [smem:$0x3FB0];
	_ =	sdelay $0x3  }
0x37: {  	[smem:$0x3FB0] =	sst s10  }
0x38: {  	s10 =	sld [smem:$0x3FB1]  }
0x39: {  	_ = 	snop;
	(pc) =	sbr.ind lr, $3  }
0x3a: {  	_ = 	snop  }
0x3b: {  	_ = 	snop  }
0x3c: {  	p2 =	seq.s32 s10, $0x1;
	s10 =	sld [smem:$0x3FB0]  }
0x3d: {  	_ =	shalt  }
0x3e: {  	_ =	shalt  }
0x3f: {  	_ =	shalt  }
0x40: {  	_ =	shalt  }
0x41: {  	_ =	shalt  }
0x42: {  	_ =	shalt  }
0x43: {  	_ =	shalt  }
0x44: {  	_ =	shalt  }
0x45: {  	_ =	shalt  }
0x46: {  	_ =	shalt  }
0x47: {  	_ =	shalt  }
0x48: {  	_ =	shalt  }
0x49: {  	_ =	shalt  }
0x4a: {  	_ =	shalt  }
0x4b: {  	_ =	shalt  }
0x4c: {  	_ =	shalt  }
0x4d: {  	_ =	shalt  }
0x4e: {  	_ =	shalt  }
0x4f: {  	_ =	shalt  }
0x50: {  	_ =	shalt  }
0x51: {  	_ =	shalt  }
0x52: {  	_ =	shalt  }
0x53: {  	_ =	shalt  }
0x54: {  	_ =	shalt  }
0x55: {  	_ =	shalt  }
0x56: {  	_ =	shalt  }
0x57: {  	_ =	shalt  }
0x58: {  	_ =	shalt  }
0x59: {  	_ =	shalt  }
0x5a: {  	_ =	shalt  }
0x5b: {  	_ =	shalt  }
0x5c: {  	_ =	shalt  }
0x5d: {  	_ =	shalt  }
0x5e: {  	_ =	shalt  }
0x5f: {  	_ =	shalt  }
0x60: {  	_ =	shalt  }
0x61: {  	_ =	shalt  }
0x62: {  	_ =	shalt  }
0x63: {  	_ =	shalt  }
0x64: {  	_ =	shalt  }
0x65: {  	_ =	shalt  }
0x66: {  	_ =	shalt  }
0x67: {  	_ =	shalt  }
0x68: {  	_ =	shalt  }
0x69: {  	_ =	shalt  }
0x6a: {  	_ =	shalt  }
0x6b: {  	_ =	shalt  }
0x6c: {  	_ =	shalt  }
0x6d: {  	_ =	shalt  }
0x6e: {  	_ =	shalt  }
0x6f: {  	_ =	shalt  }
0x70: {  	_ =	shalt  }
0x71: {  	_ =	shalt  }
0x72: {  	_ =	shalt  }
0x73: {  	_ =	shalt  }
0x74: {  	_ =	shalt  }
0x75: {  	_ =	shalt  }
0x76: {  	_ =	shalt  }
0x77: {  	_ =	shalt  }
0x78: {  	_ =	shalt  }
0x79: {  	_ =	shalt  }
0x7a: {  	_ =	shalt  }
0x7b: {  	_ =	shalt  }
0x7c: {  	_ =	shalt  }
0x7d: {  	_ =	shalt  }
0x7e: {  	_ =	shalt  }
0x7f: {  	_ =	shalt  }
0x80: {  	_ =	shalt  }
0x81: {  	_ =	shalt  }
0x82: {  	_ =	shalt  }
0x83: {  	_ =	shalt  }
0x84: {  	_ =	shalt  }
0x85: {  	_ =	shalt  }
0x86: {  	_ =	shalt  }
0x87: {  	_ =	shalt  }
.Lfunc_end0:
.L_simem_size_0:
called_computation_lowered:
.L_overlay_start_0:
0x88: {  	s2 =	sld [smem:$0x3FD9]  }
0x89: {  	s3 =	sld [smem:$0x3FFE];
	_ =	sdelay $0x1  }
0x8a: {  	s1 =	srdreg.scid  }
0x8b: {  	s0 =	sand.u32 $0x1, s1  }
0x8c: {  	s14 =	sshll.u32 s0, $0xA;
	s2 =	sadd.s32 s3, s2  }
0x8d: {  	s2 =	sadd.s32 s2, s14  }
0x8e: {  	[smem:$0x3FBC] =	sst s2  }
0x8f: {  	_ = 	snop  }
0x90: {  	s2 =	sld [smem:$0x3FD0];
	_ =	sdelay $0x2  }
0x91: {  	s4 =	simm.s32 $0xA;
	s5 =	simm.s32 $0x10;
	s15 =	sld [smem:$0x3FC8]  }
0x92: {  	[smem:s5], [sflag:s4] =	dma.local [hbm:s2], $0x1  }
0x93: {  	_ =	swait.eq [sflag:s4], $0x1  }
0x94: {  	[sflag:s4] =	ssyncset.done $0x0  }
0x95: {  	[sflag:s4] =	ssyncadd.s32 $0xFFFFFFFF  }
0x96: {  	s16 =	sld [smem:$0x11];
	(tm) =	ssettm $0x1  }
0x97: {  	s17 =	sld [smem:$0x3FFB];
	_ =	sdelay $0x3  }
0x98: {  	_ =	strace s17  }
0x99: {  	s4 =	sld [smem:$0x3FFC];
	_ =	sdelay $0x3  }
0x9a: {  	_ =	strace s4  }
0x9b: {  	s4 =	sld [smem:$0x3FFD];
	_ =	sdelay $0x3  }
0x9c: {  	_ =	strace s4  }
0x9d: {  	_ =	strace $0x8FFFFFFF  }
0x9e: {  	s18 =	sld [smem:$0x3FDB];
	_ =	sdelay $0x1  }
0x9f: {  	s19 =	simm.s32 $_scs_section_size  }
0xa0: {  	s6 =	simm.s32 $_size__tile_overlayer_lowered;
	s7 =	simm.s32 $_tile_overlayer_lowered  }
0xa1: {  	s22 =	simm.s32 $0x1BFF;
	s21 =	sshll.u32 s7, $0x1;
	s4 =	sadd.s32 s19, s18  }
0xa2: {  	s8 =	simm.s32 $0x0;
	s20 =	sshll.u32 s6, $0x1;
	s6 =	sadd.s32 s21, s4  }
0xa3: {  	[timem:s8], [sflag:s22] =	dma.local [hbm:s6], s20  }
0xa4: {  	_ =	swait.ge [sflag:s22], s20  }
0xa5: {  	s5 =	ssub.s32 $0x0, s20;
	[sflag:s22] =	ssyncset.done $0x0  }
0xa6: {  	[sflag:s22] =	ssyncadd.s32 s5;
	_ =	sdelay $0x1  }
0xa7: {  	s23 =	simm.s32 $0x1B8B  }
0xa8: {  	_ =	swait.ge [sflag:s23], $0x1  }
0xa9: {  	[sflag:s23] =	ssyncset.done $0x0  }
0xaa: {  	s25 =	simm.s32 $0x1B8E;
	s24 =	sld [smem:$0x3FFE];
	[sflag:s23] =	ssyncadd.s32 $0xFFFFFFFF  }
0xab: {  	s26 =	simm.s32 $execute0_lowered;
	[smem:$0x3FD2] =	sst s25  }
0xac: {  	s6 =	sshll.u32 s26, $0x1;
	_ =	strace $0x80000046;
	[dreg:$0x1] =	wrdreg $0xFFFFFFFF  }
0xad: {  	s28 =	simm.s32 $_size_execute0_lowered;
	s4 =	sadd.s32 s4, s6;
	[dreg:$0x0] =	wrdreg $0x0  }
0xae: {  	s6 =	sshll.u32 s28, $0x1;
	[dreg:$0x2] =	wrdreg s4  }
0xaf: {  	[dreg:$0x3] =	wrdreg s6  }
0xb0: {  	[dreg:$0x4] =	wrdreg $0xC0  }
0xb1: {  	_ =	task [dreg:s8], $0x5FFFF  }
0xb2: {  	[dreg:$0x1] =	wrdreg $0xFFFFFFFF  }
0xb3: {  	[dreg:$0x0] =	wrdreg $0x60  }
0xb4: {  	[dreg:$0x2] =	wrdreg s16  }
0xb5: {  	[dreg:$0x3] =	wrdreg s24  }
0xb6: {  	[dreg:$0x4] =	wrdreg s15  }
0xb7: {  	[dreg:$0x5] =	wrdreg $0xC5000  }
0xb8: {  	[dreg:$0x6] =	wrdreg $0x9  }
0xb9: {  	_ =	task.clear_ibuf [dreg:s8], $0x7FFFF;
	_ =	strace $0x90000046  }
0xba: {  	s29 =	simm.s32 $0x9;
	_ =	strace $0x80000048  }
0xbb: {  	_ =	swait.ge [sflag:s29], $0x1  }
0xbc: {  	[sflag:s29] =	ssyncadd.s32 $0xFFFFFFFF  }
0xbd: {  	_ =	strace $0x90000048  }
0xbe: {  	_ =	sfence  }
0xbf: {  	s30 =	sld [smem:$0x0];
	_ =	sdelay $0x2  }
0xc0: {  	s31 =	sshll.u32 s1, $0xD;
	s1 =	sshrl.u32 s1, $0x2  }
0xc1: {  	s3 =	sand.u32 $0x4000, s31;
	s1 =	sadd.s32 s1, s30  }
0xc2: {  	s0 =	sor.u32 s3, s0;
	s1 =	sshll.u32 s1, $0x11  }
0xc3: {  	s0 =	sor.u32 s1, s0  }
0xc4: {  	s0 =	sadd.s32 $0x8F2B, s0  }
0xc5: {  	[sflag:s0] =	ssyncadd.remote.s32 $0x1  }
0xc6: {  	_ =	sfence.sel $0xFFFF  }
0xc7: {  	[dreg:$0x0] =	wrdreg $0xFFFFFFFF;
	(pc) =	sbr.abs _section_cstart, $3  }
0xc8: {  	[dreg:$0x1] =	wrdreg $0xFFFFFFFF  }
0xc9: {  	_ =	task.clear_ibuf [dreg:s8], $0x2FFFF;
	_ =	strace $0x9FFFFFFF  }
0xca: {  	(tm) =	ssettm $0x7FFFFFFF  }
0xcb: {  	_ =	shalt  }
tec
execute0_lowered:
.L_overlay_start_1:
0x0: {  	(tag) =	ssettag $0x1  }
0x1: {  	s1 =	rddreg [dreg:$0x0]  }
0x2: {  	s0 =	rddreg [dreg:$0x1]  }
0x3: {  	s2 =	rddreg [dreg:$0x2]  }
0x4: {  	s3 =	rddreg [dreg:$0x3];
	s5 =	simm.s32 $0x0  }
0x5: {  	s13 =	stileid.u32;
	[smem:$0x7FF] =	sst s5;
	s6 =	sadd.s32 $0x34A00, s0  }
0x6: {  	s7 =	smul.u32 $0x4E200, s13;
	s8 =	sadd.s32 $0x21000, s0;
	s9 =	sadd.s32 $0xD600, s0  }
0x7: {  	s10 =	sadd.s32 $0x82E00, s0;
	_ =	strace $0x80000047;
	[dreg:$0x5] =	wrdreg s8  }
0x8: {  	s8 =	sadd.s32 $0x3800, s0;
	s0 =	sadd.s32 $0x5BC00, s0;
	s7 =	sshrl.u32 s7, $0x2  }
0x9: {  	[dreg:$0x7] =	wrdreg s0;
	s14 =	sadd.s32 s7, s3  }
0xa: {  	s7 =	sadd.s32 $0x280, s14;
	[dreg:$0x6] =	wrdreg s14  }
0xb: {  	s20 =	sadd.s32 $0x500, s14;
	[dreg:$0x8] =	wrdreg s7  }
0xc: {  	s21 =	sadd.s32 $0x780, s14;
	[dreg:$0x9] =	wrdreg s20  }
0xd: {  	s22 =	sadd.s32 $0xA00, s14;
	[dreg:$0xa] =	wrdreg s21  }
0xe: {  	s4 =	srdreg.scid;
	s23 =	sadd.s32 $0xC80, s14;
	[dreg:$0xb] =	wrdreg s22  }
0xf: {  	s4 =	sand.u32 $0x1, s4;
	s24 =	sadd.s32 $0xF00, s14;
	[dreg:$0xc] =	wrdreg s23  }
0x10: {  	s11 =	ssub.s32 $0x2, s4;
	s26 =	sadd.s32 $0x1180, s14;
	[dreg:$0xd] =	wrdreg s24  }
0x11: {  	s12 =	sshrl.u32 s11, $0x1;
	s28 =	sadd.s32 $0x1400, s14;
	[dreg:$0xe] =	wrdreg s26  }
0x12: {  	s19 =	ssub.s32 s11, s12;
	s12 =	sadd.s32 $0x1680, s14;
	[dreg:$0xf] =	wrdreg s28  }
0x13: {  	s0 =	smax.u32 s19, $0x1;
	[dreg:$0x10] =	wrdreg s12  }
0x14: {  	s15 =	sadd.s32 $0x1B80, s14;
	[dreg:$0x12] =	wrdreg s0  }
0x15: {  	s16 =	sadd.s32 $0x1E00, s14;
	[dreg:$0x13] =	wrdreg s15  }
0x16: {  	s25 =	smul.u32 $0x4E200, s4;
	s17 =	sadd.s32 $0x2080, s14;
	[dreg:$0x14] =	wrdreg s16  }
0x17: {  	s31 =	sor.u32 s13, s4;
	s18 =	sadd.s32 $0x2300, s14;
	[dreg:$0x15] =	wrdreg s17  }
0x18: {  	p0 =	sne.s32 s4, $0x0;
	s19 =	sadd.s32 $0x2580, s14;
	[dreg:$0x16] =	wrdreg s18  }
0x19: {  	p2 =	sne.s32 s31, $0x0;
	s31 =	sadd.s32 $0x3700, s14;
	[dreg:$0x17] =	wrdreg s19  }
0x1a: {  	p1 =	seq.s32 s4, $0x0;
	s4 =	sadd.s32 $0x3980, s14;
	[dreg:$0x1e] =	wrdreg s31  }
0x1b: {  	s11 =	sadd.s32 $0x3E80, s14;
	[dreg:$0x1f] =	wrdreg s4  }
0x1c: {  	s21 =	smul.u32 $0x4E20, s13;
	s13 =	sadd.s32 $0x1900, s14;
	[smem:$0x79A] =	sst s11  }
0x1d: {  	s20 =	sadd.s32 $0x2800, s14;
	[dreg:$0x11] =	wrdreg s13  }
0x1e: {  	s22 =	sadd.s32 $0x2A80, s14;
	[dreg:$0x18] =	wrdreg s20  }
0x1f: {  	s23 =	sadd.s32 $0x2D00, s14;
	[dreg:$0x19] =	wrdreg s22  }
0x20: {  	s26 =	sadd.s32 $0x3200, s14;
	[dreg:$0x1a] =	wrdreg s23  }
0x21: {  	s28 =	sadd.s32 $0x3480, s14;
	[dreg:$0x1c] =	wrdreg s26  }
0x22: {  	s7 =	sadd.s32 $0x3C00, s14;
	[dreg:$0x1d] =	wrdreg s28  }
0x23: {  	s12 =	sadd.s32 $0x4100, s14;
	[smem:$0x799] =	sst s7  }
0x24: {  	s15 =	sadd.s32 $0x4600, s14;
	[smem:$0x79B] =	sst s12  }
0x25: {  	s16 =	sadd.s32 $0x4880, s14;
	[smem:$0x79D] =	sst s15  }
0x26: {  	s17 =	sadd.s32 $0x4B00, s14;
	[smem:$0x79E] =	sst s16  }
0x27: {  	s18 =	sadd.s32 $0x4D80, s14;
	[smem:$0x79F] =	sst s17  }
0x28: {  	s19 =	sadd.s32 $0x5000, s14;
	[smem:$0x7A0] =	sst s18  }
0x29: {  	s31 =	sadd.s32 $0x6180, s14;
	[smem:$0x7A1] =	sst s19  }
0x2a: {  	s4 =	sadd.s32 $0x6400, s14;
	[smem:$0x7A8] =	sst s31  }
0x2b: {  	s11 =	sadd.s32 $0x6900, s14;
	[smem:$0x7A9] =	sst s4  }
0x2c: {  	s13 =	sadd.s32 $0x4380, s14;
	[smem:$0x7AB] =	sst s11  }
0x2d: {  	s20 =	sadd.s32 $0x5280, s14;
	[smem:$0x79C] =	sst s13  }
0x2e: {  	s22 =	sadd.s32 $0x5500, s14;
	[smem:$0x7A2] =	sst s20  }
0x2f: {  	s23 =	sadd.s32 $0x5780, s14;
	[smem:$0x7A3] =	sst s22  }
0x30: {  	s26 =	sadd.s32 $0x5C80, s14;
	[smem:$0x7A4] =	sst s23  }
0x31: {  	s28 =	sadd.s32 $0x5F00, s14;
	[smem:$0x7A6] =	sst s26  }
0x32: {  	s7 =	sadd.s32 $0x6680, s14;
	[smem:$0x7A7] =	sst s28  }
0x33: {  	s12 =	sadd.s32 $0x6B80, s14;
	[smem:$0x7AA] =	sst s7  }
0x34: {  	s15 =	sadd.s32 $0x7080, s14;
	[smem:$0x7AC] =	sst s12  }
0x35: {  	s16 =	sadd.s32 $0x7300, s14;
	[smem:$0x7AE] =	sst s15  }
0x36: {  	s17 =	sadd.s32 $0x7580, s14;
	[smem:$0x7AF] =	sst s16  }
0x37: {  	s18 =	sadd.s32 $0x7800, s14;
	[smem:$0x7B0] =	sst s17  }
0x38: {  	s19 =	sadd.s32 $0x7A80, s14;
	[smem:$0x7B1] =	sst s18  }
0x39: {  	s31 =	sadd.s32 $0x8C00, s14;
	[smem:$0x7B2] =	sst s19  }
0x3a: {  	s4 =	sadd.s32 $0x8E80, s14;
	[smem:$0x7B9] =	sst s31  }
0x3b: {  	s11 =	sadd.s32 $0x9380, s14;
	[smem:$0x7BA] =	sst s4  }
0x3c: {  	s24 =	sadd.s32 s21, s25;
	s25 =	sadd.s32 $0x2F80, s14;
	[smem:$0x7BC] =	sst s11  }
0x3d: {  	s13 =	sadd.s32 $0x6E00, s14;
	[dreg:$0x1b] =	wrdreg s25  }
0x3e: {  	s20 =	sadd.s32 $0x7D00, s14;
	[smem:$0x7AD] =	sst s13  }
0x3f: {  	s22 =	sadd.s32 $0x7F80, s14;
	[smem:$0x7B3] =	sst s20  }
0x40: {  	s23 =	sadd.s32 $0x8200, s14;
	[smem:$0x7B4] =	sst s22  }
0x41: {  	s26 =	sadd.s32 $0x8700, s14;
	[smem:$0x7B5] =	sst s23  }
0x42: {  	s28 =	sadd.s32 $0x8980, s14;
	[smem:$0x7B7] =	sst s26  }
0x43: {  	s7 =	sadd.s32 $0x9100, s14;
	[smem:$0x7B8] =	sst s28  }
0x44: {  	s12 =	sadd.s32 $0x9600, s14;
	[smem:$0x7BB] =	sst s7  }
0x45: {  	s15 =	sadd.s32 $0x9B00, s14;
	[smem:$0x7BD] =	sst s12  }
0x46: {  	s16 =	sadd.s32 $0x9D80, s14;
	[smem:$0x7BF] =	sst s15  }
0x47: {  	s17 =	sadd.s32 $0xA000, s14;
	[smem:$0x7C0] =	sst s16  }
0x48: {  	s18 =	sadd.s32 $0xA280, s14;
	[smem:$0x7C1] =	sst s17  }
0x49: {  	s19 =	sadd.s32 $0xA500, s14;
	[smem:$0x7C2] =	sst s18  }
0x4a: {  	s31 =	sadd.s32 $0xB680, s14;
	[smem:$0x7C3] =	sst s19  }
0x4b: {  	s4 =	sadd.s32 $0xB900, s14;
	[smem:$0x7CA] =	sst s31  }
0x4c: {  	s11 =	sadd.s32 $0xBE00, s14;
	[smem:$0x7CB] =	sst s4  }
0x4d: {  	s25 =	sadd.s32 $0x5A00, s14;
	[smem:$0x7CD] =	sst s11  }
0x4e: {  	s13 =	sadd.s32 $0x9880, s14;
	[smem:$0x7A5] =	sst s25  }
0x4f: {  	s20 =	sadd.s32 $0xA780, s14;
	[smem:$0x7BE] =	sst s13  }
0x50: {  	s22 =	sadd.s32 $0xAA00, s14;
	[smem:$0x7C4] =	sst s20  }
0x51: {  	s23 =	sadd.s32 $0xAC80, s14;
	[smem:$0x7C5] =	sst s22  }
0x52: {  	s26 =	sadd.s32 $0xB180, s14;
	[smem:$0x7C6] =	sst s23  }
0x53: {  	s28 =	sadd.s32 $0xB400, s14;
	[smem:$0x7C8] =	sst s26  }
0x54: {  	s7 =	sadd.s32 $0xBB80, s14;
	[smem:$0x7C9] =	sst s28  }
0x55: {  	s12 =	sadd.s32 $0xC080, s14;
	[smem:$0x7CC] =	sst s7  }
0x56: {  	s15 =	sadd.s32 $0xC580, s14;
	[smem:$0x7CE] =	sst s12  }
0x57: {  	s16 =	sadd.s32 $0xC800, s14;
	[smem:$0x7D0] =	sst s15  }
0x58: {  	s17 =	sadd.s32 $0xCA80, s14;
	[smem:$0x7D1] =	sst s16  }
0x59: {  	s18 =	sadd.s32 $0xCD00, s14;
	[smem:$0x7D2] =	sst s17  }
0x5a: {  	s19 =	sadd.s32 $0xCF80, s14;
	[smem:$0x7D3] =	sst s18  }
0x5b: {  	s31 =	sadd.s32 $0xE100, s14;
	[smem:$0x7D4] =	sst s19  }
0x5c: {  	s4 =	sadd.s32 $0xE380, s14;
	[smem:$0x7DB] =	sst s31  }
0x5d: {  	s11 =	sadd.s32 $0xE880, s14;
	[smem:$0x7DC] =	sst s4  }
0x5e: {  	s25 =	sadd.s32 $0x8480, s14;
	[smem:$0x7DE] =	sst s11  }
0x5f: {  	s13 =	sadd.s32 $0xC300, s14;
	[smem:$0x7B6] =	sst s25  }
0x60: {  	s20 =	sadd.s32 $0xD200, s14;
	[smem:$0x7CF] =	sst s13  }
0x61: {  	s22 =	sadd.s32 $0xD480, s14;
	[smem:$0x7D5] =	sst s20  }
0x62: {  	s23 =	sadd.s32 $0xD700, s14;
	[smem:$0x7D6] =	sst s22  }
0x63: {  	s26 =	sadd.s32 $0xDC00, s14;
	[smem:$0x7D7] =	sst s23  }
0x64: {  	s28 =	sadd.s32 $0xDE80, s14;
	[smem:$0x7D9] =	sst s26  }
0x65: {  	s7 =	sadd.s32 $0xE600, s14;
	[smem:$0x7DA] =	sst s28  }
0x66: {  	s12 =	sadd.s32 $0xEB00, s14;
	[smem:$0x7DD] =	sst s7  }
0x67: {  	s15 =	sadd.s32 $0xF000, s14;
	[smem:$0x7DF] =	sst s12  }
0x68: {  	s16 =	sadd.s32 $0xF280, s14;
	[smem:$0x7E1] =	sst s15  }
0x69: {  	s17 =	sadd.s32 $0xF500, s14;
	[smem:$0x7E2] =	sst s16  }
0x6a: {  	s18 =	sadd.s32 $0xF780, s14;
	[smem:$0x7E3] =	sst s17  }
0x6b: {  	s19 =	sadd.s32 $0xFA00, s14;
	[smem:$0x7E4] =	sst s18  }
0x6c: {  	s31 =	sadd.s32 $0x10B80, s14;
	[smem:$0x7E5] =	sst s19  }
0x6d: {  	s4 =	sadd.s32 $0x10E00, s14;
	[smem:$0x7EC] =	sst s31  }
0x6e: {  	s11 =	sadd.s32 $0x11300, s14;
	[smem:$0x7ED] =	sst s4  }
0x6f: {  	s25 =	sadd.s32 $0xAF00, s14;
	[smem:$0x7EF] =	sst s11  }
0x70: {  	s13 =	sadd.s32 $0xED80, s14;
	[smem:$0x7C7] =	sst s25  }
0x71: {  	s20 =	sadd.s32 $0xFC80, s14;
	[smem:$0x7E0] =	sst s13  }
0x72: {  	s22 =	sadd.s32 $0xFF00, s14;
	[smem:$0x7E6] =	sst s20  }
0x73: {  	s23 =	sadd.s32 $0x10180, s14;
	[smem:$0x7E7] =	sst s22  }
0x74: {  	s26 =	sadd.s32 $0x10680, s14;
	[smem:$0x7E8] =	sst s23  }
0x75: {  	s28 =	sadd.s32 $0x10900, s14;
	[smem:$0x7EA] =	sst s26  }
0x76: {  	s7 =	sadd.s32 $0x11080, s14;
	[smem:$0x7EB] =	sst s28  }
0x77: {  	s12 =	sadd.s32 $0x11580, s14;
	[smem:$0x7EE] =	sst s7  }
0x78: {  	s15 =	sadd.s32 $0x11A80, s14;
	[smem:$0x7F0] =	sst s12  }
0x79: {  	s16 =	sadd.s32 $0x11D00, s14;
	[smem:$0x7F2] =	sst s15  }
0x7a: {  	s17 =	sadd.s32 $0x11F80, s14;
	[smem:$0x7F3] =	sst s16  }
0x7b: {  	s18 =	sadd.s32 $0x12200, s14;
	[smem:$0x7F4] =	sst s17  }
0x7c: {  	s29 =	simm.s32 $0xC100;
	s19 =	sadd.s32 $0x12480, s14;
	[smem:$0x7F5] =	sst s18  }
0x7d: {  	s30 =	simm.s32 $0x7;
	s31 =	sadd.s32 $0x13600, s14;
	[smem:$0x7F6] =	sst s19  }
0x7e: {  	s25 =	sadd.s32 $0xD980, s14;
	s13 =	sadd.s32 $0x11800, s14;
	[smem:$0x7FD] =	sst s31  }
0x7f: {  	s20 =	sadd.s32 $0x12700, s14;
	s22 =	sadd.s32 $0x12980, s14;
	[smem:$0x7D8] =	sst s25  }
0x80: {  	s23 =	sadd.s32 $0x12C00, s14;
	s26 =	sadd.s32 $0x13100, s14;
	[smem:$0x7F1] =	sst s13  }
0x81: {  	s28 =	sadd.s32 $0x13380, s14;
	s15 =	simm.s32 $0x5100;
	[smem:$0x7F7] =	sst s20  }
0x82: {  	s16 =	simm.s32 $0x7900;
	s17 =	simm.s32 $0x1;
	[smem:$0x7F8] =	sst s22  }
.Ltmp0:
0x83: {  	s18 =	simm.s32 $0x5;
	[smem:$0x7F9] =	sst s23;
	(pc) =	sbr.rel .LBB2_1-.Ltmp0, $4  }
0x84: {  	s19 =	simm.s32 $0x2880;
	s7 =	simm.s32 $0x0;
	[smem:$0x7FB] =	sst s26  }
0x85: {  	s25 =	sadd.s32 $0x10400, s14;
	[smem:$0x7FC] =	sst s28;
	s13 =	simm.s32 $0x5080  }
0x86: {  	s20 =	simm.s32 $0x2;
	[smem:$0x7E9] =	sst s25;
	s25 =	sadd.s32 $0x12E80, s14  }
0x87: {  	v0 =	vimm.f32 $0.0e+00;
	s22 =	simm.s32 $0x6;
	s14 =	simm.s32 $0x50;
	[smem:$0x7FA] =	sst s25  }
.LBB2_14:
0x88: {  	s0 =	simm.s32 $0x3  }
0x89: {  	_ =	swait.ge [sflag:s0], $0x2800  }
0x8a: {  	[sflag:s0] =	ssyncset.done $0x0  }
0x8b: {  	s26 =	simm.s32 $0x4;
	[sflag:s0] =	ssyncadd.s32 $0xFFFFD800  }
0x8c: {  	_ =	swait.ge [sflag:s26], $0x2800  }
0x8d: {  	[sflag:s26] =	ssyncset.done $0x0  }
0x8e: {  	s0 =	stileid.u32;
	[sflag:s26] =	ssyncadd.s32 $0xFFFFD800  }
0x8f: {  	s0 =	sshll.u32 @!p2 s0, $0x6;
	[bflag:$0x0] =	sbarrier.arrive $0xFFFF  }
0x90: {  	s4 =	sshrl.u32 @!p2 s3, $0x3;
	s0 =	sor.u32 @!p2 $0x1C07, s0;
	s7 =	rddreg [dreg:$0x7]  }
0x91: {  	[hbm:s7], [sflag:s0] =	dma.local @!p2 [spmem:s4], $0x27100  }
0x92: {  	s0 =	simm.s32 @!p2 $0x7  }
0x93: {  	_ =	swait.ge @!p2 [sflag:s0], $0x27100  }
0x94: {  	s28 =	sld [smem:$0x798];
	_ =	sdelay $0x2  }
0x95: {  	s31 =	rddreg [dreg:$0x12];
	s7 =	sadd.s32 $0x1, s28  }
0x96: {  	p3 =	sne.s32 s7, s31  }
.Ltmp1:
0x97: {  	_ = 	snop;
	(pc) =	sbr.rel @!p3 .LBB2_15-.Ltmp1, $3  }
0x98: {  	_ =	sdelay $0x1  }
0x99: {  	[sflag:s0] =	ssyncset.done @!p2 $0x0  }
0x9a: {  	[sflag:s0] =	ssyncadd.s32 @!p2 $0xFFFD8F00  }
.LBB2_1:
.Ltmp2:
0x9b: {  	(pc) =	sbr.rel @p0 .LBB2_3-.Ltmp2, $1  }
0x9c: {  	_ =	sdelay $0x3  }
0x9d: {  	[tilespmem:$0xC100] =	vst v0  }
0x9e: {  	[tilespmem:$0xC110] =	vst v0  }
0x9f: {  	[tilespmem:$0xC120] =	vst v0  }
0xa0: {  	[tilespmem:$0xC130] =	vst v0  }
0xa1: {  	[tilespmem:$0xC140] =	vst v0  }
0xa2: {  	[tilespmem:$0xC150] =	vst v0  }
0xa3: {  	[tilespmem:$0xC160] =	vst v0  }
0xa4: {  	[tilespmem:$0xC170] =	vst v0  }
0xa5: {  	[tilespmem:$0xC180] =	vst v0  }
0xa6: {  	[tilespmem:$0xC190] =	vst v0  }
0xa7: {  	[tilespmem:$0xC1A0] =	vst v0  }
0xa8: {  	[tilespmem:$0xC1B0] =	vst v0  }
0xa9: {  	[tilespmem:$0xC1C0] =	vst v0  }
0xaa: {  	[tilespmem:$0xC1D0] =	vst v0  }
0xab: {  	[tilespmem:$0xC1E0] =	vst v0  }
0xac: {  	[tilespmem:$0xC1F0] =	vst v0  }
0xad: {  	[tilespmem:$0xC200] =	vst v0  }
0xae: {  	[tilespmem:$0xC210] =	vst v0  }
0xaf: {  	[tilespmem:$0xC220] =	vst v0  }
0xb0: {  	[tilespmem:$0xC230] =	vst v0  }
0xb1: {  	[tilespmem:$0xC240] =	vst v0  }
0xb2: {  	[tilespmem:$0xC250] =	vst v0  }
0xb3: {  	[tilespmem:$0xC260] =	vst v0  }
0xb4: {  	[tilespmem:$0xC270] =	vst v0  }
0xb5: {  	[tilespmem:$0xC280] =	vst v0  }
0xb6: {  	[tilespmem:$0xC290] =	vst v0  }
0xb7: {  	[tilespmem:$0xC2A0] =	vst v0  }
0xb8: {  	[tilespmem:$0xC2B0] =	vst v0  }
0xb9: {  	[tilespmem:$0xC2C0] =	vst v0  }
0xba: {  	[tilespmem:$0xC2D0] =	vst v0  }
0xbb: {  	[tilespmem:$0xC2E0] =	vst v0  }
0xbc: {  	[tilespmem:$0xC2F0] =	vst v0  }
0xbd: {  	[tilespmem:$0xC300] =	vst v0  }
0xbe: {  	[tilespmem:$0xC310] =	vst v0  }
0xbf: {  	[tilespmem:$0xC320] =	vst v0  }
0xc0: {  	[tilespmem:$0xC330] =	vst v0  }
0xc1: {  	[tilespmem:$0xC340] =	vst v0  }
0xc2: {  	[tilespmem:$0xC350] =	vst v0  }
0xc3: {  	[tilespmem:$0xC360] =	vst v0  }
0xc4: {  	[tilespmem:$0xC370] =	vst v0  }
0xc5: {  	s0 =	rddreg [dreg:$0x6]  }
0xc6: {  	[spmem:s0] =	stream.linear.scatter [tilespmem:s29], [sflag:$0x7], $0x280, $0x38;
	[tilespmem:$0x1FD80] =	vst v63  }
0xc7: {  	_ =	swait.ge [sflag:s30], $0x280  }
0xc8: {  	[sflag:s30] =	ssyncset.done $0x0  }
0xc9: {  	s25 =	rddreg [dreg:$0x8];
	[sflag:s30] =	ssyncadd.s32 $0xFFFFFD80  }
0xca: {  	[spmem:s25] =	stream.linear.scatter [tilespmem:s29], [sflag:$0x7], $0x280, $0x38;
	[tilespmem:$0x1FD80] =	vst v63  }
0xcb: {  	_ =	swait.ge [sflag:s30], $0x280  }
0xcc: {  	[sflag:s30] =	ssyncset.done $0x0  }
0xcd: {  	s26 =	rddreg [dreg:$0x9];
	[sflag:s30] =	ssyncadd.s32 $0xFFFFFD80  }
0xce: {  	[spmem:s26] =	stream.linear.scatter [tilespmem:s29], [sflag:$0x7], $0x280, $0x38;
	[tilespmem:$0x1FD80] =	vst v63  }
0xcf: {  	_ =	swait.ge [sflag:s30], $0x280  }
0xd0: {  	[sflag:s30] =	ssyncset.done $0x0  }
0xd1: {  	s28 =	rddreg [dreg:$0xa];
	[sflag:s30] =	ssyncadd.s32 $0xFFFFFD80  }
0xd2: {  	[spmem:s28] =	stream.linear.scatter [tilespmem:s29], [sflag:$0x7], $0x280, $0x38;
	[tilespmem:$0x1FD80] =	vst v63  }
0xd3: {  	_ =	swait.ge [sflag:s30], $0x280  }
0xd4: {  	[sflag:s30] =	ssyncset.done $0x0  }
0xd5: {  	s31 =	rddreg [dreg:$0xb];
	[sflag:s30] =	ssyncadd.s32 $0xFFFFFD80  }
0xd6: {  	[spmem:s31] =	stream.linear.scatter [tilespmem:s29], [sflag:$0x7], $0x280, $0x38;
	[tilespmem:$0x1FD80] =	vst v63  }
0xd7: {  	_ =	swait.ge [sflag:s30], $0x280  }
0xd8: {  	[sflag:s30] =	ssyncset.done $0x0  }
0xd9: {  	s4 =	rddreg [dreg:$0xc];
	[sflag:s30] =	ssyncadd.s32 $0xFFFFFD80  }
0xda: {  	[spmem:s4] =	stream.linear.scatter [tilespmem:s29], [sflag:$0x7], $0x280, $0x38;
	[tilespmem:$0x1FD80] =	vst v63  }
0xdb: {  	_ =	swait.ge [sflag:s30], $0x280  }
0xdc: {  	[sflag:s30] =	ssyncset.done $0x0  }
0xdd: {  	s11 =	rddreg [dreg:$0xd];
	[sflag:s30] =	ssyncadd.s32 $0xFFFFFD80  }
0xde: {  	[spmem:s11] =	stream.linear.scatter [tilespmem:s29], [sflag:$0x7], $0x280, $0x38;
	[tilespmem:$0x1FD80] =	vst v63  }
0xdf: {  	_ =	swait.ge [sflag:s30], $0x280  }
0xe0: {  	[sflag:s30] =	ssyncset.done $0x0  }
0xe1: {  	s12 =	rddreg [dreg:$0xe];
	[sflag:s30] =	ssyncadd.s32 $0xFFFFFD80  }
0xe2: {  	[spmem:s12] =	stream.linear.scatter [tilespmem:s29], [sflag:$0x7], $0x280, $0x38;
	[tilespmem:$0x1FD80] =	vst v63  }
0xe3: {  	_ =	swait.ge [sflag:s30], $0x280  }
0xe4: {  	[sflag:s30] =	ssyncset.done $0x0  }
0xe5: {  	s23 =	rddreg [dreg:$0xf];
	[sflag:s30] =	ssyncadd.s32 $0xFFFFFD80  }
0xe6: {  	[spmem:s23] =	stream.linear.scatter [tilespmem:s29], [sflag:$0x7], $0x280, $0x38;
	[tilespmem:$0x1FD80] =	vst v63  }
0xe7: {  	_ =	swait.ge [sflag:s30], $0x280  }
0xe8: {  	[sflag:s30] =	ssyncset.done $0x0  }
0xe9: {  	s25 =	rddreg [dreg:$0x10];
	[sflag:s30] =	ssyncadd.s32 $0xFFFFFD80  }
0xea: {  	[spmem:s25] =	stream.linear.scatter [tilespmem:s29], [sflag:$0x7], $0x280, $0x38;
	[tilespmem:$0x1FD80] =	vst v63  }
0xeb: {  	_ =	swait.ge [sflag:s30], $0x280  }
0xec: {  	[sflag:s30] =	ssyncset.done $0x0  }
0xed: {  	s26 =	rddreg [dreg:$0x11];
	[sflag:s30] =	ssyncadd.s32 $0xFFFFFD80  }
0xee: {  	[spmem:s26] =	stream.linear.scatter [tilespmem:s29], [sflag:$0x7], $0x280, $0x38;
	[tilespmem:$0x1FD80] =	vst v63  }
0xef: {  	_ =	swait.ge [sflag:s30], $0x280  }
0xf0: {  	[sflag:s30] =	ssyncset.done $0x0  }
0xf1: {  	s28 =	rddreg [dreg:$0x13];
	[sflag:s30] =	ssyncadd.s32 $0xFFFFFD80  }
0xf2: {  	[spmem:s28] =	stream.linear.scatter [tilespmem:s29], [sflag:$0x7], $0x280, $0x38;
	[tilespmem:$0x1FD80] =	vst v63  }
0xf3: {  	_ =	swait.ge [sflag:s30], $0x280  }
0xf4: {  	[sflag:s30] =	ssyncset.done $0x0  }
0xf5: {  	s31 =	rddreg [dreg:$0x14];
	[sflag:s30] =	ssyncadd.s32 $0xFFFFFD80  }
0xf6: {  	[spmem:s31] =	stream.linear.scatter [tilespmem:s29], [sflag:$0x7], $0x280, $0x38;
	[tilespmem:$0x1FD80] =	vst v63  }
0xf7: {  	_ =	swait.ge [sflag:s30], $0x280  }
0xf8: {  	[sflag:s30] =	ssyncset.done $0x0  }
0xf9: {  	s4 =	rddreg [dreg:$0x15];
	[sflag:s30] =	ssyncadd.s32 $0xFFFFFD80  }
0xfa: {  	[spmem:s4] =	stream.linear.scatter [tilespmem:s29], [sflag:$0x7], $0x280, $0x38;
	[tilespmem:$0x1FD80] =	vst v63  }
0xfb: {  	_ =	swait.ge [sflag:s30], $0x280  }
0xfc: {  	[sflag:s30] =	ssyncset.done $0x0  }
0xfd: {  	s11 =	rddreg [dreg:$0x16];
	[sflag:s30] =	ssyncadd.s32 $0xFFFFFD80  }
0xfe: {  	[spmem:s11] =	stream.linear.scatter [tilespmem:s29], [sflag:$0x7], $0x280, $0x38;
	[tilespmem:$0x1FD80] =	vst v63  }
0xff: {  	_ =	swait.ge [sflag:s30], $0x280  }
0x100: {  	[sflag:s30] =	ssyncset.done $0x0  }
0x101: {  	s12 =	rddreg [dreg:$0x17];
	[sflag:s30] =	ssyncadd.s32 $0xFFFFFD80  }
0x102: {  	[spmem:s12] =	stream.linear.scatter [tilespmem:s29], [sflag:$0x7], $0x280, $0x38;
	[tilespmem:$0x1FD80] =	vst v63  }
0x103: {  	_ =	swait.ge [sflag:s30], $0x280  }
0x104: {  	[sflag:s30] =	ssyncset.done $0x0  }
0x105: {  	s23 =	rddreg [dreg:$0x18];
	[sflag:s30] =	ssyncadd.s32 $0xFFFFFD80  }
0x106: {  	[spmem:s23] =	stream.linear.scatter [tilespmem:s29], [sflag:$0x7], $0x280, $0x38;
	[tilespmem:$0x1FD80] =	vst v63  }
0x107: {  	_ =	swait.ge [sflag:s30], $0x280  }
0x108: {  	[sflag:s30] =	ssyncset.done $0x0  }
0x109: {  	s25 =	rddreg [dreg:$0x19];
	[sflag:s30] =	ssyncadd.s32 $0xFFFFFD80  }
0x10a: {  	[spmem:s25] =	stream.linear.scatter [tilespmem:s29], [sflag:$0x7], $0x280, $0x38;
	[tilespmem:$0x1FD80] =	vst v63  }
0x10b: {  	_ =	swait.ge [sflag:s30], $0x280  }
0x10c: {  	[sflag:s30] =	ssyncset.done $0x0  }
0x10d: {  	s26 =	rddreg [dreg:$0x1a];
	[sflag:s30] =	ssyncadd.s32 $0xFFFFFD80  }
0x10e: {  	[spmem:s26] =	stream.linear.scatter [tilespmem:s29], [sflag:$0x7], $0x280, $0x38;
	[tilespmem:$0x1FD80] =	vst v63  }
0x10f: {  	_ =	swait.ge [sflag:s30], $0x280  }
0x110: {  	[sflag:s30] =	ssyncset.done $0x0  }
0x111: {  	s28 =	rddreg [dreg:$0x1b];
	[sflag:s30] =	ssyncadd.s32 $0xFFFFFD80  }
0x112: {  	[spmem:s28] =	stream.linear.scatter [tilespmem:s29], [sflag:$0x7], $0x280, $0x38;
	[tilespmem:$0x1FD80] =	vst v63  }
0x113: {  	_ =	swait.ge [sflag:s30], $0x280  }
0x114: {  	[sflag:s30] =	ssyncset.done $0x0  }
0x115: {  	s31 =	rddreg [dreg:$0x1c];
	[sflag:s30] =	ssyncadd.s32 $0xFFFFFD80  }
0x116: {  	[spmem:s31] =	stream.linear.scatter [tilespmem:s29], [sflag:$0x7], $0x280, $0x38;
	[tilespmem:$0x1FD80] =	vst v63  }
0x117: {  	_ =	swait.ge [sflag:s30], $0x280  }
0x118: {  	[sflag:s30] =	ssyncset.done $0x0  }
0x119: {  	s4 =	rddreg [dreg:$0x1d];
	[sflag:s30] =	ssyncadd.s32 $0xFFFFFD80  }
0x11a: {  	[spmem:s4] =	stream.linear.scatter [tilespmem:s29], [sflag:$0x7], $0x280, $0x38;
	[tilespmem:$0x1FD80] =	vst v63  }
0x11b: {  	_ =	swait.ge [sflag:s30], $0x280  }
0x11c: {  	[sflag:s30] =	ssyncset.done $0x0  }
0x11d: {  	s11 =	rddreg [dreg:$0x1e];
	[sflag:s30] =	ssyncadd.s32 $0xFFFFFD80  }
0x11e: {  	[spmem:s11] =	stream.linear.scatter [tilespmem:s29], [sflag:$0x7], $0x280, $0x38;
	[tilespmem:$0x1FD80] =	vst v63  }
0x11f: {  	_ =	swait.ge [sflag:s30], $0x280  }
0x120: {  	[sflag:s30] =	ssyncset.done $0x0  }
0x121: {  	s12 =	rddreg [dreg:$0x1f];
	[sflag:s30] =	ssyncadd.s32 $0xFFFFFD80  }
0x122: {  	[spmem:s12] =	stream.linear.scatter [tilespmem:s29], [sflag:$0x7], $0x280, $0x38;
	[tilespmem:$0x1FD80] =	vst v63  }
0x123: {  	_ =	swait.ge [sflag:s30], $0x280  }
0x124: {  	s23 =	sld [smem:$0x799]  }
0x125: {  	[sflag:s30] =	ssyncset.done $0x0  }
0x126: {  	[sflag:s30] =	ssyncadd.s32 $0xFFFFFD80  }
0x127: {  	[spmem:s23] =	stream.linear.scatter [tilespmem:s29], [sflag:$0x7], $0x280, $0x38;
	[tilespmem:$0x1FD80] =	vst v63  }
0x128: {  	_ =	swait.ge [sflag:s30], $0x280  }
0x129: {  	s25 =	sld [smem:$0x79A]  }
0x12a: {  	[sflag:s30] =	ssyncset.done $0x0  }
0x12b: {  	[sflag:s30] =	ssyncadd.s32 $0xFFFFFD80  }
0x12c: {  	[spmem:s25] =	stream.linear.scatter [tilespmem:s29], [sflag:$0x7], $0x280, $0x38;
	[tilespmem:$0x1FD80] =	vst v63  }
0x12d: {  	_ =	swait.ge [sflag:s30], $0x280  }
0x12e: {  	s26 =	sld [smem:$0x79B]  }
0x12f: {  	[sflag:s30] =	ssyncset.done $0x0  }
0x130: {  	[sflag:s30] =	ssyncadd.s32 $0xFFFFFD80  }
0x131: {  	[spmem:s26] =	stream.linear.scatter [tilespmem:s29], [sflag:$0x7], $0x280, $0x38;
	[tilespmem:$0x1FD80] =	vst v63  }
0x132: {  	_ =	swait.ge [sflag:s30], $0x280  }
0x133: {  	s28 =	sld [smem:$0x79C]  }
0x134: {  	[sflag:s30] =	ssyncset.done $0x0  }
0x135: {  	[sflag:s30] =	ssyncadd.s32 $0xFFFFFD80  }
0x136: {  	[spmem:s28] =	stream.linear.scatter [tilespmem:s29], [sflag:$0x7], $0x280, $0x38;
	[tilespmem:$0x1FD80] =	vst v63  }
0x137: {  	_ =	swait.ge [sflag:s30], $0x280  }
0x138: {  	s31 =	sld [smem:$0x79D]  }
0x139: {  	[sflag:s30] =	ssyncset.done $0x0  }
0x13a: {  	[sflag:s30] =	ssyncadd.s32 $0xFFFFFD80  }
0x13b: {  	[spmem:s31] =	stream.linear.scatter [tilespmem:s29], [sflag:$0x7], $0x280, $0x38;
	[tilespmem:$0x1FD80] =	vst v63  }
0x13c: {  	_ =	swait.ge [sflag:s30], $0x280  }
0x13d: {  	s4 =	sld [smem:$0x79E]  }
0x13e: {  	[sflag:s30] =	ssyncset.done $0x0  }
0x13f: {  	[sflag:s30] =	ssyncadd.s32 $0xFFFFFD80  }
0x140: {  	[spmem:s4] =	stream.linear.scatter [tilespmem:s29], [sflag:$0x7], $0x280, $0x38;
	[tilespmem:$0x1FD80] =	vst v63  }
0x141: {  	_ =	swait.ge [sflag:s30], $0x280  }
0x142: {  	s11 =	sld [smem:$0x79F]  }
0x143: {  	[sflag:s30] =	ssyncset.done $0x0  }
0x144: {  	[sflag:s30] =	ssyncadd.s32 $0xFFFFFD80  }
0x145: {  	[spmem:s11] =	stream.linear.scatter [tilespmem:s29], [sflag:$0x7], $0x280, $0x38;
	[tilespmem:$0x1FD80] =	vst v63  }
0x146: {  	_ =	swait.ge [sflag:s30], $0x280  }
0x147: {  	s12 =	sld [smem:$0x7A0]  }
0x148: {  	[sflag:s30] =	ssyncset.done $0x0  }
0x149: {  	[sflag:s30] =	ssyncadd.s32 $0xFFFFFD80  }
0x14a: {  	[spmem:s12] =	stream.linear.scatter [tilespmem:s29], [sflag:$0x7], $0x280, $0x38;
	[tilespmem:$0x1FD80] =	vst v63  }
0x14b: {  	_ =	swait.ge [sflag:s30], $0x280  }
0x14c: {  	s23 =	sld [smem:$0x7A1]  }
0x14d: {  	[sflag:s30] =	ssyncset.done $0x0  }
0x14e: {  	[sflag:s30] =	ssyncadd.s32 $0xFFFFFD80  }
0x14f: {  	[spmem:s23] =	stream.linear.scatter [tilespmem:s29], [sflag:$0x7], $0x280, $0x38;
	[tilespmem:$0x1FD80] =	vst v63  }
0x150: {  	_ =	swait.ge [sflag:s30], $0x280  }
0x151: {  	s25 =	sld [smem:$0x7A2]  }
0x152: {  	[sflag:s30] =	ssyncset.done $0x0  }
0x153: {  	[sflag:s30] =	ssyncadd.s32 $0xFFFFFD80  }
0x154: {  	[spmem:s25] =	stream.linear.scatter [tilespmem:s29], [sflag:$0x7], $0x280, $0x38;
	[tilespmem:$0x1FD80] =	vst v63  }
0x155: {  	_ =	swait.ge [sflag:s30], $0x280  }
0x156: {  	s26 =	sld [smem:$0x7A3]  }
0x157: {  	[sflag:s30] =	ssyncset.done $0x0  }
0x158: {  	[sflag:s30] =	ssyncadd.s32 $0xFFFFFD80  }
0x159: {  	[spmem:s26] =	stream.linear.scatter [tilespmem:s29], [sflag:$0x7], $0x280, $0x38;
	[tilespmem:$0x1FD80] =	vst v63  }
0x15a: {  	_ =	swait.ge [sflag:s30], $0x280  }
0x15b: {  	s28 =	sld [smem:$0x7A4]  }
0x15c: {  	[sflag:s30] =	ssyncset.done $0x0  }
0x15d: {  	[sflag:s30] =	ssyncadd.s32 $0xFFFFFD80  }
0x15e: {  	[spmem:s28] =	stream.linear.scatter [tilespmem:s29], [sflag:$0x7], $0x280, $0x38;
	[tilespmem:$0x1FD80] =	vst v63  }
0x15f: {  	_ =	swait.ge [sflag:s30], $0x280  }
0x160: {  	s31 =	sld [smem:$0x7A5]  }
0x161: {  	[sflag:s30] =	ssyncset.done $0x0  }
0x162: {  	[sflag:s30] =	ssyncadd.s32 $0xFFFFFD80  }
0x163: {  	[spmem:s31] =	stream.linear.scatter [tilespmem:s29], [sflag:$0x7], $0x280, $0x38;
	[tilespmem:$0x1FD80] =	vst v63  }
0x164: {  	_ =	swait.ge [sflag:s30], $0x280  }
0x165: {  	s4 =	sld [smem:$0x7A6]  }
0x166: {  	[sflag:s30] =	ssyncset.done $0x0  }
0x167: {  	[sflag:s30] =	ssyncadd.s32 $0xFFFFFD80  }
0x168: {  	[spmem:s4] =	stream.linear.scatter [tilespmem:s29], [sflag:$0x7], $0x280, $0x38;
	[tilespmem:$0x1FD80] =	vst v63  }
0x169: {  	_ =	swait.ge [sflag:s30], $0x280  }
0x16a: {  	s11 =	sld [smem:$0x7A7]  }
0x16b: {  	[sflag:s30] =	ssyncset.done $0x0  }
0x16c: {  	[sflag:s30] =	ssyncadd.s32 $0xFFFFFD80  }
0x16d: {  	[spmem:s11] =	stream.linear.scatter [tilespmem:s29], [sflag:$0x7], $0x280, $0x38;
	[tilespmem:$0x1FD80] =	vst v63  }
0x16e: {  	_ =	swait.ge [sflag:s30], $0x280  }
0x16f: {  	s12 =	sld [smem:$0x7A8]  }
0x170: {  	[sflag:s30] =	ssyncset.done $0x0  }
0x171: {  	[sflag:s30] =	ssyncadd.s32 $0xFFFFFD80  }
0x172: {  	[spmem:s12] =	stream.linear.scatter [tilespmem:s29], [sflag:$0x7], $0x280, $0x38;
	[tilespmem:$0x1FD80] =	vst v63  }
0x173: {  	_ =	swait.ge [sflag:s30], $0x280  }
0x174: {  	s23 =	sld [smem:$0x7A9]  }
0x175: {  	[sflag:s30] =	ssyncset.done $0x0  }
0x176: {  	[sflag:s30] =	ssyncadd.s32 $0xFFFFFD80  }
0x177: {  	[spmem:s23] =	stream.linear.scatter [tilespmem:s29], [sflag:$0x7], $0x280, $0x38;
	[tilespmem:$0x1FD80] =	vst v63  }
0x178: {  	_ =	swait.ge [sflag:s30], $0x280  }
0x179: {  	s25 =	sld [smem:$0x7AA]  }
0x17a: {  	[sflag:s30] =	ssyncset.done $0x0  }
0x17b: {  	[sflag:s30] =	ssyncadd.s32 $0xFFFFFD80  }
0x17c: {  	[spmem:s25] =	stream.linear.scatter [tilespmem:s29], [sflag:$0x7], $0x280, $0x38;
	[tilespmem:$0x1FD80] =	vst v63  }
0x17d: {  	_ =	swait.ge [sflag:s30], $0x280  }
0x17e: {  	s26 =	sld [smem:$0x7AB]  }
0x17f: {  	[sflag:s30] =	ssyncset.done $0x0  }
0x180: {  	[sflag:s30] =	ssyncadd.s32 $0xFFFFFD80  }
0x181: {  	[spmem:s26] =	stream.linear.scatter [tilespmem:s29], [sflag:$0x7], $0x280, $0x38;
	[tilespmem:$0x1FD80] =	vst v63  }
0x182: {  	_ =	swait.ge [sflag:s30], $0x280  }
0x183: {  	s28 =	sld [smem:$0x7AC]  }
0x184: {  	[sflag:s30] =	ssyncset.done $0x0  }
0x185: {  	[sflag:s30] =	ssyncadd.s32 $0xFFFFFD80  }
0x186: {  	[spmem:s28] =	stream.linear.scatter [tilespmem:s29], [sflag:$0x7], $0x280, $0x38;
	[tilespmem:$0x1FD80] =	vst v63  }
0x187: {  	_ =	swait.ge [sflag:s30], $0x280  }
0x188: {  	s31 =	sld [smem:$0x7AD]  }
0x189: {  	[sflag:s30] =	ssyncset.done $0x0  }
0x18a: {  	[sflag:s30] =	ssyncadd.s32 $0xFFFFFD80  }
0x18b: {  	[spmem:s31] =	stream.linear.scatter [tilespmem:s29], [sflag:$0x7], $0x280, $0x38;
	[tilespmem:$0x1FD80] =	vst v63  }
0x18c: {  	_ =	swait.ge [sflag:s30], $0x280  }
0x18d: {  	s4 =	sld [smem:$0x7AE]  }
0x18e: {  	[sflag:s30] =	ssyncset.done $0x0  }
0x18f: {  	[sflag:s30] =	ssyncadd.s32 $0xFFFFFD80  }
0x190: {  	[spmem:s4] =	stream.linear.scatter [tilespmem:s29], [sflag:$0x7], $0x280, $0x38;
	[tilespmem:$0x1FD80] =	vst v63  }
0x191: {  	_ =	swait.ge [sflag:s30], $0x280  }
0x192: {  	s11 =	sld [smem:$0x7AF]  }
0x193: {  	[sflag:s30] =	ssyncset.done $0x0  }
0x194: {  	[sflag:s30] =	ssyncadd.s32 $0xFFFFFD80  }
0x195: {  	[spmem:s11] =	stream.linear.scatter [tilespmem:s29], [sflag:$0x7], $0x280, $0x38;
	[tilespmem:$0x1FD80] =	vst v63  }
0x196: {  	_ =	swait.ge [sflag:s30], $0x280  }
0x197: {  	s12 =	sld [smem:$0x7B0]  }
0x198: {  	[sflag:s30] =	ssyncset.done $0x0  }
0x199: {  	[sflag:s30] =	ssyncadd.s32 $0xFFFFFD80  }
0x19a: {  	[spmem:s12] =	stream.linear.scatter [tilespmem:s29], [sflag:$0x7], $0x280, $0x38;
	[tilespmem:$0x1FD80] =	vst v63  }
0x19b: {  	_ =	swait.ge [sflag:s30], $0x280  }
0x19c: {  	s23 =	sld [smem:$0x7B1]  }
0x19d: {  	[sflag:s30] =	ssyncset.done $0x0  }
0x19e: {  	[sflag:s30] =	ssyncadd.s32 $0xFFFFFD80  }
0x19f: {  	[spmem:s23] =	stream.linear.scatter [tilespmem:s29], [sflag:$0x7], $0x280, $0x38;
	[tilespmem:$0x1FD80] =	vst v63  }
0x1a0: {  	_ =	swait.ge [sflag:s30], $0x280  }
0x1a1: {  	s25 =	sld [smem:$0x7B2]  }
0x1a2: {  	[sflag:s30] =	ssyncset.done $0x0  }
0x1a3: {  	[sflag:s30] =	ssyncadd.s32 $0xFFFFFD80  }
0x1a4: {  	[spmem:s25] =	stream.linear.scatter [tilespmem:s29], [sflag:$0x7], $0x280, $0x38;
	[tilespmem:$0x1FD80] =	vst v63  }
0x1a5: {  	_ =	swait.ge [sflag:s30], $0x280  }
0x1a6: {  	s26 =	sld [smem:$0x7B3]  }
0x1a7: {  	[sflag:s30] =	ssyncset.done $0x0  }
0x1a8: {  	[sflag:s30] =	ssyncadd.s32 $0xFFFFFD80  }
0x1a9: {  	[spmem:s26] =	stream.linear.scatter [tilespmem:s29], [sflag:$0x7], $0x280, $0x38;
	[tilespmem:$0x1FD80] =	vst v63  }
0x1aa: {  	_ =	swait.ge [sflag:s30], $0x280  }
0x1ab: {  	s28 =	sld [smem:$0x7B4]  }
0x1ac: {  	[sflag:s30] =	ssyncset.done $0x0  }
0x1ad: {  	[sflag:s30] =	ssyncadd.s32 $0xFFFFFD80  }
0x1ae: {  	[spmem:s28] =	stream.linear.scatter [tilespmem:s29], [sflag:$0x7], $0x280, $0x38;
	[tilespmem:$0x1FD80] =	vst v63  }
0x1af: {  	_ =	swait.ge [sflag:s30], $0x280  }
0x1b0: {  	s31 =	sld [smem:$0x7B5]  }
0x1b1: {  	[sflag:s30] =	ssyncset.done $0x0  }
0x1b2: {  	[sflag:s30] =	ssyncadd.s32 $0xFFFFFD80  }
0x1b3: {  	[spmem:s31] =	stream.linear.scatter [tilespmem:s29], [sflag:$0x7], $0x280, $0x38;
	[tilespmem:$0x1FD80] =	vst v63  }
0x1b4: {  	_ =	swait.ge [sflag:s30], $0x280  }
0x1b5: {  	s4 =	sld [smem:$0x7B6]  }
0x1b6: {  	[sflag:s30] =	ssyncset.done $0x0  }
0x1b7: {  	[sflag:s30] =	ssyncadd.s32 $0xFFFFFD80  }
0x1b8: {  	[spmem:s4] =	stream.linear.scatter [tilespmem:s29], [sflag:$0x7], $0x280, $0x38;
	[tilespmem:$0x1FD80] =	vst v63  }
0x1b9: {  	_ =	swait.ge [sflag:s30], $0x280  }
0x1ba: {  	s11 =	sld [smem:$0x7B7]  }
0x1bb: {  	[sflag:s30] =	ssyncset.done $0x0  }
0x1bc: {  	[sflag:s30] =	ssyncadd.s32 $0xFFFFFD80  }
0x1bd: {  	[spmem:s11] =	stream.linear.scatter [tilespmem:s29], [sflag:$0x7], $0x280, $0x38;
	[tilespmem:$0x1FD80] =	vst v63  }
0x1be: {  	_ =	swait.ge [sflag:s30], $0x280  }
0x1bf: {  	s12 =	sld [smem:$0x7B8]  }
0x1c0: {  	[sflag:s30] =	ssyncset.done $0x0  }
0x1c1: {  	[sflag:s30] =	ssyncadd.s32 $0xFFFFFD80  }
0x1c2: {  	[spmem:s12] =	stream.linear.scatter [tilespmem:s29], [sflag:$0x7], $0x280, $0x38;
	[tilespmem:$0x1FD80] =	vst v63  }
0x1c3: {  	_ =	swait.ge [sflag:s30], $0x280  }
0x1c4: {  	s23 =	sld [smem:$0x7B9]  }
0x1c5: {  	[sflag:s30] =	ssyncset.done $0x0  }
0x1c6: {  	[sflag:s30] =	ssyncadd.s32 $0xFFFFFD80  }
0x1c7: {  	[spmem:s23] =	stream.linear.scatter [tilespmem:s29], [sflag:$0x7], $0x280, $0x38;
	[tilespmem:$0x1FD80] =	vst v63  }
0x1c8: {  	_ =	swait.ge [sflag:s30], $0x280  }
0x1c9: {  	s25 =	sld [smem:$0x7BA]  }
0x1ca: {  	[sflag:s30] =	ssyncset.done $0x0  }
0x1cb: {  	[sflag:s30] =	ssyncadd.s32 $0xFFFFFD80  }
0x1cc: {  	[spmem:s25] =	stream.linear.scatter [tilespmem:s29], [sflag:$0x7], $0x280, $0x38;
	[tilespmem:$0x1FD80] =	vst v63  }
0x1cd: {  	_ =	swait.ge [sflag:s30], $0x280  }
0x1ce: {  	s26 =	sld [smem:$0x7BB]  }
0x1cf: {  	[sflag:s30] =	ssyncset.done $0x0  }
0x1d0: {  	[sflag:s30] =	ssyncadd.s32 $0xFFFFFD80  }
0x1d1: {  	[spmem:s26] =	stream.linear.scatter [tilespmem:s29], [sflag:$0x7], $0x280, $0x38;
	[tilespmem:$0x1FD80] =	vst v63  }
0x1d2: {  	_ =	swait.ge [sflag:s30], $0x280  }
0x1d3: {  	s28 =	sld [smem:$0x7BC]  }
0x1d4: {  	[sflag:s30] =	ssyncset.done $0x0  }
0x1d5: {  	[sflag:s30] =	ssyncadd.s32 $0xFFFFFD80  }
0x1d6: {  	[spmem:s28] =	stream.linear.scatter [tilespmem:s29], [sflag:$0x7], $0x280, $0x38;
	[tilespmem:$0x1FD80] =	vst v63  }
0x1d7: {  	_ =	swait.ge [sflag:s30], $0x280  }
0x1d8: {  	s31 =	sld [smem:$0x7BD]  }
0x1d9: {  	[sflag:s30] =	ssyncset.done $0x0  }
0x1da: {  	[sflag:s30] =	ssyncadd.s32 $0xFFFFFD80  }
0x1db: {  	[spmem:s31] =	stream.linear.scatter [tilespmem:s29], [sflag:$0x7], $0x280, $0x38;
	[tilespmem:$0x1FD80] =	vst v63  }
0x1dc: {  	_ =	swait.ge [sflag:s30], $0x280  }
0x1dd: {  	s4 =	sld [smem:$0x7BE]  }
0x1de: {  	[sflag:s30] =	ssyncset.done $0x0  }
0x1df: {  	[sflag:s30] =	ssyncadd.s32 $0xFFFFFD80  }
0x1e0: {  	[spmem:s4] =	stream.linear.scatter [tilespmem:s29], [sflag:$0x7], $0x280, $0x38;
	[tilespmem:$0x1FD80] =	vst v63  }
0x1e1: {  	_ =	swait.ge [sflag:s30], $0x280  }
0x1e2: {  	s11 =	sld [smem:$0x7BF]  }
0x1e3: {  	[sflag:s30] =	ssyncset.done $0x0  }
0x1e4: {  	[sflag:s30] =	ssyncadd.s32 $0xFFFFFD80  }
0x1e5: {  	[spmem:s11] =	stream.linear.scatter [tilespmem:s29], [sflag:$0x7], $0x280, $0x38;
	[tilespmem:$0x1FD80] =	vst v63  }
0x1e6: {  	_ =	swait.ge [sflag:s30], $0x280  }
0x1e7: {  	s12 =	sld [smem:$0x7C0]  }
0x1e8: {  	[sflag:s30] =	ssyncset.done $0x0  }
0x1e9: {  	[sflag:s30] =	ssyncadd.s32 $0xFFFFFD80  }
0x1ea: {  	[spmem:s12] =	stream.linear.scatter [tilespmem:s29], [sflag:$0x7], $0x280, $0x38;
	[tilespmem:$0x1FD80] =	vst v63  }
0x1eb: {  	_ =	swait.ge [sflag:s30], $0x280  }
0x1ec: {  	s23 =	sld [smem:$0x7C1]  }
0x1ed: {  	[sflag:s30] =	ssyncset.done $0x0  }
0x1ee: {  	[sflag:s30] =	ssyncadd.s32 $0xFFFFFD80  }
0x1ef: {  	[spmem:s23] =	stream.linear.scatter [tilespmem:s29], [sflag:$0x7], $0x280, $0x38;
	[tilespmem:$0x1FD80] =	vst v63  }
0x1f0: {  	_ =	swait.ge [sflag:s30], $0x280  }
0x1f1: {  	s25 =	sld [smem:$0x7C2]  }
0x1f2: {  	[sflag:s30] =	ssyncset.done $0x0  }
0x1f3: {  	[sflag:s30] =	ssyncadd.s32 $0xFFFFFD80  }
0x1f4: {  	[spmem:s25] =	stream.linear.scatter [tilespmem:s29], [sflag:$0x7], $0x280, $0x38;
	[tilespmem:$0x1FD80] =	vst v63  }
0x1f5: {  	_ =	swait.ge [sflag:s30], $0x280  }
0x1f6: {  	s26 =	sld [smem:$0x7C3]  }
0x1f7: {  	[sflag:s30] =	ssyncset.done $0x0  }
0x1f8: {  	[sflag:s30] =	ssyncadd.s32 $0xFFFFFD80  }
0x1f9: {  	[spmem:s26] =	stream.linear.scatter [tilespmem:s29], [sflag:$0x7], $0x280, $0x38;
	[tilespmem:$0x1FD80] =	vst v63  }
0x1fa: {  	_ =	swait.ge [sflag:s30], $0x280  }
0x1fb: {  	s28 =	sld [smem:$0x7C4]  }
0x1fc: {  	[sflag:s30] =	ssyncset.done $0x0  }
0x1fd: {  	[sflag:s30] =	ssyncadd.s32 $0xFFFFFD80  }
0x1fe: {  	[spmem:s28] =	stream.linear.scatter [tilespmem:s29], [sflag:$0x7], $0x280, $0x38;
	[tilespmem:$0x1FD80] =	vst v63  }
0x1ff: {  	_ =	swait.ge [sflag:s30], $0x280  }
0x200: {  	s31 =	sld [smem:$0x7C5]  }
0x201: {  	[sflag:s30] =	ssyncset.done $0x0  }
0x202: {  	[sflag:s30] =	ssyncadd.s32 $0xFFFFFD80  }
0x203: {  	[spmem:s31] =	stream.linear.scatter [tilespmem:s29], [sflag:$0x7], $0x280, $0x38;
	[tilespmem:$0x1FD80] =	vst v63  }
0x204: {  	_ =	swait.ge [sflag:s30], $0x280  }
0x205: {  	s4 =	sld [smem:$0x7C6]  }
0x206: {  	[sflag:s30] =	ssyncset.done $0x0  }
0x207: {  	[sflag:s30] =	ssyncadd.s32 $0xFFFFFD80  }
0x208: {  	[spmem:s4] =	stream.linear.scatter [tilespmem:s29], [sflag:$0x7], $0x280, $0x38;
	[tilespmem:$0x1FD80] =	vst v63  }
0x209: {  	_ =	swait.ge [sflag:s30], $0x280  }
0x20a: {  	s11 =	sld [smem:$0x7C7]  }
0x20b: {  	[sflag:s30] =	ssyncset.done $0x0  }
0x20c: {  	[sflag:s30] =	ssyncadd.s32 $0xFFFFFD80  }
0x20d: {  	[spmem:s11] =	stream.linear.scatter [tilespmem:s29], [sflag:$0x7], $0x280, $0x38;
	[tilespmem:$0x1FD80] =	vst v63  }
0x20e: {  	_ =	swait.ge [sflag:s30], $0x280  }
0x20f: {  	s12 =	sld [smem:$0x7C8]  }
0x210: {  	[sflag:s30] =	ssyncset.done $0x0  }
0x211: {  	[sflag:s30] =	ssyncadd.s32 $0xFFFFFD80  }
0x212: {  	[spmem:s12] =	stream.linear.scatter [tilespmem:s29], [sflag:$0x7], $0x280, $0x38;
	[tilespmem:$0x1FD80] =	vst v63  }
0x213: {  	_ =	swait.ge [sflag:s30], $0x280  }
0x214: {  	s23 =	sld [smem:$0x7C9]  }
0x215: {  	[sflag:s30] =	ssyncset.done $0x0  }
0x216: {  	[sflag:s30] =	ssyncadd.s32 $0xFFFFFD80  }
0x217: {  	[spmem:s23] =	stream.linear.scatter [tilespmem:s29], [sflag:$0x7], $0x280, $0x38;
	[tilespmem:$0x1FD80] =	vst v63  }
0x218: {  	_ =	swait.ge [sflag:s30], $0x280  }
0x219: {  	s25 =	sld [smem:$0x7CA]  }
0x21a: {  	[sflag:s30] =	ssyncset.done $0x0  }
0x21b: {  	[sflag:s30] =	ssyncadd.s32 $0xFFFFFD80  }
0x21c: {  	[spmem:s25] =	stream.linear.scatter [tilespmem:s29], [sflag:$0x7], $0x280, $0x38;
	[tilespmem:$0x1FD80] =	vst v63  }
0x21d: {  	_ =	swait.ge [sflag:s30], $0x280  }
0x21e: {  	s26 =	sld [smem:$0x7CB]  }
0x21f: {  	[sflag:s30] =	ssyncset.done $0x0  }
0x220: {  	[sflag:s30] =	ssyncadd.s32 $0xFFFFFD80  }
0x221: {  	[spmem:s26] =	stream.linear.scatter [tilespmem:s29], [sflag:$0x7], $0x280, $0x38;
	[tilespmem:$0x1FD80] =	vst v63  }
0x222: {  	_ =	swait.ge [sflag:s30], $0x280  }
0x223: {  	s28 =	sld [smem:$0x7CC]  }
0x224: {  	[sflag:s30] =	ssyncset.done $0x0  }
0x225: {  	[sflag:s30] =	ssyncadd.s32 $0xFFFFFD80  }
0x226: {  	[spmem:s28] =	stream.linear.scatter [tilespmem:s29], [sflag:$0x7], $0x280, $0x38;
	[tilespmem:$0x1FD80] =	vst v63  }
0x227: {  	_ =	swait.ge [sflag:s30], $0x280  }
0x228: {  	s31 =	sld [smem:$0x7CD]  }
0x229: {  	[sflag:s30] =	ssyncset.done $0x0  }
0x22a: {  	[sflag:s30] =	ssyncadd.s32 $0xFFFFFD80  }
0x22b: {  	[spmem:s31] =	stream.linear.scatter [tilespmem:s29], [sflag:$0x7], $0x280, $0x38;
	[tilespmem:$0x1FD80] =	vst v63  }
0x22c: {  	_ =	swait.ge [sflag:s30], $0x280  }
0x22d: {  	s4 =	sld [smem:$0x7CE]  }
0x22e: {  	[sflag:s30] =	ssyncset.done $0x0  }
0x22f: {  	[sflag:s30] =	ssyncadd.s32 $0xFFFFFD80  }
0x230: {  	[spmem:s4] =	stream.linear.scatter [tilespmem:s29], [sflag:$0x7], $0x280, $0x38;
	[tilespmem:$0x1FD80] =	vst v63  }
0x231: {  	_ =	swait.ge [sflag:s30], $0x280  }
0x232: {  	s11 =	sld [smem:$0x7CF]  }
0x233: {  	[sflag:s30] =	ssyncset.done $0x0  }
0x234: {  	[sflag:s30] =	ssyncadd.s32 $0xFFFFFD80  }
0x235: {  	[spmem:s11] =	stream.linear.scatter [tilespmem:s29], [sflag:$0x7], $0x280, $0x38;
	[tilespmem:$0x1FD80] =	vst v63  }
0x236: {  	_ =	swait.ge [sflag:s30], $0x280  }
0x237: {  	s12 =	sld [smem:$0x7D0]  }
0x238: {  	[sflag:s30] =	ssyncset.done $0x0  }
0x239: {  	[sflag:s30] =	ssyncadd.s32 $0xFFFFFD80  }
0x23a: {  	[spmem:s12] =	stream.linear.scatter [tilespmem:s29], [sflag:$0x7], $0x280, $0x38;
	[tilespmem:$0x1FD80] =	vst v63  }
0x23b: {  	_ =	swait.ge [sflag:s30], $0x280  }
0x23c: {  	s23 =	sld [smem:$0x7D1]  }
0x23d: {  	[sflag:s30] =	ssyncset.done $0x0  }
0x23e: {  	[sflag:s30] =	ssyncadd.s32 $0xFFFFFD80  }
0x23f: {  	[spmem:s23] =	stream.linear.scatter [tilespmem:s29], [sflag:$0x7], $0x280, $0x38;
	[tilespmem:$0x1FD80] =	vst v63  }
0x240: {  	_ =	swait.ge [sflag:s30], $0x280  }
0x241: {  	s25 =	sld [smem:$0x7D2]  }
0x242: {  	[sflag:s30] =	ssyncset.done $0x0  }
0x243: {  	[sflag:s30] =	ssyncadd.s32 $0xFFFFFD80  }
0x244: {  	[spmem:s25] =	stream.linear.scatter [tilespmem:s29], [sflag:$0x7], $0x280, $0x38;
	[tilespmem:$0x1FD80] =	vst v63  }
0x245: {  	_ =	swait.ge [sflag:s30], $0x280  }
0x246: {  	s26 =	sld [smem:$0x7D3]  }
0x247: {  	[sflag:s30] =	ssyncset.done $0x0  }
0x248: {  	[sflag:s30] =	ssyncadd.s32 $0xFFFFFD80  }
0x249: {  	[spmem:s26] =	stream.linear.scatter [tilespmem:s29], [sflag:$0x7], $0x280, $0x38;
	[tilespmem:$0x1FD80] =	vst v63  }
0x24a: {  	_ =	swait.ge [sflag:s30], $0x280  }
0x24b: {  	s28 =	sld [smem:$0x7D4]  }
0x24c: {  	[sflag:s30] =	ssyncset.done $0x0  }
0x24d: {  	[sflag:s30] =	ssyncadd.s32 $0xFFFFFD80  }
0x24e: {  	[spmem:s28] =	stream.linear.scatter [tilespmem:s29], [sflag:$0x7], $0x280, $0x38;
	[tilespmem:$0x1FD80] =	vst v63  }
0x24f: {  	_ =	swait.ge [sflag:s30], $0x280  }
0x250: {  	s31 =	sld [smem:$0x7D5]  }
0x251: {  	[sflag:s30] =	ssyncset.done $0x0  }
0x252: {  	[sflag:s30] =	ssyncadd.s32 $0xFFFFFD80  }
0x253: {  	[spmem:s31] =	stream.linear.scatter [tilespmem:s29], [sflag:$0x7], $0x280, $0x38;
	[tilespmem:$0x1FD80] =	vst v63  }
0x254: {  	_ =	swait.ge [sflag:s30], $0x280  }
0x255: {  	s4 =	sld [smem:$0x7D6]  }
0x256: {  	[sflag:s30] =	ssyncset.done $0x0  }
0x257: {  	[sflag:s30] =	ssyncadd.s32 $0xFFFFFD80  }
0x258: {  	[spmem:s4] =	stream.linear.scatter [tilespmem:s29], [sflag:$0x7], $0x280, $0x38;
	[tilespmem:$0x1FD80] =	vst v63  }
0x259: {  	_ =	swait.ge [sflag:s30], $0x280  }
0x25a: {  	s11 =	sld [smem:$0x7D7]  }
0x25b: {  	[sflag:s30] =	ssyncset.done $0x0  }
0x25c: {  	[sflag:s30] =	ssyncadd.s32 $0xFFFFFD80  }
0x25d: {  	[spmem:s11] =	stream.linear.scatter [tilespmem:s29], [sflag:$0x7], $0x280, $0x38;
	[tilespmem:$0x1FD80] =	vst v63  }
0x25e: {  	_ =	swait.ge [sflag:s30], $0x280  }
0x25f: {  	s12 =	sld [smem:$0x7D8]  }
0x260: {  	[sflag:s30] =	ssyncset.done $0x0  }
0x261: {  	[sflag:s30] =	ssyncadd.s32 $0xFFFFFD80  }
0x262: {  	[spmem:s12] =	stream.linear.scatter [tilespmem:s29], [sflag:$0x7], $0x280, $0x38;
	[tilespmem:$0x1FD80] =	vst v63  }
0x263: {  	_ =	swait.ge [sflag:s30], $0x280  }
0x264: {  	s23 =	sld [smem:$0x7D9]  }
0x265: {  	[sflag:s30] =	ssyncset.done $0x0  }
0x266: {  	[sflag:s30] =	ssyncadd.s32 $0xFFFFFD80  }
0x267: {  	[spmem:s23] =	stream.linear.scatter [tilespmem:s29], [sflag:$0x7], $0x280, $0x38;
	[tilespmem:$0x1FD80] =	vst v63  }
0x268: {  	_ =	swait.ge [sflag:s30], $0x280  }
0x269: {  	s25 =	sld [smem:$0x7DA]  }
0x26a: {  	[sflag:s30] =	ssyncset.done $0x0  }
0x26b: {  	[sflag:s30] =	ssyncadd.s32 $0xFFFFFD80  }
0x26c: {  	[spmem:s25] =	stream.linear.scatter [tilespmem:s29], [sflag:$0x7], $0x280, $0x38;
	[tilespmem:$0x1FD80] =	vst v63  }
0x26d: {  	_ =	swait.ge [sflag:s30], $0x280  }
0x26e: {  	s26 =	sld [smem:$0x7DB]  }
0x26f: {  	[sflag:s30] =	ssyncset.done $0x0  }
0x270: {  	[sflag:s30] =	ssyncadd.s32 $0xFFFFFD80  }
0x271: {  	[spmem:s26] =	stream.linear.scatter [tilespmem:s29], [sflag:$0x7], $0x280, $0x38;
	[tilespmem:$0x1FD80] =	vst v63  }
0x272: {  	_ =	swait.ge [sflag:s30], $0x280  }
0x273: {  	s28 =	sld [smem:$0x7DC]  }
0x274: {  	[sflag:s30] =	ssyncset.done $0x0  }
0x275: {  	[sflag:s30] =	ssyncadd.s32 $0xFFFFFD80  }
0x276: {  	[spmem:s28] =	stream.linear.scatter [tilespmem:s29], [sflag:$0x7], $0x280, $0x38;
	[tilespmem:$0x1FD80] =	vst v63  }
0x277: {  	_ =	swait.ge [sflag:s30], $0x280  }
0x278: {  	s31 =	sld [smem:$0x7DD]  }
0x279: {  	[sflag:s30] =	ssyncset.done $0x0  }
0x27a: {  	[sflag:s30] =	ssyncadd.s32 $0xFFFFFD80  }
0x27b: {  	[spmem:s31] =	stream.linear.scatter [tilespmem:s29], [sflag:$0x7], $0x280, $0x38;
	[tilespmem:$0x1FD80] =	vst v63  }
0x27c: {  	_ =	swait.ge [sflag:s30], $0x280  }
0x27d: {  	s4 =	sld [smem:$0x7DE]  }
0x27e: {  	[sflag:s30] =	ssyncset.done $0x0  }
0x27f: {  	[sflag:s30] =	ssyncadd.s32 $0xFFFFFD80  }
0x280: {  	[spmem:s4] =	stream.linear.scatter [tilespmem:s29], [sflag:$0x7], $0x280, $0x38;
	[tilespmem:$0x1FD80] =	vst v63  }
0x281: {  	_ =	swait.ge [sflag:s30], $0x280  }
0x282: {  	s11 =	sld [smem:$0x7DF]  }
0x283: {  	[sflag:s30] =	ssyncset.done $0x0  }
0x284: {  	[sflag:s30] =	ssyncadd.s32 $0xFFFFFD80  }
0x285: {  	[spmem:s11] =	stream.linear.scatter [tilespmem:s29], [sflag:$0x7], $0x280, $0x38;
	[tilespmem:$0x1FD80] =	vst v63  }
0x286: {  	_ =	swait.ge [sflag:s30], $0x280  }
0x287: {  	s12 =	sld [smem:$0x7E0]  }
0x288: {  	[sflag:s30] =	ssyncset.done $0x0  }
0x289: {  	[sflag:s30] =	ssyncadd.s32 $0xFFFFFD80  }
0x28a: {  	[spmem:s12] =	stream.linear.scatter [tilespmem:s29], [sflag:$0x7], $0x280, $0x38;
	[tilespmem:$0x1FD80] =	vst v63  }
0x28b: {  	_ =	swait.ge [sflag:s30], $0x280  }
0x28c: {  	s23 =	sld [smem:$0x7E1]  }
0x28d: {  	[sflag:s30] =	ssyncset.done $0x0  }
0x28e: {  	[sflag:s30] =	ssyncadd.s32 $0xFFFFFD80  }
0x28f: {  	[spmem:s23] =	stream.linear.scatter [tilespmem:s29], [sflag:$0x7], $0x280, $0x38;
	[tilespmem:$0x1FD80] =	vst v63  }
0x290: {  	_ =	swait.ge [sflag:s30], $0x280  }
0x291: {  	s25 =	sld [smem:$0x7E2]  }
0x292: {  	[sflag:s30] =	ssyncset.done $0x0  }
0x293: {  	[sflag:s30] =	ssyncadd.s32 $0xFFFFFD80  }
0x294: {  	[spmem:s25] =	stream.linear.scatter [tilespmem:s29], [sflag:$0x7], $0x280, $0x38;
	[tilespmem:$0x1FD80] =	vst v63  }
0x295: {  	_ =	swait.ge [sflag:s30], $0x280  }
0x296: {  	s26 =	sld [smem:$0x7E3]  }
0x297: {  	[sflag:s30] =	ssyncset.done $0x0  }
0x298: {  	[sflag:s30] =	ssyncadd.s32 $0xFFFFFD80  }
0x299: {  	[spmem:s26] =	stream.linear.scatter [tilespmem:s29], [sflag:$0x7], $0x280, $0x38;
	[tilespmem:$0x1FD80] =	vst v63  }
0x29a: {  	_ =	swait.ge [sflag:s30], $0x280  }
0x29b: {  	s28 =	sld [smem:$0x7E4]  }
0x29c: {  	[sflag:s30] =	ssyncset.done $0x0  }
0x29d: {  	[sflag:s30] =	ssyncadd.s32 $0xFFFFFD80  }
0x29e: {  	[spmem:s28] =	stream.linear.scatter [tilespmem:s29], [sflag:$0x7], $0x280, $0x38;
	[tilespmem:$0x1FD80] =	vst v63  }
0x29f: {  	_ =	swait.ge [sflag:s30], $0x280  }
0x2a0: {  	s31 =	sld [smem:$0x7E5]  }
0x2a1: {  	[sflag:s30] =	ssyncset.done $0x0  }
0x2a2: {  	[sflag:s30] =	ssyncadd.s32 $0xFFFFFD80  }
0x2a3: {  	[spmem:s31] =	stream.linear.scatter [tilespmem:s29], [sflag:$0x7], $0x280, $0x38;
	[tilespmem:$0x1FD80] =	vst v63  }
0x2a4: {  	_ =	swait.ge [sflag:s30], $0x280  }
0x2a5: {  	s4 =	sld [smem:$0x7E6]  }
0x2a6: {  	[sflag:s30] =	ssyncset.done $0x0  }
0x2a7: {  	[sflag:s30] =	ssyncadd.s32 $0xFFFFFD80  }
0x2a8: {  	[spmem:s4] =	stream.linear.scatter [tilespmem:s29], [sflag:$0x7], $0x280, $0x38;
	[tilespmem:$0x1FD80] =	vst v63  }
0x2a9: {  	_ =	swait.ge [sflag:s30], $0x280  }
0x2aa: {  	s11 =	sld [smem:$0x7E7]  }
0x2ab: {  	[sflag:s30] =	ssyncset.done $0x0  }
0x2ac: {  	[sflag:s30] =	ssyncadd.s32 $0xFFFFFD80  }
0x2ad: {  	[spmem:s11] =	stream.linear.scatter [tilespmem:s29], [sflag:$0x7], $0x280, $0x38;
	[tilespmem:$0x1FD80] =	vst v63  }
0x2ae: {  	_ =	swait.ge [sflag:s30], $0x280  }
0x2af: {  	s12 =	sld [smem:$0x7E8]  }
0x2b0: {  	[sflag:s30] =	ssyncset.done $0x0  }
0x2b1: {  	[sflag:s30] =	ssyncadd.s32 $0xFFFFFD80  }
0x2b2: {  	[spmem:s12] =	stream.linear.scatter [tilespmem:s29], [sflag:$0x7], $0x280, $0x38;
	[tilespmem:$0x1FD80] =	vst v63  }
0x2b3: {  	_ =	swait.ge [sflag:s30], $0x280  }
0x2b4: {  	s23 =	sld [smem:$0x7E9]  }
0x2b5: {  	[sflag:s30] =	ssyncset.done $0x0  }
0x2b6: {  	[sflag:s30] =	ssyncadd.s32 $0xFFFFFD80  }
0x2b7: {  	[spmem:s23] =	stream.linear.scatter [tilespmem:s29], [sflag:$0x7], $0x280, $0x38;
	[tilespmem:$0x1FD80] =	vst v63  }
0x2b8: {  	_ =	swait.ge [sflag:s30], $0x280  }
0x2b9: {  	s25 =	sld [smem:$0x7EA]  }
0x2ba: {  	[sflag:s30] =	ssyncset.done $0x0  }
0x2bb: {  	[sflag:s30] =	ssyncadd.s32 $0xFFFFFD80  }
0x2bc: {  	[spmem:s25] =	stream.linear.scatter [tilespmem:s29], [sflag:$0x7], $0x280, $0x38;
	[tilespmem:$0x1FD80] =	vst v63  }
0x2bd: {  	_ =	swait.ge [sflag:s30], $0x280  }
0x2be: {  	s26 =	sld [smem:$0x7EB]  }
0x2bf: {  	[sflag:s30] =	ssyncset.done $0x0  }
0x2c0: {  	[sflag:s30] =	ssyncadd.s32 $0xFFFFFD80  }
0x2c1: {  	[spmem:s26] =	stream.linear.scatter [tilespmem:s29], [sflag:$0x7], $0x280, $0x38;
	[tilespmem:$0x1FD80] =	vst v63  }
0x2c2: {  	_ =	swait.ge [sflag:s30], $0x280  }
0x2c3: {  	s28 =	sld [smem:$0x7EC]  }
0x2c4: {  	[sflag:s30] =	ssyncset.done $0x0  }
0x2c5: {  	[sflag:s30] =	ssyncadd.s32 $0xFFFFFD80  }
0x2c6: {  	[spmem:s28] =	stream.linear.scatter [tilespmem:s29], [sflag:$0x7], $0x280, $0x38;
	[tilespmem:$0x1FD80] =	vst v63  }
0x2c7: {  	_ =	swait.ge [sflag:s30], $0x280  }
0x2c8: {  	s31 =	sld [smem:$0x7ED]  }
0x2c9: {  	[sflag:s30] =	ssyncset.done $0x0  }
0x2ca: {  	[sflag:s30] =	ssyncadd.s32 $0xFFFFFD80  }
0x2cb: {  	[spmem:s31] =	stream.linear.scatter [tilespmem:s29], [sflag:$0x7], $0x280, $0x38;
	[tilespmem:$0x1FD80] =	vst v63  }
0x2cc: {  	_ =	swait.ge [sflag:s30], $0x280  }
0x2cd: {  	s4 =	sld [smem:$0x7EE]  }
0x2ce: {  	[sflag:s30] =	ssyncset.done $0x0  }
0x2cf: {  	[sflag:s30] =	ssyncadd.s32 $0xFFFFFD80  }
0x2d0: {  	[spmem:s4] =	stream.linear.scatter [tilespmem:s29], [sflag:$0x7], $0x280, $0x38;
	[tilespmem:$0x1FD80] =	vst v63  }
0x2d1: {  	_ =	swait.ge [sflag:s30], $0x280  }
0x2d2: {  	s11 =	sld [smem:$0x7EF]  }
0x2d3: {  	[sflag:s30] =	ssyncset.done $0x0  }
0x2d4: {  	[sflag:s30] =	ssyncadd.s32 $0xFFFFFD80  }
0x2d5: {  	[spmem:s11] =	stream.linear.scatter [tilespmem:s29], [sflag:$0x7], $0x280, $0x38;
	[tilespmem:$0x1FD80] =	vst v63  }
0x2d6: {  	_ =	swait.ge [sflag:s30], $0x280  }
0x2d7: {  	s12 =	sld [smem:$0x7F0]  }
0x2d8: {  	[sflag:s30] =	ssyncset.done $0x0  }
0x2d9: {  	[sflag:s30] =	ssyncadd.s32 $0xFFFFFD80  }
0x2da: {  	[spmem:s12] =	stream.linear.scatter [tilespmem:s29], [sflag:$0x7], $0x280, $0x38;
	[tilespmem:$0x1FD80] =	vst v63  }
0x2db: {  	_ =	swait.ge [sflag:s30], $0x280  }
0x2dc: {  	s23 =	sld [smem:$0x7F1]  }
0x2dd: {  	[sflag:s30] =	ssyncset.done $0x0  }
0x2de: {  	[sflag:s30] =	ssyncadd.s32 $0xFFFFFD80  }
0x2df: {  	[spmem:s23] =	stream.linear.scatter [tilespmem:s29], [sflag:$0x7], $0x280, $0x38;
	[tilespmem:$0x1FD80] =	vst v63  }
0x2e0: {  	_ =	swait.ge [sflag:s30], $0x280  }
0x2e1: {  	s25 =	sld [smem:$0x7F2]  }
0x2e2: {  	[sflag:s30] =	ssyncset.done $0x0  }
0x2e3: {  	[sflag:s30] =	ssyncadd.s32 $0xFFFFFD80  }
0x2e4: {  	[spmem:s25] =	stream.linear.scatter [tilespmem:s29], [sflag:$0x7], $0x280, $0x38;
	[tilespmem:$0x1FD80] =	vst v63  }
0x2e5: {  	_ =	swait.ge [sflag:s30], $0x280  }
0x2e6: {  	s26 =	sld [smem:$0x7F3]  }
0x2e7: {  	[sflag:s30] =	ssyncset.done $0x0  }
0x2e8: {  	[sflag:s30] =	ssyncadd.s32 $0xFFFFFD80  }
0x2e9: {  	[spmem:s26] =	stream.linear.scatter [tilespmem:s29], [sflag:$0x7], $0x280, $0x38;
	[tilespmem:$0x1FD80] =	vst v63  }
0x2ea: {  	_ =	swait.ge [sflag:s30], $0x280  }
0x2eb: {  	s28 =	sld [smem:$0x7F4]  }
0x2ec: {  	[sflag:s30] =	ssyncset.done $0x0  }
0x2ed: {  	[sflag:s30] =	ssyncadd.s32 $0xFFFFFD80  }
0x2ee: {  	[spmem:s28] =	stream.linear.scatter [tilespmem:s29], [sflag:$0x7], $0x280, $0x38;
	[tilespmem:$0x1FD80] =	vst v63  }
0x2ef: {  	_ =	swait.ge [sflag:s30], $0x280  }
0x2f0: {  	s31 =	sld [smem:$0x7F5]  }
0x2f1: {  	[sflag:s30] =	ssyncset.done $0x0  }
0x2f2: {  	[sflag:s30] =	ssyncadd.s32 $0xFFFFFD80  }
0x2f3: {  	[spmem:s31] =	stream.linear.scatter [tilespmem:s29], [sflag:$0x7], $0x280, $0x38;
	[tilespmem:$0x1FD80] =	vst v63  }
0x2f4: {  	_ =	swait.ge [sflag:s30], $0x280  }
0x2f5: {  	s4 =	sld [smem:$0x7F6]  }
0x2f6: {  	[sflag:s30] =	ssyncset.done $0x0  }
0x2f7: {  	[sflag:s30] =	ssyncadd.s32 $0xFFFFFD80  }
0x2f8: {  	[spmem:s4] =	stream.linear.scatter [tilespmem:s29], [sflag:$0x7], $0x280, $0x38;
	[tilespmem:$0x1FD80] =	vst v63  }
0x2f9: {  	_ =	swait.ge [sflag:s30], $0x280  }
0x2fa: {  	s11 =	sld [smem:$0x7F7]  }
0x2fb: {  	[sflag:s30] =	ssyncset.done $0x0  }
0x2fc: {  	[sflag:s30] =	ssyncadd.s32 $0xFFFFFD80  }
0x2fd: {  	[spmem:s11] =	stream.linear.scatter [tilespmem:s29], [sflag:$0x7], $0x280, $0x38;
	[tilespmem:$0x1FD80] =	vst v63  }
0x2fe: {  	_ =	swait.ge [sflag:s30], $0x280  }
0x2ff: {  	s12 =	sld [smem:$0x7F8]  }
0x300: {  	[sflag:s30] =	ssyncset.done $0x0  }
0x301: {  	[sflag:s30] =	ssyncadd.s32 $0xFFFFFD80  }
0x302: {  	[spmem:s12] =	stream.linear.scatter [tilespmem:s29], [sflag:$0x7], $0x280, $0x38;
	[tilespmem:$0x1FD80] =	vst v63  }
0x303: {  	_ =	swait.ge [sflag:s30], $0x280  }
0x304: {  	s23 =	sld [smem:$0x7F9]  }
0x305: {  	[sflag:s30] =	ssyncset.done $0x0  }
0x306: {  	[sflag:s30] =	ssyncadd.s32 $0xFFFFFD80  }
0x307: {  	[spmem:s23] =	stream.linear.scatter [tilespmem:s29], [sflag:$0x7], $0x280, $0x38;
	[tilespmem:$0x1FD80] =	vst v63  }
0x308: {  	_ =	swait.ge [sflag:s30], $0x280  }
0x309: {  	s25 =	sld [smem:$0x7FA]  }
0x30a: {  	[sflag:s30] =	ssyncset.done $0x0  }
0x30b: {  	[sflag:s30] =	ssyncadd.s32 $0xFFFFFD80  }
0x30c: {  	[spmem:s25] =	stream.linear.scatter [tilespmem:s29], [sflag:$0x7], $0x280, $0x38;
	[tilespmem:$0x1FD80] =	vst v63  }
0x30d: {  	_ =	swait.ge [sflag:s30], $0x280  }
0x30e: {  	s26 =	sld [smem:$0x7FB]  }
0x30f: {  	[sflag:s30] =	ssyncset.done $0x0  }
0x310: {  	[sflag:s30] =	ssyncadd.s32 $0xFFFFFD80  }
0x311: {  	[spmem:s26] =	stream.linear.scatter [tilespmem:s29], [sflag:$0x7], $0x280, $0x38;
	[tilespmem:$0x1FD80] =	vst v63  }
0x312: {  	_ =	swait.ge [sflag:s30], $0x280  }
0x313: {  	s28 =	sld [smem:$0x7FC]  }
0x314: {  	[sflag:s30] =	ssyncset.done $0x0  }
0x315: {  	[sflag:s30] =	ssyncadd.s32 $0xFFFFFD80  }
0x316: {  	[spmem:s28] =	stream.linear.scatter [tilespmem:s29], [sflag:$0x7], $0x280, $0x38;
	[tilespmem:$0x1FD80] =	vst v63  }
0x317: {  	_ =	swait.ge [sflag:s30], $0x280  }
0x318: {  	s31 =	sld [smem:$0x7FD]  }
0x319: {  	[sflag:s30] =	ssyncset.done $0x0  }
0x31a: {  	[sflag:s30] =	ssyncadd.s32 $0xFFFFFD80  }
0x31b: {  	[spmem:s31] =	stream.linear.scatter [tilespmem:s29], [sflag:$0x7], $0x280, $0x38;
	[tilespmem:$0x1FD80] =	vst v63  }
0x31c: {  	_ =	swait.ge [sflag:s30], $0x280  }
0x31d: {  	[sflag:s30] =	ssyncset.done $0x0  }
0x31e: {  	[sflag:s30] =	ssyncadd.s32 $0xFFFFFD80  }
.LBB2_3:
.Ltmp3:
0x31f: {  	(pc) =	sbr.rel .LBB2_4-.Ltmp3, $4  }
0x320: {  	_ = 	snop  }
0x321: {  	[smem:$0x798] =	sst s7  }
0x322: {  	[bflag:$0x0] =	sbarrier.arrive $0xFFFF  }
0x323: {  	s4 =	simm.s32 $0x0;
	s12 =	simm.s32 $0x0  }
.LBB2_13:
0x324: {  	s12 =	sadd.s32 $0x1, s12  }
0x325: {  	p3 =	sne.s32 s12, $0x5  }
.Ltmp4:
0x326: {  	_ = 	snop;
	(pc) =	sbr.rel @!p3 .LBB2_14-.Ltmp4, $1  }
0x327: {  	_ =	sdelay $0x3  }
.LBB2_4:
0x328: {  	s0 =	smul.u32 $0xFA0, s12;
	_ =	sdelay $0x1  }
0x329: {  	s25 =	sadd.s32 s0, s24  }
0x32a: {  	s11 =	rddreg [dreg:$0x5];
	s7 =	sshrl.u32 s25, $0x3  }
0x32b: {  	s28 =	simm.s32 $0xA100;
	s7 =	sadd.s32 s11, s7  }
0x32c: {  	[tilespmem:s28], [sflag:$0x7] =	stream.linear.gather [hbm4b:s7+s4], $0xFA0, $0x38;
	[tilespmem:$0x1FD80] =	vst v63  }
0x32d: {  	s23 =	sadd.s32 s21, s0;
	_ =	swait.ge [sflag:s30], $0xFA0  }
0x32e: {  	s31 =	simm.s32 $0xB100;
	s0 =	sshrl.u32 s23, $0x3;
	[sflag:s30] =	ssyncset.done $0x0  }
.Ltmp5:
0x32f: {  	s0 =	sadd.s32 s8, s0;
	[sflag:s30] =	ssyncadd.s32 $0xFFFFF060;
	(pc) =	sbr.rel .LBB2_5-.Ltmp5, $4  }
0x330: {  	[tilespmem:s31], [sflag:$0x7] =	stream.linear.gather [hbm4b:s0+s4], $0xFA0, $0x38;
	[tilespmem:$0x1FD80] =	vst v63  }
0x331: {  	_ =	swait.ge [sflag:s30], $0xFA0  }
0x332: {  	[sflag:s30] =	ssyncset.done $0x0  }
0x333: {  	s26 =	smul.u32 $0x19, s12;
	s11 =	simm.s32 $0x0;
	[sflag:s30] =	ssyncadd.s32 $0xFFFFF060  }
.LBB2_6:
0x334: {  	s28 =	sadd.s32 $0xB100, s28  }
0x335: {  	[tilespmem:s16], [sflag:$0x2] =	stream.indirect.gather [hbm4b:s6+s14], $0x80, s28, s14, $0xb8;
	[tilespmem:$0x1FD80] =	vst v63  }
0x336: {  	_ =	swait.ge [sflag:s17], $0x2800  }
0x337: {  	[sflag:s17] =	ssyncset.done $0x0  }
0x338: {  	[sflag:s17] =	ssyncadd.s32 $0xFFFFD800  }
0x339: {  	_ =	swait.ge [sflag:s18], $0x50  }
0x33a: {  	[sflag:s18] =	ssyncset.done $0x0  }
0x33b: {  	[sflag:s18] =	ssyncadd.s32 $0xFFFFFFB0  }
0x33c: {  	[tilespmem:s19], [sflag:$0x1] =	stream.indirect.gather.add.f32 [hbm:s1], $0x80, s5, s14, $0xb8;
	[tilespmem:$0x1FD80] =	vst v63  }
0x33d: {  	_ =	swait.ge [sflag:s20], $0x2800  }
0x33e: {  	[sflag:s20] =	ssyncset.done $0x0  }
0x33f: {  	[sflag:s20] =	ssyncadd.s32 $0xFFFFD800  }
0x340: {  	_ =	swait.ge [sflag:s22], $0x50  }
0x341: {  	[sflag:s22] =	ssyncset.done $0x0  }
0x342: {  	[sflag:s22] =	ssyncadd.s32 $0xFFFFFFB0  }
0x343: {  	[tilespmem:s16], [sflag:$0x2] =	stream.indirect.gather.add.f32 [hbm:s1], $0x80, s13, s14, $0xb8;
	[tilespmem:$0x1FD80] =	vst v63  }
0x344: {  	s0 =	sadd.s32 s23, s0;
	_ =	swait.ge [sflag:s17], $0x2800  }
0x345: {  	s0 =	sshll.u32 s0, $0x4;
	[sflag:s17] =	ssyncset.done $0x0  }
0x346: {  	s0 =	sadd.s32 s10, s0;
	[sflag:s17] =	ssyncadd.s32 $0xFFFFD800  }
0x347: {  	[hbm4b:s0+s5] =	stream.linear.scatter [tilespmem:s19], [sflag:$0x3], $0x2800, $0x38;
	[tilespmem:$0x1FD80] =	vst v63  }
0x348: {  	_ =	swait.ge [sflag:s20], $0x2800  }
0x349: {  	[sflag:s20] =	ssyncset.done $0x0  }
0x34a: {  	s31 =	sadd.s32 s10, s7;
	[sflag:s20] =	ssyncadd.s32 $0xFFFFD800  }
0x34b: {  	[hbm4b:s31+s5] =	stream.linear.scatter [tilespmem:s16], [sflag:$0x4], $0x2800, $0x38;
	[tilespmem:$0x1FD80] =	vst v63  }
.LBB2_12:
0x34c: {  	s11 =	sadd.s32 $0x1, s11  }
0x34d: {  	p3 =	sne.s32 s11, $0x19  }
.Ltmp6:
0x34e: {  	_ = 	snop;
	(pc) =	sbr.rel @!p3 .LBB2_13-.Ltmp6, $1  }
0x34f: {  	_ =	sdelay $0x3  }
.LBB2_5:
0x350: {  	_ = 	snop  }
0x351: {  	s0 =	sor.u32 s26, s11  }
0x352: {  	p3 =	seq.s32 s0, $0x0  }
0x353: {  	s7 =	simm.s32 @!p3 $0x3  }
0x354: {  	_ =	swait.ge @!p3 [sflag:s7], $0x2800  }
0x355: {  	s0 =	smul.u32 $0xA0, s11;
	[sflag:s7] =	ssyncset.done @!p3 $0x0  }
0x356: {  	[sflag:s7] =	ssyncadd.s32 @!p3 $0xFFFFD800;
	s7 =	simm.s32 @!p3 $0x4  }
0x357: {  	s28 =	sadd.s32 s25, s0;
	_ =	swait.ge @!p3 [sflag:s7], $0x2800  }
0x358: {  	s28 =	sshrl.u32 s28, $0x3;
	[sflag:s7] =	ssyncset.done @!p3 $0x0  }
0x359: {  	s31 =	sadd.s32 s9, s28;
	[sflag:s7] =	ssyncadd.s32 @!p3 $0xFFFFD800  }
0x35a: {  	[tilespmem:s5], [sflag:$0x5] =	stream.linear.gather [hbm4b:s31+s5], $0x50, $0x38;
	[tilespmem:$0x1FD80] =	vst v63  }
0x35b: {  	s28 =	simm.s32 @p0 $0x50;
	s7 =	sadd.s32 @p0 $0xB100, s0;
	s31 =	simm.s32 @p0 $0x2880  }
0x35c: {  	[tilespmem:s31], [sflag:$0x1] =	stream.indirect.gather @p0 [hbm4b:s6+s28], $0x80, s7, s28, $0xb8;
	[tilespmem:$0x1FD80] =	vst v63  }
0x35d: {  	s7 =	sadd.s32 @!p0 $0xA100, s0;
	s28 =	simm.s32 @!p0 $0x50;
	s31 =	simm.s32 @!p0 $0x80  }
0x35e: {  	[tilespmem:s31], [sflag:$0x1] =	stream.indirect.gather @!p0 [hbm4b:s1+s28], $0x80, s7, s28, $0xb8;
	[tilespmem:$0x1FD80] =	vst v63  }
0x35f: {  	s7 =	sadd.s32 @!p0 s23, s0  }
0x360: {  	s7 =	sshll.u32 @!p0 s7, $0x4  }
0x361: {  	s28 =	simm.s32 @!p0 $0x0;
	s31 =	simm.s32 @!p0 $0x2880;
	s7 =	sadd.s32 @!p0 s2, s7  }
0x362: {  	[tilespmem:s31], [sflag:$0x1] =	stream.linear.gather @!p0 [hbm4b:s7+s28], $0x2800, $0x38;
	[tilespmem:$0x1FD80] =	vst v63  }
0x363: {  	s28 =	sadd.s32 $0x50, s0  }
.Ltmp7:
0x364: {  	s31 =	sadd.s32 s25, s28;
	(pc) =	sbr.rel @!p1 .LBB2_6-.Ltmp7, $4  }
0x365: {  	s7 =	sshrl.u32 s31, $0x3  }
0x366: {  	s31 =	sadd.s32 s23, s28;
	s7 =	sadd.s32 s9, s7  }
0x367: {  	[tilespmem:s13], [sflag:$0x6] =	stream.linear.gather [hbm4b:s7+s5], $0x50, $0x38;
	[tilespmem:$0x1FD80] =	vst v63  }
0x368: {  	s7 =	sshll.u32 s31, $0x4  }
0x369: {  	s0 =	sadd.s32 $0xA100, s28  }
0x36a: {  	[tilespmem:s15], [sflag:$0x2] =	stream.indirect.gather [hbm4b:s1+s14], $0x80, s0, s14, $0xb8;
	[tilespmem:$0x1FD80] =	vst v63  }
0x36b: {  	s7 =	sadd.s32 s2, s7  }
0x36c: {  	[tilespmem:s16], [sflag:$0x2] =	stream.linear.gather [hbm4b:s7+s5], $0x2800, $0x38;
	[tilespmem:$0x1FD80] =	vst v63  }
0x36d: {  	_ =	swait.ge [sflag:s17], $0x2800  }
0x36e: {  	[sflag:s17] =	ssyncset.done $0x0  }
0x36f: {  	[sflag:s17] =	ssyncadd.s32 $0xFFFFD800  }
0x370: {  	_ =	swait.ge [sflag:s17], $0x2800  }
0x371: {  	[sflag:s17] =	ssyncset.done $0x0  }
0x372: {  	s28 =	simm.s32 $0x2980;
	[sflag:s17] =	ssyncadd.s32 $0xFFFFD800  }
0x373: {  	s31 =	simm.s32 $0x180;
	v1 =	vld [tilespmem:s28+$0xFFFFFF00]  }
0x374: {  	v2 =	vld [tilespmem:s31+$0xFFFFFF00];
	_ =	sdelay $0x4  }
0x375: {  	v1 =	vmul.f32 v1, v2;
	_ =	sdelay $0x1  }
0x376: {  	[tilespmem:s28+$0xFFFFFF00] =	vst v1;
	v1 =	vld [tilespmem:s28+$0xFFFFFF10]  }
0x377: {  	v2 =	vld [tilespmem:s31+$0xFFFFFF10];
	_ =	sdelay $0x4  }
0x378: {  	v1 =	vmul.f32 v1, v2;
	_ =	sdelay $0x1  }
0x379: {  	[tilespmem:s28+$0xFFFFFF10] =	vst v1;
	v1 =	vld [tilespmem:s28+$0xFFFFFF20]  }
0x37a: {  	v2 =	vld [tilespmem:s31+$0xFFFFFF20];
	_ =	sdelay $0x4  }
0x37b: {  	v1 =	vmul.f32 v1, v2;
	_ =	sdelay $0x1  }
0x37c: {  	[tilespmem:s28+$0xFFFFFF20] =	vst v1;
	v1 =	vld [tilespmem:s28+$0xFFFFFF30]  }
0x37d: {  	v2 =	vld [tilespmem:s31+$0xFFFFFF30];
	_ =	sdelay $0x4  }
0x37e: {  	v1 =	vmul.f32 v1, v2;
	_ =	sdelay $0x1  }
0x37f: {  	[tilespmem:s28+$0xFFFFFF30] =	vst v1;
	v1 =	vld [tilespmem:s28+$0xFFFFFF40]  }
0x380: {  	v2 =	vld [tilespmem:s31+$0xFFFFFF40];
	_ =	sdelay $0x4  }
0x381: {  	v1 =	vmul.f32 v1, v2;
	_ =	sdelay $0x1  }
0x382: {  	[tilespmem:s28+$0xFFFFFF40] =	vst v1;
	v1 =	vld [tilespmem:s28+$0xFFFFFF50]  }
0x383: {  	v2 =	vld [tilespmem:s31+$0xFFFFFF50];
	_ =	sdelay $0x4  }
0x384: {  	v1 =	vmul.f32 v1, v2;
	_ =	sdelay $0x1  }
0x385: {  	[tilespmem:s28+$0xFFFFFF50] =	vst v1;
	v1 =	vld [tilespmem:s28+$0xFFFFFF60]  }
0x386: {  	v2 =	vld [tilespmem:s31+$0xFFFFFF60];
	_ =	sdelay $0x4  }
0x387: {  	v1 =	vmul.f32 v1, v2;
	_ =	sdelay $0x1  }
0x388: {  	[tilespmem:s28+$0xFFFFFF60] =	vst v1;
	v1 =	vld [tilespmem:s28+$0xFFFFFF70]  }
0x389: {  	v2 =	vld [tilespmem:s31+$0xFFFFFF70];
	_ =	sdelay $0x4  }
0x38a: {  	v1 =	vmul.f32 v1, v2;
	_ =	sdelay $0x1  }
0x38b: {  	[tilespmem:s28+$0xFFFFFF70] =	vst v1;
	v1 =	vld [tilespmem:s28+$0xFFFFFF80]  }
0x38c: {  	v2 =	vld [tilespmem:s31+$0xFFFFFF80];
	_ =	sdelay $0x4  }
0x38d: {  	v1 =	vmul.f32 v1, v2;
	_ =	sdelay $0x1  }
0x38e: {  	[tilespmem:s28+$0xFFFFFF80] =	vst v1;
	v1 =	vld [tilespmem:s28+$0xFFFFFF90]  }
0x38f: {  	v2 =	vld [tilespmem:s31+$0xFFFFFF90];
	_ =	sdelay $0x4  }
0x390: {  	v1 =	vmul.f32 v1, v2;
	_ =	sdelay $0x1  }
0x391: {  	[tilespmem:s28+$0xFFFFFF90] =	vst v1;
	v1 =	vld [tilespmem:s28+$0xFFFFFFA0]  }
0x392: {  	v2 =	vld [tilespmem:s31+$0xFFFFFFA0];
	_ =	sdelay $0x4  }
0x393: {  	v1 =	vmul.f32 v1, v2;
	_ =	sdelay $0x1  }
0x394: {  	[tilespmem:s28+$0xFFFFFFA0] =	vst v1;
	v1 =	vld [tilespmem:s28+$0xFFFFFFB0]  }
0x395: {  	v2 =	vld [tilespmem:s31+$0xFFFFFFB0];
	_ =	sdelay $0x4  }
0x396: {  	v1 =	vmul.f32 v1, v2;
	_ =	sdelay $0x1  }
0x397: {  	[tilespmem:s28+$0xFFFFFFB0] =	vst v1;
	v1 =	vld [tilespmem:s28+$0xFFFFFFC0]  }
0x398: {  	v2 =	vld [tilespmem:s31+$0xFFFFFFC0];
	_ =	sdelay $0x4  }
0x399: {  	v1 =	vmul.f32 v1, v2;
	_ =	sdelay $0x1  }
0x39a: {  	[tilespmem:s28+$0xFFFFFFC0] =	vst v1;
	v1 =	vld [tilespmem:s28+$0xFFFFFFD0]  }
0x39b: {  	v2 =	vld [tilespmem:s31+$0xFFFFFFD0];
	_ =	sdelay $0x4  }
0x39c: {  	v1 =	vmul.f32 v1, v2;
	_ =	sdelay $0x1  }
0x39d: {  	[tilespmem:s28+$0xFFFFFFD0] =	vst v1;
	v1 =	vld [tilespmem:s28+$0xFFFFFFE0]  }
0x39e: {  	v2 =	vld [tilespmem:s31+$0xFFFFFFE0];
	_ =	sdelay $0x4  }
0x39f: {  	v1 =	vmul.f32 v1, v2;
	_ =	sdelay $0x1  }
0x3a0: {  	[tilespmem:s28+$0xFFFFFFE0] =	vst v1;
	v1 =	vld [tilespmem:s28+$0xFFFFFFF0]  }
0x3a1: {  	v2 =	vld [tilespmem:s31+$0xFFFFFFF0];
	_ =	sdelay $0x4  }
0x3a2: {  	v1 =	vmul.f32 v1, v2;
	_ =	sdelay $0x1  }
0x3a3: {  	[tilespmem:s28+$0xFFFFFFF0] =	vst v1;
	v1 =	vld [tilespmem:s28+$0x0]  }
0x3a4: {  	v2 =	vld [tilespmem:s31+$0x0];
	_ =	sdelay $0x4  }
0x3a5: {  	v1 =	vmul.f32 v1, v2;
	_ =	sdelay $0x1  }
0x3a6: {  	[tilespmem:s28+$0x0] =	vst v1;
	v1 =	vld [tilespmem:s28+$0x10]  }
0x3a7: {  	v2 =	vld [tilespmem:s31+$0x10];
	_ =	sdelay $0x4  }
0x3a8: {  	v1 =	vmul.f32 v1, v2;
	_ =	sdelay $0x1  }
0x3a9: {  	[tilespmem:s28+$0x10] =	vst v1;
	v1 =	vld [tilespmem:s28+$0x20]  }
0x3aa: {  	v2 =	vld [tilespmem:s31+$0x20];
	_ =	sdelay $0x4  }
0x3ab: {  	v1 =	vmul.f32 v1, v2;
	_ =	sdelay $0x1  }
0x3ac: {  	[tilespmem:s28+$0x20] =	vst v1;
	v1 =	vld [tilespmem:s28+$0x30]  }
0x3ad: {  	v2 =	vld [tilespmem:s31+$0x30];
	_ =	sdelay $0x4  }
0x3ae: {  	v1 =	vmul.f32 v1, v2;
	_ =	sdelay $0x1  }
0x3af: {  	[tilespmem:s28+$0x30] =	vst v1;
	v1 =	vld [tilespmem:s28+$0x40]  }
0x3b0: {  	v2 =	vld [tilespmem:s31+$0x40];
	_ =	sdelay $0x4  }
0x3b1: {  	v1 =	vmul.f32 v1, v2;
	_ =	sdelay $0x1  }
0x3b2: {  	[tilespmem:s28+$0x40] =	vst v1;
	v1 =	vld [tilespmem:s28+$0x50]  }
0x3b3: {  	v2 =	vld [tilespmem:s31+$0x50];
	_ =	sdelay $0x4  }
0x3b4: {  	v1 =	vmul.f32 v1, v2;
	_ =	sdelay $0x1  }
0x3b5: {  	[tilespmem:s28+$0x50] =	vst v1;
	v1 =	vld [tilespmem:s28+$0x60]  }
0x3b6: {  	v2 =	vld [tilespmem:s31+$0x60];
	_ =	sdelay $0x4  }
0x3b7: {  	v1 =	vmul.f32 v1, v2;
	_ =	sdelay $0x1  }
0x3b8: {  	[tilespmem:s28+$0x60] =	vst v1;
	v1 =	vld [tilespmem:s28+$0x70]  }
0x3b9: {  	v2 =	vld [tilespmem:s31+$0x70];
	_ =	sdelay $0x4  }
0x3ba: {  	v1 =	vmul.f32 v1, v2;
	_ =	sdelay $0x1  }
0x3bb: {  	[tilespmem:s28+$0x70] =	vst v1;
	v1 =	vld [tilespmem:s28+$0x80]  }
0x3bc: {  	v2 =	vld [tilespmem:s31+$0x80];
	_ =	sdelay $0x4  }
0x3bd: {  	v1 =	vmul.f32 v1, v2;
	_ =	sdelay $0x1  }
0x3be: {  	[tilespmem:s28+$0x80] =	vst v1;
	v1 =	vld [tilespmem:s28+$0x90]  }
0x3bf: {  	v2 =	vld [tilespmem:s31+$0x90];
	_ =	sdelay $0x4  }
0x3c0: {  	v1 =	vmul.f32 v1, v2;
	_ =	sdelay $0x1  }
0x3c1: {  	[tilespmem:s28+$0x90] =	vst v1;
	v1 =	vld [tilespmem:s28+$0xA0]  }
0x3c2: {  	v2 =	vld [tilespmem:s31+$0xA0];
	_ =	sdelay $0x4  }
0x3c3: {  	v1 =	vmul.f32 v1, v2;
	_ =	sdelay $0x1  }
0x3c4: {  	[tilespmem:s28+$0xA0] =	vst v1;
	v1 =	vld [tilespmem:s28+$0xB0]  }
0x3c5: {  	v2 =	vld [tilespmem:s31+$0xB0];
	_ =	sdelay $0x4  }
0x3c6: {  	v1 =	vmul.f32 v1, v2;
	_ =	sdelay $0x1  }
0x3c7: {  	[tilespmem:s28+$0xB0] =	vst v1;
	v1 =	vld [tilespmem:s28+$0xC0]  }
0x3c8: {  	v2 =	vld [tilespmem:s31+$0xC0];
	_ =	sdelay $0x4  }
0x3c9: {  	v1 =	vmul.f32 v1, v2;
	_ =	sdelay $0x1  }
0x3ca: {  	[tilespmem:s28+$0xC0] =	vst v1;
	v1 =	vld [tilespmem:s28+$0xD0]  }
0x3cb: {  	v2 =	vld [tilespmem:s31+$0xD0];
	_ =	sdelay $0x4  }
0x3cc: {  	v1 =	vmul.f32 v1, v2;
	_ =	sdelay $0x1  }
0x3cd: {  	[tilespmem:s28+$0xD0] =	vst v1;
	v1 =	vld [tilespmem:s28+$0xE0]  }
0x3ce: {  	v2 =	vld [tilespmem:s31+$0xE0];
	_ =	sdelay $0x4  }
0x3cf: {  	v1 =	vmul.f32 v1, v2;
	_ =	sdelay $0x1  }
0x3d0: {  	[tilespmem:s28+$0xE0] =	vst v1;
	v1 =	vld [tilespmem:s28+$0xF0]  }
0x3d1: {  	v2 =	vld [tilespmem:s31+$0xF0];
	_ =	sdelay $0x4  }
0x3d2: {  	v1 =	vmul.f32 v1, v2  }
0x3d3: {  	s0 =	simm.s32 $0x0;
	s7 =	simm.s32 $0x2B80  }
.LBB2_8:
0x3d4: {  	v2 =	vld [tilespmem:s7+$0xFFFFFF00];
	[tilespmem:s28+$0xF0] =	vst v1;
	s31 =	sadd.s32 $0x200, s31;
	s28 =	smov.u32 s7  }
0x3d5: {  	s0 =	sadd.s32 $0x4, s0;
	v1 =	vld [tilespmem:s31+$0xFFFFFF00]  }
0x3d6: {  	p3 =	slt.u32 s0, $0x4C;
	_ =	sdelay $0x3  }
0x3d7: {  	v1 =	vmul.f32 v2, v1;
	_ =	sdelay $0x1  }
0x3d8: {  	[tilespmem:s7+$0xFFFFFF00] =	vst v1;
	v1 =	vld [tilespmem:s7+$0xFFFFFF10]  }
0x3d9: {  	v2 =	vld [tilespmem:s31+$0xFFFFFF10];
	_ =	sdelay $0x4  }
0x3da: {  	v1 =	vmul.f32 v1, v2;
	_ =	sdelay $0x1  }
0x3db: {  	[tilespmem:s7+$0xFFFFFF10] =	vst v1;
	v1 =	vld [tilespmem:s7+$0xFFFFFF20]  }
0x3dc: {  	v2 =	vld [tilespmem:s31+$0xFFFFFF20];
	_ =	sdelay $0x4  }
0x3dd: {  	v1 =	vmul.f32 v1, v2;
	_ =	sdelay $0x1  }
0x3de: {  	[tilespmem:s7+$0xFFFFFF20] =	vst v1;
	v1 =	vld [tilespmem:s7+$0xFFFFFF30]  }
0x3df: {  	v2 =	vld [tilespmem:s31+$0xFFFFFF30];
	_ =	sdelay $0x4  }
0x3e0: {  	v1 =	vmul.f32 v1, v2;
	_ =	sdelay $0x1  }
0x3e1: {  	[tilespmem:s7+$0xFFFFFF30] =	vst v1;
	v1 =	vld [tilespmem:s7+$0xFFFFFF40]  }
0x3e2: {  	v2 =	vld [tilespmem:s31+$0xFFFFFF40];
	_ =	sdelay $0x4  }
0x3e3: {  	v1 =	vmul.f32 v1, v2;
	_ =	sdelay $0x1  }
0x3e4: {  	[tilespmem:s7+$0xFFFFFF40] =	vst v1;
	v1 =	vld [tilespmem:s7+$0xFFFFFF50]  }
0x3e5: {  	v2 =	vld [tilespmem:s31+$0xFFFFFF50];
	_ =	sdelay $0x4  }
0x3e6: {  	v1 =	vmul.f32 v1, v2;
	_ =	sdelay $0x1  }
0x3e7: {  	[tilespmem:s7+$0xFFFFFF50] =	vst v1;
	v1 =	vld [tilespmem:s7+$0xFFFFFF60]  }
0x3e8: {  	v2 =	vld [tilespmem:s31+$0xFFFFFF60];
	_ =	sdelay $0x4  }
0x3e9: {  	v1 =	vmul.f32 v1, v2;
	_ =	sdelay $0x1  }
0x3ea: {  	[tilespmem:s7+$0xFFFFFF60] =	vst v1;
	v1 =	vld [tilespmem:s7+$0xFFFFFF70]  }
0x3eb: {  	v2 =	vld [tilespmem:s31+$0xFFFFFF70];
	_ =	sdelay $0x4  }
0x3ec: {  	v1 =	vmul.f32 v1, v2;
	_ =	sdelay $0x1  }
0x3ed: {  	[tilespmem:s7+$0xFFFFFF70] =	vst v1;
	v1 =	vld [tilespmem:s7+$0xFFFFFF80]  }
0x3ee: {  	v2 =	vld [tilespmem:s31+$0xFFFFFF80];
	_ =	sdelay $0x4  }
0x3ef: {  	v1 =	vmul.f32 v1, v2;
	_ =	sdelay $0x1  }
0x3f0: {  	[tilespmem:s7+$0xFFFFFF80] =	vst v1;
	v1 =	vld [tilespmem:s7+$0xFFFFFF90]  }
0x3f1: {  	v2 =	vld [tilespmem:s31+$0xFFFFFF90];
	_ =	sdelay $0x4  }
0x3f2: {  	v1 =	vmul.f32 v1, v2;
	_ =	sdelay $0x1  }
0x3f3: {  	[tilespmem:s7+$0xFFFFFF90] =	vst v1;
	v1 =	vld [tilespmem:s7+$0xFFFFFFA0]  }
0x3f4: {  	v2 =	vld [tilespmem:s31+$0xFFFFFFA0];
	_ =	sdelay $0x4  }
0x3f5: {  	v1 =	vmul.f32 v1, v2;
	_ =	sdelay $0x1  }
0x3f6: {  	[tilespmem:s7+$0xFFFFFFA0] =	vst v1;
	v1 =	vld [tilespmem:s7+$0xFFFFFFB0]  }
0x3f7: {  	v2 =	vld [tilespmem:s31+$0xFFFFFFB0];
	_ =	sdelay $0x4  }
0x3f8: {  	v1 =	vmul.f32 v1, v2;
	_ =	sdelay $0x1  }
0x3f9: {  	[tilespmem:s7+$0xFFFFFFB0] =	vst v1;
	v1 =	vld [tilespmem:s7+$0xFFFFFFC0]  }
0x3fa: {  	v2 =	vld [tilespmem:s31+$0xFFFFFFC0];
	_ =	sdelay $0x4  }
0x3fb: {  	v1 =	vmul.f32 v1, v2;
	_ =	sdelay $0x1  }
0x3fc: {  	[tilespmem:s7+$0xFFFFFFC0] =	vst v1;
	v1 =	vld [tilespmem:s7+$0xFFFFFFD0]  }
0x3fd: {  	v2 =	vld [tilespmem:s31+$0xFFFFFFD0];
	_ =	sdelay $0x4  }
0x3fe: {  	v1 =	vmul.f32 v1, v2;
	_ =	sdelay $0x1  }
0x3ff: {  	[tilespmem:s7+$0xFFFFFFD0] =	vst v1;
	v1 =	vld [tilespmem:s7+$0xFFFFFFE0]  }
0x400: {  	v2 =	vld [tilespmem:s31+$0xFFFFFFE0];
	_ =	sdelay $0x4  }
0x401: {  	v1 =	vmul.f32 v1, v2;
	_ =	sdelay $0x1  }
0x402: {  	[tilespmem:s7+$0xFFFFFFE0] =	vst v1;
	v1 =	vld [tilespmem:s7+$0xFFFFFFF0]  }
0x403: {  	v2 =	vld [tilespmem:s31+$0xFFFFFFF0];
	_ =	sdelay $0x4  }
0x404: {  	v1 =	vmul.f32 v1, v2;
	_ =	sdelay $0x1  }
0x405: {  	[tilespmem:s7+$0xFFFFFFF0] =	vst v1;
	v1 =	vld [tilespmem:s7+$0x0]  }
0x406: {  	v2 =	vld [tilespmem:s31+$0x0];
	_ =	sdelay $0x4  }
0x407: {  	v1 =	vmul.f32 v1, v2;
	_ =	sdelay $0x1  }
0x408: {  	[tilespmem:s7+$0x0] =	vst v1;
	v1 =	vld [tilespmem:s7+$0x10]  }
0x409: {  	v2 =	vld [tilespmem:s31+$0x10];
	_ =	sdelay $0x4  }
0x40a: {  	v1 =	vmul.f32 v1, v2;
	_ =	sdelay $0x1  }
0x40b: {  	[tilespmem:s7+$0x10] =	vst v1;
	v1 =	vld [tilespmem:s7+$0x20]  }
0x40c: {  	v2 =	vld [tilespmem:s31+$0x20];
	_ =	sdelay $0x4  }
0x40d: {  	v1 =	vmul.f32 v1, v2;
	_ =	sdelay $0x1  }
0x40e: {  	[tilespmem:s7+$0x20] =	vst v1;
	v1 =	vld [tilespmem:s7+$0x30]  }
0x40f: {  	v2 =	vld [tilespmem:s31+$0x30];
	_ =	sdelay $0x4  }
0x410: {  	v1 =	vmul.f32 v1, v2;
	_ =	sdelay $0x1  }
0x411: {  	[tilespmem:s7+$0x30] =	vst v1;
	v1 =	vld [tilespmem:s7+$0x40]  }
0x412: {  	v2 =	vld [tilespmem:s31+$0x40];
	_ =	sdelay $0x4  }
0x413: {  	v1 =	vmul.f32 v1, v2;
	_ =	sdelay $0x1  }
0x414: {  	[tilespmem:s7+$0x40] =	vst v1;
	v1 =	vld [tilespmem:s7+$0x50]  }
0x415: {  	v2 =	vld [tilespmem:s31+$0x50];
	_ =	sdelay $0x4  }
0x416: {  	v1 =	vmul.f32 v1, v2;
	_ =	sdelay $0x1  }
0x417: {  	[tilespmem:s7+$0x50] =	vst v1;
	v1 =	vld [tilespmem:s7+$0x60]  }
0x418: {  	v2 =	vld [tilespmem:s31+$0x60];
	_ =	sdelay $0x4  }
0x419: {  	v1 =	vmul.f32 v1, v2;
	_ =	sdelay $0x1  }
0x41a: {  	[tilespmem:s7+$0x60] =	vst v1;
	v1 =	vld [tilespmem:s7+$0x70]  }
0x41b: {  	v2 =	vld [tilespmem:s31+$0x70];
	_ =	sdelay $0x4  }
0x41c: {  	v1 =	vmul.f32 v1, v2;
	_ =	sdelay $0x1  }
0x41d: {  	[tilespmem:s7+$0x70] =	vst v1;
	v1 =	vld [tilespmem:s7+$0x80]  }
0x41e: {  	v2 =	vld [tilespmem:s31+$0x80];
	_ =	sdelay $0x4  }
0x41f: {  	v1 =	vmul.f32 v1, v2;
	_ =	sdelay $0x1  }
0x420: {  	[tilespmem:s7+$0x80] =	vst v1;
	v1 =	vld [tilespmem:s7+$0x90]  }
0x421: {  	v2 =	vld [tilespmem:s31+$0x90];
	_ =	sdelay $0x4  }
0x422: {  	v1 =	vmul.f32 v1, v2;
	_ =	sdelay $0x1  }
0x423: {  	[tilespmem:s7+$0x90] =	vst v1;
	v1 =	vld [tilespmem:s7+$0xA0]  }
0x424: {  	v2 =	vld [tilespmem:s31+$0xA0];
	_ =	sdelay $0x4  }
0x425: {  	v1 =	vmul.f32 v1, v2;
	_ =	sdelay $0x1  }
0x426: {  	[tilespmem:s7+$0xA0] =	vst v1;
	v1 =	vld [tilespmem:s7+$0xB0]  }
0x427: {  	v2 =	vld [tilespmem:s31+$0xB0];
	_ =	sdelay $0x4  }
0x428: {  	v1 =	vmul.f32 v1, v2;
	_ =	sdelay $0x1  }
0x429: {  	[tilespmem:s7+$0xB0] =	vst v1;
	v1 =	vld [tilespmem:s7+$0xC0]  }
0x42a: {  	v2 =	vld [tilespmem:s31+$0xC0];
	_ =	sdelay $0x4  }
0x42b: {  	v1 =	vmul.f32 v1, v2;
	_ =	sdelay $0x1  }
0x42c: {  	[tilespmem:s7+$0xC0] =	vst v1;
	v1 =	vld [tilespmem:s7+$0xD0]  }
0x42d: {  	v2 =	vld [tilespmem:s31+$0xD0];
	_ =	sdelay $0x4  }
0x42e: {  	v1 =	vmul.f32 v1, v2;
	_ =	sdelay $0x1  }
0x42f: {  	[tilespmem:s7+$0xD0] =	vst v1;
	v1 =	vld [tilespmem:s7+$0xE0]  }
0x430: {  	v2 =	vld [tilespmem:s31+$0xE0];
	_ =	sdelay $0x4  }
0x431: {  	v1 =	vmul.f32 v1, v2;
	_ =	sdelay $0x1  }
0x432: {  	[tilespmem:s7+$0xE0] =	vst v1;
	v1 =	vld [tilespmem:s7+$0xF0]  }
0x433: {  	v2 =	vld [tilespmem:s31+$0xF0];
	_ =	sdelay $0x1  }
.Ltmp8:
0x434: {  	(pc) =	sbr.rel @p3 .LBB2_8-.Ltmp8, $3  }
0x435: {  	_ =	sdelay $0x1  }
0x436: {  	v1 =	vmul.f32 v1, v2  }
0x437: {  	s7 =	sadd.s32 $0x200, s7  }
0x438: {  	[tilespmem:s28+$0xF0] =	vst v1  }
0x439: {  	_ =	swait.ge [sflag:s18], $0x50  }
0x43a: {  	[sflag:s18] =	ssyncset.done $0x0  }
0x43b: {  	[sflag:s18] =	ssyncadd.s32 $0xFFFFFFB0  }
0x43c: {  	[spmem:s3] =	stream.indirect.scatter.add.f32 [tilespmem:s19], [sflag:$0x3], $0x80, s5, s14, $0xb8;
	[tilespmem:$0x1FD80] =	vst v63  }
0x43d: {  	_ =	swait.ge [sflag:s20], $0x2800  }
0x43e: {  	[sflag:s20] =	ssyncset.done $0x0  }
0x43f: {  	[sflag:s20] =	ssyncadd.s32 $0xFFFFD800  }
0x440: {  	_ =	swait.ge [sflag:s20], $0x2800  }
0x441: {  	[sflag:s20] =	ssyncset.done $0x0  }
0x442: {  	s28 =	simm.s32 $0x7A00;
	[sflag:s20] =	ssyncadd.s32 $0xFFFFD800  }
0x443: {  	s31 =	simm.s32 $0x5200;
	v1 =	vld [tilespmem:s28+$0xFFFFFF00]  }
0x444: {  	v2 =	vld [tilespmem:s31+$0xFFFFFF00];
	_ =	sdelay $0x4  }
0x445: {  	v1 =	vmul.f32 v1, v2;
	_ =	sdelay $0x1  }
0x446: {  	[tilespmem:s28+$0xFFFFFF00] =	vst v1;
	v1 =	vld [tilespmem:s28+$0xFFFFFF10]  }
0x447: {  	v2 =	vld [tilespmem:s31+$0xFFFFFF10];
	_ =	sdelay $0x4  }
0x448: {  	v1 =	vmul.f32 v1, v2;
	_ =	sdelay $0x1  }
0x449: {  	[tilespmem:s28+$0xFFFFFF10] =	vst v1;
	v1 =	vld [tilespmem:s28+$0xFFFFFF20]  }
0x44a: {  	v2 =	vld [tilespmem:s31+$0xFFFFFF20];
	_ =	sdelay $0x4  }
0x44b: {  	v1 =	vmul.f32 v1, v2;
	_ =	sdelay $0x1  }
0x44c: {  	[tilespmem:s28+$0xFFFFFF20] =	vst v1;
	v1 =	vld [tilespmem:s28+$0xFFFFFF30]  }
0x44d: {  	v2 =	vld [tilespmem:s31+$0xFFFFFF30];
	_ =	sdelay $0x4  }
0x44e: {  	v1 =	vmul.f32 v1, v2;
	_ =	sdelay $0x1  }
0x44f: {  	[tilespmem:s28+$0xFFFFFF30] =	vst v1;
	v1 =	vld [tilespmem:s28+$0xFFFFFF40]  }
0x450: {  	v2 =	vld [tilespmem:s31+$0xFFFFFF40];
	_ =	sdelay $0x4  }
0x451: {  	v1 =	vmul.f32 v1, v2;
	_ =	sdelay $0x1  }
0x452: {  	[tilespmem:s28+$0xFFFFFF40] =	vst v1;
	v1 =	vld [tilespmem:s28+$0xFFFFFF50]  }
0x453: {  	v2 =	vld [tilespmem:s31+$0xFFFFFF50];
	_ =	sdelay $0x4  }
0x454: {  	v1 =	vmul.f32 v1, v2;
	_ =	sdelay $0x1  }
0x455: {  	[tilespmem:s28+$0xFFFFFF50] =	vst v1;
	v1 =	vld [tilespmem:s28+$0xFFFFFF60]  }
0x456: {  	v2 =	vld [tilespmem:s31+$0xFFFFFF60];
	_ =	sdelay $0x4  }
0x457: {  	v1 =	vmul.f32 v1, v2;
	_ =	sdelay $0x1  }
0x458: {  	[tilespmem:s28+$0xFFFFFF60] =	vst v1;
	v1 =	vld [tilespmem:s28+$0xFFFFFF70]  }
0x459: {  	v2 =	vld [tilespmem:s31+$0xFFFFFF70];
	_ =	sdelay $0x4  }
0x45a: {  	v1 =	vmul.f32 v1, v2;
	_ =	sdelay $0x1  }
0x45b: {  	[tilespmem:s28+$0xFFFFFF70] =	vst v1;
	v1 =	vld [tilespmem:s28+$0xFFFFFF80]  }
0x45c: {  	v2 =	vld [tilespmem:s31+$0xFFFFFF80];
	_ =	sdelay $0x4  }
0x45d: {  	v1 =	vmul.f32 v1, v2;
	_ =	sdelay $0x1  }
0x45e: {  	[tilespmem:s28+$0xFFFFFF80] =	vst v1;
	v1 =	vld [tilespmem:s28+$0xFFFFFF90]  }
0x45f: {  	v2 =	vld [tilespmem:s31+$0xFFFFFF90];
	_ =	sdelay $0x4  }
0x460: {  	v1 =	vmul.f32 v1, v2;
	_ =	sdelay $0x1  }
0x461: {  	[tilespmem:s28+$0xFFFFFF90] =	vst v1;
	v1 =	vld [tilespmem:s28+$0xFFFFFFA0]  }
0x462: {  	v2 =	vld [tilespmem:s31+$0xFFFFFFA0];
	_ =	sdelay $0x4  }
0x463: {  	v1 =	vmul.f32 v1, v2;
	_ =	sdelay $0x1  }
0x464: {  	[tilespmem:s28+$0xFFFFFFA0] =	vst v1;
	v1 =	vld [tilespmem:s28+$0xFFFFFFB0]  }
0x465: {  	v2 =	vld [tilespmem:s31+$0xFFFFFFB0];
	_ =	sdelay $0x4  }
0x466: {  	v1 =	vmul.f32 v1, v2;
	_ =	sdelay $0x1  }
0x467: {  	[tilespmem:s28+$0xFFFFFFB0] =	vst v1;
	v1 =	vld [tilespmem:s28+$0xFFFFFFC0]  }
0x468: {  	v2 =	vld [tilespmem:s31+$0xFFFFFFC0];
	_ =	sdelay $0x4  }
0x469: {  	v1 =	vmul.f32 v1, v2;
	_ =	sdelay $0x1  }
0x46a: {  	[tilespmem:s28+$0xFFFFFFC0] =	vst v1;
	v1 =	vld [tilespmem:s28+$0xFFFFFFD0]  }
0x46b: {  	v2 =	vld [tilespmem:s31+$0xFFFFFFD0];
	_ =	sdelay $0x4  }
0x46c: {  	v1 =	vmul.f32 v1, v2;
	_ =	sdelay $0x1  }
0x46d: {  	[tilespmem:s28+$0xFFFFFFD0] =	vst v1;
	v1 =	vld [tilespmem:s28+$0xFFFFFFE0]  }
0x46e: {  	v2 =	vld [tilespmem:s31+$0xFFFFFFE0];
	_ =	sdelay $0x4  }
0x46f: {  	v1 =	vmul.f32 v1, v2;
	_ =	sdelay $0x1  }
0x470: {  	[tilespmem:s28+$0xFFFFFFE0] =	vst v1;
	v1 =	vld [tilespmem:s28+$0xFFFFFFF0]  }
0x471: {  	v2 =	vld [tilespmem:s31+$0xFFFFFFF0];
	_ =	sdelay $0x4  }
0x472: {  	v1 =	vmul.f32 v1, v2;
	_ =	sdelay $0x1  }
0x473: {  	[tilespmem:s28+$0xFFFFFFF0] =	vst v1;
	v1 =	vld [tilespmem:s28+$0x0]  }
0x474: {  	v2 =	vld [tilespmem:s31+$0x0];
	_ =	sdelay $0x4  }
0x475: {  	v1 =	vmul.f32 v1, v2;
	_ =	sdelay $0x1  }
0x476: {  	[tilespmem:s28+$0x0] =	vst v1;
	v1 =	vld [tilespmem:s28+$0x10]  }
0x477: {  	v2 =	vld [tilespmem:s31+$0x10];
	_ =	sdelay $0x4  }
0x478: {  	v1 =	vmul.f32 v1, v2;
	_ =	sdelay $0x1  }
0x479: {  	[tilespmem:s28+$0x10] =	vst v1;
	v1 =	vld [tilespmem:s28+$0x20]  }
0x47a: {  	v2 =	vld [tilespmem:s31+$0x20];
	_ =	sdelay $0x4  }
0x47b: {  	v1 =	vmul.f32 v1, v2;
	_ =	sdelay $0x1  }
0x47c: {  	[tilespmem:s28+$0x20] =	vst v1;
	v1 =	vld [tilespmem:s28+$0x30]  }
0x47d: {  	v2 =	vld [tilespmem:s31+$0x30];
	_ =	sdelay $0x4  }
0x47e: {  	v1 =	vmul.f32 v1, v2;
	_ =	sdelay $0x1  }
0x47f: {  	[tilespmem:s28+$0x30] =	vst v1;
	v1 =	vld [tilespmem:s28+$0x40]  }
0x480: {  	v2 =	vld [tilespmem:s31+$0x40];
	_ =	sdelay $0x4  }
0x481: {  	v1 =	vmul.f32 v1, v2;
	_ =	sdelay $0x1  }
0x482: {  	[tilespmem:s28+$0x40] =	vst v1;
	v1 =	vld [tilespmem:s28+$0x50]  }
0x483: {  	v2 =	vld [tilespmem:s31+$0x50];
	_ =	sdelay $0x4  }
0x484: {  	v1 =	vmul.f32 v1, v2;
	_ =	sdelay $0x1  }
0x485: {  	[tilespmem:s28+$0x50] =	vst v1;
	v1 =	vld [tilespmem:s28+$0x60]  }
0x486: {  	v2 =	vld [tilespmem:s31+$0x60];
	_ =	sdelay $0x4  }
0x487: {  	v1 =	vmul.f32 v1, v2;
	_ =	sdelay $0x1  }
0x488: {  	[tilespmem:s28+$0x60] =	vst v1;
	v1 =	vld [tilespmem:s28+$0x70]  }
0x489: {  	v2 =	vld [tilespmem:s31+$0x70];
	_ =	sdelay $0x4  }
0x48a: {  	v1 =	vmul.f32 v1, v2;
	_ =	sdelay $0x1  }
0x48b: {  	[tilespmem:s28+$0x70] =	vst v1;
	v1 =	vld [tilespmem:s28+$0x80]  }
0x48c: {  	v2 =	vld [tilespmem:s31+$0x80];
	_ =	sdelay $0x4  }
0x48d: {  	v1 =	vmul.f32 v1, v2;
	_ =	sdelay $0x1  }
0x48e: {  	[tilespmem:s28+$0x80] =	vst v1;
	v1 =	vld [tilespmem:s28+$0x90]  }
0x48f: {  	v2 =	vld [tilespmem:s31+$0x90];
	_ =	sdelay $0x4  }
0x490: {  	v1 =	vmul.f32 v1, v2;
	_ =	sdelay $0x1  }
0x491: {  	[tilespmem:s28+$0x90] =	vst v1;
	v1 =	vld [tilespmem:s28+$0xA0]  }
0x492: {  	v2 =	vld [tilespmem:s31+$0xA0];
	_ =	sdelay $0x4  }
0x493: {  	v1 =	vmul.f32 v1, v2;
	_ =	sdelay $0x1  }
0x494: {  	[tilespmem:s28+$0xA0] =	vst v1;
	v1 =	vld [tilespmem:s28+$0xB0]  }
0x495: {  	v2 =	vld [tilespmem:s31+$0xB0];
	_ =	sdelay $0x4  }
0x496: {  	v1 =	vmul.f32 v1, v2;
	_ =	sdelay $0x1  }
0x497: {  	[tilespmem:s28+$0xB0] =	vst v1;
	v1 =	vld [tilespmem:s28+$0xC0]  }
0x498: {  	v2 =	vld [tilespmem:s31+$0xC0];
	_ =	sdelay $0x4  }
0x499: {  	v1 =	vmul.f32 v1, v2;
	_ =	sdelay $0x1  }
0x49a: {  	[tilespmem:s28+$0xC0] =	vst v1;
	v1 =	vld [tilespmem:s28+$0xD0]  }
0x49b: {  	v2 =	vld [tilespmem:s31+$0xD0];
	_ =	sdelay $0x4  }
0x49c: {  	v1 =	vmul.f32 v1, v2;
	_ =	sdelay $0x1  }
0x49d: {  	[tilespmem:s28+$0xD0] =	vst v1;
	v1 =	vld [tilespmem:s28+$0xE0]  }
0x49e: {  	v2 =	vld [tilespmem:s31+$0xE0];
	_ =	sdelay $0x4  }
0x49f: {  	v1 =	vmul.f32 v1, v2;
	_ =	sdelay $0x1  }
0x4a0: {  	[tilespmem:s28+$0xE0] =	vst v1;
	v1 =	vld [tilespmem:s28+$0xF0]  }
0x4a1: {  	v2 =	vld [tilespmem:s31+$0xF0];
	_ =	sdelay $0x4  }
0x4a2: {  	v1 =	vmul.f32 v1, v2  }
0x4a3: {  	s0 =	simm.s32 $0x0;
	s7 =	simm.s32 $0x7C00  }
.LBB2_10:
0x4a4: {  	v2 =	vld [tilespmem:s7+$0xFFFFFF00];
	[tilespmem:s28+$0xF0] =	vst v1;
	s31 =	sadd.s32 $0x200, s31;
	s28 =	smov.u32 s7  }
0x4a5: {  	s0 =	sadd.s32 $0x4, s0;
	v1 =	vld [tilespmem:s31+$0xFFFFFF00]  }
0x4a6: {  	p3 =	slt.u32 s0, $0x4C;
	_ =	sdelay $0x3  }
0x4a7: {  	v1 =	vmul.f32 v2, v1;
	_ =	sdelay $0x1  }
0x4a8: {  	[tilespmem:s7+$0xFFFFFF00] =	vst v1;
	v1 =	vld [tilespmem:s7+$0xFFFFFF10]  }
0x4a9: {  	v2 =	vld [tilespmem:s31+$0xFFFFFF10];
	_ =	sdelay $0x4  }
0x4aa: {  	v1 =	vmul.f32 v1, v2;
	_ =	sdelay $0x1  }
0x4ab: {  	[tilespmem:s7+$0xFFFFFF10] =	vst v1;
	v1 =	vld [tilespmem:s7+$0xFFFFFF20]  }
0x4ac: {  	v2 =	vld [tilespmem:s31+$0xFFFFFF20];
	_ =	sdelay $0x4  }
0x4ad: {  	v1 =	vmul.f32 v1, v2;
	_ =	sdelay $0x1  }
0x4ae: {  	[tilespmem:s7+$0xFFFFFF20] =	vst v1;
	v1 =	vld [tilespmem:s7+$0xFFFFFF30]  }
0x4af: {  	v2 =	vld [tilespmem:s31+$0xFFFFFF30];
	_ =	sdelay $0x4  }
0x4b0: {  	v1 =	vmul.f32 v1, v2;
	_ =	sdelay $0x1  }
0x4b1: {  	[tilespmem:s7+$0xFFFFFF30] =	vst v1;
	v1 =	vld [tilespmem:s7+$0xFFFFFF40]  }
0x4b2: {  	v2 =	vld [tilespmem:s31+$0xFFFFFF40];
	_ =	sdelay $0x4  }
0x4b3: {  	v1 =	vmul.f32 v1, v2;
	_ =	sdelay $0x1  }
0x4b4: {  	[tilespmem:s7+$0xFFFFFF40] =	vst v1;
	v1 =	vld [tilespmem:s7+$0xFFFFFF50]  }
0x4b5: {  	v2 =	vld [tilespmem:s31+$0xFFFFFF50];
	_ =	sdelay $0x4  }
0x4b6: {  	v1 =	vmul.f32 v1, v2;
	_ =	sdelay $0x1  }
0x4b7: {  	[tilespmem:s7+$0xFFFFFF50] =	vst v1;
	v1 =	vld [tilespmem:s7+$0xFFFFFF60]  }
0x4b8: {  	v2 =	vld [tilespmem:s31+$0xFFFFFF60];
	_ =	sdelay $0x4  }
0x4b9: {  	v1 =	vmul.f32 v1, v2;
	_ =	sdelay $0x1  }
0x4ba: {  	[tilespmem:s7+$0xFFFFFF60] =	vst v1;
	v1 =	vld [tilespmem:s7+$0xFFFFFF70]  }
0x4bb: {  	v2 =	vld [tilespmem:s31+$0xFFFFFF70];
	_ =	sdelay $0x4  }
0x4bc: {  	v1 =	vmul.f32 v1, v2;
	_ =	sdelay $0x1  }
0x4bd: {  	[tilespmem:s7+$0xFFFFFF70] =	vst v1;
	v1 =	vld [tilespmem:s7+$0xFFFFFF80]  }
0x4be: {  	v2 =	vld [tilespmem:s31+$0xFFFFFF80];
	_ =	sdelay $0x4  }
0x4bf: {  	v1 =	vmul.f32 v1, v2;
	_ =	sdelay $0x1  }
0x4c0: {  	[tilespmem:s7+$0xFFFFFF80] =	vst v1;
	v1 =	vld [tilespmem:s7+$0xFFFFFF90]  }
0x4c1: {  	v2 =	vld [tilespmem:s31+$0xFFFFFF90];
	_ =	sdelay $0x4  }
0x4c2: {  	v1 =	vmul.f32 v1, v2;
	_ =	sdelay $0x1  }
0x4c3: {  	[tilespmem:s7+$0xFFFFFF90] =	vst v1;
	v1 =	vld [tilespmem:s7+$0xFFFFFFA0]  }
0x4c4: {  	v2 =	vld [tilespmem:s31+$0xFFFFFFA0];
	_ =	sdelay $0x4  }
0x4c5: {  	v1 =	vmul.f32 v1, v2;
	_ =	sdelay $0x1  }
0x4c6: {  	[tilespmem:s7+$0xFFFFFFA0] =	vst v1;
	v1 =	vld [tilespmem:s7+$0xFFFFFFB0]  }
0x4c7: {  	v2 =	vld [tilespmem:s31+$0xFFFFFFB0];
	_ =	sdelay $0x4  }
0x4c8: {  	v1 =	vmul.f32 v1, v2;
	_ =	sdelay $0x1  }
0x4c9: {  	[tilespmem:s7+$0xFFFFFFB0] =	vst v1;
	v1 =	vld [tilespmem:s7+$0xFFFFFFC0]  }
0x4ca: {  	v2 =	vld [tilespmem:s31+$0xFFFFFFC0];
	_ =	sdelay $0x4  }
0x4cb: {  	v1 =	vmul.f32 v1, v2;
	_ =	sdelay $0x1  }
0x4cc: {  	[tilespmem:s7+$0xFFFFFFC0] =	vst v1;
	v1 =	vld [tilespmem:s7+$0xFFFFFFD0]  }
0x4cd: {  	v2 =	vld [tilespmem:s31+$0xFFFFFFD0];
	_ =	sdelay $0x4  }
0x4ce: {  	v1 =	vmul.f32 v1, v2;
	_ =	sdelay $0x1  }
0x4cf: {  	[tilespmem:s7+$0xFFFFFFD0] =	vst v1;
	v1 =	vld [tilespmem:s7+$0xFFFFFFE0]  }
0x4d0: {  	v2 =	vld [tilespmem:s31+$0xFFFFFFE0];
	_ =	sdelay $0x4  }
0x4d1: {  	v1 =	vmul.f32 v1, v2;
	_ =	sdelay $0x1  }
0x4d2: {  	[tilespmem:s7+$0xFFFFFFE0] =	vst v1;
	v1 =	vld [tilespmem:s7+$0xFFFFFFF0]  }
0x4d3: {  	v2 =	vld [tilespmem:s31+$0xFFFFFFF0];
	_ =	sdelay $0x4  }
0x4d4: {  	v1 =	vmul.f32 v1, v2;
	_ =	sdelay $0x1  }
0x4d5: {  	[tilespmem:s7+$0xFFFFFFF0] =	vst v1;
	v1 =	vld [tilespmem:s7+$0x0]  }
0x4d6: {  	v2 =	vld [tilespmem:s31+$0x0];
	_ =	sdelay $0x4  }
0x4d7: {  	v1 =	vmul.f32 v1, v2;
	_ =	sdelay $0x1  }
0x4d8: {  	[tilespmem:s7+$0x0] =	vst v1;
	v1 =	vld [tilespmem:s7+$0x10]  }
0x4d9: {  	v2 =	vld [tilespmem:s31+$0x10];
	_ =	sdelay $0x4  }
0x4da: {  	v1 =	vmul.f32 v1, v2;
	_ =	sdelay $0x1  }
0x4db: {  	[tilespmem:s7+$0x10] =	vst v1;
	v1 =	vld [tilespmem:s7+$0x20]  }
0x4dc: {  	v2 =	vld [tilespmem:s31+$0x20];
	_ =	sdelay $0x4  }
0x4dd: {  	v1 =	vmul.f32 v1, v2;
	_ =	sdelay $0x1  }
0x4de: {  	[tilespmem:s7+$0x20] =	vst v1;
	v1 =	vld [tilespmem:s7+$0x30]  }
0x4df: {  	v2 =	vld [tilespmem:s31+$0x30];
	_ =	sdelay $0x4  }
0x4e0: {  	v1 =	vmul.f32 v1, v2;
	_ =	sdelay $0x1  }
0x4e1: {  	[tilespmem:s7+$0x30] =	vst v1;
	v1 =	vld [tilespmem:s7+$0x40]  }
0x4e2: {  	v2 =	vld [tilespmem:s31+$0x40];
	_ =	sdelay $0x4  }
0x4e3: {  	v1 =	vmul.f32 v1, v2;
	_ =	sdelay $0x1  }
0x4e4: {  	[tilespmem:s7+$0x40] =	vst v1;
	v1 =	vld [tilespmem:s7+$0x50]  }
0x4e5: {  	v2 =	vld [tilespmem:s31+$0x50];
	_ =	sdelay $0x4  }
0x4e6: {  	v1 =	vmul.f32 v1, v2;
	_ =	sdelay $0x1  }
0x4e7: {  	[tilespmem:s7+$0x50] =	vst v1;
	v1 =	vld [tilespmem:s7+$0x60]  }
0x4e8: {  	v2 =	vld [tilespmem:s31+$0x60];
	_ =	sdelay $0x4  }
0x4e9: {  	v1 =	vmul.f32 v1, v2;
	_ =	sdelay $0x1  }
0x4ea: {  	[tilespmem:s7+$0x60] =	vst v1;
	v1 =	vld [tilespmem:s7+$0x70]  }
0x4eb: {  	v2 =	vld [tilespmem:s31+$0x70];
	_ =	sdelay $0x4  }
0x4ec: {  	v1 =	vmul.f32 v1, v2;
	_ =	sdelay $0x1  }
0x4ed: {  	[tilespmem:s7+$0x70] =	vst v1;
	v1 =	vld [tilespmem:s7+$0x80]  }
0x4ee: {  	v2 =	vld [tilespmem:s31+$0x80];
	_ =	sdelay $0x4  }
0x4ef: {  	v1 =	vmul.f32 v1, v2;
	_ =	sdelay $0x1  }
0x4f0: {  	[tilespmem:s7+$0x80] =	vst v1;
	v1 =	vld [tilespmem:s7+$0x90]  }
0x4f1: {  	v2 =	vld [tilespmem:s31+$0x90];
	_ =	sdelay $0x4  }
0x4f2: {  	v1 =	vmul.f32 v1, v2;
	_ =	sdelay $0x1  }
0x4f3: {  	[tilespmem:s7+$0x90] =	vst v1;
	v1 =	vld [tilespmem:s7+$0xA0]  }
0x4f4: {  	v2 =	vld [tilespmem:s31+$0xA0];
	_ =	sdelay $0x4  }
0x4f5: {  	v1 =	vmul.f32 v1, v2;
	_ =	sdelay $0x1  }
0x4f6: {  	[tilespmem:s7+$0xA0] =	vst v1;
	v1 =	vld [tilespmem:s7+$0xB0]  }
0x4f7: {  	v2 =	vld [tilespmem:s31+$0xB0];
	_ =	sdelay $0x4  }
0x4f8: {  	v1 =	vmul.f32 v1, v2;
	_ =	sdelay $0x1  }
0x4f9: {  	[tilespmem:s7+$0xB0] =	vst v1;
	v1 =	vld [tilespmem:s7+$0xC0]  }
0x4fa: {  	v2 =	vld [tilespmem:s31+$0xC0];
	_ =	sdelay $0x4  }
0x4fb: {  	v1 =	vmul.f32 v1, v2;
	_ =	sdelay $0x1  }
0x4fc: {  	[tilespmem:s7+$0xC0] =	vst v1;
	v1 =	vld [tilespmem:s7+$0xD0]  }
0x4fd: {  	v2 =	vld [tilespmem:s31+$0xD0];
	_ =	sdelay $0x4  }
0x4fe: {  	v1 =	vmul.f32 v1, v2;
	_ =	sdelay $0x1  }
0x4ff: {  	[tilespmem:s7+$0xD0] =	vst v1;
	v1 =	vld [tilespmem:s7+$0xE0]  }
0x500: {  	v2 =	vld [tilespmem:s31+$0xE0];
	_ =	sdelay $0x4  }
0x501: {  	v1 =	vmul.f32 v1, v2;
	_ =	sdelay $0x1  }
0x502: {  	[tilespmem:s7+$0xE0] =	vst v1;
	v1 =	vld [tilespmem:s7+$0xF0]  }
0x503: {  	v2 =	vld [tilespmem:s31+$0xF0];
	_ =	sdelay $0x1  }
.Ltmp9:
0x504: {  	(pc) =	sbr.rel @p3 .LBB2_10-.Ltmp9, $3  }
0x505: {  	_ =	sdelay $0x1  }
0x506: {  	v1 =	vmul.f32 v1, v2  }
0x507: {  	s7 =	sadd.s32 $0x200, s7  }
.Ltmp10:
0x508: {  	[tilespmem:s28+$0xF0] =	vst v1;
	(pc) =	sbr.rel .LBB2_12-.Ltmp10, $4  }
0x509: {  	_ =	swait.ge [sflag:s22], $0x50  }
0x50a: {  	[sflag:s22] =	ssyncset.done $0x0  }
0x50b: {  	[sflag:s22] =	ssyncadd.s32 $0xFFFFFFB0  }
0x50c: {  	[spmem:s3] =	stream.indirect.scatter.add.f32 [tilespmem:s16], [sflag:$0x4], $0x80, s13, s14, $0xb8;
	[tilespmem:$0x1FD80] =	vst v63  }
.LBB2_15:
0x50d: {  	_ =	sfence.sel $0x180000  }
0x50e: {  	[bflag:$0x0] =	sbarrier.arrive $0xFFFF  }
0x50f: {  	_ =	strace $0x90000047  }
0x510: {  	s0 =	stileid.u32;
	[bflag:$0x2] =	sbarrier.arrive $0xFFFF  }
0x511: {  	p0 =	sne.s32 s0, $0x0;
	s0 =	rddreg [dreg:$0x4]  }
0x512: {  	s0 =	sadd.s32 @!p0 $0x100000, s0  }
0x513: {  	[sflag:s0] =	ssyncadd.tile.s32 @!p0 $0x1;
	_ =	shalt  }
.Lfunc_end2:
_tile_overlayer_lowered:
.L_overlay_start_2:
0x514: {  	(tag) =	ssettag $0x2  }
0x515: {  	s0 =	rddreg [dreg:$0x0];
	s2 =	stileid.u32  }
0x516: {  	s1 =	rddreg [dreg:$0x1];
	p0 =	sne.s32 s2, $0x0  }
0x517: {  	s3 =	rddreg [dreg:$0x2];
	[bflag:$0x3] =	sbarrier.arrive $0xFFFF;
	s2 =	simm.s32 @!p0 $0x1C07  }
0x518: {  	[timem:s3], [sflag:s2] =	dma.local @!p0 [hbm:s0], s1  }
0x519: {  	s0 =	simm.s32 @!p0 $0x7  }
0x51a: {  	_ =	swait.ge @!p0 [sflag:s0], s1  }
0x51b: {  	s1 =	ssub.s32 @!p0 $0x0, s1;
	[sflag:s0] =	ssyncset.done @!p0 $0x0  }
0x51c: {  	[sflag:s0] =	ssyncadd.s32 @!p0 s1  }
0x51d: {  	[bflag:$0x3] =	sbarrier.arrive $0xFFFF  }
0x51e: {  	_ =	shalt  }

</sc_bundles>
